<compile_context>
chip_gen: v7x
topology: tpu7x:2x2x1
jax: 0.10.2.dev20260603
libtpu: 0.0.44.dev20260713+nightly
codegen_flags: <defaults>
</compile_context>

<pallas_src>
import functools

import jax
import jax.numpy as jnp
from jax import lax
from jax.experimental import pallas as pl
from jax.experimental.pallas import tpu as pltpu
from jax.experimental.pallas import tpu_sc as plsc

N = 10000
NP = 10240
D_IN = 128
DH = 16
E = 320000
NC = 2
NS = 16
NW = NC * NS
ECH = 128
NCH = 80
EPW = NCH * ECH
EP = NW * EPW
KF = 8
NR = NCH // KF
RPT = NP // NS
MB = NP

_mesh = plsc.VectorSubcoreMesh(core_axis_name="c", subcore_axis_name="s")
_sc_params = pltpu.CompilerParams(use_tc_tiling_on_sc=False,
                                  needs_layout_passes=False)


def _deg_body(ei_hbm, out_hbm, deg_sh, dst_v, ones_v, dbuf, ssem):
    c = lax.axis_index("c")
    s = lax.axis_index("s")
    w = c * NS + s
    zv = jnp.zeros((16,), jnp.float32)

    @pl.loop(0, RPT // 16)
    def _z(i):
        dbuf[pl.ds(i * 16, 16)] = zv

    @pl.loop(0, ECH // 16)
    def _o(i):
        ones_v[pl.ds(i * 16, 16)] = zv + 1.0

    pltpu.sync_copy(dbuf, deg_sh.at[pl.ds(s * RPT, RPT)])
    pltpu.sync_copy(ei_hbm.at[1, w], dst_v)
    plsc.subcore_barrier()

    @pl.loop(0, NCH // 16)
    def _round(r):
        ds = []
        for b in range(16):
            ds.append(pltpu.async_copy(
                ones_v, deg_sh.at[dst_v.at[r * 16 + b]], ssem, add=True))
        for d in ds:
            d.wait()

    plsc.subcore_barrier()
    pltpu.sync_copy(deg_sh.at[pl.ds(s * RPT, RPT)],
                    out_hbm.at[c, pl.ds(s * RPT, RPT)])


_deg = pl.kernel(
    _deg_body,
    out_type=jax.ShapeDtypeStruct((NC, NP), jnp.float32),
    mesh=_mesh,
    compiler_params=_sc_params,
    scratch_types=[
        pltpu.VMEM_SHARED((NP,), jnp.float32),
        pltpu.VMEM((NCH, ECH), jnp.int32),
        pltpu.VMEM((ECH,), jnp.float32),
        pltpu.VMEM((RPT,), jnp.float32),
        pltpu.SemaphoreType.DMA,
    ],
)


def _dis_body(d0_ref, d1_ref, m_ref, o_ref):
    o_ref[...] = m_ref[...] * lax.rsqrt(d0_ref[...] + d1_ref[...] + 1.0)


_dis = pl.pallas_call(
    _dis_body,
    out_shape=jax.ShapeDtypeStruct((NP // 128, 128), jnp.float32),
)


def _agg_body(g_hbm, z16_hbm, ei_hbm, out_hbm,
              g_sh, acc_sh, src_v, dst_v, rows_v, gsem_a, gsem_b, ssem):
    c = lax.axis_index("c")
    s = lax.axis_index("s")
    w = c * NS + s
    pltpu.sync_copy(z16_hbm.at[pl.ds(s * RPT, RPT)],
                    acc_sh.at[pl.ds(s * RPT, RPT)])
    pltpu.sync_copy(g_hbm.at[pl.ds(s * RPT, RPT)],
                    g_sh.at[pl.ds(s * RPT, RPT)])
    pltpu.sync_copy(ei_hbm.at[0, w], src_v)
    pltpu.sync_copy(ei_hbm.at[1, w], dst_v)
    plsc.subcore_barrier()

    def fire_gathers(r, bank, sem):
        return [pltpu.async_copy(g_sh.at[src_v.at[r * KF + b]],
                                 rows_v.at[bank * KF + b], sem)
                for b in range(KF)]

    def drain_gathers(bank, sem):
        for b in range(KF):
            pltpu.make_async_copy(g_sh.at[src_v.at[b]],
                                  rows_v.at[bank * KF + b], sem).wait()

    def scatter_round(r, bank):
        ds = [pltpu.async_copy(rows_v.at[bank * KF + b],
                               acc_sh.at[dst_v.at[r * KF + b]], ssem,
                               add=True)
              for b in range(KF)]
        for d in ds:
            d.wait()

    fire_gathers(0, 0, gsem_a)

    @pl.loop(0, NR, step=2)
    def _iter(r):
        g_b = fire_gathers(r + 1, 1, gsem_b)
        drain_gathers(0, gsem_a)
        scatter_round(r, 0)

        @pl.when(r + 2 < NR)
        def _():
            fire_gathers(r + 2, 0, gsem_a)

        for d in g_b:
            d.wait()
        scatter_round(r + 1, 1)

    plsc.subcore_barrier()
    pltpu.sync_copy(acc_sh.at[pl.ds(s * RPT, RPT)],
                    out_hbm.at[c, pl.ds(s * RPT, RPT)])


_agg = pl.kernel(
    _agg_body,
    out_type=jax.ShapeDtypeStruct((NC, NP, DH), jnp.float32),
    mesh=_mesh,
    compiler_params=_sc_params,
    scratch_types=[
        pltpu.VMEM_SHARED((NP, DH), jnp.float32),
        pltpu.VMEM_SHARED((NP, DH), jnp.float32),
        pltpu.VMEM((NCH, ECH), jnp.int32),
        pltpu.VMEM((NCH, ECH), jnp.int32),
        pltpu.VMEM((2 * KF, ECH, DH), jnp.float32),
        pltpu.SemaphoreType.DMA,
        pltpu.SemaphoreType.DMA,
        pltpu.SemaphoreType.DMA,
    ],
)


def _mm1_body(x_ref, w_ref, dis_ref, g_ref):
    u = jnp.dot(x_ref[...], w_ref[...], preferred_element_type=jnp.float32)
    up = jnp.concatenate([u, jnp.zeros((NP - N, DH), jnp.float32)], axis=0)
    g_ref[...] = dis_ref[...] * up


_mm1 = pl.pallas_call(
    _mm1_body,
    grid=(1,),
    in_specs=[
        pl.BlockSpec((N, D_IN), lambda m: (0, 0)),
        pl.BlockSpec((D_IN, DH), lambda m: (0, 0)),
        pl.BlockSpec((NP, DH), lambda m: (0, 0)),
    ],
    out_specs=pl.BlockSpec((NP, DH), lambda m: (0, 0)),
    out_shape=jax.ShapeDtypeStruct((NP, DH), jnp.float32),
)


def _mm2_body(a0_ref, a1_ref, g_ref, dis_ref, b_ref, w_ref, o_ref):
    h = jnp.maximum(
        dis_ref[...] * (a0_ref[...] + a1_ref[...] + g_ref[...]) + b_ref[...],
        0.0)
    o_ref[...] = dis_ref[...] * jnp.dot(
        h, w_ref[...], preferred_element_type=jnp.float32)


_mm2 = pl.pallas_call(
    _mm2_body,
    grid=(NP // MB,),
    in_specs=[
        pl.BlockSpec((MB, DH), lambda m: (m, 0)),
        pl.BlockSpec((MB, DH), lambda m: (m, 0)),
        pl.BlockSpec((MB, DH), lambda m: (m, 0)),
        pl.BlockSpec((MB, DH), lambda m: (m, 0)),
        pl.BlockSpec((1, DH), lambda m: (0, 0)),
        pl.BlockSpec((DH, DH), lambda m: (0, 0)),
    ],
    out_specs=pl.BlockSpec((MB, DH), lambda m: (m, 0)),
    out_shape=jax.ShapeDtypeStruct((NP, DH), jnp.float32),
)


def _fin_body(a0_ref, a1_ref, g_ref, dis_ref, b_ref, o_ref):
    v = (dis_ref[...] * (a0_ref[...] + a1_ref[...] + g_ref[...])
         + b_ref[...])
    o_ref[...] = jnp.maximum(v[:N, :], 0.0)


_fin = pl.pallas_call(
    _fin_body,
    grid=(1,),
    in_specs=[
        pl.BlockSpec((NP, DH), lambda m: (0, 0)),
        pl.BlockSpec((NP, DH), lambda m: (0, 0)),
        pl.BlockSpec((NP, DH), lambda m: (0, 0)),
        pl.BlockSpec((NP, DH), lambda m: (0, 0)),
        pl.BlockSpec((1, DH), lambda m: (0, 0)),
    ],
    out_specs=pl.BlockSpec((N, DH), lambda m: (0, 0)),
    out_shape=jax.ShapeDtypeStruct((N, DH), jnp.float32),
)


def kernel(x, edge_index, W1, b1, W2, b2):
    ei_p = jnp.concatenate(
        [edge_index.astype(jnp.int32),
         jnp.full((2, EP - E), N, jnp.int32)], axis=1,
    ).reshape(2, NW, NCH, ECH)

    mask = (jnp.arange(NP, dtype=jnp.int32) < N).astype(jnp.float32)
    degp = _deg(ei_p)
    dis2d = _dis(degp[0].reshape(NP // 128, 128),
                 degp[1].reshape(NP // 128, 128),
                 mask.reshape(NP // 128, 128))
    dis16 = jnp.broadcast_to(dis2d.reshape(NP, 1), (NP, DH))
    g1 = _mm1(x, W1, dis16)
    z16 = jnp.zeros((NP, DH), jnp.float32)
    acc1 = _agg(g1, z16, ei_p)
    g2 = _mm2(acc1[0], acc1[1], g1, dis16, b1.reshape(1, DH), W2)
    acc2 = _agg(g2, z16, ei_p)
    return _fin(acc2[0], acc2[1], g2, dis16, b2.reshape(1, DH))

# --- scband reference (transcript-rebuilt; emitter-appended) ---
"""Pipeline reference for scband-gcn-21474836480575 (READ-ONLY COPY).

The authoritative reference and input builder live on the scoring server;
editing this copy changes nothing except your own understanding.
"""

import jax, jax.numpy as jnp
import numpy as np

N_NODES = 10000
D_IN = 128
D_HID = 16
N_EDGES = 320000


def _gcn_conv(x, edge_index, W, b, num_nodes):
    # PyG GCNConv with add_self_loops=True, normalize=True (symmetric norm)
    src = edge_index[0]
    dst = edge_index[1]
    loop = jnp.arange(num_nodes, dtype=edge_index.dtype)
    src = jnp.concatenate([src, loop])
    dst = jnp.concatenate([dst, loop])
    h = x @ W
    # degree computed on destination (col) index, edge_weight = 1
    deg = jnp.zeros((num_nodes,), dtype=x.dtype).at[dst].add(1.0)
    deg_inv_sqrt = jnp.where(deg > 0, jax.lax.rsqrt(deg), 0.0)
    norm = deg_inv_sqrt[src] * deg_inv_sqrt[dst]
    msgs = norm[:, None] * jnp.take(h, src, axis=0)
    out = jnp.zeros((num_nodes, h.shape[1]), dtype=x.dtype).at[dst].add(msgs)
    return out + b


def setup_inputs(seed: int = 0) -> dict:
    key = jax.random.key(seed)
    k1, k2, k3, k4, k5, k6 = jax.random.split(key, 6)
    x = jax.random.normal(k1, (N_NODES, D_IN), dtype=jnp.float32)
    edge_index = jax.random.randint(k2, (2, N_EDGES), 0, N_NODES, dtype=jnp.int64)
    # Glorot init like PyG GCNConv
    s1 = float(np.sqrt(6.0 / (D_IN + D_HID)))
    W1 = jax.random.uniform(k3, (D_IN, D_HID), dtype=jnp.float32, minval=-s1, maxval=s1)
    b1 = jnp.zeros((D_HID,), dtype=jnp.float32)
    s2 = float(np.sqrt(6.0 / (D_HID + D_HID)))
    W2 = jax.random.uniform(k4, (D_HID, D_HID), dtype=jnp.float32, minval=-s2, maxval=s2)
    b2 = jnp.zeros((D_HID,), dtype=jnp.float32)
    return {"x": x, "edge_index": edge_index, "W1": W1, "b1": b1, "W2": W2, "b2": b2}


def reference(x, edge_index, W1, b1, W2, b2):
    # eval mode: dropout is identity
    h = jax.nn.relu(_gcn_conv(x, edge_index, W1, b1, N_NODES))
    h = jax.nn.relu(_gcn_conv(h, edge_index, W2, b2, N_NODES))
    return h

if __name__ == "__main__":
    import jax
    _d = setup_inputs()
    print(jax.jit(kernel)(*tuple(_d.values())))

</pallas_src>

<mosaic_0001>
#map = affine_map<(d0, d1) -> (0, 0)>
#map1 = affine_map<(d0, d1) -> (0, 0, 0, 0)>
#map2 = affine_map<(d0, d1) -> (0, 0, 0)>
module attributes {stable_mosaic.version = 14 : i64} {
  func.func @_agg_body(%arg0: i32, %arg1: i32, %arg2: memref<10240x16xf32, #tpu.memory_space<hbm>>, %arg3: memref<10240x16xf32, #tpu.memory_space<hbm>>, %arg4: memref<2x32x80x128xi32, #tpu.memory_space<hbm>>, %arg5: memref<2x10240x16xf32, #tpu.memory_space<hbm>>, %arg6: memref<10240x16xf32, #tpu.memory_space<vmem_shared>>, %arg7: memref<10240x16xf32, #tpu.memory_space<vmem_shared>>, %arg8: memref<80x128xi32, #tpu.memory_space<vmem>>, %arg9: memref<80x128xi32, #tpu.memory_space<vmem>>, %arg10: memref<16x128x16xf32, #tpu.memory_space<vmem>>, %arg11: memref<!tpu.dma_semaphore, #tpu.memory_space<semaphore_mem>>, %arg12: memref<!tpu.dma_semaphore, #tpu.memory_space<semaphore_mem>>, %arg13: memref<!tpu.dma_semaphore, #tpu.memory_space<semaphore_mem>>) attributes {dimension_semantics = [#tpu.dimension_semantics<core_parallel>, #tpu.dimension_semantics<subcore_parallel>], iteration_bounds = array<i64: 2, 16>, scalar_prefetch = 0 : i64, scratch_operands = 8 : i64, tpu.core_type = #tpu.core_type<sc_vector_subcore>, window_params = [{transform_indices = #map}, {transform_indices = #map}, {transform_indices = #map1}, {transform_indices = #map2}]} {
    %mul3A = arith.constant 16 : i32
    %mul3A_0 = arith.muli %arg0, %mul3A : i32
    %add3A = arith.addi %mul3A_0, %arg1 : i32
    %mul3A_1 = arith.constant 640 : i32
    %mul3A_2 = arith.muli %arg1, %mul3A_1 : i32
    %mul3A_3 = arith.constant 640 : i32
    %mul3A_4 = arith.muli %arg1, %mul3A_3 : i32
    "tpu.region"() ({
      %run_scoped3A_114 = tpu.sem_alloc : memref<!tpu.dma_semaphore, #tpu.memory_space<semaphore_mem>>
      %dma_start3A_115 = arith.constant 0 : i32
      %dma_start3A_116 = tpu.memref_slice %arg7[%mul3A_4, %dma_start3A_115] : memref<10240x16xf32, #tpu.memory_space<vmem_shared>> -> memref<640x16xf32, #tpu.memory_space<vmem_shared>>
      %dma_start3A_117 = arith.constant 0 : i32
      %dma_start3A_118 = tpu.memref_slice %arg3[%mul3A_2, %dma_start3A_117] : memref<10240x16xf32, #tpu.memory_space<hbm>> -> memref<640x16xf32, #tpu.memory_space<hbm>>
      tpu.enqueue_dma source(%dma_start3A_118 : memref<640x16xf32, #tpu.memory_space<hbm>>) target(%dma_start3A_116 : memref<640x16xf32, #tpu.memory_space<vmem_shared>>) target_semaphore(%run_scoped3A_114 : memref<!tpu.dma_semaphore, #tpu.memory_space<semaphore_mem>>)
      %dma_wait3A = arith.constant 0 : i32
      %dma_wait3A_119 = tpu.memref_slice %arg7[%mul3A_4, %dma_wait3A] : memref<10240x16xf32, #tpu.memory_space<vmem_shared>> -> memref<640x16xf32, #tpu.memory_space<vmem_shared>>
      %dma_wait3A_120 = arith.constant 0 : i32
      %dma_wait3A_121 = tpu.memref_slice %arg3[%mul3A_2, %dma_wait3A_120] : memref<10240x16xf32, #tpu.memory_space<hbm>> -> memref<640x16xf32, #tpu.memory_space<hbm>>
      tpu.wait_dma2 semaphore(%run_scoped3A_114 : memref<!tpu.dma_semaphore, #tpu.memory_space<semaphore_mem>>) src(%dma_wait3A_121 : memref<640x16xf32, #tpu.memory_space<hbm>>) dst(%dma_wait3A_119 : memref<640x16xf32, #tpu.memory_space<vmem_shared>>)
      tpu.yield
    }) : () -> ()
    %mul3A_5 = arith.constant 640 : i32
    %mul3A_6 = arith.muli %arg1, %mul3A_5 : i32
    %mul3A_7 = arith.constant 640 : i32
    %mul3A_8 = arith.muli %arg1, %mul3A_7 : i32
    "tpu.region"() ({
      %run_scoped3A_114 = tpu.sem_alloc : memref<!tpu.dma_semaphore, #tpu.memory_space<semaphore_mem>>
      %dma_start3A_115 = arith.constant 0 : i32
      %dma_start3A_116 = tpu.memref_slice %arg6[%mul3A_8, %dma_start3A_115] : memref<10240x16xf32, #tpu.memory_space<vmem_shared>> -> memref<640x16xf32, #tpu.memory_space<vmem_shared>>
      %dma_start3A_117 = arith.constant 0 : i32
      %dma_start3A_118 = tpu.memref_slice %arg2[%mul3A_6, %dma_start3A_117] : memref<10240x16xf32, #tpu.memory_space<hbm>> -> memref<640x16xf32, #tpu.memory_space<hbm>>
      tpu.enqueue_dma source(%dma_start3A_118 : memref<640x16xf32, #tpu.memory_space<hbm>>) target(%dma_start3A_116 : memref<640x16xf32, #tpu.memory_space<vmem_shared>>) target_semaphore(%run_scoped3A_114 : memref<!tpu.dma_semaphore, #tpu.memory_space<semaphore_mem>>)
      %dma_wait3A = arith.constant 0 : i32
      %dma_wait3A_119 = tpu.memref_slice %arg6[%mul3A_8, %dma_wait3A] : memref<10240x16xf32, #tpu.memory_space<vmem_shared>> -> memref<640x16xf32, #tpu.memory_space<vmem_shared>>
      %dma_wait3A_120 = arith.constant 0 : i32
      %dma_wait3A_121 = tpu.memref_slice %arg2[%mul3A_6, %dma_wait3A_120] : memref<10240x16xf32, #tpu.memory_space<hbm>> -> memref<640x16xf32, #tpu.memory_space<hbm>>
      tpu.wait_dma2 semaphore(%run_scoped3A_114 : memref<!tpu.dma_semaphore, #tpu.memory_space<semaphore_mem>>) src(%dma_wait3A_121 : memref<640x16xf32, #tpu.memory_space<hbm>>) dst(%dma_wait3A_119 : memref<640x16xf32, #tpu.memory_space<vmem_shared>>)
      tpu.yield
    }) : () -> ()
    %run_scoped3A = arith.constant 0 : i32
    "tpu.region"() ({
      %run_scoped3A_114 = tpu.sem_alloc : memref<!tpu.dma_semaphore, #tpu.memory_space<semaphore_mem>>
      %dma_start3A_115 = arith.constant 0 : i32
      %dma_start3A_116 = arith.constant 0 : i32
      %dma_start3A_117 = tpu.memref_slice %arg4[%run_scoped3A, %add3A, %dma_start3A_115, %dma_start3A_116] : memref<2x32x80x128xi32, #tpu.memory_space<hbm>> -> memref<1x1x80x128xi32, #tpu.memory_space<hbm>>
      %dma_start3A_118 = tpu.memref_squeeze %dma_start3A_117 : memref<1x1x80x128xi32, #tpu.memory_space<hbm>> -> memref<80x128xi32, #tpu.memory_space<hbm>>
      %dma_start3A_119 = arith.constant 0 : i32
      %dma_start3A_120 = arith.constant 0 : i32
      %dma_start3A_121 = tpu.memref_slice %arg4[%run_scoped3A, %add3A, %dma_start3A_119, %dma_start3A_120] : memref<2x32x80x128xi32, #tpu.memory_space<hbm>> -> memref<1x1x80x128xi32, #tpu.memory_space<hbm>>
      %dma_start3A_122 = tpu.memref_squeeze %dma_start3A_121 : memref<1x1x80x128xi32, #tpu.memory_space<hbm>> -> memref<80x128xi32, #tpu.memory_space<hbm>>
      tpu.enqueue_dma source(%dma_start3A_122 : memref<80x128xi32, #tpu.memory_space<hbm>>) target(%arg8 : memref<80x128xi32, #tpu.memory_space<vmem>>) target_semaphore(%run_scoped3A_114 : memref<!tpu.dma_semaphore, #tpu.memory_space<semaphore_mem>>)
      %dma_wait3A = arith.constant 0 : i32
      %dma_wait3A_123 = arith.constant 0 : i32
      %dma_wait3A_124 = tpu.memref_slice %arg4[%run_scoped3A, %add3A, %dma_wait3A, %dma_wait3A_123] : memref<2x32x80x128xi32, #tpu.memory_space<hbm>> -> memref<1x1x80x128xi32, #tpu.memory_space<hbm>>
      %dma_wait3A_125 = tpu.memref_squeeze %dma_wait3A_124 : memref<1x1x80x128xi32, #tpu.memory_space<hbm>> -> memref<80x128xi32, #tpu.memory_space<hbm>>
      %dma_wait3A_126 = arith.constant 0 : i32
      %dma_wait3A_127 = arith.constant 0 : i32
      %dma_wait3A_128 = tpu.memref_slice %arg4[%run_scoped3A, %add3A, %dma_wait3A_126, %dma_wait3A_127] : memref<2x32x80x128xi32, #tpu.memory_space<hbm>> -> memref<1x1x80x128xi32, #tpu.memory_space<hbm>>
      %dma_wait3A_129 = tpu.memref_squeeze %dma_wait3A_128 : memref<1x1x80x128xi32, #tpu.memory_space<hbm>> -> memref<80x128xi32, #tpu.memory_space<hbm>>
      tpu.wait_dma2 semaphore(%run_scoped3A_114 : memref<!tpu.dma_semaphore, #tpu.memory_space<semaphore_mem>>) src(%dma_wait3A_129 : memref<80x128xi32, #tpu.memory_space<hbm>>) dst(%arg8 : memref<80x128xi32, #tpu.memory_space<vmem>>)
      tpu.yield
    }) : () -> ()
    %run_scoped3A_9 = arith.constant 1 : i32
    "tpu.region"() ({
      %run_scoped3A_114 = tpu.sem_alloc : memref<!tpu.dma_semaphore, #tpu.memory_space<semaphore_mem>>
      %dma_start3A_115 = arith.constant 0 : i32
      %dma_start3A_116 = arith.constant 0 : i32
      %dma_start3A_117 = tpu.memref_slice %arg4[%run_scoped3A_9, %add3A, %dma_start3A_115, %dma_start3A_116] : memref<2x32x80x128xi32, #tpu.memory_space<hbm>> -> memref<1x1x80x128xi32, #tpu.memory_space<hbm>>
      %dma_start3A_118 = tpu.memref_squeeze %dma_start3A_117 : memref<1x1x80x128xi32, #tpu.memory_space<hbm>> -> memref<80x128xi32, #tpu.memory_space<hbm>>
      %dma_start3A_119 = arith.constant 0 : i32
      %dma_start3A_120 = arith.constant 0 : i32
      %dma_start3A_121 = tpu.memref_slice %arg4[%run_scoped3A_9, %add3A, %dma_start3A_119, %dma_start3A_120] : memref<2x32x80x128xi32, #tpu.memory_space<hbm>> -> memref<1x1x80x128xi32, #tpu.memory_space<hbm>>
      %dma_start3A_122 = tpu.memref_squeeze %dma_start3A_121 : memref<1x1x80x128xi32, #tpu.memory_space<hbm>> -> memref<80x128xi32, #tpu.memory_space<hbm>>
      tpu.enqueue_dma source(%dma_start3A_122 : memref<80x128xi32, #tpu.memory_space<hbm>>) target(%arg9 : memref<80x128xi32, #tpu.memory_space<vmem>>) target_semaphore(%run_scoped3A_114 : memref<!tpu.dma_semaphore, #tpu.memory_space<semaphore_mem>>)
      %dma_wait3A = arith.constant 0 : i32
      %dma_wait3A_123 = arith.constant 0 : i32
      %dma_wait3A_124 = tpu.memref_slice %arg4[%run_scoped3A_9, %add3A, %dma_wait3A, %dma_wait3A_123] : memref<2x32x80x128xi32, #tpu.memory_space<hbm>> -> memref<1x1x80x128xi32, #tpu.memory_space<hbm>>
      %dma_wait3A_125 = tpu.memref_squeeze %dma_wait3A_124 : memref<1x1x80x128xi32, #tpu.memory_space<hbm>> -> memref<80x128xi32, #tpu.memory_space<hbm>>
      %dma_wait3A_126 = arith.constant 0 : i32
      %dma_wait3A_127 = arith.constant 0 : i32
      %dma_wait3A_128 = tpu.memref_slice %arg4[%run_scoped3A_9, %add3A, %dma_wait3A_126, %dma_wait3A_127] : memref<2x32x80x128xi32, #tpu.memory_space<hbm>> -> memref<1x1x80x128xi32, #tpu.memory_space<hbm>>
      %dma_wait3A_129 = tpu.memref_squeeze %dma_wait3A_128 : memref<1x1x80x128xi32, #tpu.memory_space<hbm>> -> memref<80x128xi32, #tpu.memory_space<hbm>>
      tpu.wait_dma2 semaphore(%run_scoped3A_114 : memref<!tpu.dma_semaphore, #tpu.memory_space<semaphore_mem>>) src(%dma_wait3A_129 : memref<80x128xi32, #tpu.memory_space<hbm>>) dst(%arg9 : memref<80x128xi32, #tpu.memory_space<vmem>>)
      tpu.yield
    }) : () -> ()
    %barrier3A = arith.constant 0 : index
    tpu.barrier barrier_id(%barrier3A)
    %dma_start3A = arith.constant 0 : i32
    %dma_start3A_10 = arith.constant 0 : i32
    %dma_start3A_11 = arith.constant 0 : i32
    %dma_start3A_12 = arith.constant 0 : i32
    %dma_start3A_13 = tpu.memref_slice %arg10[%dma_start3A_10, %dma_start3A_11, %dma_start3A_12] : memref<16x128x16xf32, #tpu.memory_space<vmem>> -> memref<1x128x16xf32, #tpu.memory_space<vmem>>
    %dma_start3A_14 = tpu.memref_squeeze %dma_start3A_13 : memref<1x128x16xf32, #tpu.memory_space<vmem>> -> memref<128x16xf32, #tpu.memory_space<vmem>>
    %dma_start3A_15 = arith.constant 0 : i32
    %dma_start3A_16 = tpu.memref_slice %arg8[%dma_start3A, %dma_start3A_15] : memref<80x128xi32, #tpu.memory_space<vmem>> -> memref<1x128xi32, #tpu.memory_space<vmem>>
    %dma_start3A_17 = tpu.memref_squeeze %dma_start3A_16 : memref<1x128xi32, #tpu.memory_space<vmem>> -> memref<128xi32, #tpu.memory_space<vmem>>
    %dma_start3A_18 = arith.constant 0 : i32
    %dma_start3A_19 = arith.constant 0 : i32
    %dma_start3A_20 = tpu.memref_slice %arg6[%dma_start3A_18, %dma_start3A_19] : memref<10240x16xf32, #tpu.memory_space<vmem_shared>> -> memref<10240x16xf32, #tpu.memory_space<vmem_shared>>
    tpu.enqueue_indirect_dma source(%dma_start3A_20 : memref<10240x16xf32, #tpu.memory_space<vmem_shared>>) target(%dma_start3A_14 : memref<128x16xf32, #tpu.memory_space<vmem>>) offsets(%dma_start3A_17 : memref<128xi32, #tpu.memory_space<vmem>>) semaphore(%arg11 : memref<!tpu.dma_semaphore, #tpu.memory_space<semaphore_mem>>)
    %dma_start3A_21 = arith.constant 1 : i32
    %dma_start3A_22 = arith.constant 1 : i32
    %dma_start3A_23 = arith.constant 0 : i32
    %dma_start3A_24 = arith.constant 0 : i32
    %dma_start3A_25 = tpu.memref_slice %arg10[%dma_start3A_22, %dma_start3A_23, %dma_start3A_24] : memref<16x128x16xf32, #tpu.memory_space<vmem>> -> memref<1x128x16xf32, #tpu.memory_space<vmem>>
    %dma_start3A_26 = tpu.memref_squeeze %dma_start3A_25 : memref<1x128x16xf32, #tpu.memory_space<vmem>> -> memref<128x16xf32, #tpu.memory_space<vmem>>
    %dma_start3A_27 = arith.constant 0 : i32
    %dma_start3A_28 = tpu.memref_slice %arg8[%dma_start3A_21, %dma_start3A_27] : memref<80x128xi32, #tpu.memory_space<vmem>> -> memref<1x128xi32, #tpu.memory_space<vmem>>
    %dma_start3A_29 = tpu.memref_squeeze %dma_start3A_28 : memref<1x128xi32, #tpu.memory_space<vmem>> -> memref<128xi32, #tpu.memory_space<vmem>>
    %dma_start3A_30 = arith.constant 0 : i32
    %dma_start3A_31 = arith.constant 0 : i32
    %dma_start3A_32 = tpu.memref_slice %arg6[%dma_start3A_30, %dma_start3A_31] : memref<10240x16xf32, #tpu.memory_space<vmem_shared>> -> memref<10240x16xf32, #tpu.memory_space<vmem_shared>>
    tpu.enqueue_indirect_dma source(%dma_start3A_32 : memref<10240x16xf32, #tpu.memory_space<vmem_shared>>) target(%dma_start3A_26 : memref<128x16xf32, #tpu.memory_space<vmem>>) offsets(%dma_start3A_29 : memref<128xi32, #tpu.memory_space<vmem>>) semaphore(%arg11 : memref<!tpu.dma_semaphore, #tpu.memory_space<semaphore_mem>>)
    %dma_start3A_33 = arith.constant 2 : i32
    %dma_start3A_34 = arith.constant 2 : i32
    %dma_start3A_35 = arith.constant 0 : i32
    %dma_start3A_36 = arith.constant 0 : i32
    %dma_start3A_37 = tpu.memref_slice %arg10[%dma_start3A_34, %dma_start3A_35, %dma_start3A_36] : memref<16x128x16xf32, #tpu.memory_space<vmem>> -> memref<1x128x16xf32, #tpu.memory_space<vmem>>
    %dma_start3A_38 = tpu.memref_squeeze %dma_start3A_37 : memref<1x128x16xf32, #tpu.memory_space<vmem>> -> memref<128x16xf32, #tpu.memory_space<vmem>>
    %dma_start3A_39 = arith.constant 0 : i32
    %dma_start3A_40 = tpu.memref_slice %arg8[%dma_start3A_33, %dma_start3A_39] : memref<80x128xi32, #tpu.memory_space<vmem>> -> memref<1x128xi32, #tpu.memory_space<vmem>>
    %dma_start3A_41 = tpu.memref_squeeze %dma_start3A_40 : memref<1x128xi32, #tpu.memory_space<vmem>> -> memref<128xi32, #tpu.memory_space<vmem>>
    %dma_start3A_42 = arith.constant 0 : i32
    %dma_start3A_43 = arith.constant 0 : i32
    %dma_start3A_44 = tpu.memref_slice %arg6[%dma_start3A_42, %dma_start3A_43] : memref<10240x16xf32, #tpu.memory_space<vmem_shared>> -> memref<10240x16xf32, #tpu.memory_space<vmem_shared>>
    tpu.enqueue_indirect_dma source(%dma_start3A_44 : memref<10240x16xf32, #tpu.memory_space<vmem_shared>>) target(%dma_start3A_38 : memref<128x16xf32, #tpu.memory_space<vmem>>) offsets(%dma_start3A_41 : memref<128xi32, #tpu.memory_space<vmem>>) semaphore(%arg11 : memref<!tpu.dma_semaphore, #tpu.memory_space<semaphore_mem>>)
    %dma_start3A_45 = arith.constant 3 : i32
    %dma_start3A_46 = arith.constant 3 : i32
    %dma_start3A_47 = arith.constant 0 : i32
    %dma_start3A_48 = arith.constant 0 : i32
    %dma_start3A_49 = tpu.memref_slice %arg10[%dma_start3A_46, %dma_start3A_47, %dma_start3A_48] : memref<16x128x16xf32, #tpu.memory_space<vmem>> -> memref<1x128x16xf32, #tpu.memory_space<vmem>>
    %dma_start3A_50 = tpu.memref_squeeze %dma_start3A_49 : memref<1x128x16xf32, #tpu.memory_space<vmem>> -> memref<128x16xf32, #tpu.memory_space<vmem>>
    %dma_start3A_51 = arith.constant 0 : i32
    %dma_start3A_52 = tpu.memref_slice %arg8[%dma_start3A_45, %dma_start3A_51] : memref<80x128xi32, #tpu.memory_space<vmem>> -> memref<1x128xi32, #tpu.memory_space<vmem>>
    %dma_start3A_53 = tpu.memref_squeeze %dma_start3A_52 : memref<1x128xi32, #tpu.memory_space<vmem>> -> memref<128xi32, #tpu.memory_space<vmem>>
    %dma_start3A_54 = arith.constant 0 : i32
    %dma_start3A_55 = arith.constant 0 : i32
    %dma_start3A_56 = tpu.memref_slice %arg6[%dma_start3A_54, %dma_start3A_55] : memref<10240x16xf32, #tpu.memory_space<vmem_shared>> -> memref<10240x16xf32, #tpu.memory_space<vmem_shared>>
    tpu.enqueue_indirect_dma source(%dma_start3A_56 : memref<10240x16xf32, #tpu.memory_space<vmem_shared>>) target(%dma_start3A_50 : memref<128x16xf32, #tpu.memory_space<vmem>>) offsets(%dma_start3A_53 : memref<128xi32, #tpu.memory_space<vmem>>) semaphore(%arg11 : memref<!tpu.dma_semaphore, #tpu.memory_space<semaphore_mem>>)
    %dma_start3A_57 = arith.constant 4 : i32
    %dma_start3A_58 = arith.constant 4 : i32
    %dma_start3A_59 = arith.constant 0 : i32
    %dma_start3A_60 = arith.constant 0 : i32
    %dma_start3A_61 = tpu.memref_slice %arg10[%dma_start3A_58, %dma_start3A_59, %dma_start3A_60] : memref<16x128x16xf32, #tpu.memory_space<vmem>> -> memref<1x128x16xf32, #tpu.memory_space<vmem>>
    %dma_start3A_62 = tpu.memref_squeeze %dma_start3A_61 : memref<1x128x16xf32, #tpu.memory_space<vmem>> -> memref<128x16xf32, #tpu.memory_space<vmem>>
    %dma_start3A_63 = arith.constant 0 : i32
    %dma_start3A_64 = tpu.memref_slice %arg8[%dma_start3A_57, %dma_start3A_63] : memref<80x128xi32, #tpu.memory_space<vmem>> -> memref<1x128xi32, #tpu.memory_space<vmem>>
    %dma_start3A_65 = tpu.memref_squeeze %dma_start3A_64 : memref<1x128xi32, #tpu.memory_space<vmem>> -> memref<128xi32, #tpu.memory_space<vmem>>
    %dma_start3A_66 = arith.constant 0 : i32
    %dma_start3A_67 = arith.constant 0 : i32
    %dma_start3A_68 = tpu.memref_slice %arg6[%dma_start3A_66, %dma_start3A_67] : memref<10240x16xf32, #tpu.memory_space<vmem_shared>> -> memref<10240x16xf32, #tpu.memory_space<vmem_shared>>
    tpu.enqueue_indirect_dma source(%dma_start3A_68 : memref<10240x16xf32, #tpu.memory_space<vmem_shared>>) target(%dma_start3A_62 : memref<128x16xf32, #tpu.memory_space<vmem>>) offsets(%dma_start3A_65 : memref<128xi32, #tpu.memory_space<vmem>>) semaphore(%arg11 : memref<!tpu.dma_semaphore, #tpu.memory_space<semaphore_mem>>)
    %dma_start3A_69 = arith.constant 5 : i32
    %dma_start3A_70 = arith.constant 5 : i32
    %dma_start3A_71 = arith.constant 0 : i32
    %dma_start3A_72 = arith.constant 0 : i32
    %dma_start3A_73 = tpu.memref_slice %arg10[%dma_start3A_70, %dma_start3A_71, %dma_start3A_72] : memref<16x128x16xf32, #tpu.memory_space<vmem>> -> memref<1x128x16xf32, #tpu.memory_space<vmem>>
    %dma_start3A_74 = tpu.memref_squeeze %dma_start3A_73 : memref<1x128x16xf32, #tpu.memory_space<vmem>> -> memref<128x16xf32, #tpu.memory_space<vmem>>
    %dma_start3A_75 = arith.constant 0 : i32
    %dma_start3A_76 = tpu.memref_slice %arg8[%dma_start3A_69, %dma_start3A_75] : memref<80x128xi32, #tpu.memory_space<vmem>> -> memref<1x128xi32, #tpu.memory_space<vmem>>
    %dma_start3A_77 = tpu.memref_squeeze %dma_start3A_76 : memref<1x128xi32, #tpu.memory_space<vmem>> -> memref<128xi32, #tpu.memory_space<vmem>>
    %dma_start3A_78 = arith.constant 0 : i32
    %dma_start3A_79 = arith.constant 0 : i32
    %dma_start3A_80 = tpu.memref_slice %arg6[%dma_start3A_78, %dma_start3A_79] : memref<10240x16xf32, #tpu.memory_space<vmem_shared>> -> memref<10240x16xf32, #tpu.memory_space<vmem_shared>>
    tpu.enqueue_indirect_dma source(%dma_start3A_80 : memref<10240x16xf32, #tpu.memory_space<vmem_shared>>) target(%dma_start3A_74 : memref<128x16xf32, #tpu.memory_space<vmem>>) offsets(%dma_start3A_77 : memref<128xi32, #tpu.memory_space<vmem>>) semaphore(%arg11 : memref<!tpu.dma_semaphore, #tpu.memory_space<semaphore_mem>>)
    %dma_start3A_81 = arith.constant 6 : i32
    %dma_start3A_82 = arith.constant 6 : i32
    %dma_start3A_83 = arith.constant 0 : i32
    %dma_start3A_84 = arith.constant 0 : i32
    %dma_start3A_85 = tpu.memref_slice %arg10[%dma_start3A_82, %dma_start3A_83, %dma_start3A_84] : memref<16x128x16xf32, #tpu.memory_space<vmem>> -> memref<1x128x16xf32, #tpu.memory_space<vmem>>
    %dma_start3A_86 = tpu.memref_squeeze %dma_start3A_85 : memref<1x128x16xf32, #tpu.memory_space<vmem>> -> memref<128x16xf32, #tpu.memory_space<vmem>>
    %dma_start3A_87 = arith.constant 0 : i32
    %dma_start3A_88 = tpu.memref_slice %arg8[%dma_start3A_81, %dma_start3A_87] : memref<80x128xi32, #tpu.memory_space<vmem>> -> memref<1x128xi32, #tpu.memory_space<vmem>>
    %dma_start3A_89 = tpu.memref_squeeze %dma_start3A_88 : memref<1x128xi32, #tpu.memory_space<vmem>> -> memref<128xi32, #tpu.memory_space<vmem>>
    %dma_start3A_90 = arith.constant 0 : i32
    %dma_start3A_91 = arith.constant 0 : i32
    %dma_start3A_92 = tpu.memref_slice %arg6[%dma_start3A_90, %dma_start3A_91] : memref<10240x16xf32, #tpu.memory_space<vmem_shared>> -> memref<10240x16xf32, #tpu.memory_space<vmem_shared>>
    tpu.enqueue_indirect_dma source(%dma_start3A_92 : memref<10240x16xf32, #tpu.memory_space<vmem_shared>>) target(%dma_start3A_86 : memref<128x16xf32, #tpu.memory_space<vmem>>) offsets(%dma_start3A_89 : memref<128xi32, #tpu.memory_space<vmem>>) semaphore(%arg11 : memref<!tpu.dma_semaphore, #tpu.memory_space<semaphore_mem>>)
    %dma_start3A_93 = arith.constant 7 : i32
    %dma_start3A_94 = arith.constant 7 : i32
    %dma_start3A_95 = arith.constant 0 : i32
    %dma_start3A_96 = arith.constant 0 : i32
    %dma_start3A_97 = tpu.memref_slice %arg10[%dma_start3A_94, %dma_start3A_95, %dma_start3A_96] : memref<16x128x16xf32, #tpu.memory_space<vmem>> -> memref<1x128x16xf32, #tpu.memory_space<vmem>>
    %dma_start3A_98 = tpu.memref_squeeze %dma_start3A_97 : memref<1x128x16xf32, #tpu.memory_space<vmem>> -> memref<128x16xf32, #tpu.memory_space<vmem>>
    %dma_start3A_99 = arith.constant 0 : i32
    %dma_start3A_100 = tpu.memref_slice %arg8[%dma_start3A_93, %dma_start3A_99] : memref<80x128xi32, #tpu.memory_space<vmem>> -> memref<1x128xi32, #tpu.memory_space<vmem>>
    %dma_start3A_101 = tpu.memref_squeeze %dma_start3A_100 : memref<1x128xi32, #tpu.memory_space<vmem>> -> memref<128xi32, #tpu.memory_space<vmem>>
    %dma_start3A_102 = arith.constant 0 : i32
    %dma_start3A_103 = arith.constant 0 : i32
    %dma_start3A_104 = tpu.memref_slice %arg6[%dma_start3A_102, %dma_start3A_103] : memref<10240x16xf32, #tpu.memory_space<vmem_shared>> -> memref<10240x16xf32, #tpu.memory_space<vmem_shared>>
    tpu.enqueue_indirect_dma source(%dma_start3A_104 : memref<10240x16xf32, #tpu.memory_space<vmem_shared>>) target(%dma_start3A_98 : memref<128x16xf32, #tpu.memory_space<vmem>>) offsets(%dma_start3A_101 : memref<128xi32, #tpu.memory_space<vmem>>) semaphore(%arg11 : memref<!tpu.dma_semaphore, #tpu.memory_space<semaphore_mem>>)
    %scan3A = arith.constant 0 : i32
    %scan3A_105 = arith.constant 5 : i32
    %scan3A_106 = arith.addi %scan3A, %scan3A_105 : i32
    %scan3A_107 = arith.constant 1 : i32
    scf.for %scan3A_114 = %scan3A to %scan3A_106 step %scan3A_107  : i32 {
      %mul3A_115 = arith.constant 2 : i32
      %mul3A_116 = arith.muli %scan3A_114, %mul3A_115 : i32
      %add3A_117 = arith.constant 0 : i32
      %add3A_118 = arith.addi %add3A_117, %mul3A_116 : i32
      %add3A_119 = arith.constant 1 : i32
      %add3A_120 = arith.addi %add3A_118, %add3A_119 : i32
      %mul3A_121 = arith.constant 8 : i32
      %mul3A_122 = arith.muli %add3A_120, %mul3A_121 : i32
      %add3A_123 = arith.constant 0 : i32
      %add3A_124 = arith.addi %mul3A_122, %add3A_123 : i32
      %dma_start3A_125 = arith.constant 8 : i32
      %dma_start3A_126 = arith.constant 0 : i32
      %dma_start3A_127 = arith.constant 0 : i32
      %dma_start3A_128 = tpu.memref_slice %arg10[%dma_start3A_125, %dma_start3A_126, %dma_start3A_127] : memref<16x128x16xf32, #tpu.memory_space<vmem>> -> memref<1x128x16xf32, #tpu.memory_space<vmem>>
      %dma_start3A_129 = tpu.memref_squeeze %dma_start3A_128 : memref<1x128x16xf32, #tpu.memory_space<vmem>> -> memref<128x16xf32, #tpu.memory_space<vmem>>
      %dma_start3A_130 = arith.constant 0 : i32
      %dma_start3A_131 = tpu.memref_slice %arg8[%add3A_124, %dma_start3A_130] : memref<80x128xi32, #tpu.memory_space<vmem>> -> memref<1x128xi32, #tpu.memory_space<vmem>>
      %dma_start3A_132 = tpu.memref_squeeze %dma_start3A_131 : memref<1x128xi32, #tpu.memory_space<vmem>> -> memref<128xi32, #tpu.memory_space<vmem>>
      %dma_start3A_133 = arith.constant 0 : i32
      %dma_start3A_134 = arith.constant 0 : i32
      %dma_start3A_135 = tpu.memref_slice %arg6[%dma_start3A_133, %dma_start3A_134] : memref<10240x16xf32, #tpu.memory_space<vmem_shared>> -> memref<10240x16xf32, #tpu.memory_space<vmem_shared>>
      tpu.enqueue_indirect_dma source(%dma_start3A_135 : memref<10240x16xf32, #tpu.memory_space<vmem_shared>>) target(%dma_start3A_129 : memref<128x16xf32, #tpu.memory_space<vmem>>) offsets(%dma_start3A_132 : memref<128xi32, #tpu.memory_space<vmem>>) semaphore(%arg12 : memref<!tpu.dma_semaphore, #tpu.memory_space<semaphore_mem>>)
      %mul3A_136 = arith.constant 8 : i32
      %mul3A_137 = arith.muli %add3A_120, %mul3A_136 : i32
      %add3A_138 = arith.constant 1 : i32
      %add3A_139 = arith.addi %mul3A_137, %add3A_138 : i32
      %dma_start3A_140 = arith.constant 9 : i32
      %dma_start3A_141 = arith.constant 0 : i32
      %dma_start3A_142 = arith.constant 0 : i32
      %dma_start3A_143 = tpu.memref_slice %arg10[%dma_start3A_140, %dma_start3A_141, %dma_start3A_142] : memref<16x128x16xf32, #tpu.memory_space<vmem>> -> memref<1x128x16xf32, #tpu.memory_space<vmem>>
      %dma_start3A_144 = tpu.memref_squeeze %dma_start3A_143 : memref<1x128x16xf32, #tpu.memory_space<vmem>> -> memref<128x16xf32, #tpu.memory_space<vmem>>
      %dma_start3A_145 = arith.constant 0 : i32
      %dma_start3A_146 = tpu.memref_slice %arg8[%add3A_139, %dma_start3A_145] : memref<80x128xi32, #tpu.memory_space<vmem>> -> memref<1x128xi32, #tpu.memory_space<vmem>>
      %dma_start3A_147 = tpu.memref_squeeze %dma_start3A_146 : memref<1x128xi32, #tpu.memory_space<vmem>> -> memref<128xi32, #tpu.memory_space<vmem>>
      %dma_start3A_148 = arith.constant 0 : i32
      %dma_start3A_149 = arith.constant 0 : i32
      %dma_start3A_150 = tpu.memref_slice %arg6[%dma_start3A_148, %dma_start3A_149] : memref<10240x16xf32, #tpu.memory_space<vmem_shared>> -> memref<10240x16xf32, #tpu.memory_space<vmem_shared>>
      tpu.enqueue_indirect_dma source(%dma_start3A_150 : memref<10240x16xf32, #tpu.memory_space<vmem_shared>>) target(%dma_start3A_144 : memref<128x16xf32, #tpu.memory_space<vmem>>) offsets(%dma_start3A_147 : memref<128xi32, #tpu.memory_space<vmem>>) semaphore(%arg12 : memref<!tpu.dma_semaphore, #tpu.memory_space<semaphore_mem>>)
      %mul3A_151 = arith.constant 8 : i32
      %mul3A_152 = arith.muli %add3A_120, %mul3A_151 : i32
      %add3A_153 = arith.constant 2 : i32
      %add3A_154 = arith.addi %mul3A_152, %add3A_153 : i32
      %dma_start3A_155 = arith.constant 10 : i32
      %dma_start3A_156 = arith.constant 0 : i32
      %dma_start3A_157 = arith.constant 0 : i32
      %dma_start3A_158 = tpu.memref_slice %arg10[%dma_start3A_155, %dma_start3A_156, %dma_start3A_157] : memref<16x128x16xf32, #tpu.memory_space<vmem>> -> memref<1x128x16xf32, #tpu.memory_space<vmem>>
      %dma_start3A_159 = tpu.memref_squeeze %dma_start3A_158 : memref<1x128x16xf32, #tpu.memory_space<vmem>> -> memref<128x16xf32, #tpu.memory_space<vmem>>
      %dma_start3A_160 = arith.constant 0 : i32
      %dma_start3A_161 = tpu.memref_slice %arg8[%add3A_154, %dma_start3A_160] : memref<80x128xi32, #tpu.memory_space<vmem>> -> memref<1x128xi32, #tpu.memory_space<vmem>>
      %dma_start3A_162 = tpu.memref_squeeze %dma_start3A_161 : memref<1x128xi32, #tpu.memory_space<vmem>> -> memref<128xi32, #tpu.memory_space<vmem>>
      %dma_start3A_163 = arith.constant 0 : i32
      %dma_start3A_164 = arith.constant 0 : i32
      %dma_start3A_165 = tpu.memref_slice %arg6[%dma_start3A_163, %dma_start3A_164] : memref<10240x16xf32, #tpu.memory_space<vmem_shared>> -> memref<10240x16xf32, #tpu.memory_space<vmem_shared>>
      tpu.enqueue_indirect_dma source(%dma_start3A_165 : memref<10240x16xf32, #tpu.memory_space<vmem_shared>>) target(%dma_start3A_159 : memref<128x16xf32, #tpu.memory_space<vmem>>) offsets(%dma_start3A_162 : memref<128xi32, #tpu.memory_space<vmem>>) semaphore(%arg12 : memref<!tpu.dma_semaphore, #tpu.memory_space<semaphore_mem>>)
      %mul3A_166 = arith.constant 8 : i32
      %mul3A_167 = arith.muli %add3A_120, %mul3A_166 : i32
      %add3A_168 = arith.constant 3 : i32
      %add3A_169 = arith.addi %mul3A_167, %add3A_168 : i32
      %dma_start3A_170 = arith.constant 11 : i32
      %dma_start3A_171 = arith.constant 0 : i32
      %dma_start3A_172 = arith.constant 0 : i32
      %dma_start3A_173 = tpu.memref_slice %arg10[%dma_start3A_170, %dma_start3A_171, %dma_start3A_172] : memref<16x128x16xf32, #tpu.memory_space<vmem>> -> memref<1x128x16xf32, #tpu.memory_space<vmem>>
      %dma_start3A_174 = tpu.memref_squeeze %dma_start3A_173 : memref<1x128x16xf32, #tpu.memory_space<vmem>> -> memref<128x16xf32, #tpu.memory_space<vmem>>
      %dma_start3A_175 = arith.constant 0 : i32
      %dma_start3A_176 = tpu.memref_slice %arg8[%add3A_169, %dma_start3A_175] : memref<80x128xi32, #tpu.memory_space<vmem>> -> memref<1x128xi32, #tpu.memory_space<vmem>>
      %dma_start3A_177 = tpu.memref_squeeze %dma_start3A_176 : memref<1x128xi32, #tpu.memory_space<vmem>> -> memref<128xi32, #tpu.memory_space<vmem>>
      %dma_start3A_178 = arith.constant 0 : i32
      %dma_start3A_179 = arith.constant 0 : i32
      %dma_start3A_180 = tpu.memref_slice %arg6[%dma_start3A_178, %dma_start3A_179] : memref<10240x16xf32, #tpu.memory_space<vmem_shared>> -> memref<10240x16xf32, #tpu.memory_space<vmem_shared>>
      tpu.enqueue_indirect_dma source(%dma_start3A_180 : memref<10240x16xf32, #tpu.memory_space<vmem_shared>>) target(%dma_start3A_174 : memref<128x16xf32, #tpu.memory_space<vmem>>) offsets(%dma_start3A_177 : memref<128xi32, #tpu.memory_space<vmem>>) semaphore(%arg12 : memref<!tpu.dma_semaphore, #tpu.memory_space<semaphore_mem>>)
      %mul3A_181 = arith.constant 8 : i32
      %mul3A_182 = arith.muli %add3A_120, %mul3A_181 : i32
      %add3A_183 = arith.constant 4 : i32
      %add3A_184 = arith.addi %mul3A_182, %add3A_183 : i32
      %dma_start3A_185 = arith.constant 12 : i32
      %dma_start3A_186 = arith.constant 0 : i32
      %dma_start3A_187 = arith.constant 0 : i32
      %dma_start3A_188 = tpu.memref_slice %arg10[%dma_start3A_185, %dma_start3A_186, %dma_start3A_187] : memref<16x128x16xf32, #tpu.memory_space<vmem>> -> memref<1x128x16xf32, #tpu.memory_space<vmem>>
      %dma_start3A_189 = tpu.memref_squeeze %dma_start3A_188 : memref<1x128x16xf32, #tpu.memory_space<vmem>> -> memref<128x16xf32, #tpu.memory_space<vmem>>
      %dma_start3A_190 = arith.constant 0 : i32
      %dma_start3A_191 = tpu.memref_slice %arg8[%add3A_184, %dma_start3A_190] : memref<80x128xi32, #tpu.memory_space<vmem>> -> memref<1x128xi32, #tpu.memory_space<vmem>>
      %dma_start3A_192 = tpu.memref_squeeze %dma_start3A_191 : memref<1x128xi32, #tpu.memory_space<vmem>> -> memref<128xi32, #tpu.memory_space<vmem>>
      %dma_start3A_193 = arith.constant 0 : i32
      %dma_start3A_194 = arith.constant 0 : i32
      %dma_start3A_195 = tpu.memref_slice %arg6[%dma_start3A_193, %dma_start3A_194] : memref<10240x16xf32, #tpu.memory_space<vmem_shared>> -> memref<10240x16xf32, #tpu.memory_space<vmem_shared>>
      tpu.enqueue_indirect_dma source(%dma_start3A_195 : memref<10240x16xf32, #tpu.memory_space<vmem_shared>>) target(%dma_start3A_189 : memref<128x16xf32, #tpu.memory_space<vmem>>) offsets(%dma_start3A_192 : memref<128xi32, #tpu.memory_space<vmem>>) semaphore(%arg12 : memref<!tpu.dma_semaphore, #tpu.memory_space<semaphore_mem>>)
      %mul3A_196 = arith.constant 8 : i32
      %mul3A_197 = arith.muli %add3A_120, %mul3A_196 : i32
      %add3A_198 = arith.constant 5 : i32
      %add3A_199 = arith.addi %mul3A_197, %add3A_198 : i32
      %dma_start3A_200 = arith.constant 13 : i32
      %dma_start3A_201 = arith.constant 0 : i32
      %dma_start3A_202 = arith.constant 0 : i32
      %dma_start3A_203 = tpu.memref_slice %arg10[%dma_start3A_200, %dma_start3A_201, %dma_start3A_202] : memref<16x128x16xf32, #tpu.memory_space<vmem>> -> memref<1x128x16xf32, #tpu.memory_space<vmem>>
      %dma_start3A_204 = tpu.memref_squeeze %dma_start3A_203 : memref<1x128x16xf32, #tpu.memory_space<vmem>> -> memref<128x16xf32, #tpu.memory_space<vmem>>
      %dma_start3A_205 = arith.constant 0 : i32
      %dma_start3A_206 = tpu.memref_slice %arg8[%add3A_199, %dma_start3A_205] : memref<80x128xi32, #tpu.memory_space<vmem>> -> memref<1x128xi32, #tpu.memory_space<vmem>>
      %dma_start3A_207 = tpu.memref_squeeze %dma_start3A_206 : memref<1x128xi32, #tpu.memory_space<vmem>> -> memref<128xi32, #tpu.memory_space<vmem>>
      %dma_start3A_208 = arith.constant 0 : i32
      %dma_start3A_209 = arith.constant 0 : i32
      %dma_start3A_210 = tpu.memref_slice %arg6[%dma_start3A_208, %dma_start3A_209] : memref<10240x16xf32, #tpu.memory_space<vmem_shared>> -> memref<10240x16xf32, #tpu.memory_space<vmem_shared>>
      tpu.enqueue_indirect_dma source(%dma_start3A_210 : memref<10240x16xf32, #tpu.memory_space<vmem_shared>>) target(%dma_start3A_204 : memref<128x16xf32, #tpu.memory_space<vmem>>) offsets(%dma_start3A_207 : memref<128xi32, #tpu.memory_space<vmem>>) semaphore(%arg12 : memref<!tpu.dma_semaphore, #tpu.memory_space<semaphore_mem>>)
      %mul3A_211 = arith.constant 8 : i32
      %mul3A_212 = arith.muli %add3A_120, %mul3A_211 : i32
      %add3A_213 = arith.constant 6 : i32
      %add3A_214 = arith.addi %mul3A_212, %add3A_213 : i32
      %dma_start3A_215 = arith.constant 14 : i32
      %dma_start3A_216 = arith.constant 0 : i32
      %dma_start3A_217 = arith.constant 0 : i32
      %dma_start3A_218 = tpu.memref_slice %arg10[%dma_start3A_215, %dma_start3A_216, %dma_start3A_217] : memref<16x128x16xf32, #tpu.memory_space<vmem>> -> memref<1x128x16xf32, #tpu.memory_space<vmem>>
      %dma_start3A_219 = tpu.memref_squeeze %dma_start3A_218 : memref<1x128x16xf32, #tpu.memory_space<vmem>> -> memref<128x16xf32, #tpu.memory_space<vmem>>
      %dma_start3A_220 = arith.constant 0 : i32
      %dma_start3A_221 = tpu.memref_slice %arg8[%add3A_214, %dma_start3A_220] : memref<80x128xi32, #tpu.memory_space<vmem>> -> memref<1x128xi32, #tpu.memory_space<vmem>>
      %dma_start3A_222 = tpu.memref_squeeze %dma_start3A_221 : memref<1x128xi32, #tpu.memory_space<vmem>> -> memref<128xi32, #tpu.memory_space<vmem>>
      %dma_start3A_223 = arith.constant 0 : i32
      %dma_start3A_224 = arith.constant 0 : i32
      %dma_start3A_225 = tpu.memref_slice %arg6[%dma_start3A_223, %dma_start3A_224] : memref<10240x16xf32, #tpu.memory_space<vmem_shared>> -> memref<10240x16xf32, #tpu.memory_space<vmem_shared>>
      tpu.enqueue_indirect_dma source(%dma_start3A_225 : memref<10240x16xf32, #tpu.memory_space<vmem_shared>>) target(%dma_start3A_219 : memref<128x16xf32, #tpu.memory_space<vmem>>) offsets(%dma_start3A_222 : memref<128xi32, #tpu.memory_space<vmem>>) semaphore(%arg12 : memref<!tpu.dma_semaphore, #tpu.memory_space<semaphore_mem>>)
      %mul3A_226 = arith.constant 8 : i32
      %mul3A_227 = arith.muli %add3A_120, %mul3A_226 : i32
      %add3A_228 = arith.constant 7 : i32
      %add3A_229 = arith.addi %mul3A_227, %add3A_228 : i32
      %dma_start3A_230 = arith.constant 15 : i32
      %dma_start3A_231 = arith.constant 0 : i32
      %dma_start3A_232 = arith.constant 0 : i32
      %dma_start3A_233 = tpu.memref_slice %arg10[%dma_start3A_230, %dma_start3A_231, %dma_start3A_232] : memref<16x128x16xf32, #tpu.memory_space<vmem>> -> memref<1x128x16xf32, #tpu.memory_space<vmem>>
      %dma_start3A_234 = tpu.memref_squeeze %dma_start3A_233 : memref<1x128x16xf32, #tpu.memory_space<vmem>> -> memref<128x16xf32, #tpu.memory_space<vmem>>
      %dma_start3A_235 = arith.constant 0 : i32
      %dma_start3A_236 = tpu.memref_slice %arg8[%add3A_229, %dma_start3A_235] : memref<80x128xi32, #tpu.memory_space<vmem>> -> memref<1x128xi32, #tpu.memory_space<vmem>>
      %dma_start3A_237 = tpu.memref_squeeze %dma_start3A_236 : memref<1x128xi32, #tpu.memory_space<vmem>> -> memref<128xi32, #tpu.memory_space<vmem>>
      %dma_start3A_238 = arith.constant 0 : i32
      %dma_start3A_239 = arith.constant 0 : i32
      %dma_start3A_240 = tpu.memref_slice %arg6[%dma_start3A_238, %dma_start3A_239] : memref<10240x16xf32, #tpu.memory_space<vmem_shared>> -> memref<10240x16xf32, #tpu.memory_space<vmem_shared>>
      tpu.enqueue_indirect_dma source(%dma_start3A_240 : memref<10240x16xf32, #tpu.memory_space<vmem_shared>>) target(%dma_start3A_234 : memref<128x16xf32, #tpu.memory_space<vmem>>) offsets(%dma_start3A_237 : memref<128xi32, #tpu.memory_space<vmem>>) semaphore(%arg12 : memref<!tpu.dma_semaphore, #tpu.memory_space<semaphore_mem>>)
      %dma_wait3A = arith.constant 0 : i32
      %dma_wait3A_241 = arith.constant 0 : i32
      %dma_wait3A_242 = arith.constant 0 : i32
      %dma_wait3A_243 = arith.constant 0 : i32
      %dma_wait3A_244 = tpu.memref_slice %arg10[%dma_wait3A_241, %dma_wait3A_242, %dma_wait3A_243] : memref<16x128x16xf32, #tpu.memory_space<vmem>> -> memref<1x128x16xf32, #tpu.memory_space<vmem>>
      %dma_wait3A_245 = tpu.memref_squeeze %dma_wait3A_244 : memref<1x128x16xf32, #tpu.memory_space<vmem>> -> memref<128x16xf32, #tpu.memory_space<vmem>>
      %dma_wait3A_246 = arith.constant 0 : i32
      %dma_wait3A_247 = tpu.memref_slice %arg8[%dma_wait3A, %dma_wait3A_246] : memref<80x128xi32, #tpu.memory_space<vmem>> -> memref<1x128xi32, #tpu.memory_space<vmem>>
      %dma_wait3A_248 = tpu.memref_squeeze %dma_wait3A_247 : memref<1x128xi32, #tpu.memory_space<vmem>> -> memref<128xi32, #tpu.memory_space<vmem>>
      %dma_wait3A_249 = arith.constant 0 : i32
      %dma_wait3A_250 = arith.constant 0 : i32
      %dma_wait3A_251 = tpu.memref_slice %arg6[%dma_wait3A_249, %dma_wait3A_250] : memref<10240x16xf32, #tpu.memory_space<vmem_shared>> -> memref<10240x16xf32, #tpu.memory_space<vmem_shared>>
      tpu.wait_indirect_dma semaphore(%arg11 : memref<!tpu.dma_semaphore, #tpu.memory_space<semaphore_mem>>) src(%dma_wait3A_251 : memref<10240x16xf32, #tpu.memory_space<vmem_shared>>) dst(%dma_wait3A_245 : memref<128x16xf32, #tpu.memory_space<vmem>>)
      %dma_wait3A_252 = arith.constant 1 : i32
      %dma_wait3A_253 = arith.constant 1 : i32
      %dma_wait3A_254 = arith.constant 0 : i32
      %dma_wait3A_255 = arith.constant 0 : i32
      %dma_wait3A_256 = tpu.memref_slice %arg10[%dma_wait3A_253, %dma_wait3A_254, %dma_wait3A_255] : memref<16x128x16xf32, #tpu.memory_space<vmem>> -> memref<1x128x16xf32, #tpu.memory_space<vmem>>
      %dma_wait3A_257 = tpu.memref_squeeze %dma_wait3A_256 : memref<1x128x16xf32, #tpu.memory_space<vmem>> -> memref<128x16xf32, #tpu.memory_space<vmem>>
      %dma_wait3A_258 = arith.constant 0 : i32
      %dma_wait3A_259 = tpu.memref_slice %arg8[%dma_wait3A_252, %dma_wait3A_258] : memref<80x128xi32, #tpu.memory_space<vmem>> -> memref<1x128xi32, #tpu.memory_space<vmem>>
      %dma_wait3A_260 = tpu.memref_squeeze %dma_wait3A_259 : memref<1x128xi32, #tpu.memory_space<vmem>> -> memref<128xi32, #tpu.memory_space<vmem>>
      %dma_wait3A_261 = arith.constant 0 : i32
      %dma_wait3A_262 = arith.constant 0 : i32
      %dma_wait3A_263 = tpu.memref_slice %arg6[%dma_wait3A_261, %dma_wait3A_262] : memref<10240x16xf32, #tpu.memory_space<vmem_shared>> -> memref<10240x16xf32, #tpu.memory_space<vmem_shared>>
      tpu.wait_indirect_dma semaphore(%arg11 : memref<!tpu.dma_semaphore, #tpu.memory_space<semaphore_mem>>) src(%dma_wait3A_263 : memref<10240x16xf32, #tpu.memory_space<vmem_shared>>) dst(%dma_wait3A_257 : memref<128x16xf32, #tpu.memory_space<vmem>>)
      %dma_wait3A_264 = arith.constant 2 : i32
      %dma_wait3A_265 = arith.constant 2 : i32
      %dma_wait3A_266 = arith.constant 0 : i32
      %dma_wait3A_267 = arith.constant 0 : i32
      %dma_wait3A_268 = tpu.memref_slice %arg10[%dma_wait3A_265, %dma_wait3A_266, %dma_wait3A_267] : memref<16x128x16xf32, #tpu.memory_space<vmem>> -> memref<1x128x16xf32, #tpu.memory_space<vmem>>
      %dma_wait3A_269 = tpu.memref_squeeze %dma_wait3A_268 : memref<1x128x16xf32, #tpu.memory_space<vmem>> -> memref<128x16xf32, #tpu.memory_space<vmem>>
      %dma_wait3A_270 = arith.constant 0 : i32
      %dma_wait3A_271 = tpu.memref_slice %arg8[%dma_wait3A_264, %dma_wait3A_270] : memref<80x128xi32, #tpu.memory_space<vmem>> -> memref<1x128xi32, #tpu.memory_space<vmem>>
      %dma_wait3A_272 = tpu.memref_squeeze %dma_wait3A_271 : memref<1x128xi32, #tpu.memory_space<vmem>> -> memref<128xi32, #tpu.memory_space<vmem>>
      %dma_wait3A_273 = arith.constant 0 : i32
      %dma_wait3A_274 = arith.constant 0 : i32
      %dma_wait3A_275 = tpu.memref_slice %arg6[%dma_wait3A_273, %dma_wait3A_274] : memref<10240x16xf32, #tpu.memory_space<vmem_shared>> -> memref<10240x16xf32, #tpu.memory_space<vmem_shared>>
      tpu.wait_indirect_dma semaphore(%arg11 : memref<!tpu.dma_semaphore, #tpu.memory_space<semaphore_mem>>) src(%dma_wait3A_275 : memref<10240x16xf32, #tpu.memory_space<vmem_shared>>) dst(%dma_wait3A_269 : memref<128x16xf32, #tpu.memory_space<vmem>>)
      %dma_wait3A_276 = arith.constant 3 : i32
      %dma_wait3A_277 = arith.constant 3 : i32
      %dma_wait3A_278 = arith.constant 0 : i32
      %dma_wait3A_279 = arith.constant 0 : i32
      %dma_wait3A_280 = tpu.memref_slice %arg10[%dma_wait3A_277, %dma_wait3A_278, %dma_wait3A_279] : memref<16x128x16xf32, #tpu.memory_space<vmem>> -> memref<1x128x16xf32, #tpu.memory_space<vmem>>
      %dma_wait3A_281 = tpu.memref_squeeze %dma_wait3A_280 : memref<1x128x16xf32, #tpu.memory_space<vmem>> -> memref<128x16xf32, #tpu.memory_space<vmem>>
      %dma_wait3A_282 = arith.constant 0 : i32
      %dma_wait3A_283 = tpu.memref_slice %arg8[%dma_wait3A_276, %dma_wait3A_282] : memref<80x128xi32, #tpu.memory_space<vmem>> -> memref<1x128xi32, #tpu.memory_space<vmem>>
      %dma_wait3A_284 = tpu.memref_squeeze %dma_wait3A_283 : memref<1x128xi32, #tpu.memory_space<vmem>> -> memref<128xi32, #tpu.memory_space<vmem>>
      %dma_wait3A_285 = arith.constant 0 : i32
      %dma_wait3A_286 = arith.constant 0 : i32
      %dma_wait3A_287 = tpu.memref_slice %arg6[%dma_wait3A_285, %dma_wait3A_286] : memref<10240x16xf32, #tpu.memory_space<vmem_shared>> -> memref<10240x16xf32, #tpu.memory_space<vmem_shared>>
      tpu.wait_indirect_dma semaphore(%arg11 : memref<!tpu.dma_semaphore, #tpu.memory_space<semaphore_mem>>) src(%dma_wait3A_287 : memref<10240x16xf32, #tpu.memory_space<vmem_shared>>) dst(%dma_wait3A_281 : memref<128x16xf32, #tpu.memory_space<vmem>>)
      %dma_wait3A_288 = arith.constant 4 : i32
      %dma_wait3A_289 = arith.constant 4 : i32
      %dma_wait3A_290 = arith.constant 0 : i32
      %dma_wait3A_291 = arith.constant 0 : i32
      %dma_wait3A_292 = tpu.memref_slice %arg10[%dma_wait3A_289, %dma_wait3A_290, %dma_wait3A_291] : memref<16x128x16xf32, #tpu.memory_space<vmem>> -> memref<1x128x16xf32, #tpu.memory_space<vmem>>
      %dma_wait3A_293 = tpu.memref_squeeze %dma_wait3A_292 : memref<1x128x16xf32, #tpu.memory_space<vmem>> -> memref<128x16xf32, #tpu.memory_space<vmem>>
      %dma_wait3A_294 = arith.constant 0 : i32
      %dma_wait3A_295 = tpu.memref_slice %arg8[%dma_wait3A_288, %dma_wait3A_294] : memref<80x128xi32, #tpu.memory_space<vmem>> -> memref<1x128xi32, #tpu.memory_space<vmem>>
      %dma_wait3A_296 = tpu.memref_squeeze %dma_wait3A_295 : memref<1x128xi32, #tpu.memory_space<vmem>> -> memref<128xi32, #tpu.memory_space<vmem>>
      %dma_wait3A_297 = arith.constant 0 : i32
      %dma_wait3A_298 = arith.constant 0 : i32
      %dma_wait3A_299 = tpu.memref_slice %arg6[%dma_wait3A_297, %dma_wait3A_298] : memref<10240x16xf32, #tpu.memory_space<vmem_shared>> -> memref<10240x16xf32, #tpu.memory_space<vmem_shared>>
      tpu.wait_indirect_dma semaphore(%arg11 : memref<!tpu.dma_semaphore, #tpu.memory_space<semaphore_mem>>) src(%dma_wait3A_299 : memref<10240x16xf32, #tpu.memory_space<vmem_shared>>) dst(%dma_wait3A_293 : memref<128x16xf32, #tpu.memory_space<vmem>>)
      %dma_wait3A_300 = arith.constant 5 : i32
      %dma_wait3A_301 = arith.constant 5 : i32
      %dma_wait3A_302 = arith.constant 0 : i32
      %dma_wait3A_303 = arith.constant 0 : i32
      %dma_wait3A_304 = tpu.memref_slice %arg10[%dma_wait3A_301, %dma_wait3A_302, %dma_wait3A_303] : memref<16x128x16xf32, #tpu.memory_space<vmem>> -> memref<1x128x16xf32, #tpu.memory_space<vmem>>
      %dma_wait3A_305 = tpu.memref_squeeze %dma_wait3A_304 : memref<1x128x16xf32, #tpu.memory_space<vmem>> -> memref<128x16xf32, #tpu.memory_space<vmem>>
      %dma_wait3A_306 = arith.constant 0 : i32
      %dma_wait3A_307 = tpu.memref_slice %arg8[%dma_wait3A_300, %dma_wait3A_306] : memref<80x128xi32, #tpu.memory_space<vmem>> -> memref<1x128xi32, #tpu.memory_space<vmem>>
      %dma_wait3A_308 = tpu.memref_squeeze %dma_wait3A_307 : memref<1x128xi32, #tpu.memory_space<vmem>> -> memref<128xi32, #tpu.memory_space<vmem>>
      %dma_wait3A_309 = arith.constant 0 : i32
      %dma_wait3A_310 = arith.constant 0 : i32
      %dma_wait3A_311 = tpu.memref_slice %arg6[%dma_wait3A_309, %dma_wait3A_310] : memref<10240x16xf32, #tpu.memory_space<vmem_shared>> -> memref<10240x16xf32, #tpu.memory_space<vmem_shared>>
      tpu.wait_indirect_dma semaphore(%arg11 : memref<!tpu.dma_semaphore, #tpu.memory_space<semaphore_mem>>) src(%dma_wait3A_311 : memref<10240x16xf32, #tpu.memory_space<vmem_shared>>) dst(%dma_wait3A_305 : memref<128x16xf32, #tpu.memory_space<vmem>>)
      %dma_wait3A_312 = arith.constant 6 : i32
      %dma_wait3A_313 = arith.constant 6 : i32
      %dma_wait3A_314 = arith.constant 0 : i32
      %dma_wait3A_315 = arith.constant 0 : i32
      %dma_wait3A_316 = tpu.memref_slice %arg10[%dma_wait3A_313, %dma_wait3A_314, %dma_wait3A_315] : memref<16x128x16xf32, #tpu.memory_space<vmem>> -> memref<1x128x16xf32, #tpu.memory_space<vmem>>
      %dma_wait3A_317 = tpu.memref_squeeze %dma_wait3A_316 : memref<1x128x16xf32, #tpu.memory_space<vmem>> -> memref<128x16xf32, #tpu.memory_space<vmem>>
      %dma_wait3A_318 = arith.constant 0 : i32
      %dma_wait3A_319 = tpu.memref_slice %arg8[%dma_wait3A_312, %dma_wait3A_318] : memref<80x128xi32, #tpu.memory_space<vmem>> -> memref<1x128xi32, #tpu.memory_space<vmem>>
      %dma_wait3A_320 = tpu.memref_squeeze %dma_wait3A_319 : memref<1x128xi32, #tpu.memory_space<vmem>> -> memref<128xi32, #tpu.memory_space<vmem>>
      %dma_wait3A_321 = arith.constant 0 : i32
      %dma_wait3A_322 = arith.constant 0 : i32
      %dma_wait3A_323 = tpu.memref_slice %arg6[%dma_wait3A_321, %dma_wait3A_322] : memref<10240x16xf32, #tpu.memory_space<vmem_shared>> -> memref<10240x16xf32, #tpu.memory_space<vmem_shared>>
      tpu.wait_indirect_dma semaphore(%arg11 : memref<!tpu.dma_semaphore, #tpu.memory_space<semaphore_mem>>) src(%dma_wait3A_323 : memref<10240x16xf32, #tpu.memory_space<vmem_shared>>) dst(%dma_wait3A_317 : memref<128x16xf32, #tpu.memory_space<vmem>>)
      %dma_wait3A_324 = arith.constant 7 : i32
      %dma_wait3A_325 = arith.constant 7 : i32
      %dma_wait3A_326 = arith.constant 0 : i32
      %dma_wait3A_327 = arith.constant 0 : i32
      %dma_wait3A_328 = tpu.memref_slice %arg10[%dma_wait3A_325, %dma_wait3A_326, %dma_wait3A_327] : memref<16x128x16xf32, #tpu.memory_space<vmem>> -> memref<1x128x16xf32, #tpu.memory_space<vmem>>
      %dma_wait3A_329 = tpu.memref_squeeze %dma_wait3A_328 : memref<1x128x16xf32, #tpu.memory_space<vmem>> -> memref<128x16xf32, #tpu.memory_space<vmem>>
      %dma_wait3A_330 = arith.constant 0 : i32
      %dma_wait3A_331 = tpu.memref_slice %arg8[%dma_wait3A_324, %dma_wait3A_330] : memref<80x128xi32, #tpu.memory_space<vmem>> -> memref<1x128xi32, #tpu.memory_space<vmem>>
      %dma_wait3A_332 = tpu.memref_squeeze %dma_wait3A_331 : memref<1x128xi32, #tpu.memory_space<vmem>> -> memref<128xi32, #tpu.memory_space<vmem>>
      %dma_wait3A_333 = arith.constant 0 : i32
      %dma_wait3A_334 = arith.constant 0 : i32
      %dma_wait3A_335 = tpu.memref_slice %arg6[%dma_wait3A_333, %dma_wait3A_334] : memref<10240x16xf32, #tpu.memory_space<vmem_shared>> -> memref<10240x16xf32, #tpu.memory_space<vmem_shared>>
      tpu.wait_indirect_dma semaphore(%arg11 : memref<!tpu.dma_semaphore, #tpu.memory_space<semaphore_mem>>) src(%dma_wait3A_335 : memref<10240x16xf32, #tpu.memory_space<vmem_shared>>) dst(%dma_wait3A_329 : memref<128x16xf32, #tpu.memory_space<vmem>>)
      %mul3A_336 = arith.constant 8 : i32
      %mul3A_337 = arith.muli %add3A_118, %mul3A_336 : i32
      %add3A_338 = arith.constant 0 : i32
      %add3A_339 = arith.addi %mul3A_337, %add3A_338 : i32
      %dma_start3A_340 = arith.constant 0 : i32
      %dma_start3A_341 = arith.constant 0 : i32
      %dma_start3A_342 = arith.constant 0 : i32
      %dma_start3A_343 = tpu.memref_slice %arg10[%dma_start3A_340, %dma_start3A_341, %dma_start3A_342] : memref<16x128x16xf32, #tpu.memory_space<vmem>> -> memref<1x128x16xf32, #tpu.memory_space<vmem>>
      %dma_start3A_344 = tpu.memref_squeeze %dma_start3A_343 : memref<1x128x16xf32, #tpu.memory_space<vmem>> -> memref<128x16xf32, #tpu.memory_space<vmem>>
      %dma_start3A_345 = arith.constant 0 : i32
      %dma_start3A_346 = tpu.memref_slice %arg9[%add3A_339, %dma_start3A_345] : memref<80x128xi32, #tpu.memory_space<vmem>> -> memref<1x128xi32, #tpu.memory_space<vmem>>
      %dma_start3A_347 = tpu.memref_squeeze %dma_start3A_346 : memref<1x128xi32, #tpu.memory_space<vmem>> -> memref<128xi32, #tpu.memory_space<vmem>>
      %dma_start3A_348 = arith.constant 0 : i32
      %dma_start3A_349 = arith.constant 0 : i32
      %dma_start3A_350 = tpu.memref_slice %arg7[%dma_start3A_348, %dma_start3A_349] : memref<10240x16xf32, #tpu.memory_space<vmem_shared>> -> memref<10240x16xf32, #tpu.memory_space<vmem_shared>>
      tpu.enqueue_indirect_dma source(%dma_start3A_344 : memref<128x16xf32, #tpu.memory_space<vmem>>) target(%dma_start3A_350 : memref<10240x16xf32, #tpu.memory_space<vmem_shared>>) offsets(%dma_start3A_347 : memref<128xi32, #tpu.memory_space<vmem>>) semaphore(%arg13 : memref<!tpu.dma_semaphore, #tpu.memory_space<semaphore_mem>>) {add = true}
      %mul3A_351 = arith.constant 8 : i32
      %mul3A_352 = arith.muli %add3A_118, %mul3A_351 : i32
      %add3A_353 = arith.constant 1 : i32
      %add3A_354 = arith.addi %mul3A_352, %add3A_353 : i32
      %dma_start3A_355 = arith.constant 1 : i32
      %dma_start3A_356 = arith.constant 0 : i32
      %dma_start3A_357 = arith.constant 0 : i32
      %dma_start3A_358 = tpu.memref_slice %arg10[%dma_start3A_355, %dma_start3A_356, %dma_start3A_357] : memref<16x128x16xf32, #tpu.memory_space<vmem>> -> memref<1x128x16xf32, #tpu.memory_space<vmem>>
      %dma_start3A_359 = tpu.memref_squeeze %dma_start3A_358 : memref<1x128x16xf32, #tpu.memory_space<vmem>> -> memref<128x16xf32, #tpu.memory_space<vmem>>
      %dma_start3A_360 = arith.constant 0 : i32
      %dma_start3A_361 = tpu.memref_slice %arg9[%add3A_354, %dma_start3A_360] : memref<80x128xi32, #tpu.memory_space<vmem>> -> memref<1x128xi32, #tpu.memory_space<vmem>>
      %dma_start3A_362 = tpu.memref_squeeze %dma_start3A_361 : memref<1x128xi32, #tpu.memory_space<vmem>> -> memref<128xi32, #tpu.memory_space<vmem>>
      %dma_start3A_363 = arith.constant 0 : i32
      %dma_start3A_364 = arith.constant 0 : i32
      %dma_start3A_365 = tpu.memref_slice %arg7[%dma_start3A_363, %dma_start3A_364] : memref<10240x16xf32, #tpu.memory_space<vmem_shared>> -> memref<10240x16xf32, #tpu.memory_space<vmem_shared>>
      tpu.enqueue_indirect_dma source(%dma_start3A_359 : memref<128x16xf32, #tpu.memory_space<vmem>>) target(%dma_start3A_365 : memref<10240x16xf32, #tpu.memory_space<vmem_shared>>) offsets(%dma_start3A_362 : memref<128xi32, #tpu.memory_space<vmem>>) semaphore(%arg13 : memref<!tpu.dma_semaphore, #tpu.memory_space<semaphore_mem>>) {add = true}
      %mul3A_366 = arith.constant 8 : i32
      %mul3A_367 = arith.muli %add3A_118, %mul3A_366 : i32
      %add3A_368 = arith.constant 2 : i32
      %add3A_369 = arith.addi %mul3A_367, %add3A_368 : i32
      %dma_start3A_370 = arith.constant 2 : i32
      %dma_start3A_371 = arith.constant 0 : i32
      %dma_start3A_372 = arith.constant 0 : i32
      %dma_start3A_373 = tpu.memref_slice %arg10[%dma_start3A_370, %dma_start3A_371, %dma_start3A_372] : memref<16x128x16xf32, #tpu.memory_space<vmem>> -> memref<1x128x16xf32, #tpu.memory_space<vmem>>
      %dma_start3A_374 = tpu.memref_squeeze %dma_start3A_373 : memref<1x128x16xf32, #tpu.memory_space<vmem>> -> memref<128x16xf32, #tpu.memory_space<vmem>>
      %dma_start3A_375 = arith.constant 0 : i32
      %dma_start3A_376 = tpu.memref_slice %arg9[%add3A_369, %dma_start3A_375] : memref<80x128xi32, #tpu.memory_space<vmem>> -> memref<1x128xi32, #tpu.memory_space<vmem>>
      %dma_start3A_377 = tpu.memref_squeeze %dma_start3A_376 : memref<1x128xi32, #tpu.memory_space<vmem>> -> memref<128xi32, #tpu.memory_space<vmem>>
      %dma_start3A_378 = arith.constant 0 : i32
      %dma_start3A_379 = arith.constant 0 : i32
      %dma_start3A_380 = tpu.memref_slice %arg7[%dma_start3A_378, %dma_start3A_379] : memref<10240x16xf32, #tpu.memory_space<vmem_shared>> -> memref<10240x16xf32, #tpu.memory_space<vmem_shared>>
      tpu.enqueue_indirect_dma source(%dma_start3A_374 : memref<128x16xf32, #tpu.memory_space<vmem>>) target(%dma_start3A_380 : memref<10240x16xf32, #tpu.memory_space<vmem_shared>>) offsets(%dma_start3A_377 : memref<128xi32, #tpu.memory_space<vmem>>) semaphore(%arg13 : memref<!tpu.dma_semaphore, #tpu.memory_space<semaphore_mem>>) {add = true}
      %mul3A_381 = arith.constant 8 : i32
      %mul3A_382 = arith.muli %add3A_118, %mul3A_381 : i32
      %add3A_383 = arith.constant 3 : i32
      %add3A_384 = arith.addi %mul3A_382, %add3A_383 : i32
      %dma_start3A_385 = arith.constant 3 : i32
      %dma_start3A_386 = arith.constant 0 : i32
      %dma_start3A_387 = arith.constant 0 : i32
      %dma_start3A_388 = tpu.memref_slice %arg10[%dma_start3A_385, %dma_start3A_386, %dma_start3A_387] : memref<16x128x16xf32, #tpu.memory_space<vmem>> -> memref<1x128x16xf32, #tpu.memory_space<vmem>>
      %dma_start3A_389 = tpu.memref_squeeze %dma_start3A_388 : memref<1x128x16xf32, #tpu.memory_space<vmem>> -> memref<128x16xf32, #tpu.memory_space<vmem>>
      %dma_start3A_390 = arith.constant 0 : i32
      %dma_start3A_391 = tpu.memref_slice %arg9[%add3A_384, %dma_start3A_390] : memref<80x128xi32, #tpu.memory_space<vmem>> -> memref<1x128xi32, #tpu.memory_space<vmem>>
      %dma_start3A_392 = tpu.memref_squeeze %dma_start3A_391 : memref<1x128xi32, #tpu.memory_space<vmem>> -> memref<128xi32, #tpu.memory_space<vmem>>
      %dma_start3A_393 = arith.constant 0 : i32
      %dma_start3A_394 = arith.constant 0 : i32
      %dma_start3A_395 = tpu.memref_slice %arg7[%dma_start3A_393, %dma_start3A_394] : memref<10240x16xf32, #tpu.memory_space<vmem_shared>> -> memref<10240x16xf32, #tpu.memory_space<vmem_shared>>
      tpu.enqueue_indirect_dma source(%dma_start3A_389 : memref<128x16xf32, #tpu.memory_space<vmem>>) target(%dma_start3A_395 : memref<10240x16xf32, #tpu.memory_space<vmem_shared>>) offsets(%dma_start3A_392 : memref<128xi32, #tpu.memory_space<vmem>>) semaphore(%arg13 : memref<!tpu.dma_semaphore, #tpu.memory_space<semaphore_mem>>) {add = true}
      %mul3A_396 = arith.constant 8 : i32
      %mul3A_397 = arith.muli %add3A_118, %mul3A_396 : i32
      %add3A_398 = arith.constant 4 : i32
      %add3A_399 = arith.addi %mul3A_397, %add3A_398 : i32
      %dma_start3A_400 = arith.constant 4 : i32
      %dma_start3A_401 = arith.constant 0 : i32
      %dma_start3A_402 = arith.constant 0 : i32
      %dma_start3A_403 = tpu.memref_slice %arg10[%dma_start3A_400, %dma_start3A_401, %dma_start3A_402] : memref<16x128x16xf32, #tpu.memory_space<vmem>> -> memref<1x128x16xf32, #tpu.memory_space<vmem>>
      %dma_start3A_404 = tpu.memref_squeeze %dma_start3A_403 : memref<1x128x16xf32, #tpu.memory_space<vmem>> -> memref<128x16xf32, #tpu.memory_space<vmem>>
      %dma_start3A_405 = arith.constant 0 : i32
      %dma_start3A_406 = tpu.memref_slice %arg9[%add3A_399, %dma_start3A_405] : memref<80x128xi32, #tpu.memory_space<vmem>> -> memref<1x128xi32, #tpu.memory_space<vmem>>
      %dma_start3A_407 = tpu.memref_squeeze %dma_start3A_406 : memref<1x128xi32, #tpu.memory_space<vmem>> -> memref<128xi32, #tpu.memory_space<vmem>>
      %dma_start3A_408 = arith.constant 0 : i32
      %dma_start3A_409 = arith.constant 0 : i32
      %dma_start3A_410 = tpu.memref_slice %arg7[%dma_start3A_408, %dma_start3A_409] : memref<10240x16xf32, #tpu.memory_space<vmem_shared>> -> memref<10240x16xf32, #tpu.memory_space<vmem_shared>>
      tpu.enqueue_indirect_dma source(%dma_start3A_404 : memref<128x16xf32, #tpu.memory_space<vmem>>) target(%dma_start3A_410 : memref<10240x16xf32, #tpu.memory_space<vmem_shared>>) offsets(%dma_start3A_407 : memref<128xi32, #tpu.memory_space<vmem>>) semaphore(%arg13 : memref<!tpu.dma_semaphore, #tpu.memory_space<semaphore_mem>>) {add = true}
      %mul3A_411 = arith.constant 8 : i32
      %mul3A_412 = arith.muli %add3A_118, %mul3A_411 : i32
      %add3A_413 = arith.constant 5 : i32
      %add3A_414 = arith.addi %mul3A_412, %add3A_413 : i32
      %dma_start3A_415 = arith.constant 5 : i32
      %dma_start3A_416 = arith.constant 0 : i32
      %dma_start3A_417 = arith.constant 0 : i32
      %dma_start3A_418 = tpu.memref_slice %arg10[%dma_start3A_415, %dma_start3A_416, %dma_start3A_417] : memref<16x128x16xf32, #tpu.memory_space<vmem>> -> memref<1x128x16xf32, #tpu.memory_space<vmem>>
      %dma_start3A_419 = tpu.memref_squeeze %dma_start3A_418 : memref<1x128x16xf32, #tpu.memory_space<vmem>> -> memref<128x16xf32, #tpu.memory_space<vmem>>
      %dma_start3A_420 = arith.constant 0 : i32
      %dma_start3A_421 = tpu.memref_slice %arg9[%add3A_414, %dma_start3A_420] : memref<80x128xi32, #tpu.memory_space<vmem>> -> memref<1x128xi32, #tpu.memory_space<vmem>>
      %dma_start3A_422 = tpu.memref_squeeze %dma_start3A_421 : memref<1x128xi32, #tpu.memory_space<vmem>> -> memref<128xi32, #tpu.memory_space<vmem>>
      %dma_start3A_423 = arith.constant 0 : i32
      %dma_start3A_424 = arith.constant 0 : i32
      %dma_start3A_425 = tpu.memref_slice %arg7[%dma_start3A_423, %dma_start3A_424] : memref<10240x16xf32, #tpu.memory_space<vmem_shared>> -> memref<10240x16xf32, #tpu.memory_space<vmem_shared>>
      tpu.enqueue_indirect_dma source(%dma_start3A_419 : memref<128x16xf32, #tpu.memory_space<vmem>>) target(%dma_start3A_425 : memref<10240x16xf32, #tpu.memory_space<vmem_shared>>) offsets(%dma_start3A_422 : memref<128xi32, #tpu.memory_space<vmem>>) semaphore(%arg13 : memref<!tpu.dma_semaphore, #tpu.memory_space<semaphore_mem>>) {add = true}
      %mul3A_426 = arith.constant 8 : i32
      %mul3A_427 = arith.muli %add3A_118, %mul3A_426 : i32
      %add3A_428 = arith.constant 6 : i32
      %add3A_429 = arith.addi %mul3A_427, %add3A_428 : i32
      %dma_start3A_430 = arith.constant 6 : i32
      %dma_start3A_431 = arith.constant 0 : i32
      %dma_start3A_432 = arith.constant 0 : i32
      %dma_start3A_433 = tpu.memref_slice %arg10[%dma_start3A_430, %dma_start3A_431, %dma_start3A_432] : memref<16x128x16xf32, #tpu.memory_space<vmem>> -> memref<1x128x16xf32, #tpu.memory_space<vmem>>
      %dma_start3A_434 = tpu.memref_squeeze %dma_start3A_433 : memref<1x128x16xf32, #tpu.memory_space<vmem>> -> memref<128x16xf32, #tpu.memory_space<vmem>>
      %dma_start3A_435 = arith.constant 0 : i32
      %dma_start3A_436 = tpu.memref_slice %arg9[%add3A_429, %dma_start3A_435] : memref<80x128xi32, #tpu.memory_space<vmem>> -> memref<1x128xi32, #tpu.memory_space<vmem>>
      %dma_start3A_437 = tpu.memref_squeeze %dma_start3A_436 : memref<1x128xi32, #tpu.memory_space<vmem>> -> memref<128xi32, #tpu.memory_space<vmem>>
      %dma_start3A_438 = arith.constant 0 : i32
      %dma_start3A_439 = arith.constant 0 : i32
      %dma_start3A_440 = tpu.memref_slice %arg7[%dma_start3A_438, %dma_start3A_439] : memref<10240x16xf32, #tpu.memory_space<vmem_shared>> -> memref<10240x16xf32, #tpu.memory_space<vmem_shared>>
      tpu.enqueue_indirect_dma source(%dma_start3A_434 : memref<128x16xf32, #tpu.memory_space<vmem>>) target(%dma_start3A_440 : memref<10240x16xf32, #tpu.memory_space<vmem_shared>>) offsets(%dma_start3A_437 : memref<128xi32, #tpu.memory_space<vmem>>) semaphore(%arg13 : memref<!tpu.dma_semaphore, #tpu.memory_space<semaphore_mem>>) {add = true}
      %mul3A_441 = arith.constant 8 : i32
      %mul3A_442 = arith.muli %add3A_118, %mul3A_441 : i32
      %add3A_443 = arith.constant 7 : i32
      %add3A_444 = arith.addi %mul3A_442, %add3A_443 : i32
      %dma_start3A_445 = arith.constant 7 : i32
      %dma_start3A_446 = arith.constant 0 : i32
      %dma_start3A_447 = arith.constant 0 : i32
      %dma_start3A_448 = tpu.memref_slice %arg10[%dma_start3A_445, %dma_start3A_446, %dma_start3A_447] : memref<16x128x16xf32, #tpu.memory_space<vmem>> -> memref<1x128x16xf32, #tpu.memory_space<vmem>>
      %dma_start3A_449 = tpu.memref_squeeze %dma_start3A_448 : memref<1x128x16xf32, #tpu.memory_space<vmem>> -> memref<128x16xf32, #tpu.memory_space<vmem>>
      %dma_start3A_450 = arith.constant 0 : i32
      %dma_start3A_451 = tpu.memref_slice %arg9[%add3A_444, %dma_start3A_450] : memref<80x128xi32, #tpu.memory_space<vmem>> -> memref<1x128xi32, #tpu.memory_space<vmem>>
      %dma_start3A_452 = tpu.memref_squeeze %dma_start3A_451 : memref<1x128xi32, #tpu.memory_space<vmem>> -> memref<128xi32, #tpu.memory_space<vmem>>
      %dma_start3A_453 = arith.constant 0 : i32
      %dma_start3A_454 = arith.constant 0 : i32
      %dma_start3A_455 = tpu.memref_slice %arg7[%dma_start3A_453, %dma_start3A_454] : memref<10240x16xf32, #tpu.memory_space<vmem_shared>> -> memref<10240x16xf32, #tpu.memory_space<vmem_shared>>
      tpu.enqueue_indirect_dma source(%dma_start3A_449 : memref<128x16xf32, #tpu.memory_space<vmem>>) target(%dma_start3A_455 : memref<10240x16xf32, #tpu.memory_space<vmem_shared>>) offsets(%dma_start3A_452 : memref<128xi32, #tpu.memory_space<vmem>>) semaphore(%arg13 : memref<!tpu.dma_semaphore, #tpu.memory_space<semaphore_mem>>) {add = true}
      %dma_wait3A_456 = arith.constant 0 : i32
      %dma_wait3A_457 = arith.constant 0 : i32
      %dma_wait3A_458 = arith.constant 0 : i32
      %dma_wait3A_459 = tpu.memref_slice %arg10[%dma_wait3A_456, %dma_wait3A_457, %dma_wait3A_458] : memref<16x128x16xf32, #tpu.memory_space<vmem>> -> memref<1x128x16xf32, #tpu.memory_space<vmem>>
      %dma_wait3A_460 = tpu.memref_squeeze %dma_wait3A_459 : memref<1x128x16xf32, #tpu.memory_space<vmem>> -> memref<128x16xf32, #tpu.memory_space<vmem>>
      %dma_wait3A_461 = arith.constant 0 : i32
      %dma_wait3A_462 = tpu.memref_slice %arg9[%add3A_339, %dma_wait3A_461] : memref<80x128xi32, #tpu.memory_space<vmem>> -> memref<1x128xi32, #tpu.memory_space<vmem>>
      %dma_wait3A_463 = tpu.memref_squeeze %dma_wait3A_462 : memref<1x128xi32, #tpu.memory_space<vmem>> -> memref<128xi32, #tpu.memory_space<vmem>>
      %dma_wait3A_464 = arith.constant 0 : i32
      %dma_wait3A_465 = arith.constant 0 : i32
      %dma_wait3A_466 = tpu.memref_slice %arg7[%dma_wait3A_464, %dma_wait3A_465] : memref<10240x16xf32, #tpu.memory_space<vmem_shared>> -> memref<10240x16xf32, #tpu.memory_space<vmem_shared>>
      tpu.wait_indirect_dma semaphore(%arg13 : memref<!tpu.dma_semaphore, #tpu.memory_space<semaphore_mem>>) src(%dma_wait3A_460 : memref<128x16xf32, #tpu.memory_space<vmem>>) dst(%dma_wait3A_466 : memref<10240x16xf32, #tpu.memory_space<vmem_shared>>)
      %dma_wait3A_467 = arith.constant 1 : i32
      %dma_wait3A_468 = arith.constant 0 : i32
      %dma_wait3A_469 = arith.constant 0 : i32
      %dma_wait3A_470 = tpu.memref_slice %arg10[%dma_wait3A_467, %dma_wait3A_468, %dma_wait3A_469] : memref<16x128x16xf32, #tpu.memory_space<vmem>> -> memref<1x128x16xf32, #tpu.memory_space<vmem>>
      %dma_wait3A_471 = tpu.memref_squeeze %dma_wait3A_470 : memref<1x128x16xf32, #tpu.memory_space<vmem>> -> memref<128x16xf32, #tpu.memory_space<vmem>>
      %dma_wait3A_472 = arith.constant 0 : i32
      %dma_wait3A_473 = tpu.memref_slice %arg9[%add3A_354, %dma_wait3A_472] : memref<80x128xi32, #tpu.memory_space<vmem>> -> memref<1x128xi32, #tpu.memory_space<vmem>>
      %dma_wait3A_474 = tpu.memref_squeeze %dma_wait3A_473 : memref<1x128xi32, #tpu.memory_space<vmem>> -> memref<128xi32, #tpu.memory_space<vmem>>
      %dma_wait3A_475 = arith.constant 0 : i32
      %dma_wait3A_476 = arith.constant 0 : i32
      %dma_wait3A_477 = tpu.memref_slice %arg7[%dma_wait3A_475, %dma_wait3A_476] : memref<10240x16xf32, #tpu.memory_space<vmem_shared>> -> memref<10240x16xf32, #tpu.memory_space<vmem_shared>>
      tpu.wait_indirect_dma semaphore(%arg13 : memref<!tpu.dma_semaphore, #tpu.memory_space<semaphore_mem>>) src(%dma_wait3A_471 : memref<128x16xf32, #tpu.memory_space<vmem>>) dst(%dma_wait3A_477 : memref<10240x16xf32, #tpu.memory_space<vmem_shared>>)
      %dma_wait3A_478 = arith.constant 2 : i32
      %dma_wait3A_479 = arith.constant 0 : i32
      %dma_wait3A_480 = arith.constant 0 : i32
      %dma_wait3A_481 = tpu.memref_slice %arg10[%dma_wait3A_478, %dma_wait3A_479, %dma_wait3A_480] : memref<16x128x16xf32, #tpu.memory_space<vmem>> -> memref<1x128x16xf32, #tpu.memory_space<vmem>>
      %dma_wait3A_482 = tpu.memref_squeeze %dma_wait3A_481 : memref<1x128x16xf32, #tpu.memory_space<vmem>> -> memref<128x16xf32, #tpu.memory_space<vmem>>
      %dma_wait3A_483 = arith.constant 0 : i32
      %dma_wait3A_484 = tpu.memref_slice %arg9[%add3A_369, %dma_wait3A_483] : memref<80x128xi32, #tpu.memory_space<vmem>> -> memref<1x128xi32, #tpu.memory_space<vmem>>
      %dma_wait3A_485 = tpu.memref_squeeze %dma_wait3A_484 : memref<1x128xi32, #tpu.memory_space<vmem>> -> memref<128xi32, #tpu.memory_space<vmem>>
      %dma_wait3A_486 = arith.constant 0 : i32
      %dma_wait3A_487 = arith.constant 0 : i32
      %dma_wait3A_488 = tpu.memref_slice %arg7[%dma_wait3A_486, %dma_wait3A_487] : memref<10240x16xf32, #tpu.memory_space<vmem_shared>> -> memref<10240x16xf32, #tpu.memory_space<vmem_shared>>
      tpu.wait_indirect_dma semaphore(%arg13 : memref<!tpu.dma_semaphore, #tpu.memory_space<semaphore_mem>>) src(%dma_wait3A_482 : memref<128x16xf32, #tpu.memory_space<vmem>>) dst(%dma_wait3A_488 : memref<10240x16xf32, #tpu.memory_space<vmem_shared>>)
      %dma_wait3A_489 = arith.constant 3 : i32
      %dma_wait3A_490 = arith.constant 0 : i32
      %dma_wait3A_491 = arith.constant 0 : i32
      %dma_wait3A_492 = tpu.memref_slice %arg10[%dma_wait3A_489, %dma_wait3A_490, %dma_wait3A_491] : memref<16x128x16xf32, #tpu.memory_space<vmem>> -> memref<1x128x16xf32, #tpu.memory_space<vmem>>
      %dma_wait3A_493 = tpu.memref_squeeze %dma_wait3A_492 : memref<1x128x16xf32, #tpu.memory_space<vmem>> -> memref<128x16xf32, #tpu.memory_space<vmem>>
      %dma_wait3A_494 = arith.constant 0 : i32
      %dma_wait3A_495 = tpu.memref_slice %arg9[%add3A_384, %dma_wait3A_494] : memref<80x128xi32, #tpu.memory_space<vmem>> -> memref<1x128xi32, #tpu.memory_space<vmem>>
      %dma_wait3A_496 = tpu.memref_squeeze %dma_wait3A_495 : memref<1x128xi32, #tpu.memory_space<vmem>> -> memref<128xi32, #tpu.memory_space<vmem>>
      %dma_wait3A_497 = arith.constant 0 : i32
      %dma_wait3A_498 = arith.constant 0 : i32
      %dma_wait3A_499 = tpu.memref_slice %arg7[%dma_wait3A_497, %dma_wait3A_498] : memref<10240x16xf32, #tpu.memory_space<vmem_shared>> -> memref<10240x16xf32, #tpu.memory_space<vmem_shared>>
      tpu.wait_indirect_dma semaphore(%arg13 : memref<!tpu.dma_semaphore, #tpu.memory_space<semaphore_mem>>) src(%dma_wait3A_493 : memref<128x16xf32, #tpu.memory_space<vmem>>) dst(%dma_wait3A_499 : memref<10240x16xf32, #tpu.memory_space<vmem_shared>>)
      %dma_wait3A_500 = arith.constant 4 : i32
      %dma_wait3A_501 = arith.constant 0 : i32
      %dma_wait3A_502 = arith.constant 0 : i32
      %dma_wait3A_503 = tpu.memref_slice %arg10[%dma_wait3A_500, %dma_wait3A_501, %dma_wait3A_502] : memref<16x128x16xf32, #tpu.memory_space<vmem>> -> memref<1x128x16xf32, #tpu.memory_space<vmem>>
      %dma_wait3A_504 = tpu.memref_squeeze %dma_wait3A_503 : memref<1x128x16xf32, #tpu.memory_space<vmem>> -> memref<128x16xf32, #tpu.memory_space<vmem>>
      %dma_wait3A_505 = arith.constant 0 : i32
      %dma_wait3A_506 = tpu.memref_slice %arg9[%add3A_399, %dma_wait3A_505] : memref<80x128xi32, #tpu.memory_space<vmem>> -> memref<1x128xi32, #tpu.memory_space<vmem>>
      %dma_wait3A_507 = tpu.memref_squeeze %dma_wait3A_506 : memref<1x128xi32, #tpu.memory_space<vmem>> -> memref<128xi32, #tpu.memory_space<vmem>>
      %dma_wait3A_508 = arith.constant 0 : i32
      %dma_wait3A_509 = arith.constant 0 : i32
      %dma_wait3A_510 = tpu.memref_slice %arg7[%dma_wait3A_508, %dma_wait3A_509] : memref<10240x16xf32, #tpu.memory_space<vmem_shared>> -> memref<10240x16xf32, #tpu.memory_space<vmem_shared>>
      tpu.wait_indirect_dma semaphore(%arg13 : memref<!tpu.dma_semaphore, #tpu.memory_space<semaphore_mem>>) src(%dma_wait3A_504 : memref<128x16xf32, #tpu.memory_space<vmem>>) dst(%dma_wait3A_510 : memref<10240x16xf32, #tpu.memory_space<vmem_shared>>)
      %dma_wait3A_511 = arith.constant 5 : i32
      %dma_wait3A_512 = arith.constant 0 : i32
      %dma_wait3A_513 = arith.constant 0 : i32
      %dma_wait3A_514 = tpu.memref_slice %arg10[%dma_wait3A_511, %dma_wait3A_512, %dma_wait3A_513] : memref<16x128x16xf32, #tpu.memory_space<vmem>> -> memref<1x128x16xf32, #tpu.memory_space<vmem>>
      %dma_wait3A_515 = tpu.memref_squeeze %dma_wait3A_514 : memref<1x128x16xf32, #tpu.memory_space<vmem>> -> memref<128x16xf32, #tpu.memory_space<vmem>>
      %dma_wait3A_516 = arith.constant 0 : i32
      %dma_wait3A_517 = tpu.memref_slice %arg9[%add3A_414, %dma_wait3A_516] : memref<80x128xi32, #tpu.memory_space<vmem>> -> memref<1x128xi32, #tpu.memory_space<vmem>>
      %dma_wait3A_518 = tpu.memref_squeeze %dma_wait3A_517 : memref<1x128xi32, #tpu.memory_space<vmem>> -> memref<128xi32, #tpu.memory_space<vmem>>
      %dma_wait3A_519 = arith.constant 0 : i32
      %dma_wait3A_520 = arith.constant 0 : i32
      %dma_wait3A_521 = tpu.memref_slice %arg7[%dma_wait3A_519, %dma_wait3A_520] : memref<10240x16xf32, #tpu.memory_space<vmem_shared>> -> memref<10240x16xf32, #tpu.memory_space<vmem_shared>>
      tpu.wait_indirect_dma semaphore(%arg13 : memref<!tpu.dma_semaphore, #tpu.memory_space<semaphore_mem>>) src(%dma_wait3A_515 : memref<128x16xf32, #tpu.memory_space<vmem>>) dst(%dma_wait3A_521 : memref<10240x16xf32, #tpu.memory_space<vmem_shared>>)
      %dma_wait3A_522 = arith.constant 6 : i32
      %dma_wait3A_523 = arith.constant 0 : i32
      %dma_wait3A_524 = arith.constant 0 : i32
      %dma_wait3A_525 = tpu.memref_slice %arg10[%dma_wait3A_522, %dma_wait3A_523, %dma_wait3A_524] : memref<16x128x16xf32, #tpu.memory_space<vmem>> -> memref<1x128x16xf32, #tpu.memory_space<vmem>>
      %dma_wait3A_526 = tpu.memref_squeeze %dma_wait3A_525 : memref<1x128x16xf32, #tpu.memory_space<vmem>> -> memref<128x16xf32, #tpu.memory_space<vmem>>
      %dma_wait3A_527 = arith.constant 0 : i32
      %dma_wait3A_528 = tpu.memref_slice %arg9[%add3A_429, %dma_wait3A_527] : memref<80x128xi32, #tpu.memory_space<vmem>> -> memref<1x128xi32, #tpu.memory_space<vmem>>
      %dma_wait3A_529 = tpu.memref_squeeze %dma_wait3A_528 : memref<1x128xi32, #tpu.memory_space<vmem>> -> memref<128xi32, #tpu.memory_space<vmem>>
      %dma_wait3A_530 = arith.constant 0 : i32
      %dma_wait3A_531 = arith.constant 0 : i32
      %dma_wait3A_532 = tpu.memref_slice %arg7[%dma_wait3A_530, %dma_wait3A_531] : memref<10240x16xf32, #tpu.memory_space<vmem_shared>> -> memref<10240x16xf32, #tpu.memory_space<vmem_shared>>
      tpu.wait_indirect_dma semaphore(%arg13 : memref<!tpu.dma_semaphore, #tpu.memory_space<semaphore_mem>>) src(%dma_wait3A_526 : memref<128x16xf32, #tpu.memory_space<vmem>>) dst(%dma_wait3A_532 : memref<10240x16xf32, #tpu.memory_space<vmem_shared>>)
      %dma_wait3A_533 = arith.constant 7 : i32
      %dma_wait3A_534 = arith.constant 0 : i32
      %dma_wait3A_535 = arith.constant 0 : i32
      %dma_wait3A_536 = tpu.memref_slice %arg10[%dma_wait3A_533, %dma_wait3A_534, %dma_wait3A_535] : memref<16x128x16xf32, #tpu.memory_space<vmem>> -> memref<1x128x16xf32, #tpu.memory_space<vmem>>
      %dma_wait3A_537 = tpu.memref_squeeze %dma_wait3A_536 : memref<1x128x16xf32, #tpu.memory_space<vmem>> -> memref<128x16xf32, #tpu.memory_space<vmem>>
      %dma_wait3A_538 = arith.constant 0 : i32
      %dma_wait3A_539 = tpu.memref_slice %arg9[%add3A_444, %dma_wait3A_538] : memref<80x128xi32, #tpu.memory_space<vmem>> -> memref<1x128xi32, #tpu.memory_space<vmem>>
      %dma_wait3A_540 = tpu.memref_squeeze %dma_wait3A_539 : memref<1x128xi32, #tpu.memory_space<vmem>> -> memref<128xi32, #tpu.memory_space<vmem>>
      %dma_wait3A_541 = arith.constant 0 : i32
      %dma_wait3A_542 = arith.constant 0 : i32
      %dma_wait3A_543 = tpu.memref_slice %arg7[%dma_wait3A_541, %dma_wait3A_542] : memref<10240x16xf32, #tpu.memory_space<vmem_shared>> -> memref<10240x16xf32, #tpu.memory_space<vmem_shared>>
      tpu.wait_indirect_dma semaphore(%arg13 : memref<!tpu.dma_semaphore, #tpu.memory_space<semaphore_mem>>) src(%dma_wait3A_537 : memref<128x16xf32, #tpu.memory_space<vmem>>) dst(%dma_wait3A_543 : memref<10240x16xf32, #tpu.memory_space<vmem_shared>>)
      %add3A_544 = arith.constant 2 : i32
      %add3A_545 = arith.addi %add3A_118, %add3A_544 : i32
      %lt3A = arith.constant 10 : i32
      %lt3A_546 = arith.cmpi slt, %add3A_545, %lt3A : i32
      %convert_element_type3A = arith.extui %lt3A_546 : i1 to i32
      %cond3A = arith.constant 0 : i32
      %cond3A_547 = arith.cmpi ne, %convert_element_type3A, %cond3A : i32
      scf.if %cond3A_547 {
        %add3A_846 = arith.constant 2 : i32
        %add3A_847 = arith.addi %add3A_118, %add3A_846 : i32
        %mul3A_848 = arith.constant 8 : i32
        %mul3A_849 = arith.muli %add3A_847, %mul3A_848 : i32
        %add3A_850 = arith.constant 0 : i32
        %add3A_851 = arith.addi %mul3A_849, %add3A_850 : i32
        %dma_start3A_852 = arith.constant 0 : i32
        %dma_start3A_853 = arith.constant 0 : i32
        %dma_start3A_854 = arith.constant 0 : i32
        %dma_start3A_855 = tpu.memref_slice %arg10[%dma_start3A_852, %dma_start3A_853, %dma_start3A_854] : memref<16x128x16xf32, #tpu.memory_space<vmem>> -> memref<1x128x16xf32, #tpu.memory_space<vmem>>
        %dma_start3A_856 = tpu.memref_squeeze %dma_start3A_855 : memref<1x128x16xf32, #tpu.memory_space<vmem>> -> memref<128x16xf32, #tpu.memory_space<vmem>>
        %dma_start3A_857 = arith.constant 0 : i32
        %dma_start3A_858 = tpu.memref_slice %arg8[%add3A_851, %dma_start3A_857] : memref<80x128xi32, #tpu.memory_space<vmem>> -> memref<1x128xi32, #tpu.memory_space<vmem>>
        %dma_start3A_859 = tpu.memref_squeeze %dma_start3A_858 : memref<1x128xi32, #tpu.memory_space<vmem>> -> memref<128xi32, #tpu.memory_space<vmem>>
        %dma_start3A_860 = arith.constant 0 : i32
        %dma_start3A_861 = arith.constant 0 : i32
        %dma_start3A_862 = tpu.memref_slice %arg6[%dma_start3A_860, %dma_start3A_861] : memref<10240x16xf32, #tpu.memory_space<vmem_shared>> -> memref<10240x16xf32, #tpu.memory_space<vmem_shared>>
        tpu.enqueue_indirect_dma source(%dma_start3A_862 : memref<10240x16xf32, #tpu.memory_space<vmem_shared>>) target(%dma_start3A_856 : memref<128x16xf32, #tpu.memory_space<vmem>>) offsets(%dma_start3A_859 : memref<128xi32, #tpu.memory_space<vmem>>) semaphore(%arg11 : memref<!tpu.dma_semaphore, #tpu.memory_space<semaphore_mem>>)
        %mul3A_863 = arith.constant 8 : i32
        %mul3A_864 = arith.muli %add3A_847, %mul3A_863 : i32
        %add3A_865 = arith.constant 1 : i32
        %add3A_866 = arith.addi %mul3A_864, %add3A_865 : i32
        %dma_start3A_867 = arith.constant 1 : i32
        %dma_start3A_868 = arith.constant 0 : i32
        %dma_start3A_869 = arith.constant 0 : i32
        %dma_start3A_870 = tpu.memref_slice %arg10[%dma_start3A_867, %dma_start3A_868, %dma_start3A_869] : memref<16x128x16xf32, #tpu.memory_space<vmem>> -> memref<1x128x16xf32, #tpu.memory_space<vmem>>
        %dma_start3A_871 = tpu.memref_squeeze %dma_start3A_870 : memref<1x128x16xf32, #tpu.memory_space<vmem>> -> memref<128x16xf32, #tpu.memory_space<vmem>>
        %dma_start3A_872 = arith.constant 0 : i32
        %dma_start3A_873 = tpu.memref_slice %arg8[%add3A_866, %dma_start3A_872] : memref<80x128xi32, #tpu.memory_space<vmem>> -> memref<1x128xi32, #tpu.memory_space<vmem>>
        %dma_start3A_874 = tpu.memref_squeeze %dma_start3A_873 : memref<1x128xi32, #tpu.memory_space<vmem>> -> memref<128xi32, #tpu.memory_space<vmem>>
        %dma_start3A_875 = arith.constant 0 : i32
        %dma_start3A_876 = arith.constant 0 : i32
        %dma_start3A_877 = tpu.memref_slice %arg6[%dma_start3A_875, %dma_start3A_876] : memref<10240x16xf32, #tpu.memory_space<vmem_shared>> -> memref<10240x16xf32, #tpu.memory_space<vmem_shared>>
        tpu.enqueue_indirect_dma source(%dma_start3A_877 : memref<10240x16xf32, #tpu.memory_space<vmem_shared>>) target(%dma_start3A_871 : memref<128x16xf32, #tpu.memory_space<vmem>>) offsets(%dma_start3A_874 : memref<128xi32, #tpu.memory_space<vmem>>) semaphore(%arg11 : memref<!tpu.dma_semaphore, #tpu.memory_space<semaphore_mem>>)
        %mul3A_878 = arith.constant 8 : i32
        %mul3A_879 = arith.muli %add3A_847, %mul3A_878 : i32
        %add3A_880 = arith.constant 2 : i32
        %add3A_881 = arith.addi %mul3A_879, %add3A_880 : i32
        %dma_start3A_882 = arith.constant 2 : i32
        %dma_start3A_883 = arith.constant 0 : i32
        %dma_start3A_884 = arith.constant 0 : i32
        %dma_start3A_885 = tpu.memref_slice %arg10[%dma_start3A_882, %dma_start3A_883, %dma_start3A_884] : memref<16x128x16xf32, #tpu.memory_space<vmem>> -> memref<1x128x16xf32, #tpu.memory_space<vmem>>
        %dma_start3A_886 = tpu.memref_squeeze %dma_start3A_885 : memref<1x128x16xf32, #tpu.memory_space<vmem>> -> memref<128x16xf32, #tpu.memory_space<vmem>>
        %dma_start3A_887 = arith.constant 0 : i32
        %dma_start3A_888 = tpu.memref_slice %arg8[%add3A_881, %dma_start3A_887] : memref<80x128xi32, #tpu.memory_space<vmem>> -> memref<1x128xi32, #tpu.memory_space<vmem>>
        %dma_start3A_889 = tpu.memref_squeeze %dma_start3A_888 : memref<1x128xi32, #tpu.memory_space<vmem>> -> memref<128xi32, #tpu.memory_space<vmem>>
        %dma_start3A_890 = arith.constant 0 : i32
        %dma_start3A_891 = arith.constant 0 : i32
        %dma_start3A_892 = tpu.memref_slice %arg6[%dma_start3A_890, %dma_start3A_891] : memref<10240x16xf32, #tpu.memory_space<vmem_shared>> -> memref<10240x16xf32, #tpu.memory_space<vmem_shared>>
        tpu.enqueue_indirect_dma source(%dma_start3A_892 : memref<10240x16xf32, #tpu.memory_space<vmem_shared>>) target(%dma_start3A_886 : memref<128x16xf32, #tpu.memory_space<vmem>>) offsets(%dma_start3A_889 : memref<128xi32, #tpu.memory_space<vmem>>) semaphore(%arg11 : memref<!tpu.dma_semaphore, #tpu.memory_space<semaphore_mem>>)
        %mul3A_893 = arith.constant 8 : i32
        %mul3A_894 = arith.muli %add3A_847, %mul3A_893 : i32
        %add3A_895 = arith.constant 3 : i32
        %add3A_896 = arith.addi %mul3A_894, %add3A_895 : i32
        %dma_start3A_897 = arith.constant 3 : i32
        %dma_start3A_898 = arith.constant 0 : i32
        %dma_start3A_899 = arith.constant 0 : i32
        %dma_start3A_900 = tpu.memref_slice %arg10[%dma_start3A_897, %dma_start3A_898, %dma_start3A_899] : memref<16x128x16xf32, #tpu.memory_space<vmem>> -> memref<1x128x16xf32, #tpu.memory_space<vmem>>
        %dma_start3A_901 = tpu.memref_squeeze %dma_start3A_900 : memref<1x128x16xf32, #tpu.memory_space<vmem>> -> memref<128x16xf32, #tpu.memory_space<vmem>>
        %dma_start3A_902 = arith.constant 0 : i32
        %dma_start3A_903 = tpu.memref_slice %arg8[%add3A_896, %dma_start3A_902] : memref<80x128xi32, #tpu.memory_space<vmem>> -> memref<1x128xi32, #tpu.memory_space<vmem>>
        %dma_start3A_904 = tpu.memref_squeeze %dma_start3A_903 : memref<1x128xi32, #tpu.memory_space<vmem>> -> memref<128xi32, #tpu.memory_space<vmem>>
        %dma_start3A_905 = arith.constant 0 : i32
        %dma_start3A_906 = arith.constant 0 : i32
        %dma_start3A_907 = tpu.memref_slice %arg6[%dma_start3A_905, %dma_start3A_906] : memref<10240x16xf32, #tpu.memory_space<vmem_shared>> -> memref<10240x16xf32, #tpu.memory_space<vmem_shared>>
        tpu.enqueue_indirect_dma source(%dma_start3A_907 : memref<10240x16xf32, #tpu.memory_space<vmem_shared>>) target(%dma_start3A_901 : memref<128x16xf32, #tpu.memory_space<vmem>>) offsets(%dma_start3A_904 : memref<128xi32, #tpu.memory_space<vmem>>) semaphore(%arg11 : memref<!tpu.dma_semaphore, #tpu.memory_space<semaphore_mem>>)
        %mul3A_908 = arith.constant 8 : i32
        %mul3A_909 = arith.muli %add3A_847, %mul3A_908 : i32
        %add3A_910 = arith.constant 4 : i32
        %add3A_911 = arith.addi %mul3A_909, %add3A_910 : i32
        %dma_start3A_912 = arith.constant 4 : i32
        %dma_start3A_913 = arith.constant 0 : i32
        %dma_start3A_914 = arith.constant 0 : i32
        %dma_start3A_915 = tpu.memref_slice %arg10[%dma_start3A_912, %dma_start3A_913, %dma_start3A_914] : memref<16x128x16xf32, #tpu.memory_space<vmem>> -> memref<1x128x16xf32, #tpu.memory_space<vmem>>
        %dma_start3A_916 = tpu.memref_squeeze %dma_start3A_915 : memref<1x128x16xf32, #tpu.memory_space<vmem>> -> memref<128x16xf32, #tpu.memory_space<vmem>>
        %dma_start3A_917 = arith.constant 0 : i32
        %dma_start3A_918 = tpu.memref_slice %arg8[%add3A_911, %dma_start3A_917] : memref<80x128xi32, #tpu.memory_space<vmem>> -> memref<1x128xi32, #tpu.memory_space<vmem>>
        %dma_start3A_919 = tpu.memref_squeeze %dma_start3A_918 : memref<1x128xi32, #tpu.memory_space<vmem>> -> memref<128xi32, #tpu.memory_space<vmem>>
        %dma_start3A_920 = arith.constant 0 : i32
        %dma_start3A_921 = arith.constant 0 : i32
        %dma_start3A_922 = tpu.memref_slice %arg6[%dma_start3A_920, %dma_start3A_921] : memref<10240x16xf32, #tpu.memory_space<vmem_shared>> -> memref<10240x16xf32, #tpu.memory_space<vmem_shared>>
        tpu.enqueue_indirect_dma source(%dma_start3A_922 : memref<10240x16xf32, #tpu.memory_space<vmem_shared>>) target(%dma_start3A_916 : memref<128x16xf32, #tpu.memory_space<vmem>>) offsets(%dma_start3A_919 : memref<128xi32, #tpu.memory_space<vmem>>) semaphore(%arg11 : memref<!tpu.dma_semaphore, #tpu.memory_space<semaphore_mem>>)
        %mul3A_923 = arith.constant 8 : i32
        %mul3A_924 = arith.muli %add3A_847, %mul3A_923 : i32
        %add3A_925 = arith.constant 5 : i32
        %add3A_926 = arith.addi %mul3A_924, %add3A_925 : i32
        %dma_start3A_927 = arith.constant 5 : i32
        %dma_start3A_928 = arith.constant 0 : i32
        %dma_start3A_929 = arith.constant 0 : i32
        %dma_start3A_930 = tpu.memref_slice %arg10[%dma_start3A_927, %dma_start3A_928, %dma_start3A_929] : memref<16x128x16xf32, #tpu.memory_space<vmem>> -> memref<1x128x16xf32, #tpu.memory_space<vmem>>
        %dma_start3A_931 = tpu.memref_squeeze %dma_start3A_930 : memref<1x128x16xf32, #tpu.memory_space<vmem>> -> memref<128x16xf32, #tpu.memory_space<vmem>>
        %dma_start3A_932 = arith.constant 0 : i32
        %dma_start3A_933 = tpu.memref_slice %arg8[%add3A_926, %dma_start3A_932] : memref<80x128xi32, #tpu.memory_space<vmem>> -> memref<1x128xi32, #tpu.memory_space<vmem>>
        %dma_start3A_934 = tpu.memref_squeeze %dma_start3A_933 : memref<1x128xi32, #tpu.memory_space<vmem>> -> memref<128xi32, #tpu.memory_space<vmem>>
        %dma_start3A_935 = arith.constant 0 : i32
        %dma_start3A_936 = arith.constant 0 : i32
        %dma_start3A_937 = tpu.memref_slice %arg6[%dma_start3A_935, %dma_start3A_936] : memref<10240x16xf32, #tpu.memory_space<vmem_shared>> -> memref<10240x16xf32, #tpu.memory_space<vmem_shared>>
        tpu.enqueue_indirect_dma source(%dma_start3A_937 : memref<10240x16xf32, #tpu.memory_space<vmem_shared>>) target(%dma_start3A_931 : memref<128x16xf32, #tpu.memory_space<vmem>>) offsets(%dma_start3A_934 : memref<128xi32, #tpu.memory_space<vmem>>) semaphore(%arg11 : memref<!tpu.dma_semaphore, #tpu.memory_space<semaphore_mem>>)
        %mul3A_938 = arith.constant 8 : i32
        %mul3A_939 = arith.muli %add3A_847, %mul3A_938 : i32
        %add3A_940 = arith.constant 6 : i32
        %add3A_941 = arith.addi %mul3A_939, %add3A_940 : i32
        %dma_start3A_942 = arith.constant 6 : i32
        %dma_start3A_943 = arith.constant 0 : i32
        %dma_start3A_944 = arith.constant 0 : i32
        %dma_start3A_945 = tpu.memref_slice %arg10[%dma_start3A_942, %dma_start3A_943, %dma_start3A_944] : memref<16x128x16xf32, #tpu.memory_space<vmem>> -> memref<1x128x16xf32, #tpu.memory_space<vmem>>
        %dma_start3A_946 = tpu.memref_squeeze %dma_start3A_945 : memref<1x128x16xf32, #tpu.memory_space<vmem>> -> memref<128x16xf32, #tpu.memory_space<vmem>>
        %dma_start3A_947 = arith.constant 0 : i32
        %dma_start3A_948 = tpu.memref_slice %arg8[%add3A_941, %dma_start3A_947] : memref<80x128xi32, #tpu.memory_space<vmem>> -> memref<1x128xi32, #tpu.memory_space<vmem>>
        %dma_start3A_949 = tpu.memref_squeeze %dma_start3A_948 : memref<1x128xi32, #tpu.memory_space<vmem>> -> memref<128xi32, #tpu.memory_space<vmem>>
        %dma_start3A_950 = arith.constant 0 : i32
        %dma_start3A_951 = arith.constant 0 : i32
        %dma_start3A_952 = tpu.memref_slice %arg6[%dma_start3A_950, %dma_start3A_951] : memref<10240x16xf32, #tpu.memory_space<vmem_shared>> -> memref<10240x16xf32, #tpu.memory_space<vmem_shared>>
        tpu.enqueue_indirect_dma source(%dma_start3A_952 : memref<10240x16xf32, #tpu.memory_space<vmem_shared>>) target(%dma_start3A_946 : memref<128x16xf32, #tpu.memory_space<vmem>>) offsets(%dma_start3A_949 : memref<128xi32, #tpu.memory_space<vmem>>) semaphore(%arg11 : memref<!tpu.dma_semaphore, #tpu.memory_space<semaphore_mem>>)
        %mul3A_953 = arith.constant 8 : i32
        %mul3A_954 = arith.muli %add3A_847, %mul3A_953 : i32
        %add3A_955 = arith.constant 7 : i32
        %add3A_956 = arith.addi %mul3A_954, %add3A_955 : i32
        %dma_start3A_957 = arith.constant 7 : i32
        %dma_start3A_958 = arith.constant 0 : i32
        %dma_start3A_959 = arith.constant 0 : i32
        %dma_start3A_960 = tpu.memref_slice %arg10[%dma_start3A_957, %dma_start3A_958, %dma_start3A_959] : memref<16x128x16xf32, #tpu.memory_space<vmem>> -> memref<1x128x16xf32, #tpu.memory_space<vmem>>
        %dma_start3A_961 = tpu.memref_squeeze %dma_start3A_960 : memref<1x128x16xf32, #tpu.memory_space<vmem>> -> memref<128x16xf32, #tpu.memory_space<vmem>>
        %dma_start3A_962 = arith.constant 0 : i32
        %dma_start3A_963 = tpu.memref_slice %arg8[%add3A_956, %dma_start3A_962] : memref<80x128xi32, #tpu.memory_space<vmem>> -> memref<1x128xi32, #tpu.memory_space<vmem>>
        %dma_start3A_964 = tpu.memref_squeeze %dma_start3A_963 : memref<1x128xi32, #tpu.memory_space<vmem>> -> memref<128xi32, #tpu.memory_space<vmem>>
        %dma_start3A_965 = arith.constant 0 : i32
        %dma_start3A_966 = arith.constant 0 : i32
        %dma_start3A_967 = tpu.memref_slice %arg6[%dma_start3A_965, %dma_start3A_966] : memref<10240x16xf32, #tpu.memory_space<vmem_shared>> -> memref<10240x16xf32, #tpu.memory_space<vmem_shared>>
        tpu.enqueue_indirect_dma source(%dma_start3A_967 : memref<10240x16xf32, #tpu.memory_space<vmem_shared>>) target(%dma_start3A_961 : memref<128x16xf32, #tpu.memory_space<vmem>>) offsets(%dma_start3A_964 : memref<128xi32, #tpu.memory_space<vmem>>) semaphore(%arg11 : memref<!tpu.dma_semaphore, #tpu.memory_space<semaphore_mem>>)
      } else {
      }
      %dma_wait3A_548 = arith.constant 8 : i32
      %dma_wait3A_549 = arith.constant 0 : i32
      %dma_wait3A_550 = arith.constant 0 : i32
      %dma_wait3A_551 = tpu.memref_slice %arg10[%dma_wait3A_548, %dma_wait3A_549, %dma_wait3A_550] : memref<16x128x16xf32, #tpu.memory_space<vmem>> -> memref<1x128x16xf32, #tpu.memory_space<vmem>>
      %dma_wait3A_552 = tpu.memref_squeeze %dma_wait3A_551 : memref<1x128x16xf32, #tpu.memory_space<vmem>> -> memref<128x16xf32, #tpu.memory_space<vmem>>
      %dma_wait3A_553 = arith.constant 0 : i32
      %dma_wait3A_554 = tpu.memref_slice %arg8[%add3A_124, %dma_wait3A_553] : memref<80x128xi32, #tpu.memory_space<vmem>> -> memref<1x128xi32, #tpu.memory_space<vmem>>
      %dma_wait3A_555 = tpu.memref_squeeze %dma_wait3A_554 : memref<1x128xi32, #tpu.memory_space<vmem>> -> memref<128xi32, #tpu.memory_space<vmem>>
      %dma_wait3A_556 = arith.constant 0 : i32
      %dma_wait3A_557 = arith.constant 0 : i32
      %dma_wait3A_558 = tpu.memref_slice %arg6[%dma_wait3A_556, %dma_wait3A_557] : memref<10240x16xf32, #tpu.memory_space<vmem_shared>> -> memref<10240x16xf32, #tpu.memory_space<vmem_shared>>
      tpu.wait_indirect_dma semaphore(%arg12 : memref<!tpu.dma_semaphore, #tpu.memory_space<semaphore_mem>>) src(%dma_wait3A_558 : memref<10240x16xf32, #tpu.memory_space<vmem_shared>>) dst(%dma_wait3A_552 : memref<128x16xf32, #tpu.memory_space<vmem>>)
      %dma_wait3A_559 = arith.constant 9 : i32
      %dma_wait3A_560 = arith.constant 0 : i32
      %dma_wait3A_561 = arith.constant 0 : i32
      %dma_wait3A_562 = tpu.memref_slice %arg10[%dma_wait3A_559, %dma_wait3A_560, %dma_wait3A_561] : memref<16x128x16xf32, #tpu.memory_space<vmem>> -> memref<1x128x16xf32, #tpu.memory_space<vmem>>
      %dma_wait3A_563 = tpu.memref_squeeze %dma_wait3A_562 : memref<1x128x16xf32, #tpu.memory_space<vmem>> -> memref<128x16xf32, #tpu.memory_space<vmem>>
      %dma_wait3A_564 = arith.constant 0 : i32
      %dma_wait3A_565 = tpu.memref_slice %arg8[%add3A_139, %dma_wait3A_564] : memref<80x128xi32, #tpu.memory_space<vmem>> -> memref<1x128xi32, #tpu.memory_space<vmem>>
      %dma_wait3A_566 = tpu.memref_squeeze %dma_wait3A_565 : memref<1x128xi32, #tpu.memory_space<vmem>> -> memref<128xi32, #tpu.memory_space<vmem>>
      %dma_wait3A_567 = arith.constant 0 : i32
      %dma_wait3A_568 = arith.constant 0 : i32
      %dma_wait3A_569 = tpu.memref_slice %arg6[%dma_wait3A_567, %dma_wait3A_568] : memref<10240x16xf32, #tpu.memory_space<vmem_shared>> -> memref<10240x16xf32, #tpu.memory_space<vmem_shared>>
      tpu.wait_indirect_dma semaphore(%arg12 : memref<!tpu.dma_semaphore, #tpu.memory_space<semaphore_mem>>) src(%dma_wait3A_569 : memref<10240x16xf32, #tpu.memory_space<vmem_shared>>) dst(%dma_wait3A_563 : memref<128x16xf32, #tpu.memory_space<vmem>>)
      %dma_wait3A_570 = arith.constant 10 : i32
      %dma_wait3A_571 = arith.constant 0 : i32
      %dma_wait3A_572 = arith.constant 0 : i32
      %dma_wait3A_573 = tpu.memref_slice %arg10[%dma_wait3A_570, %dma_wait3A_571, %dma_wait3A_572] : memref<16x128x16xf32, #tpu.memory_space<vmem>> -> memref<1x128x16xf32, #tpu.memory_space<vmem>>
      %dma_wait3A_574 = tpu.memref_squeeze %dma_wait3A_573 : memref<1x128x16xf32, #tpu.memory_space<vmem>> -> memref<128x16xf32, #tpu.memory_space<vmem>>
      %dma_wait3A_575 = arith.constant 0 : i32
      %dma_wait3A_576 = tpu.memref_slice %arg8[%add3A_154, %dma_wait3A_575] : memref<80x128xi32, #tpu.memory_space<vmem>> -> memref<1x128xi32, #tpu.memory_space<vmem>>
      %dma_wait3A_577 = tpu.memref_squeeze %dma_wait3A_576 : memref<1x128xi32, #tpu.memory_space<vmem>> -> memref<128xi32, #tpu.memory_space<vmem>>
      %dma_wait3A_578 = arith.constant 0 : i32
      %dma_wait3A_579 = arith.constant 0 : i32
      %dma_wait3A_580 = tpu.memref_slice %arg6[%dma_wait3A_578, %dma_wait3A_579] : memref<10240x16xf32, #tpu.memory_space<vmem_shared>> -> memref<10240x16xf32, #tpu.memory_space<vmem_shared>>
      tpu.wait_indirect_dma semaphore(%arg12 : memref<!tpu.dma_semaphore, #tpu.memory_space<semaphore_mem>>) src(%dma_wait3A_580 : memref<10240x16xf32, #tpu.memory_space<vmem_shared>>) dst(%dma_wait3A_574 : memref<128x16xf32, #tpu.memory_space<vmem>>)
      %dma_wait3A_581 = arith.constant 11 : i32
      %dma_wait3A_582 = arith.constant 0 : i32
      %dma_wait3A_583 = arith.constant 0 : i32
      %dma_wait3A_584 = tpu.memref_slice %arg10[%dma_wait3A_581, %dma_wait3A_582, %dma_wait3A_583] : memref<16x128x16xf32, #tpu.memory_space<vmem>> -> memref<1x128x16xf32, #tpu.memory_space<vmem>>
      %dma_wait3A_585 = tpu.memref_squeeze %dma_wait3A_584 : memref<1x128x16xf32, #tpu.memory_space<vmem>> -> memref<128x16xf32, #tpu.memory_space<vmem>>
      %dma_wait3A_586 = arith.constant 0 : i32
      %dma_wait3A_587 = tpu.memref_slice %arg8[%add3A_169, %dma_wait3A_586] : memref<80x128xi32, #tpu.memory_space<vmem>> -> memref<1x128xi32, #tpu.memory_space<vmem>>
      %dma_wait3A_588 = tpu.memref_squeeze %dma_wait3A_587 : memref<1x128xi32, #tpu.memory_space<vmem>> -> memref<128xi32, #tpu.memory_space<vmem>>
      %dma_wait3A_589 = arith.constant 0 : i32
      %dma_wait3A_590 = arith.constant 0 : i32
      %dma_wait3A_591 = tpu.memref_slice %arg6[%dma_wait3A_589, %dma_wait3A_590] : memref<10240x16xf32, #tpu.memory_space<vmem_shared>> -> memref<10240x16xf32, #tpu.memory_space<vmem_shared>>
      tpu.wait_indirect_dma semaphore(%arg12 : memref<!tpu.dma_semaphore, #tpu.memory_space<semaphore_mem>>) src(%dma_wait3A_591 : memref<10240x16xf32, #tpu.memory_space<vmem_shared>>) dst(%dma_wait3A_585 : memref<128x16xf32, #tpu.memory_space<vmem>>)
      %dma_wait3A_592 = arith.constant 12 : i32
      %dma_wait3A_593 = arith.constant 0 : i32
      %dma_wait3A_594 = arith.constant 0 : i32
      %dma_wait3A_595 = tpu.memref_slice %arg10[%dma_wait3A_592, %dma_wait3A_593, %dma_wait3A_594] : memref<16x128x16xf32, #tpu.memory_space<vmem>> -> memref<1x128x16xf32, #tpu.memory_space<vmem>>
      %dma_wait3A_596 = tpu.memref_squeeze %dma_wait3A_595 : memref<1x128x16xf32, #tpu.memory_space<vmem>> -> memref<128x16xf32, #tpu.memory_space<vmem>>
      %dma_wait3A_597 = arith.constant 0 : i32
      %dma_wait3A_598 = tpu.memref_slice %arg8[%add3A_184, %dma_wait3A_597] : memref<80x128xi32, #tpu.memory_space<vmem>> -> memref<1x128xi32, #tpu.memory_space<vmem>>
      %dma_wait3A_599 = tpu.memref_squeeze %dma_wait3A_598 : memref<1x128xi32, #tpu.memory_space<vmem>> -> memref<128xi32, #tpu.memory_space<vmem>>
      %dma_wait3A_600 = arith.constant 0 : i32
      %dma_wait3A_601 = arith.constant 0 : i32
      %dma_wait3A_602 = tpu.memref_slice %arg6[%dma_wait3A_600, %dma_wait3A_601] : memref<10240x16xf32, #tpu.memory_space<vmem_shared>> -> memref<10240x16xf32, #tpu.memory_space<vmem_shared>>
      tpu.wait_indirect_dma semaphore(%arg12 : memref<!tpu.dma_semaphore, #tpu.memory_space<semaphore_mem>>) src(%dma_wait3A_602 : memref<10240x16xf32, #tpu.memory_space<vmem_shared>>) dst(%dma_wait3A_596 : memref<128x16xf32, #tpu.memory_space<vmem>>)
      %dma_wait3A_603 = arith.constant 13 : i32
      %dma_wait3A_604 = arith.constant 0 : i32
      %dma_wait3A_605 = arith.constant 0 : i32
      %dma_wait3A_606 = tpu.memref_slice %arg10[%dma_wait3A_603, %dma_wait3A_604, %dma_wait3A_605] : memref<16x128x16xf32, #tpu.memory_space<vmem>> -> memref<1x128x16xf32, #tpu.memory_space<vmem>>
      %dma_wait3A_607 = tpu.memref_squeeze %dma_wait3A_606 : memref<1x128x16xf32, #tpu.memory_space<vmem>> -> memref<128x16xf32, #tpu.memory_space<vmem>>
      %dma_wait3A_608 = arith.constant 0 : i32
      %dma_wait3A_609 = tpu.memref_slice %arg8[%add3A_199, %dma_wait3A_608] : memref<80x128xi32, #tpu.memory_space<vmem>> -> memref<1x128xi32, #tpu.memory_space<vmem>>
      %dma_wait3A_610 = tpu.memref_squeeze %dma_wait3A_609 : memref<1x128xi32, #tpu.memory_space<vmem>> -> memref<128xi32, #tpu.memory_space<vmem>>
      %dma_wait3A_611 = arith.constant 0 : i32
      %dma_wait3A_612 = arith.constant 0 : i32
      %dma_wait3A_613 = tpu.memref_slice %arg6[%dma_wait3A_611, %dma_wait3A_612] : memref<10240x16xf32, #tpu.memory_space<vmem_shared>> -> memref<10240x16xf32, #tpu.memory_space<vmem_shared>>
      tpu.wait_indirect_dma semaphore(%arg12 : memref<!tpu.dma_semaphore, #tpu.memory_space<semaphore_mem>>) src(%dma_wait3A_613 : memref<10240x16xf32, #tpu.memory_space<vmem_shared>>) dst(%dma_wait3A_607 : memref<128x16xf32, #tpu.memory_space<vmem>>)
      %dma_wait3A_614 = arith.constant 14 : i32
      %dma_wait3A_615 = arith.constant 0 : i32
      %dma_wait3A_616 = arith.constant 0 : i32
      %dma_wait3A_617 = tpu.memref_slice %arg10[%dma_wait3A_614, %dma_wait3A_615, %dma_wait3A_616] : memref<16x128x16xf32, #tpu.memory_space<vmem>> -> memref<1x128x16xf32, #tpu.memory_space<vmem>>
      %dma_wait3A_618 = tpu.memref_squeeze %dma_wait3A_617 : memref<1x128x16xf32, #tpu.memory_space<vmem>> -> memref<128x16xf32, #tpu.memory_space<vmem>>
      %dma_wait3A_619 = arith.constant 0 : i32
      %dma_wait3A_620 = tpu.memref_slice %arg8[%add3A_214, %dma_wait3A_619] : memref<80x128xi32, #tpu.memory_space<vmem>> -> memref<1x128xi32, #tpu.memory_space<vmem>>
      %dma_wait3A_621 = tpu.memref_squeeze %dma_wait3A_620 : memref<1x128xi32, #tpu.memory_space<vmem>> -> memref<128xi32, #tpu.memory_space<vmem>>
      %dma_wait3A_622 = arith.constant 0 : i32
      %dma_wait3A_623 = arith.constant 0 : i32
      %dma_wait3A_624 = tpu.memref_slice %arg6[%dma_wait3A_622, %dma_wait3A_623] : memref<10240x16xf32, #tpu.memory_space<vmem_shared>> -> memref<10240x16xf32, #tpu.memory_space<vmem_shared>>
      tpu.wait_indirect_dma semaphore(%arg12 : memref<!tpu.dma_semaphore, #tpu.memory_space<semaphore_mem>>) src(%dma_wait3A_624 : memref<10240x16xf32, #tpu.memory_space<vmem_shared>>) dst(%dma_wait3A_618 : memref<128x16xf32, #tpu.memory_space<vmem>>)
      %dma_wait3A_625 = arith.constant 15 : i32
      %dma_wait3A_626 = arith.constant 0 : i32
      %dma_wait3A_627 = arith.constant 0 : i32
      %dma_wait3A_628 = tpu.memref_slice %arg10[%dma_wait3A_625, %dma_wait3A_626, %dma_wait3A_627] : memref<16x128x16xf32, #tpu.memory_space<vmem>> -> memref<1x128x16xf32, #tpu.memory_space<vmem>>
      %dma_wait3A_629 = tpu.memref_squeeze %dma_wait3A_628 : memref<1x128x16xf32, #tpu.memory_space<vmem>> -> memref<128x16xf32, #tpu.memory_space<vmem>>
      %dma_wait3A_630 = arith.constant 0 : i32
      %dma_wait3A_631 = tpu.memref_slice %arg8[%add3A_229, %dma_wait3A_630] : memref<80x128xi32, #tpu.memory_space<vmem>> -> memref<1x128xi32, #tpu.memory_space<vmem>>
      %dma_wait3A_632 = tpu.memref_squeeze %dma_wait3A_631 : memref<1x128xi32, #tpu.memory_space<vmem>> -> memref<128xi32, #tpu.memory_space<vmem>>
      %dma_wait3A_633 = arith.constant 0 : i32
      %dma_wait3A_634 = arith.constant 0 : i32
      %dma_wait3A_635 = tpu.memref_slice %arg6[%dma_wait3A_633, %dma_wait3A_634] : memref<10240x16xf32, #tpu.memory_space<vmem_shared>> -> memref<10240x16xf32, #tpu.memory_space<vmem_shared>>
      tpu.wait_indirect_dma semaphore(%arg12 : memref<!tpu.dma_semaphore, #tpu.memory_space<semaphore_mem>>) src(%dma_wait3A_635 : memref<10240x16xf32, #tpu.memory_space<vmem_shared>>) dst(%dma_wait3A_629 : memref<128x16xf32, #tpu.memory_space<vmem>>)
      %add3A_636 = arith.constant 1 : i32
      %add3A_637 = arith.addi %add3A_118, %add3A_636 : i32
      %mul3A_638 = arith.constant 8 : i32
      %mul3A_639 = arith.muli %add3A_637, %mul3A_638 : i32
      %add3A_640 = arith.constant 0 : i32
      %add3A_641 = arith.addi %mul3A_639, %add3A_640 : i32
      %dma_start3A_642 = arith.constant 8 : i32
      %dma_start3A_643 = arith.constant 0 : i32
      %dma_start3A_644 = arith.constant 0 : i32
      %dma_start3A_645 = tpu.memref_slice %arg10[%dma_start3A_642, %dma_start3A_643, %dma_start3A_644] : memref<16x128x16xf32, #tpu.memory_space<vmem>> -> memref<1x128x16xf32, #tpu.memory_space<vmem>>
      %dma_start3A_646 = tpu.memref_squeeze %dma_start3A_645 : memref<1x128x16xf32, #tpu.memory_space<vmem>> -> memref<128x16xf32, #tpu.memory_space<vmem>>
      %dma_start3A_647 = arith.constant 0 : i32
      %dma_start3A_648 = tpu.memref_slice %arg9[%add3A_641, %dma_start3A_647] : memref<80x128xi32, #tpu.memory_space<vmem>> -> memref<1x128xi32, #tpu.memory_space<vmem>>
      %dma_start3A_649 = tpu.memref_squeeze %dma_start3A_648 : memref<1x128xi32, #tpu.memory_space<vmem>> -> memref<128xi32, #tpu.memory_space<vmem>>
      %dma_start3A_650 = arith.constant 0 : i32
      %dma_start3A_651 = arith.constant 0 : i32
      %dma_start3A_652 = tpu.memref_slice %arg7[%dma_start3A_650, %dma_start3A_651] : memref<10240x16xf32, #tpu.memory_space<vmem_shared>> -> memref<10240x16xf32, #tpu.memory_space<vmem_shared>>
      tpu.enqueue_indirect_dma source(%dma_start3A_646 : memref<128x16xf32, #tpu.memory_space<vmem>>) target(%dma_start3A_652 : memref<10240x16xf32, #tpu.memory_space<vmem_shared>>) offsets(%dma_start3A_649 : memref<128xi32, #tpu.memory_space<vmem>>) semaphore(%arg13 : memref<!tpu.dma_semaphore, #tpu.memory_space<semaphore_mem>>) {add = true}
      %mul3A_653 = arith.constant 8 : i32
      %mul3A_654 = arith.muli %add3A_637, %mul3A_653 : i32
      %add3A_655 = arith.constant 1 : i32
      %add3A_656 = arith.addi %mul3A_654, %add3A_655 : i32
      %dma_start3A_657 = arith.constant 9 : i32
      %dma_start3A_658 = arith.constant 0 : i32
      %dma_start3A_659 = arith.constant 0 : i32
      %dma_start3A_660 = tpu.memref_slice %arg10[%dma_start3A_657, %dma_start3A_658, %dma_start3A_659] : memref<16x128x16xf32, #tpu.memory_space<vmem>> -> memref<1x128x16xf32, #tpu.memory_space<vmem>>
      %dma_start3A_661 = tpu.memref_squeeze %dma_start3A_660 : memref<1x128x16xf32, #tpu.memory_space<vmem>> -> memref<128x16xf32, #tpu.memory_space<vmem>>
      %dma_start3A_662 = arith.constant 0 : i32
      %dma_start3A_663 = tpu.memref_slice %arg9[%add3A_656, %dma_start3A_662] : memref<80x128xi32, #tpu.memory_space<vmem>> -> memref<1x128xi32, #tpu.memory_space<vmem>>
      %dma_start3A_664 = tpu.memref_squeeze %dma_start3A_663 : memref<1x128xi32, #tpu.memory_space<vmem>> -> memref<128xi32, #tpu.memory_space<vmem>>
      %dma_start3A_665 = arith.constant 0 : i32
      %dma_start3A_666 = arith.constant 0 : i32
      %dma_start3A_667 = tpu.memref_slice %arg7[%dma_start3A_665, %dma_start3A_666] : memref<10240x16xf32, #tpu.memory_space<vmem_shared>> -> memref<10240x16xf32, #tpu.memory_space<vmem_shared>>
      tpu.enqueue_indirect_dma source(%dma_start3A_661 : memref<128x16xf32, #tpu.memory_space<vmem>>) target(%dma_start3A_667 : memref<10240x16xf32, #tpu.memory_space<vmem_shared>>) offsets(%dma_start3A_664 : memref<128xi32, #tpu.memory_space<vmem>>) semaphore(%arg13 : memref<!tpu.dma_semaphore, #tpu.memory_space<semaphore_mem>>) {add = true}
      %mul3A_668 = arith.constant 8 : i32
      %mul3A_669 = arith.muli %add3A_637, %mul3A_668 : i32
      %add3A_670 = arith.constant 2 : i32
      %add3A_671 = arith.addi %mul3A_669, %add3A_670 : i32
      %dma_start3A_672 = arith.constant 10 : i32
      %dma_start3A_673 = arith.constant 0 : i32
      %dma_start3A_674 = arith.constant 0 : i32
      %dma_start3A_675 = tpu.memref_slice %arg10[%dma_start3A_672, %dma_start3A_673, %dma_start3A_674] : memref<16x128x16xf32, #tpu.memory_space<vmem>> -> memref<1x128x16xf32, #tpu.memory_space<vmem>>
      %dma_start3A_676 = tpu.memref_squeeze %dma_start3A_675 : memref<1x128x16xf32, #tpu.memory_space<vmem>> -> memref<128x16xf32, #tpu.memory_space<vmem>>
      %dma_start3A_677 = arith.constant 0 : i32
      %dma_start3A_678 = tpu.memref_slice %arg9[%add3A_671, %dma_start3A_677] : memref<80x128xi32, #tpu.memory_space<vmem>> -> memref<1x128xi32, #tpu.memory_space<vmem>>
      %dma_start3A_679 = tpu.memref_squeeze %dma_start3A_678 : memref<1x128xi32, #tpu.memory_space<vmem>> -> memref<128xi32, #tpu.memory_space<vmem>>
      %dma_start3A_680 = arith.constant 0 : i32
      %dma_start3A_681 = arith.constant 0 : i32
      %dma_start3A_682 = tpu.memref_slice %arg7[%dma_start3A_680, %dma_start3A_681] : memref<10240x16xf32, #tpu.memory_space<vmem_shared>> -> memref<10240x16xf32, #tpu.memory_space<vmem_shared>>
      tpu.enqueue_indirect_dma source(%dma_start3A_676 : memref<128x16xf32, #tpu.memory_space<vmem>>) target(%dma_start3A_682 : memref<10240x16xf32, #tpu.memory_space<vmem_shared>>) offsets(%dma_start3A_679 : memref<128xi32, #tpu.memory_space<vmem>>) semaphore(%arg13 : memref<!tpu.dma_semaphore, #tpu.memory_space<semaphore_mem>>) {add = true}
      %mul3A_683 = arith.constant 8 : i32
      %mul3A_684 = arith.muli %add3A_637, %mul3A_683 : i32
      %add3A_685 = arith.constant 3 : i32
      %add3A_686 = arith.addi %mul3A_684, %add3A_685 : i32
      %dma_start3A_687 = arith.constant 11 : i32
      %dma_start3A_688 = arith.constant 0 : i32
      %dma_start3A_689 = arith.constant 0 : i32
      %dma_start3A_690 = tpu.memref_slice %arg10[%dma_start3A_687, %dma_start3A_688, %dma_start3A_689] : memref<16x128x16xf32, #tpu.memory_space<vmem>> -> memref<1x128x16xf32, #tpu.memory_space<vmem>>
      %dma_start3A_691 = tpu.memref_squeeze %dma_start3A_690 : memref<1x128x16xf32, #tpu.memory_space<vmem>> -> memref<128x16xf32, #tpu.memory_space<vmem>>
      %dma_start3A_692 = arith.constant 0 : i32
      %dma_start3A_693 = tpu.memref_slice %arg9[%add3A_686, %dma_start3A_692] : memref<80x128xi32, #tpu.memory_space<vmem>> -> memref<1x128xi32, #tpu.memory_space<vmem>>
      %dma_start3A_694 = tpu.memref_squeeze %dma_start3A_693 : memref<1x128xi32, #tpu.memory_space<vmem>> -> memref<128xi32, #tpu.memory_space<vmem>>
      %dma_start3A_695 = arith.constant 0 : i32
      %dma_start3A_696 = arith.constant 0 : i32
      %dma_start3A_697 = tpu.memref_slice %arg7[%dma_start3A_695, %dma_start3A_696] : memref<10240x16xf32, #tpu.memory_space<vmem_shared>> -> memref<10240x16xf32, #tpu.memory_space<vmem_shared>>
      tpu.enqueue_indirect_dma source(%dma_start3A_691 : memref<128x16xf32, #tpu.memory_space<vmem>>) target(%dma_start3A_697 : memref<10240x16xf32, #tpu.memory_space<vmem_shared>>) offsets(%dma_start3A_694 : memref<128xi32, #tpu.memory_space<vmem>>) semaphore(%arg13 : memref<!tpu.dma_semaphore, #tpu.memory_space<semaphore_mem>>) {add = true}
      %mul3A_698 = arith.constant 8 : i32
      %mul3A_699 = arith.muli %add3A_637, %mul3A_698 : i32
      %add3A_700 = arith.constant 4 : i32
      %add3A_701 = arith.addi %mul3A_699, %add3A_700 : i32
      %dma_start3A_702 = arith.constant 12 : i32
      %dma_start3A_703 = arith.constant 0 : i32
      %dma_start3A_704 = arith.constant 0 : i32
      %dma_start3A_705 = tpu.memref_slice %arg10[%dma_start3A_702, %dma_start3A_703, %dma_start3A_704] : memref<16x128x16xf32, #tpu.memory_space<vmem>> -> memref<1x128x16xf32, #tpu.memory_space<vmem>>
      %dma_start3A_706 = tpu.memref_squeeze %dma_start3A_705 : memref<1x128x16xf32, #tpu.memory_space<vmem>> -> memref<128x16xf32, #tpu.memory_space<vmem>>
      %dma_start3A_707 = arith.constant 0 : i32
      %dma_start3A_708 = tpu.memref_slice %arg9[%add3A_701, %dma_start3A_707] : memref<80x128xi32, #tpu.memory_space<vmem>> -> memref<1x128xi32, #tpu.memory_space<vmem>>
      %dma_start3A_709 = tpu.memref_squeeze %dma_start3A_708 : memref<1x128xi32, #tpu.memory_space<vmem>> -> memref<128xi32, #tpu.memory_space<vmem>>
      %dma_start3A_710 = arith.constant 0 : i32
      %dma_start3A_711 = arith.constant 0 : i32
      %dma_start3A_712 = tpu.memref_slice %arg7[%dma_start3A_710, %dma_start3A_711] : memref<10240x16xf32, #tpu.memory_space<vmem_shared>> -> memref<10240x16xf32, #tpu.memory_space<vmem_shared>>
      tpu.enqueue_indirect_dma source(%dma_start3A_706 : memref<128x16xf32, #tpu.memory_space<vmem>>) target(%dma_start3A_712 : memref<10240x16xf32, #tpu.memory_space<vmem_shared>>) offsets(%dma_start3A_709 : memref<128xi32, #tpu.memory_space<vmem>>) semaphore(%arg13 : memref<!tpu.dma_semaphore, #tpu.memory_space<semaphore_mem>>) {add = true}
      %mul3A_713 = arith.constant 8 : i32
      %mul3A_714 = arith.muli %add3A_637, %mul3A_713 : i32
      %add3A_715 = arith.constant 5 : i32
      %add3A_716 = arith.addi %mul3A_714, %add3A_715 : i32
      %dma_start3A_717 = arith.constant 13 : i32
      %dma_start3A_718 = arith.constant 0 : i32
      %dma_start3A_719 = arith.constant 0 : i32
      %dma_start3A_720 = tpu.memref_slice %arg10[%dma_start3A_717, %dma_start3A_718, %dma_start3A_719] : memref<16x128x16xf32, #tpu.memory_space<vmem>> -> memref<1x128x16xf32, #tpu.memory_space<vmem>>
      %dma_start3A_721 = tpu.memref_squeeze %dma_start3A_720 : memref<1x128x16xf32, #tpu.memory_space<vmem>> -> memref<128x16xf32, #tpu.memory_space<vmem>>
      %dma_start3A_722 = arith.constant 0 : i32
      %dma_start3A_723 = tpu.memref_slice %arg9[%add3A_716, %dma_start3A_722] : memref<80x128xi32, #tpu.memory_space<vmem>> -> memref<1x128xi32, #tpu.memory_space<vmem>>
      %dma_start3A_724 = tpu.memref_squeeze %dma_start3A_723 : memref<1x128xi32, #tpu.memory_space<vmem>> -> memref<128xi32, #tpu.memory_space<vmem>>
      %dma_start3A_725 = arith.constant 0 : i32
      %dma_start3A_726 = arith.constant 0 : i32
      %dma_start3A_727 = tpu.memref_slice %arg7[%dma_start3A_725, %dma_start3A_726] : memref<10240x16xf32, #tpu.memory_space<vmem_shared>> -> memref<10240x16xf32, #tpu.memory_space<vmem_shared>>
      tpu.enqueue_indirect_dma source(%dma_start3A_721 : memref<128x16xf32, #tpu.memory_space<vmem>>) target(%dma_start3A_727 : memref<10240x16xf32, #tpu.memory_space<vmem_shared>>) offsets(%dma_start3A_724 : memref<128xi32, #tpu.memory_space<vmem>>) semaphore(%arg13 : memref<!tpu.dma_semaphore, #tpu.memory_space<semaphore_mem>>) {add = true}
      %mul3A_728 = arith.constant 8 : i32
      %mul3A_729 = arith.muli %add3A_637, %mul3A_728 : i32
      %add3A_730 = arith.constant 6 : i32
      %add3A_731 = arith.addi %mul3A_729, %add3A_730 : i32
      %dma_start3A_732 = arith.constant 14 : i32
      %dma_start3A_733 = arith.constant 0 : i32
      %dma_start3A_734 = arith.constant 0 : i32
      %dma_start3A_735 = tpu.memref_slice %arg10[%dma_start3A_732, %dma_start3A_733, %dma_start3A_734] : memref<16x128x16xf32, #tpu.memory_space<vmem>> -> memref<1x128x16xf32, #tpu.memory_space<vmem>>
      %dma_start3A_736 = tpu.memref_squeeze %dma_start3A_735 : memref<1x128x16xf32, #tpu.memory_space<vmem>> -> memref<128x16xf32, #tpu.memory_space<vmem>>
      %dma_start3A_737 = arith.constant 0 : i32
      %dma_start3A_738 = tpu.memref_slice %arg9[%add3A_731, %dma_start3A_737] : memref<80x128xi32, #tpu.memory_space<vmem>> -> memref<1x128xi32, #tpu.memory_space<vmem>>
      %dma_start3A_739 = tpu.memref_squeeze %dma_start3A_738 : memref<1x128xi32, #tpu.memory_space<vmem>> -> memref<128xi32, #tpu.memory_space<vmem>>
      %dma_start3A_740 = arith.constant 0 : i32
      %dma_start3A_741 = arith.constant 0 : i32
      %dma_start3A_742 = tpu.memref_slice %arg7[%dma_start3A_740, %dma_start3A_741] : memref<10240x16xf32, #tpu.memory_space<vmem_shared>> -> memref<10240x16xf32, #tpu.memory_space<vmem_shared>>
      tpu.enqueue_indirect_dma source(%dma_start3A_736 : memref<128x16xf32, #tpu.memory_space<vmem>>) target(%dma_start3A_742 : memref<10240x16xf32, #tpu.memory_space<vmem_shared>>) offsets(%dma_start3A_739 : memref<128xi32, #tpu.memory_space<vmem>>) semaphore(%arg13 : memref<!tpu.dma_semaphore, #tpu.memory_space<semaphore_mem>>) {add = true}
      %mul3A_743 = arith.constant 8 : i32
      %mul3A_744 = arith.muli %add3A_637, %mul3A_743 : i32
      %add3A_745 = arith.constant 7 : i32
      %add3A_746 = arith.addi %mul3A_744, %add3A_745 : i32
      %dma_start3A_747 = arith.constant 15 : i32
      %dma_start3A_748 = arith.constant 0 : i32
      %dma_start3A_749 = arith.constant 0 : i32
      %dma_start3A_750 = tpu.memref_slice %arg10[%dma_start3A_747, %dma_start3A_748, %dma_start3A_749] : memref<16x128x16xf32, #tpu.memory_space<vmem>> -> memref<1x128x16xf32, #tpu.memory_space<vmem>>
      %dma_start3A_751 = tpu.memref_squeeze %dma_start3A_750 : memref<1x128x16xf32, #tpu.memory_space<vmem>> -> memref<128x16xf32, #tpu.memory_space<vmem>>
      %dma_start3A_752 = arith.constant 0 : i32
      %dma_start3A_753 = tpu.memref_slice %arg9[%add3A_746, %dma_start3A_752] : memref<80x128xi32, #tpu.memory_space<vmem>> -> memref<1x128xi32, #tpu.memory_space<vmem>>
      %dma_start3A_754 = tpu.memref_squeeze %dma_start3A_753 : memref<1x128xi32, #tpu.memory_space<vmem>> -> memref<128xi32, #tpu.memory_space<vmem>>
      %dma_start3A_755 = arith.constant 0 : i32
      %dma_start3A_756 = arith.constant 0 : i32
      %dma_start3A_757 = tpu.memref_slice %arg7[%dma_start3A_755, %dma_start3A_756] : memref<10240x16xf32, #tpu.memory_space<vmem_shared>> -> memref<10240x16xf32, #tpu.memory_space<vmem_shared>>
      tpu.enqueue_indirect_dma source(%dma_start3A_751 : memref<128x16xf32, #tpu.memory_space<vmem>>) target(%dma_start3A_757 : memref<10240x16xf32, #tpu.memory_space<vmem_shared>>) offsets(%dma_start3A_754 : memref<128xi32, #tpu.memory_space<vmem>>) semaphore(%arg13 : memref<!tpu.dma_semaphore, #tpu.memory_space<semaphore_mem>>) {add = true}
      %dma_wait3A_758 = arith.constant 8 : i32
      %dma_wait3A_759 = arith.constant 0 : i32
      %dma_wait3A_760 = arith.constant 0 : i32
      %dma_wait3A_761 = tpu.memref_slice %arg10[%dma_wait3A_758, %dma_wait3A_759, %dma_wait3A_760] : memref<16x128x16xf32, #tpu.memory_space<vmem>> -> memref<1x128x16xf32, #tpu.memory_space<vmem>>
      %dma_wait3A_762 = tpu.memref_squeeze %dma_wait3A_761 : memref<1x128x16xf32, #tpu.memory_space<vmem>> -> memref<128x16xf32, #tpu.memory_space<vmem>>
      %dma_wait3A_763 = arith.constant 0 : i32
      %dma_wait3A_764 = tpu.memref_slice %arg9[%add3A_641, %dma_wait3A_763] : memref<80x128xi32, #tpu.memory_space<vmem>> -> memref<1x128xi32, #tpu.memory_space<vmem>>
      %dma_wait3A_765 = tpu.memref_squeeze %dma_wait3A_764 : memref<1x128xi32, #tpu.memory_space<vmem>> -> memref<128xi32, #tpu.memory_space<vmem>>
      %dma_wait3A_766 = arith.constant 0 : i32
      %dma_wait3A_767 = arith.constant 0 : i32
      %dma_wait3A_768 = tpu.memref_slice %arg7[%dma_wait3A_766, %dma_wait3A_767] : memref<10240x16xf32, #tpu.memory_space<vmem_shared>> -> memref<10240x16xf32, #tpu.memory_space<vmem_shared>>
      tpu.wait_indirect_dma semaphore(%arg13 : memref<!tpu.dma_semaphore, #tpu.memory_space<semaphore_mem>>) src(%dma_wait3A_762 : memref<128x16xf32, #tpu.memory_space<vmem>>) dst(%dma_wait3A_768 : memref<10240x16xf32, #tpu.memory_space<vmem_shared>>)
      %dma_wait3A_769 = arith.constant 9 : i32
      %dma_wait3A_770 = arith.constant 0 : i32
      %dma_wait3A_771 = arith.constant 0 : i32
      %dma_wait3A_772 = tpu.memref_slice %arg10[%dma_wait3A_769, %dma_wait3A_770, %dma_wait3A_771] : memref<16x128x16xf32, #tpu.memory_space<vmem>> -> memref<1x128x16xf32, #tpu.memory_space<vmem>>
      %dma_wait3A_773 = tpu.memref_squeeze %dma_wait3A_772 : memref<1x128x16xf32, #tpu.memory_space<vmem>> -> memref<128x16xf32, #tpu.memory_space<vmem>>
      %dma_wait3A_774 = arith.constant 0 : i32
      %dma_wait3A_775 = tpu.memref_slice %arg9[%add3A_656, %dma_wait3A_774] : memref<80x128xi32, #tpu.memory_space<vmem>> -> memref<1x128xi32, #tpu.memory_space<vmem>>
      %dma_wait3A_776 = tpu.memref_squeeze %dma_wait3A_775 : memref<1x128xi32, #tpu.memory_space<vmem>> -> memref<128xi32, #tpu.memory_space<vmem>>
      %dma_wait3A_777 = arith.constant 0 : i32
      %dma_wait3A_778 = arith.constant 0 : i32
      %dma_wait3A_779 = tpu.memref_slice %arg7[%dma_wait3A_777, %dma_wait3A_778] : memref<10240x16xf32, #tpu.memory_space<vmem_shared>> -> memref<10240x16xf32, #tpu.memory_space<vmem_shared>>
      tpu.wait_indirect_dma semaphore(%arg13 : memref<!tpu.dma_semaphore, #tpu.memory_space<semaphore_mem>>) src(%dma_wait3A_773 : memref<128x16xf32, #tpu.memory_space<vmem>>) dst(%dma_wait3A_779 : memref<10240x16xf32, #tpu.memory_space<vmem_shared>>)
      %dma_wait3A_780 = arith.constant 10 : i32
      %dma_wait3A_781 = arith.constant 0 : i32
      %dma_wait3A_782 = arith.constant 0 : i32
      %dma_wait3A_783 = tpu.memref_slice %arg10[%dma_wait3A_780, %dma_wait3A_781, %dma_wait3A_782] : memref<16x128x16xf32, #tpu.memory_space<vmem>> -> memref<1x128x16xf32, #tpu.memory_space<vmem>>
      %dma_wait3A_784 = tpu.memref_squeeze %dma_wait3A_783 : memref<1x128x16xf32, #tpu.memory_space<vmem>> -> memref<128x16xf32, #tpu.memory_space<vmem>>
      %dma_wait3A_785 = arith.constant 0 : i32
      %dma_wait3A_786 = tpu.memref_slice %arg9[%add3A_671, %dma_wait3A_785] : memref<80x128xi32, #tpu.memory_space<vmem>> -> memref<1x128xi32, #tpu.memory_space<vmem>>
      %dma_wait3A_787 = tpu.memref_squeeze %dma_wait3A_786 : memref<1x128xi32, #tpu.memory_space<vmem>> -> memref<128xi32, #tpu.memory_space<vmem>>
      %dma_wait3A_788 = arith.constant 0 : i32
      %dma_wait3A_789 = arith.constant 0 : i32
      %dma_wait3A_790 = tpu.memref_slice %arg7[%dma_wait3A_788, %dma_wait3A_789] : memref<10240x16xf32, #tpu.memory_space<vmem_shared>> -> memref<10240x16xf32, #tpu.memory_space<vmem_shared>>
      tpu.wait_indirect_dma semaphore(%arg13 : memref<!tpu.dma_semaphore, #tpu.memory_space<semaphore_mem>>) src(%dma_wait3A_784 : memref<128x16xf32, #tpu.memory_space<vmem>>) dst(%dma_wait3A_790 : memref<10240x16xf32, #tpu.memory_space<vmem_shared>>)
      %dma_wait3A_791 = arith.constant 11 : i32
      %dma_wait3A_792 = arith.constant 0 : i32
      %dma_wait3A_793 = arith.constant 0 : i32
      %dma_wait3A_794 = tpu.memref_slice %arg10[%dma_wait3A_791, %dma_wait3A_792, %dma_wait3A_793] : memref<16x128x16xf32, #tpu.memory_space<vmem>> -> memref<1x128x16xf32, #tpu.memory_space<vmem>>
      %dma_wait3A_795 = tpu.memref_squeeze %dma_wait3A_794 : memref<1x128x16xf32, #tpu.memory_space<vmem>> -> memref<128x16xf32, #tpu.memory_space<vmem>>
      %dma_wait3A_796 = arith.constant 0 : i32
      %dma_wait3A_797 = tpu.memref_slice %arg9[%add3A_686, %dma_wait3A_796] : memref<80x128xi32, #tpu.memory_space<vmem>> -> memref<1x128xi32, #tpu.memory_space<vmem>>
      %dma_wait3A_798 = tpu.memref_squeeze %dma_wait3A_797 : memref<1x128xi32, #tpu.memory_space<vmem>> -> memref<128xi32, #tpu.memory_space<vmem>>
      %dma_wait3A_799 = arith.constant 0 : i32
      %dma_wait3A_800 = arith.constant 0 : i32
      %dma_wait3A_801 = tpu.memref_slice %arg7[%dma_wait3A_799, %dma_wait3A_800] : memref<10240x16xf32, #tpu.memory_space<vmem_shared>> -> memref<10240x16xf32, #tpu.memory_space<vmem_shared>>
      tpu.wait_indirect_dma semaphore(%arg13 : memref<!tpu.dma_semaphore, #tpu.memory_space<semaphore_mem>>) src(%dma_wait3A_795 : memref<128x16xf32, #tpu.memory_space<vmem>>) dst(%dma_wait3A_801 : memref<10240x16xf32, #tpu.memory_space<vmem_shared>>)
      %dma_wait3A_802 = arith.constant 12 : i32
      %dma_wait3A_803 = arith.constant 0 : i32
      %dma_wait3A_804 = arith.constant 0 : i32
      %dma_wait3A_805 = tpu.memref_slice %arg10[%dma_wait3A_802, %dma_wait3A_803, %dma_wait3A_804] : memref<16x128x16xf32, #tpu.memory_space<vmem>> -> memref<1x128x16xf32, #tpu.memory_space<vmem>>
      %dma_wait3A_806 = tpu.memref_squeeze %dma_wait3A_805 : memref<1x128x16xf32, #tpu.memory_space<vmem>> -> memref<128x16xf32, #tpu.memory_space<vmem>>
      %dma_wait3A_807 = arith.constant 0 : i32
      %dma_wait3A_808 = tpu.memref_slice %arg9[%add3A_701, %dma_wait3A_807] : memref<80x128xi32, #tpu.memory_space<vmem>> -> memref<1x128xi32, #tpu.memory_space<vmem>>
      %dma_wait3A_809 = tpu.memref_squeeze %dma_wait3A_808 : memref<1x128xi32, #tpu.memory_space<vmem>> -> memref<128xi32, #tpu.memory_space<vmem>>
      %dma_wait3A_810 = arith.constant 0 : i32
      %dma_wait3A_811 = arith.constant 0 : i32
      %dma_wait3A_812 = tpu.memref_slice %arg7[%dma_wait3A_810, %dma_wait3A_811] : memref<10240x16xf32, #tpu.memory_space<vmem_shared>> -> memref<10240x16xf32, #tpu.memory_space<vmem_shared>>
      tpu.wait_indirect_dma semaphore(%arg13 : memref<!tpu.dma_semaphore, #tpu.memory_space<semaphore_mem>>) src(%dma_wait3A_806 : memref<128x16xf32, #tpu.memory_space<vmem>>) dst(%dma_wait3A_812 : memref<10240x16xf32, #tpu.memory_space<vmem_shared>>)
      %dma_wait3A_813 = arith.constant 13 : i32
      %dma_wait3A_814 = arith.constant 0 : i32
      %dma_wait3A_815 = arith.constant 0 : i32
      %dma_wait3A_816 = tpu.memref_slice %arg10[%dma_wait3A_813, %dma_wait3A_814, %dma_wait3A_815] : memref<16x128x16xf32, #tpu.memory_space<vmem>> -> memref<1x128x16xf32, #tpu.memory_space<vmem>>
      %dma_wait3A_817 = tpu.memref_squeeze %dma_wait3A_816 : memref<1x128x16xf32, #tpu.memory_space<vmem>> -> memref<128x16xf32, #tpu.memory_space<vmem>>
      %dma_wait3A_818 = arith.constant 0 : i32
      %dma_wait3A_819 = tpu.memref_slice %arg9[%add3A_716, %dma_wait3A_818] : memref<80x128xi32, #tpu.memory_space<vmem>> -> memref<1x128xi32, #tpu.memory_space<vmem>>
      %dma_wait3A_820 = tpu.memref_squeeze %dma_wait3A_819 : memref<1x128xi32, #tpu.memory_space<vmem>> -> memref<128xi32, #tpu.memory_space<vmem>>
      %dma_wait3A_821 = arith.constant 0 : i32
      %dma_wait3A_822 = arith.constant 0 : i32
      %dma_wait3A_823 = tpu.memref_slice %arg7[%dma_wait3A_821, %dma_wait3A_822] : memref<10240x16xf32, #tpu.memory_space<vmem_shared>> -> memref<10240x16xf32, #tpu.memory_space<vmem_shared>>
      tpu.wait_indirect_dma semaphore(%arg13 : memref<!tpu.dma_semaphore, #tpu.memory_space<semaphore_mem>>) src(%dma_wait3A_817 : memref<128x16xf32, #tpu.memory_space<vmem>>) dst(%dma_wait3A_823 : memref<10240x16xf32, #tpu.memory_space<vmem_shared>>)
      %dma_wait3A_824 = arith.constant 14 : i32
      %dma_wait3A_825 = arith.constant 0 : i32
      %dma_wait3A_826 = arith.constant 0 : i32
      %dma_wait3A_827 = tpu.memref_slice %arg10[%dma_wait3A_824, %dma_wait3A_825, %dma_wait3A_826] : memref<16x128x16xf32, #tpu.memory_space<vmem>> -> memref<1x128x16xf32, #tpu.memory_space<vmem>>
      %dma_wait3A_828 = tpu.memref_squeeze %dma_wait3A_827 : memref<1x128x16xf32, #tpu.memory_space<vmem>> -> memref<128x16xf32, #tpu.memory_space<vmem>>
      %dma_wait3A_829 = arith.constant 0 : i32
      %dma_wait3A_830 = tpu.memref_slice %arg9[%add3A_731, %dma_wait3A_829] : memref<80x128xi32, #tpu.memory_space<vmem>> -> memref<1x128xi32, #tpu.memory_space<vmem>>
      %dma_wait3A_831 = tpu.memref_squeeze %dma_wait3A_830 : memref<1x128xi32, #tpu.memory_space<vmem>> -> memref<128xi32, #tpu.memory_space<vmem>>
      %dma_wait3A_832 = arith.constant 0 : i32
      %dma_wait3A_833 = arith.constant 0 : i32
      %dma_wait3A_834 = tpu.memref_slice %arg7[%dma_wait3A_832, %dma_wait3A_833] : memref<10240x16xf32, #tpu.memory_space<vmem_shared>> -> memref<10240x16xf32, #tpu.memory_space<vmem_shared>>
      tpu.wait_indirect_dma semaphore(%arg13 : memref<!tpu.dma_semaphore, #tpu.memory_space<semaphore_mem>>) src(%dma_wait3A_828 : memref<128x16xf32, #tpu.memory_space<vmem>>) dst(%dma_wait3A_834 : memref<10240x16xf32, #tpu.memory_space<vmem_shared>>)
      %dma_wait3A_835 = arith.constant 15 : i32
      %dma_wait3A_836 = arith.constant 0 : i32
      %dma_wait3A_837 = arith.constant 0 : i32
      %dma_wait3A_838 = tpu.memref_slice %arg10[%dma_wait3A_835, %dma_wait3A_836, %dma_wait3A_837] : memref<16x128x16xf32, #tpu.memory_space<vmem>> -> memref<1x128x16xf32, #tpu.memory_space<vmem>>
      %dma_wait3A_839 = tpu.memref_squeeze %dma_wait3A_838 : memref<1x128x16xf32, #tpu.memory_space<vmem>> -> memref<128x16xf32, #tpu.memory_space<vmem>>
      %dma_wait3A_840 = arith.constant 0 : i32
      %dma_wait3A_841 = tpu.memref_slice %arg9[%add3A_746, %dma_wait3A_840] : memref<80x128xi32, #tpu.memory_space<vmem>> -> memref<1x128xi32, #tpu.memory_space<vmem>>
      %dma_wait3A_842 = tpu.memref_squeeze %dma_wait3A_841 : memref<1x128xi32, #tpu.memory_space<vmem>> -> memref<128xi32, #tpu.memory_space<vmem>>
      %dma_wait3A_843 = arith.constant 0 : i32
      %dma_wait3A_844 = arith.constant 0 : i32
      %dma_wait3A_845 = tpu.memref_slice %arg7[%dma_wait3A_843, %dma_wait3A_844] : memref<10240x16xf32, #tpu.memory_space<vmem_shared>> -> memref<10240x16xf32, #tpu.memory_space<vmem_shared>>
      tpu.wait_indirect_dma semaphore(%arg13 : memref<!tpu.dma_semaphore, #tpu.memory_space<semaphore_mem>>) src(%dma_wait3A_839 : memref<128x16xf32, #tpu.memory_space<vmem>>) dst(%dma_wait3A_845 : memref<10240x16xf32, #tpu.memory_space<vmem_shared>>)
    }
    %scan3A_108 = arith.constant 5 : i32
    %barrier3A_109 = arith.constant 0 : index
    tpu.barrier barrier_id(%barrier3A_109)
    %mul3A_110 = arith.constant 640 : i32
    %mul3A_111 = arith.muli %arg1, %mul3A_110 : i32
    %mul3A_112 = arith.constant 640 : i32
    %mul3A_113 = arith.muli %arg1, %mul3A_112 : i32
    "tpu.region"() ({
      %run_scoped3A_114 = tpu.sem_alloc : memref<!tpu.dma_semaphore, #tpu.memory_space<semaphore_mem>>
      %dma_start3A_115 = arith.constant 0 : i32
      %dma_start3A_116 = tpu.memref_slice %arg5[%arg0, %mul3A_113, %dma_start3A_115] : memref<2x10240x16xf32, #tpu.memory_space<hbm>> -> memref<1x640x16xf32, #tpu.memory_space<hbm>>
      %dma_start3A_117 = tpu.memref_squeeze %dma_start3A_116 : memref<1x640x16xf32, #tpu.memory_space<hbm>> -> memref<640x16xf32, #tpu.memory_space<hbm>>
      %dma_start3A_118 = arith.constant 0 : i32
      %dma_start3A_119 = tpu.memref_slice %arg7[%mul3A_111, %dma_start3A_118] : memref<10240x16xf32, #tpu.memory_space<vmem_shared>> -> memref<640x16xf32, #tpu.memory_space<vmem_shared>>
      tpu.enqueue_dma source(%dma_start3A_119 : memref<640x16xf32, #tpu.memory_space<vmem_shared>>) target(%dma_start3A_117 : memref<640x16xf32, #tpu.memory_space<hbm>>) target_semaphore(%run_scoped3A_114 : memref<!tpu.dma_semaphore, #tpu.memory_space<semaphore_mem>>)
      %dma_wait3A = arith.constant 0 : i32
      %dma_wait3A_120 = tpu.memref_slice %arg5[%arg0, %mul3A_113, %dma_wait3A] : memref<2x10240x16xf32, #tpu.memory_space<hbm>> -> memref<1x640x16xf32, #tpu.memory_space<hbm>>
      %dma_wait3A_121 = tpu.memref_squeeze %dma_wait3A_120 : memref<1x640x16xf32, #tpu.memory_space<hbm>> -> memref<640x16xf32, #tpu.memory_space<hbm>>
      %dma_wait3A_122 = arith.constant 0 : i32
      %dma_wait3A_123 = tpu.memref_slice %arg7[%mul3A_111, %dma_wait3A_122] : memref<10240x16xf32, #tpu.memory_space<vmem_shared>> -> memref<640x16xf32, #tpu.memory_space<vmem_shared>>
      tpu.wait_dma2 semaphore(%run_scoped3A_114 : memref<!tpu.dma_semaphore, #tpu.memory_space<semaphore_mem>>) src(%dma_wait3A_123 : memref<640x16xf32, #tpu.memory_space<vmem_shared>>) dst(%dma_wait3A_121 : memref<640x16xf32, #tpu.memory_space<hbm>>)
      tpu.yield
    }) : () -> ()
    return
  }
}

#map = affine_map<(d0, d1) -> (0, 0, 0, 0)>
#map1 = affine_map<(d0, d1) -> (0, 0)>
module attributes {stable_mosaic.version = 14 : i64} {
  func.func @_deg_body(%arg0: i32, %arg1: i32, %arg2: memref<2x32x80x128xi32, #tpu.memory_space<hbm>>, %arg3: memref<2x10240xf32, #tpu.memory_space<hbm>>, %arg4: memref<10240xf32, #tpu.memory_space<vmem_shared>>, %arg5: memref<80x128xi32, #tpu.memory_space<vmem>>, %arg6: memref<128xf32, #tpu.memory_space<vmem>>, %arg7: memref<640xf32, #tpu.memory_space<vmem>>, %arg8: memref<!tpu.dma_semaphore, #tpu.memory_space<semaphore_mem>>) attributes {dimension_semantics = [#tpu.dimension_semantics<core_parallel>, #tpu.dimension_semantics<subcore_parallel>], iteration_bounds = array<i64: 2, 16>, scalar_prefetch = 0 : i64, scratch_operands = 5 : i64, tpu.core_type = #tpu.core_type<sc_vector_subcore>, window_params = [{transform_indices = #map}, {transform_indices = #map1}]} {
    %mul3A = arith.constant 16 : i32
    %mul3A_0 = arith.muli %arg0, %mul3A : i32
    %add3A = arith.addi %mul3A_0, %arg1 : i32
    %broadcast_in_dim3A = arith.constant 0.000000e+00 : f32
    %broadcast_in_dim3A_1 = vector.broadcast %broadcast_in_dim3A : f32 to vector<16xf32>
    %scan3A = arith.constant 0 : i32
    %scan3A_2 = arith.constant 40 : i32
    %scan3A_3 = arith.addi %scan3A, %scan3A_2 : i32
    %scan3A_4 = arith.constant 1 : i32
    scf.for %scan3A_23 = %scan3A to %scan3A_3 step %scan3A_4  : i32 {
      %mul3A_24 = arith.constant 1 : i32
      %mul3A_25 = arith.muli %scan3A_23, %mul3A_24 : i32
      %add3A_26 = arith.constant 0 : i32
      %add3A_27 = arith.addi %add3A_26, %mul3A_25 : i32
      %mul3A_28 = arith.constant 16 : i32
      %mul3A_29 = arith.muli %add3A_27, %mul3A_28 : i32
      %swap3A = arith.index_cast %mul3A_29 : i32 to index
      %swap3A_30 = tpu.vector_load %arg7[%swap3A] {strides = array<i32>} : memref<640xf32, #tpu.memory_space<vmem>>, vector<16xf32>,
      tpu.vector_store %arg7[%swap3A], %broadcast_in_dim3A_1 {strides = array<i32>} : memref<640xf32, #tpu.memory_space<vmem>>, vector<16xf32>,
    }
    %scan3A_5 = arith.constant 40 : i32
    %scan3A_6 = arith.constant 0 : i32
    %scan3A_7 = arith.constant 8 : i32
    %scan3A_8 = arith.addi %scan3A_6, %scan3A_7 : i32
    %scan3A_9 = arith.constant 1 : i32
    scf.for %scan3A_23 = %scan3A_6 to %scan3A_8 step %scan3A_9  : i32 {
      %mul3A_24 = arith.constant 1 : i32
      %mul3A_25 = arith.muli %scan3A_23, %mul3A_24 : i32
      %add3A_26 = arith.constant 0 : i32
      %add3A_27 = arith.addi %add3A_26, %mul3A_25 : i32
      %add3A_28 = arith.constant 1.000000e+00 : f32
      %add3A_29 = vector.broadcast %add3A_28 : f32 to vector<16xf32>
      %add3A_30 = arith.addf %broadcast_in_dim3A_1, %add3A_29 : vector<16xf32>
      %mul3A_31 = arith.constant 16 : i32
      %mul3A_32 = arith.muli %add3A_27, %mul3A_31 : i32
      %swap3A = arith.index_cast %mul3A_32 : i32 to index
      %swap3A_33 = tpu.vector_load %arg6[%swap3A] {strides = array<i32>} : memref<128xf32, #tpu.memory_space<vmem>>, vector<16xf32>,
      tpu.vector_store %arg6[%swap3A], %add3A_30 {strides = array<i32>} : memref<128xf32, #tpu.memory_space<vmem>>, vector<16xf32>,
    }
    %scan3A_10 = arith.constant 8 : i32
    %mul3A_11 = arith.constant 640 : i32
    %mul3A_12 = arith.muli %arg1, %mul3A_11 : i32
    "tpu.region"() ({
      %run_scoped3A_23 = tpu.sem_alloc : memref<!tpu.dma_semaphore, #tpu.memory_space<semaphore_mem>>
      %dma_start3A = tpu.memref_slice %arg4[%mul3A_12] : memref<10240xf32, #tpu.memory_space<vmem_shared>> -> memref<640xf32, #tpu.memory_space<vmem_shared>>
      %dma_start3A_24 = tpu.memref_slice %arg4[%mul3A_12] : memref<10240xf32, #tpu.memory_space<vmem_shared>> -> memref<640xf32, #tpu.memory_space<vmem_shared>>
      tpu.enqueue_dma source(%arg7 : memref<640xf32, #tpu.memory_space<vmem>>) target(%dma_start3A_24 : memref<640xf32, #tpu.memory_space<vmem_shared>>) target_semaphore(%run_scoped3A_23 : memref<!tpu.dma_semaphore, #tpu.memory_space<semaphore_mem>>)
      %dma_wait3A = tpu.memref_slice %arg4[%mul3A_12] : memref<10240xf32, #tpu.memory_space<vmem_shared>> -> memref<640xf32, #tpu.memory_space<vmem_shared>>
      %dma_wait3A_25 = tpu.memref_slice %arg4[%mul3A_12] : memref<10240xf32, #tpu.memory_space<vmem_shared>> -> memref<640xf32, #tpu.memory_space<vmem_shared>>
      tpu.wait_dma2 semaphore(%run_scoped3A_23 : memref<!tpu.dma_semaphore, #tpu.memory_space<semaphore_mem>>) src(%arg7 : memref<640xf32, #tpu.memory_space<vmem>>) dst(%dma_wait3A_25 : memref<640xf32, #tpu.memory_space<vmem_shared>>)
      tpu.yield
    }) : () -> ()
    %run_scoped3A = arith.constant 1 : i32
    "tpu.region"() ({
      %run_scoped3A_23 = tpu.sem_alloc : memref<!tpu.dma_semaphore, #tpu.memory_space<semaphore_mem>>
      %dma_start3A = arith.constant 0 : i32
      %dma_start3A_24 = arith.constant 0 : i32
      %dma_start3A_25 = tpu.memref_slice %arg2[%run_scoped3A, %add3A, %dma_start3A, %dma_start3A_24] : memref<2x32x80x128xi32, #tpu.memory_space<hbm>> -> memref<1x1x80x128xi32, #tpu.memory_space<hbm>>
      %dma_start3A_26 = tpu.memref_squeeze %dma_start3A_25 : memref<1x1x80x128xi32, #tpu.memory_space<hbm>> -> memref<80x128xi32, #tpu.memory_space<hbm>>
      %dma_start3A_27 = arith.constant 0 : i32
      %dma_start3A_28 = arith.constant 0 : i32
      %dma_start3A_29 = tpu.memref_slice %arg2[%run_scoped3A, %add3A, %dma_start3A_27, %dma_start3A_28] : memref<2x32x80x128xi32, #tpu.memory_space<hbm>> -> memref<1x1x80x128xi32, #tpu.memory_space<hbm>>
      %dma_start3A_30 = tpu.memref_squeeze %dma_start3A_29 : memref<1x1x80x128xi32, #tpu.memory_space<hbm>> -> memref<80x128xi32, #tpu.memory_space<hbm>>
      tpu.enqueue_dma source(%dma_start3A_30 : memref<80x128xi32, #tpu.memory_space<hbm>>) target(%arg5 : memref<80x128xi32, #tpu.memory_space<vmem>>) target_semaphore(%run_scoped3A_23 : memref<!tpu.dma_semaphore, #tpu.memory_space<semaphore_mem>>)
      %dma_wait3A = arith.constant 0 : i32
      %dma_wait3A_31 = arith.constant 0 : i32
      %dma_wait3A_32 = tpu.memref_slice %arg2[%run_scoped3A, %add3A, %dma_wait3A, %dma_wait3A_31] : memref<2x32x80x128xi32, #tpu.memory_space<hbm>> -> memref<1x1x80x128xi32, #tpu.memory_space<hbm>>
      %dma_wait3A_33 = tpu.memref_squeeze %dma_wait3A_32 : memref<1x1x80x128xi32, #tpu.memory_space<hbm>> -> memref<80x128xi32, #tpu.memory_space<hbm>>
      %dma_wait3A_34 = arith.constant 0 : i32
      %dma_wait3A_35 = arith.constant 0 : i32
      %dma_wait3A_36 = tpu.memref_slice %arg2[%run_scoped3A, %add3A, %dma_wait3A_34, %dma_wait3A_35] : memref<2x32x80x128xi32, #tpu.memory_space<hbm>> -> memref<1x1x80x128xi32, #tpu.memory_space<hbm>>
      %dma_wait3A_37 = tpu.memref_squeeze %dma_wait3A_36 : memref<1x1x80x128xi32, #tpu.memory_space<hbm>> -> memref<80x128xi32, #tpu.memory_space<hbm>>
      tpu.wait_dma2 semaphore(%run_scoped3A_23 : memref<!tpu.dma_semaphore, #tpu.memory_space<semaphore_mem>>) src(%dma_wait3A_37 : memref<80x128xi32, #tpu.memory_space<hbm>>) dst(%arg5 : memref<80x128xi32, #tpu.memory_space<vmem>>)
      tpu.yield
    }) : () -> ()
    %barrier3A = arith.constant 0 : index
    tpu.barrier barrier_id(%barrier3A)
    %scan3A_13 = arith.constant 0 : i32
    %scan3A_14 = arith.constant 5 : i32
    %scan3A_15 = arith.addi %scan3A_13, %scan3A_14 : i32
    %scan3A_16 = arith.constant 1 : i32
    scf.for %scan3A_23 = %scan3A_13 to %scan3A_15 step %scan3A_16  : i32 {
      %mul3A_24 = arith.constant 1 : i32
      %mul3A_25 = arith.muli %scan3A_23, %mul3A_24 : i32
      %add3A_26 = arith.constant 0 : i32
      %add3A_27 = arith.addi %add3A_26, %mul3A_25 : i32
      %mul3A_28 = arith.constant 16 : i32
      %mul3A_29 = arith.muli %add3A_27, %mul3A_28 : i32
      %add3A_30 = arith.constant 0 : i32
      %add3A_31 = arith.addi %mul3A_29, %add3A_30 : i32
      %dma_start3A = arith.constant 0 : i32
      %dma_start3A_32 = tpu.memref_slice %arg5[%add3A_31, %dma_start3A] : memref<80x128xi32, #tpu.memory_space<vmem>> -> memref<1x128xi32, #tpu.memory_space<vmem>>
      %dma_start3A_33 = tpu.memref_squeeze %dma_start3A_32 : memref<1x128xi32, #tpu.memory_space<vmem>> -> memref<128xi32, #tpu.memory_space<vmem>>
      %dma_start3A_34 = arith.constant 0 : i32
      %dma_start3A_35 = tpu.memref_slice %arg4[%dma_start3A_34] : memref<10240xf32, #tpu.memory_space<vmem_shared>> -> memref<10240xf32, #tpu.memory_space<vmem_shared>>
      tpu.enqueue_indirect_dma source(%arg6 : memref<128xf32, #tpu.memory_space<vmem>>) target(%dma_start3A_35 : memref<10240xf32, #tpu.memory_space<vmem_shared>>) offsets(%dma_start3A_33 : memref<128xi32, #tpu.memory_space<vmem>>) semaphore(%arg8 : memref<!tpu.dma_semaphore, #tpu.memory_space<semaphore_mem>>) {add = true}
      %mul3A_36 = arith.constant 16 : i32
      %mul3A_37 = arith.muli %add3A_27, %mul3A_36 : i32
      %add3A_38 = arith.constant 1 : i32
      %add3A_39 = arith.addi %mul3A_37, %add3A_38 : i32
      %dma_start3A_40 = arith.constant 0 : i32
      %dma_start3A_41 = tpu.memref_slice %arg5[%add3A_39, %dma_start3A_40] : memref<80x128xi32, #tpu.memory_space<vmem>> -> memref<1x128xi32, #tpu.memory_space<vmem>>
      %dma_start3A_42 = tpu.memref_squeeze %dma_start3A_41 : memref<1x128xi32, #tpu.memory_space<vmem>> -> memref<128xi32, #tpu.memory_space<vmem>>
      %dma_start3A_43 = arith.constant 0 : i32
      %dma_start3A_44 = tpu.memref_slice %arg4[%dma_start3A_43] : memref<10240xf32, #tpu.memory_space<vmem_shared>> -> memref<10240xf32, #tpu.memory_space<vmem_shared>>
      tpu.enqueue_indirect_dma source(%arg6 : memref<128xf32, #tpu.memory_space<vmem>>) target(%dma_start3A_44 : memref<10240xf32, #tpu.memory_space<vmem_shared>>) offsets(%dma_start3A_42 : memref<128xi32, #tpu.memory_space<vmem>>) semaphore(%arg8 : memref<!tpu.dma_semaphore, #tpu.memory_space<semaphore_mem>>) {add = true}
      %mul3A_45 = arith.constant 16 : i32
      %mul3A_46 = arith.muli %add3A_27, %mul3A_45 : i32
      %add3A_47 = arith.constant 2 : i32
      %add3A_48 = arith.addi %mul3A_46, %add3A_47 : i32
      %dma_start3A_49 = arith.constant 0 : i32
      %dma_start3A_50 = tpu.memref_slice %arg5[%add3A_48, %dma_start3A_49] : memref<80x128xi32, #tpu.memory_space<vmem>> -> memref<1x128xi32, #tpu.memory_space<vmem>>
      %dma_start3A_51 = tpu.memref_squeeze %dma_start3A_50 : memref<1x128xi32, #tpu.memory_space<vmem>> -> memref<128xi32, #tpu.memory_space<vmem>>
      %dma_start3A_52 = arith.constant 0 : i32
      %dma_start3A_53 = tpu.memref_slice %arg4[%dma_start3A_52] : memref<10240xf32, #tpu.memory_space<vmem_shared>> -> memref<10240xf32, #tpu.memory_space<vmem_shared>>
      tpu.enqueue_indirect_dma source(%arg6 : memref<128xf32, #tpu.memory_space<vmem>>) target(%dma_start3A_53 : memref<10240xf32, #tpu.memory_space<vmem_shared>>) offsets(%dma_start3A_51 : memref<128xi32, #tpu.memory_space<vmem>>) semaphore(%arg8 : memref<!tpu.dma_semaphore, #tpu.memory_space<semaphore_mem>>) {add = true}
      %mul3A_54 = arith.constant 16 : i32
      %mul3A_55 = arith.muli %add3A_27, %mul3A_54 : i32
      %add3A_56 = arith.constant 3 : i32
      %add3A_57 = arith.addi %mul3A_55, %add3A_56 : i32
      %dma_start3A_58 = arith.constant 0 : i32
      %dma_start3A_59 = tpu.memref_slice %arg5[%add3A_57, %dma_start3A_58] : memref<80x128xi32, #tpu.memory_space<vmem>> -> memref<1x128xi32, #tpu.memory_space<vmem>>
      %dma_start3A_60 = tpu.memref_squeeze %dma_start3A_59 : memref<1x128xi32, #tpu.memory_space<vmem>> -> memref<128xi32, #tpu.memory_space<vmem>>
      %dma_start3A_61 = arith.constant 0 : i32
      %dma_start3A_62 = tpu.memref_slice %arg4[%dma_start3A_61] : memref<10240xf32, #tpu.memory_space<vmem_shared>> -> memref<10240xf32, #tpu.memory_space<vmem_shared>>
      tpu.enqueue_indirect_dma source(%arg6 : memref<128xf32, #tpu.memory_space<vmem>>) target(%dma_start3A_62 : memref<10240xf32, #tpu.memory_space<vmem_shared>>) offsets(%dma_start3A_60 : memref<128xi32, #tpu.memory_space<vmem>>) semaphore(%arg8 : memref<!tpu.dma_semaphore, #tpu.memory_space<semaphore_mem>>) {add = true}
      %mul3A_63 = arith.constant 16 : i32
      %mul3A_64 = arith.muli %add3A_27, %mul3A_63 : i32
      %add3A_65 = arith.constant 4 : i32
      %add3A_66 = arith.addi %mul3A_64, %add3A_65 : i32
      %dma_start3A_67 = arith.constant 0 : i32
      %dma_start3A_68 = tpu.memref_slice %arg5[%add3A_66, %dma_start3A_67] : memref<80x128xi32, #tpu.memory_space<vmem>> -> memref<1x128xi32, #tpu.memory_space<vmem>>
      %dma_start3A_69 = tpu.memref_squeeze %dma_start3A_68 : memref<1x128xi32, #tpu.memory_space<vmem>> -> memref<128xi32, #tpu.memory_space<vmem>>
      %dma_start3A_70 = arith.constant 0 : i32
      %dma_start3A_71 = tpu.memref_slice %arg4[%dma_start3A_70] : memref<10240xf32, #tpu.memory_space<vmem_shared>> -> memref<10240xf32, #tpu.memory_space<vmem_shared>>
      tpu.enqueue_indirect_dma source(%arg6 : memref<128xf32, #tpu.memory_space<vmem>>) target(%dma_start3A_71 : memref<10240xf32, #tpu.memory_space<vmem_shared>>) offsets(%dma_start3A_69 : memref<128xi32, #tpu.memory_space<vmem>>) semaphore(%arg8 : memref<!tpu.dma_semaphore, #tpu.memory_space<semaphore_mem>>) {add = true}
      %mul3A_72 = arith.constant 16 : i32
      %mul3A_73 = arith.muli %add3A_27, %mul3A_72 : i32
      %add3A_74 = arith.constant 5 : i32
      %add3A_75 = arith.addi %mul3A_73, %add3A_74 : i32
      %dma_start3A_76 = arith.constant 0 : i32
      %dma_start3A_77 = tpu.memref_slice %arg5[%add3A_75, %dma_start3A_76] : memref<80x128xi32, #tpu.memory_space<vmem>> -> memref<1x128xi32, #tpu.memory_space<vmem>>
      %dma_start3A_78 = tpu.memref_squeeze %dma_start3A_77 : memref<1x128xi32, #tpu.memory_space<vmem>> -> memref<128xi32, #tpu.memory_space<vmem>>
      %dma_start3A_79 = arith.constant 0 : i32
      %dma_start3A_80 = tpu.memref_slice %arg4[%dma_start3A_79] : memref<10240xf32, #tpu.memory_space<vmem_shared>> -> memref<10240xf32, #tpu.memory_space<vmem_shared>>
      tpu.enqueue_indirect_dma source(%arg6 : memref<128xf32, #tpu.memory_space<vmem>>) target(%dma_start3A_80 : memref<10240xf32, #tpu.memory_space<vmem_shared>>) offsets(%dma_start3A_78 : memref<128xi32, #tpu.memory_space<vmem>>) semaphore(%arg8 : memref<!tpu.dma_semaphore, #tpu.memory_space<semaphore_mem>>) {add = true}
      %mul3A_81 = arith.constant 16 : i32
      %mul3A_82 = arith.muli %add3A_27, %mul3A_81 : i32
      %add3A_83 = arith.constant 6 : i32
      %add3A_84 = arith.addi %mul3A_82, %add3A_83 : i32
      %dma_start3A_85 = arith.constant 0 : i32
      %dma_start3A_86 = tpu.memref_slice %arg5[%add3A_84, %dma_start3A_85] : memref<80x128xi32, #tpu.memory_space<vmem>> -> memref<1x128xi32, #tpu.memory_space<vmem>>
      %dma_start3A_87 = tpu.memref_squeeze %dma_start3A_86 : memref<1x128xi32, #tpu.memory_space<vmem>> -> memref<128xi32, #tpu.memory_space<vmem>>
      %dma_start3A_88 = arith.constant 0 : i32
      %dma_start3A_89 = tpu.memref_slice %arg4[%dma_start3A_88] : memref<10240xf32, #tpu.memory_space<vmem_shared>> -> memref<10240xf32, #tpu.memory_space<vmem_shared>>
      tpu.enqueue_indirect_dma source(%arg6 : memref<128xf32, #tpu.memory_space<vmem>>) target(%dma_start3A_89 : memref<10240xf32, #tpu.memory_space<vmem_shared>>) offsets(%dma_start3A_87 : memref<128xi32, #tpu.memory_space<vmem>>) semaphore(%arg8 : memref<!tpu.dma_semaphore, #tpu.memory_space<semaphore_mem>>) {add = true}
      %mul3A_90 = arith.constant 16 : i32
      %mul3A_91 = arith.muli %add3A_27, %mul3A_90 : i32
      %add3A_92 = arith.constant 7 : i32
      %add3A_93 = arith.addi %mul3A_91, %add3A_92 : i32
      %dma_start3A_94 = arith.constant 0 : i32
      %dma_start3A_95 = tpu.memref_slice %arg5[%add3A_93, %dma_start3A_94] : memref<80x128xi32, #tpu.memory_space<vmem>> -> memref<1x128xi32, #tpu.memory_space<vmem>>
      %dma_start3A_96 = tpu.memref_squeeze %dma_start3A_95 : memref<1x128xi32, #tpu.memory_space<vmem>> -> memref<128xi32, #tpu.memory_space<vmem>>
      %dma_start3A_97 = arith.constant 0 : i32
      %dma_start3A_98 = tpu.memref_slice %arg4[%dma_start3A_97] : memref<10240xf32, #tpu.memory_space<vmem_shared>> -> memref<10240xf32, #tpu.memory_space<vmem_shared>>
      tpu.enqueue_indirect_dma source(%arg6 : memref<128xf32, #tpu.memory_space<vmem>>) target(%dma_start3A_98 : memref<10240xf32, #tpu.memory_space<vmem_shared>>) offsets(%dma_start3A_96 : memref<128xi32, #tpu.memory_space<vmem>>) semaphore(%arg8 : memref<!tpu.dma_semaphore, #tpu.memory_space<semaphore_mem>>) {add = true}
      %mul3A_99 = arith.constant 16 : i32
      %mul3A_100 = arith.muli %add3A_27, %mul3A_99 : i32
      %add3A_101 = arith.constant 8 : i32
      %add3A_102 = arith.addi %mul3A_100, %add3A_101 : i32
      %dma_start3A_103 = arith.constant 0 : i32
      %dma_start3A_104 = tpu.memref_slice %arg5[%add3A_102, %dma_start3A_103] : memref<80x128xi32, #tpu.memory_space<vmem>> -> memref<1x128xi32, #tpu.memory_space<vmem>>
      %dma_start3A_105 = tpu.memref_squeeze %dma_start3A_104 : memref<1x128xi32, #tpu.memory_space<vmem>> -> memref<128xi32, #tpu.memory_space<vmem>>
      %dma_start3A_106 = arith.constant 0 : i32
      %dma_start3A_107 = tpu.memref_slice %arg4[%dma_start3A_106] : memref<10240xf32, #tpu.memory_space<vmem_shared>> -> memref<10240xf32, #tpu.memory_space<vmem_shared>>
      tpu.enqueue_indirect_dma source(%arg6 : memref<128xf32, #tpu.memory_space<vmem>>) target(%dma_start3A_107 : memref<10240xf32, #tpu.memory_space<vmem_shared>>) offsets(%dma_start3A_105 : memref<128xi32, #tpu.memory_space<vmem>>) semaphore(%arg8 : memref<!tpu.dma_semaphore, #tpu.memory_space<semaphore_mem>>) {add = true}
      %mul3A_108 = arith.constant 16 : i32
      %mul3A_109 = arith.muli %add3A_27, %mul3A_108 : i32
      %add3A_110 = arith.constant 9 : i32
      %add3A_111 = arith.addi %mul3A_109, %add3A_110 : i32
      %dma_start3A_112 = arith.constant 0 : i32
      %dma_start3A_113 = tpu.memref_slice %arg5[%add3A_111, %dma_start3A_112] : memref<80x128xi32, #tpu.memory_space<vmem>> -> memref<1x128xi32, #tpu.memory_space<vmem>>
      %dma_start3A_114 = tpu.memref_squeeze %dma_start3A_113 : memref<1x128xi32, #tpu.memory_space<vmem>> -> memref<128xi32, #tpu.memory_space<vmem>>
      %dma_start3A_115 = arith.constant 0 : i32
      %dma_start3A_116 = tpu.memref_slice %arg4[%dma_start3A_115] : memref<10240xf32, #tpu.memory_space<vmem_shared>> -> memref<10240xf32, #tpu.memory_space<vmem_shared>>
      tpu.enqueue_indirect_dma source(%arg6 : memref<128xf32, #tpu.memory_space<vmem>>) target(%dma_start3A_116 : memref<10240xf32, #tpu.memory_space<vmem_shared>>) offsets(%dma_start3A_114 : memref<128xi32, #tpu.memory_space<vmem>>) semaphore(%arg8 : memref<!tpu.dma_semaphore, #tpu.memory_space<semaphore_mem>>) {add = true}
      %mul3A_117 = arith.constant 16 : i32
      %mul3A_118 = arith.muli %add3A_27, %mul3A_117 : i32
      %add3A_119 = arith.constant 10 : i32
      %add3A_120 = arith.addi %mul3A_118, %add3A_119 : i32
      %dma_start3A_121 = arith.constant 0 : i32
      %dma_start3A_122 = tpu.memref_slice %arg5[%add3A_120, %dma_start3A_121] : memref<80x128xi32, #tpu.memory_space<vmem>> -> memref<1x128xi32, #tpu.memory_space<vmem>>
      %dma_start3A_123 = tpu.memref_squeeze %dma_start3A_122 : memref<1x128xi32, #tpu.memory_space<vmem>> -> memref<128xi32, #tpu.memory_space<vmem>>
      %dma_start3A_124 = arith.constant 0 : i32
      %dma_start3A_125 = tpu.memref_slice %arg4[%dma_start3A_124] : memref<10240xf32, #tpu.memory_space<vmem_shared>> -> memref<10240xf32, #tpu.memory_space<vmem_shared>>
      tpu.enqueue_indirect_dma source(%arg6 : memref<128xf32, #tpu.memory_space<vmem>>) target(%dma_start3A_125 : memref<10240xf32, #tpu.memory_space<vmem_shared>>) offsets(%dma_start3A_123 : memref<128xi32, #tpu.memory_space<vmem>>) semaphore(%arg8 : memref<!tpu.dma_semaphore, #tpu.memory_space<semaphore_mem>>) {add = true}
      %mul3A_126 = arith.constant 16 : i32
      %mul3A_127 = arith.muli %add3A_27, %mul3A_126 : i32
      %add3A_128 = arith.constant 11 : i32
      %add3A_129 = arith.addi %mul3A_127, %add3A_128 : i32
      %dma_start3A_130 = arith.constant 0 : i32
      %dma_start3A_131 = tpu.memref_slice %arg5[%add3A_129, %dma_start3A_130] : memref<80x128xi32, #tpu.memory_space<vmem>> -> memref<1x128xi32, #tpu.memory_space<vmem>>
      %dma_start3A_132 = tpu.memref_squeeze %dma_start3A_131 : memref<1x128xi32, #tpu.memory_space<vmem>> -> memref<128xi32, #tpu.memory_space<vmem>>
      %dma_start3A_133 = arith.constant 0 : i32
      %dma_start3A_134 = tpu.memref_slice %arg4[%dma_start3A_133] : memref<10240xf32, #tpu.memory_space<vmem_shared>> -> memref<10240xf32, #tpu.memory_space<vmem_shared>>
      tpu.enqueue_indirect_dma source(%arg6 : memref<128xf32, #tpu.memory_space<vmem>>) target(%dma_start3A_134 : memref<10240xf32, #tpu.memory_space<vmem_shared>>) offsets(%dma_start3A_132 : memref<128xi32, #tpu.memory_space<vmem>>) semaphore(%arg8 : memref<!tpu.dma_semaphore, #tpu.memory_space<semaphore_mem>>) {add = true}
      %mul3A_135 = arith.constant 16 : i32
      %mul3A_136 = arith.muli %add3A_27, %mul3A_135 : i32
      %add3A_137 = arith.constant 12 : i32
      %add3A_138 = arith.addi %mul3A_136, %add3A_137 : i32
      %dma_start3A_139 = arith.constant 0 : i32
      %dma_start3A_140 = tpu.memref_slice %arg5[%add3A_138, %dma_start3A_139] : memref<80x128xi32, #tpu.memory_space<vmem>> -> memref<1x128xi32, #tpu.memory_space<vmem>>
      %dma_start3A_141 = tpu.memref_squeeze %dma_start3A_140 : memref<1x128xi32, #tpu.memory_space<vmem>> -> memref<128xi32, #tpu.memory_space<vmem>>
      %dma_start3A_142 = arith.constant 0 : i32
      %dma_start3A_143 = tpu.memref_slice %arg4[%dma_start3A_142] : memref<10240xf32, #tpu.memory_space<vmem_shared>> -> memref<10240xf32, #tpu.memory_space<vmem_shared>>
      tpu.enqueue_indirect_dma source(%arg6 : memref<128xf32, #tpu.memory_space<vmem>>) target(%dma_start3A_143 : memref<10240xf32, #tpu.memory_space<vmem_shared>>) offsets(%dma_start3A_141 : memref<128xi32, #tpu.memory_space<vmem>>) semaphore(%arg8 : memref<!tpu.dma_semaphore, #tpu.memory_space<semaphore_mem>>) {add = true}
      %mul3A_144 = arith.constant 16 : i32
      %mul3A_145 = arith.muli %add3A_27, %mul3A_144 : i32
      %add3A_146 = arith.constant 13 : i32
      %add3A_147 = arith.addi %mul3A_145, %add3A_146 : i32
      %dma_start3A_148 = arith.constant 0 : i32
      %dma_start3A_149 = tpu.memref_slice %arg5[%add3A_147, %dma_start3A_148] : memref<80x128xi32, #tpu.memory_space<vmem>> -> memref<1x128xi32, #tpu.memory_space<vmem>>
      %dma_start3A_150 = tpu.memref_squeeze %dma_start3A_149 : memref<1x128xi32, #tpu.memory_space<vmem>> -> memref<128xi32, #tpu.memory_space<vmem>>
      %dma_start3A_151 = arith.constant 0 : i32
      %dma_start3A_152 = tpu.memref_slice %arg4[%dma_start3A_151] : memref<10240xf32, #tpu.memory_space<vmem_shared>> -> memref<10240xf32, #tpu.memory_space<vmem_shared>>
      tpu.enqueue_indirect_dma source(%arg6 : memref<128xf32, #tpu.memory_space<vmem>>) target(%dma_start3A_152 : memref<10240xf32, #tpu.memory_space<vmem_shared>>) offsets(%dma_start3A_150 : memref<128xi32, #tpu.memory_space<vmem>>) semaphore(%arg8 : memref<!tpu.dma_semaphore, #tpu.memory_space<semaphore_mem>>) {add = true}
      %mul3A_153 = arith.constant 16 : i32
      %mul3A_154 = arith.muli %add3A_27, %mul3A_153 : i32
      %add3A_155 = arith.constant 14 : i32
      %add3A_156 = arith.addi %mul3A_154, %add3A_155 : i32
      %dma_start3A_157 = arith.constant 0 : i32
      %dma_start3A_158 = tpu.memref_slice %arg5[%add3A_156, %dma_start3A_157] : memref<80x128xi32, #tpu.memory_space<vmem>> -> memref<1x128xi32, #tpu.memory_space<vmem>>
      %dma_start3A_159 = tpu.memref_squeeze %dma_start3A_158 : memref<1x128xi32, #tpu.memory_space<vmem>> -> memref<128xi32, #tpu.memory_space<vmem>>
      %dma_start3A_160 = arith.constant 0 : i32
      %dma_start3A_161 = tpu.memref_slice %arg4[%dma_start3A_160] : memref<10240xf32, #tpu.memory_space<vmem_shared>> -> memref<10240xf32, #tpu.memory_space<vmem_shared>>
      tpu.enqueue_indirect_dma source(%arg6 : memref<128xf32, #tpu.memory_space<vmem>>) target(%dma_start3A_161 : memref<10240xf32, #tpu.memory_space<vmem_shared>>) offsets(%dma_start3A_159 : memref<128xi32, #tpu.memory_space<vmem>>) semaphore(%arg8 : memref<!tpu.dma_semaphore, #tpu.memory_space<semaphore_mem>>) {add = true}
      %mul3A_162 = arith.constant 16 : i32
      %mul3A_163 = arith.muli %add3A_27, %mul3A_162 : i32
      %add3A_164 = arith.constant 15 : i32
      %add3A_165 = arith.addi %mul3A_163, %add3A_164 : i32
      %dma_start3A_166 = arith.constant 0 : i32
      %dma_start3A_167 = tpu.memref_slice %arg5[%add3A_165, %dma_start3A_166] : memref<80x128xi32, #tpu.memory_space<vmem>> -> memref<1x128xi32, #tpu.memory_space<vmem>>
      %dma_start3A_168 = tpu.memref_squeeze %dma_start3A_167 : memref<1x128xi32, #tpu.memory_space<vmem>> -> memref<128xi32, #tpu.memory_space<vmem>>
      %dma_start3A_169 = arith.constant 0 : i32
      %dma_start3A_170 = tpu.memref_slice %arg4[%dma_start3A_169] : memref<10240xf32, #tpu.memory_space<vmem_shared>> -> memref<10240xf32, #tpu.memory_space<vmem_shared>>
      tpu.enqueue_indirect_dma source(%arg6 : memref<128xf32, #tpu.memory_space<vmem>>) target(%dma_start3A_170 : memref<10240xf32, #tpu.memory_space<vmem_shared>>) offsets(%dma_start3A_168 : memref<128xi32, #tpu.memory_space<vmem>>) semaphore(%arg8 : memref<!tpu.dma_semaphore, #tpu.memory_space<semaphore_mem>>) {add = true}
      %dma_wait3A = arith.constant 0 : i32
      %dma_wait3A_171 = tpu.memref_slice %arg5[%add3A_31, %dma_wait3A] : memref<80x128xi32, #tpu.memory_space<vmem>> -> memref<1x128xi32, #tpu.memory_space<vmem>>
      %dma_wait3A_172 = tpu.memref_squeeze %dma_wait3A_171 : memref<1x128xi32, #tpu.memory_space<vmem>> -> memref<128xi32, #tpu.memory_space<vmem>>
      %dma_wait3A_173 = arith.constant 0 : i32
      %dma_wait3A_174 = tpu.memref_slice %arg4[%dma_wait3A_173] : memref<10240xf32, #tpu.memory_space<vmem_shared>> -> memref<10240xf32, #tpu.memory_space<vmem_shared>>
      tpu.wait_indirect_dma semaphore(%arg8 : memref<!tpu.dma_semaphore, #tpu.memory_space<semaphore_mem>>) src(%arg6 : memref<128xf32, #tpu.memory_space<vmem>>) dst(%dma_wait3A_174 : memref<10240xf32, #tpu.memory_space<vmem_shared>>)
      %dma_wait3A_175 = arith.constant 0 : i32
      %dma_wait3A_176 = tpu.memref_slice %arg5[%add3A_39, %dma_wait3A_175] : memref<80x128xi32, #tpu.memory_space<vmem>> -> memref<1x128xi32, #tpu.memory_space<vmem>>
      %dma_wait3A_177 = tpu.memref_squeeze %dma_wait3A_176 : memref<1x128xi32, #tpu.memory_space<vmem>> -> memref<128xi32, #tpu.memory_space<vmem>>
      %dma_wait3A_178 = arith.constant 0 : i32
      %dma_wait3A_179 = tpu.memref_slice %arg4[%dma_wait3A_178] : memref<10240xf32, #tpu.memory_space<vmem_shared>> -> memref<10240xf32, #tpu.memory_space<vmem_shared>>
      tpu.wait_indirect_dma semaphore(%arg8 : memref<!tpu.dma_semaphore, #tpu.memory_space<semaphore_mem>>) src(%arg6 : memref<128xf32, #tpu.memory_space<vmem>>) dst(%dma_wait3A_179 : memref<10240xf32, #tpu.memory_space<vmem_shared>>)
      %dma_wait3A_180 = arith.constant 0 : i32
      %dma_wait3A_181 = tpu.memref_slice %arg5[%add3A_48, %dma_wait3A_180] : memref<80x128xi32, #tpu.memory_space<vmem>> -> memref<1x128xi32, #tpu.memory_space<vmem>>
      %dma_wait3A_182 = tpu.memref_squeeze %dma_wait3A_181 : memref<1x128xi32, #tpu.memory_space<vmem>> -> memref<128xi32, #tpu.memory_space<vmem>>
      %dma_wait3A_183 = arith.constant 0 : i32
      %dma_wait3A_184 = tpu.memref_slice %arg4[%dma_wait3A_183] : memref<10240xf32, #tpu.memory_space<vmem_shared>> -> memref<10240xf32, #tpu.memory_space<vmem_shared>>
      tpu.wait_indirect_dma semaphore(%arg8 : memref<!tpu.dma_semaphore, #tpu.memory_space<semaphore_mem>>) src(%arg6 : memref<128xf32, #tpu.memory_space<vmem>>) dst(%dma_wait3A_184 : memref<10240xf32, #tpu.memory_space<vmem_shared>>)
      %dma_wait3A_185 = arith.constant 0 : i32
      %dma_wait3A_186 = tpu.memref_slice %arg5[%add3A_57, %dma_wait3A_185] : memref<80x128xi32, #tpu.memory_space<vmem>> -> memref<1x128xi32, #tpu.memory_space<vmem>>
      %dma_wait3A_187 = tpu.memref_squeeze %dma_wait3A_186 : memref<1x128xi32, #tpu.memory_space<vmem>> -> memref<128xi32, #tpu.memory_space<vmem>>
      %dma_wait3A_188 = arith.constant 0 : i32
      %dma_wait3A_189 = tpu.memref_slice %arg4[%dma_wait3A_188] : memref<10240xf32, #tpu.memory_space<vmem_shared>> -> memref<10240xf32, #tpu.memory_space<vmem_shared>>
      tpu.wait_indirect_dma semaphore(%arg8 : memref<!tpu.dma_semaphore, #tpu.memory_space<semaphore_mem>>) src(%arg6 : memref<128xf32, #tpu.memory_space<vmem>>) dst(%dma_wait3A_189 : memref<10240xf32, #tpu.memory_space<vmem_shared>>)
      %dma_wait3A_190 = arith.constant 0 : i32
      %dma_wait3A_191 = tpu.memref_slice %arg5[%add3A_66, %dma_wait3A_190] : memref<80x128xi32, #tpu.memory_space<vmem>> -> memref<1x128xi32, #tpu.memory_space<vmem>>
      %dma_wait3A_192 = tpu.memref_squeeze %dma_wait3A_191 : memref<1x128xi32, #tpu.memory_space<vmem>> -> memref<128xi32, #tpu.memory_space<vmem>>
      %dma_wait3A_193 = arith.constant 0 : i32
      %dma_wait3A_194 = tpu.memref_slice %arg4[%dma_wait3A_193] : memref<10240xf32, #tpu.memory_space<vmem_shared>> -> memref<10240xf32, #tpu.memory_space<vmem_shared>>
      tpu.wait_indirect_dma semaphore(%arg8 : memref<!tpu.dma_semaphore, #tpu.memory_space<semaphore_mem>>) src(%arg6 : memref<128xf32, #tpu.memory_space<vmem>>) dst(%dma_wait3A_194 : memref<10240xf32, #tpu.memory_space<vmem_shared>>)
      %dma_wait3A_195 = arith.constant 0 : i32
      %dma_wait3A_196 = tpu.memref_slice %arg5[%add3A_75, %dma_wait3A_195] : memref<80x128xi32, #tpu.memory_space<vmem>> -> memref<1x128xi32, #tpu.memory_space<vmem>>
      %dma_wait3A_197 = tpu.memref_squeeze %dma_wait3A_196 : memref<1x128xi32, #tpu.memory_space<vmem>> -> memref<128xi32, #tpu.memory_space<vmem>>
      %dma_wait3A_198 = arith.constant 0 : i32
      %dma_wait3A_199 = tpu.memref_slice %arg4[%dma_wait3A_198] : memref<10240xf32, #tpu.memory_space<vmem_shared>> -> memref<10240xf32, #tpu.memory_space<vmem_shared>>
      tpu.wait_indirect_dma semaphore(%arg8 : memref<!tpu.dma_semaphore, #tpu.memory_space<semaphore_mem>>) src(%arg6 : memref<128xf32, #tpu.memory_space<vmem>>) dst(%dma_wait3A_199 : memref<10240xf32, #tpu.memory_space<vmem_shared>>)
      %dma_wait3A_200 = arith.constant 0 : i32
      %dma_wait3A_201 = tpu.memref_slice %arg5[%add3A_84, %dma_wait3A_200] : memref<80x128xi32, #tpu.memory_space<vmem>> -> memref<1x128xi32, #tpu.memory_space<vmem>>
      %dma_wait3A_202 = tpu.memref_squeeze %dma_wait3A_201 : memref<1x128xi32, #tpu.memory_space<vmem>> -> memref<128xi32, #tpu.memory_space<vmem>>
      %dma_wait3A_203 = arith.constant 0 : i32
      %dma_wait3A_204 = tpu.memref_slice %arg4[%dma_wait3A_203] : memref<10240xf32, #tpu.memory_space<vmem_shared>> -> memref<10240xf32, #tpu.memory_space<vmem_shared>>
      tpu.wait_indirect_dma semaphore(%arg8 : memref<!tpu.dma_semaphore, #tpu.memory_space<semaphore_mem>>) src(%arg6 : memref<128xf32, #tpu.memory_space<vmem>>) dst(%dma_wait3A_204 : memref<10240xf32, #tpu.memory_space<vmem_shared>>)
      %dma_wait3A_205 = arith.constant 0 : i32
      %dma_wait3A_206 = tpu.memref_slice %arg5[%add3A_93, %dma_wait3A_205] : memref<80x128xi32, #tpu.memory_space<vmem>> -> memref<1x128xi32, #tpu.memory_space<vmem>>
      %dma_wait3A_207 = tpu.memref_squeeze %dma_wait3A_206 : memref<1x128xi32, #tpu.memory_space<vmem>> -> memref<128xi32, #tpu.memory_space<vmem>>
      %dma_wait3A_208 = arith.constant 0 : i32
      %dma_wait3A_209 = tpu.memref_slice %arg4[%dma_wait3A_208] : memref<10240xf32, #tpu.memory_space<vmem_shared>> -> memref<10240xf32, #tpu.memory_space<vmem_shared>>
      tpu.wait_indirect_dma semaphore(%arg8 : memref<!tpu.dma_semaphore, #tpu.memory_space<semaphore_mem>>) src(%arg6 : memref<128xf32, #tpu.memory_space<vmem>>) dst(%dma_wait3A_209 : memref<10240xf32, #tpu.memory_space<vmem_shared>>)
      %dma_wait3A_210 = arith.constant 0 : i32
      %dma_wait3A_211 = tpu.memref_slice %arg5[%add3A_102, %dma_wait3A_210] : memref<80x128xi32, #tpu.memory_space<vmem>> -> memref<1x128xi32, #tpu.memory_space<vmem>>
      %dma_wait3A_212 = tpu.memref_squeeze %dma_wait3A_211 : memref<1x128xi32, #tpu.memory_space<vmem>> -> memref<128xi32, #tpu.memory_space<vmem>>
      %dma_wait3A_213 = arith.constant 0 : i32
      %dma_wait3A_214 = tpu.memref_slice %arg4[%dma_wait3A_213] : memref<10240xf32, #tpu.memory_space<vmem_shared>> -> memref<10240xf32, #tpu.memory_space<vmem_shared>>
      tpu.wait_indirect_dma semaphore(%arg8 : memref<!tpu.dma_semaphore, #tpu.memory_space<semaphore_mem>>) src(%arg6 : memref<128xf32, #tpu.memory_space<vmem>>) dst(%dma_wait3A_214 : memref<10240xf32, #tpu.memory_space<vmem_shared>>)
      %dma_wait3A_215 = arith.constant 0 : i32
      %dma_wait3A_216 = tpu.memref_slice %arg5[%add3A_111, %dma_wait3A_215] : memref<80x128xi32, #tpu.memory_space<vmem>> -> memref<1x128xi32, #tpu.memory_space<vmem>>
      %dma_wait3A_217 = tpu.memref_squeeze %dma_wait3A_216 : memref<1x128xi32, #tpu.memory_space<vmem>> -> memref<128xi32, #tpu.memory_space<vmem>>
      %dma_wait3A_218 = arith.constant 0 : i32
      %dma_wait3A_219 = tpu.memref_slice %arg4[%dma_wait3A_218] : memref<10240xf32, #tpu.memory_space<vmem_shared>> -> memref<10240xf32, #tpu.memory_space<vmem_shared>>
      tpu.wait_indirect_dma semaphore(%arg8 : memref<!tpu.dma_semaphore, #tpu.memory_space<semaphore_mem>>) src(%arg6 : memref<128xf32, #tpu.memory_space<vmem>>) dst(%dma_wait3A_219 : memref<10240xf32, #tpu.memory_space<vmem_shared>>)
      %dma_wait3A_220 = arith.constant 0 : i32
      %dma_wait3A_221 = tpu.memref_slice %arg5[%add3A_120, %dma_wait3A_220] : memref<80x128xi32, #tpu.memory_space<vmem>> -> memref<1x128xi32, #tpu.memory_space<vmem>>
      %dma_wait3A_222 = tpu.memref_squeeze %dma_wait3A_221 : memref<1x128xi32, #tpu.memory_space<vmem>> -> memref<128xi32, #tpu.memory_space<vmem>>
      %dma_wait3A_223 = arith.constant 0 : i32
      %dma_wait3A_224 = tpu.memref_slice %arg4[%dma_wait3A_223] : memref<10240xf32, #tpu.memory_space<vmem_shared>> -> memref<10240xf32, #tpu.memory_space<vmem_shared>>
      tpu.wait_indirect_dma semaphore(%arg8 : memref<!tpu.dma_semaphore, #tpu.memory_space<semaphore_mem>>) src(%arg6 : memref<128xf32, #tpu.memory_space<vmem>>) dst(%dma_wait3A_224 : memref<10240xf32, #tpu.memory_space<vmem_shared>>)
      %dma_wait3A_225 = arith.constant 0 : i32
      %dma_wait3A_226 = tpu.memref_slice %arg5[%add3A_129, %dma_wait3A_225] : memref<80x128xi32, #tpu.memory_space<vmem>> -> memref<1x128xi32, #tpu.memory_space<vmem>>
      %dma_wait3A_227 = tpu.memref_squeeze %dma_wait3A_226 : memref<1x128xi32, #tpu.memory_space<vmem>> -> memref<128xi32, #tpu.memory_space<vmem>>
      %dma_wait3A_228 = arith.constant 0 : i32
      %dma_wait3A_229 = tpu.memref_slice %arg4[%dma_wait3A_228] : memref<10240xf32, #tpu.memory_space<vmem_shared>> -> memref<10240xf32, #tpu.memory_space<vmem_shared>>
      tpu.wait_indirect_dma semaphore(%arg8 : memref<!tpu.dma_semaphore, #tpu.memory_space<semaphore_mem>>) src(%arg6 : memref<128xf32, #tpu.memory_space<vmem>>) dst(%dma_wait3A_229 : memref<10240xf32, #tpu.memory_space<vmem_shared>>)
      %dma_wait3A_230 = arith.constant 0 : i32
      %dma_wait3A_231 = tpu.memref_slice %arg5[%add3A_138, %dma_wait3A_230] : memref<80x128xi32, #tpu.memory_space<vmem>> -> memref<1x128xi32, #tpu.memory_space<vmem>>
      %dma_wait3A_232 = tpu.memref_squeeze %dma_wait3A_231 : memref<1x128xi32, #tpu.memory_space<vmem>> -> memref<128xi32, #tpu.memory_space<vmem>>
      %dma_wait3A_233 = arith.constant 0 : i32
      %dma_wait3A_234 = tpu.memref_slice %arg4[%dma_wait3A_233] : memref<10240xf32, #tpu.memory_space<vmem_shared>> -> memref<10240xf32, #tpu.memory_space<vmem_shared>>
      tpu.wait_indirect_dma semaphore(%arg8 : memref<!tpu.dma_semaphore, #tpu.memory_space<semaphore_mem>>) src(%arg6 : memref<128xf32, #tpu.memory_space<vmem>>) dst(%dma_wait3A_234 : memref<10240xf32, #tpu.memory_space<vmem_shared>>)
      %dma_wait3A_235 = arith.constant 0 : i32
      %dma_wait3A_236 = tpu.memref_slice %arg5[%add3A_147, %dma_wait3A_235] : memref<80x128xi32, #tpu.memory_space<vmem>> -> memref<1x128xi32, #tpu.memory_space<vmem>>
      %dma_wait3A_237 = tpu.memref_squeeze %dma_wait3A_236 : memref<1x128xi32, #tpu.memory_space<vmem>> -> memref<128xi32, #tpu.memory_space<vmem>>
      %dma_wait3A_238 = arith.constant 0 : i32
      %dma_wait3A_239 = tpu.memref_slice %arg4[%dma_wait3A_238] : memref<10240xf32, #tpu.memory_space<vmem_shared>> -> memref<10240xf32, #tpu.memory_space<vmem_shared>>
      tpu.wait_indirect_dma semaphore(%arg8 : memref<!tpu.dma_semaphore, #tpu.memory_space<semaphore_mem>>) src(%arg6 : memref<128xf32, #tpu.memory_space<vmem>>) dst(%dma_wait3A_239 : memref<10240xf32, #tpu.memory_space<vmem_shared>>)
      %dma_wait3A_240 = arith.constant 0 : i32
      %dma_wait3A_241 = tpu.memref_slice %arg5[%add3A_156, %dma_wait3A_240] : memref<80x128xi32, #tpu.memory_space<vmem>> -> memref<1x128xi32, #tpu.memory_space<vmem>>
      %dma_wait3A_242 = tpu.memref_squeeze %dma_wait3A_241 : memref<1x128xi32, #tpu.memory_space<vmem>> -> memref<128xi32, #tpu.memory_space<vmem>>
      %dma_wait3A_243 = arith.constant 0 : i32
      %dma_wait3A_244 = tpu.memref_slice %arg4[%dma_wait3A_243] : memref<10240xf32, #tpu.memory_space<vmem_shared>> -> memref<10240xf32, #tpu.memory_space<vmem_shared>>
      tpu.wait_indirect_dma semaphore(%arg8 : memref<!tpu.dma_semaphore, #tpu.memory_space<semaphore_mem>>) src(%arg6 : memref<128xf32, #tpu.memory_space<vmem>>) dst(%dma_wait3A_244 : memref<10240xf32, #tpu.memory_space<vmem_shared>>)
      %dma_wait3A_245 = arith.constant 0 : i32
      %dma_wait3A_246 = tpu.memref_slice %arg5[%add3A_165, %dma_wait3A_245] : memref<80x128xi32, #tpu.memory_space<vmem>> -> memref<1x128xi32, #tpu.memory_space<vmem>>
      %dma_wait3A_247 = tpu.memref_squeeze %dma_wait3A_246 : memref<1x128xi32, #tpu.memory_space<vmem>> -> memref<128xi32, #tpu.memory_space<vmem>>
      %dma_wait3A_248 = arith.constant 0 : i32
      %dma_wait3A_249 = tpu.memref_slice %arg4[%dma_wait3A_248] : memref<10240xf32, #tpu.memory_space<vmem_shared>> -> memref<10240xf32, #tpu.memory_space<vmem_shared>>
      tpu.wait_indirect_dma semaphore(%arg8 : memref<!tpu.dma_semaphore, #tpu.memory_space<semaphore_mem>>) src(%arg6 : memref<128xf32, #tpu.memory_space<vmem>>) dst(%dma_wait3A_249 : memref<10240xf32, #tpu.memory_space<vmem_shared>>)
    }
    %scan3A_17 = arith.constant 5 : i32
    %barrier3A_18 = arith.constant 0 : index
    tpu.barrier barrier_id(%barrier3A_18)
    %mul3A_19 = arith.constant 640 : i32
    %mul3A_20 = arith.muli %arg1, %mul3A_19 : i32
    %mul3A_21 = arith.constant 640 : i32
    %mul3A_22 = arith.muli %arg1, %mul3A_21 : i32
    "tpu.region"() ({
      %run_scoped3A_23 = tpu.sem_alloc : memref<!tpu.dma_semaphore, #tpu.memory_space<semaphore_mem>>
      %dma_start3A = tpu.memref_slice %arg3[%arg0, %mul3A_22] : memref<2x10240xf32, #tpu.memory_space<hbm>> -> memref<1x640xf32, #tpu.memory_space<hbm>>
      %dma_start3A_24 = tpu.memref_squeeze %dma_start3A : memref<1x640xf32, #tpu.memory_space<hbm>> -> memref<640xf32, #tpu.memory_space<hbm>>
      %dma_start3A_25 = tpu.memref_slice %arg4[%mul3A_20] : memref<10240xf32, #tpu.memory_space<vmem_shared>> -> memref<640xf32, #tpu.memory_space<vmem_shared>>
      tpu.enqueue_dma source(%dma_start3A_25 : memref<640xf32, #tpu.memory_space<vmem_shared>>) target(%dma_start3A_24 : memref<640xf32, #tpu.memory_space<hbm>>) target_semaphore(%run_scoped3A_23 : memref<!tpu.dma_semaphore, #tpu.memory_space<semaphore_mem>>)
      %dma_wait3A = tpu.memref_slice %arg3[%arg0, %mul3A_22] : memref<2x10240xf32, #tpu.memory_space<hbm>> -> memref<1x640xf32, #tpu.memory_space<hbm>>
      %dma_wait3A_26 = tpu.memref_squeeze %dma_wait3A : memref<1x640xf32, #tpu.memory_space<hbm>> -> memref<640xf32, #tpu.memory_space<hbm>>
      %dma_wait3A_27 = tpu.memref_slice %arg4[%mul3A_20] : memref<10240xf32, #tpu.memory_space<vmem_shared>> -> memref<640xf32, #tpu.memory_space<vmem_shared>>
      tpu.wait_dma2 semaphore(%run_scoped3A_23 : memref<!tpu.dma_semaphore, #tpu.memory_space<semaphore_mem>>) src(%dma_wait3A_27 : memref<640xf32, #tpu.memory_space<vmem_shared>>) dst(%dma_wait3A_26 : memref<640xf32, #tpu.memory_space<hbm>>)
      tpu.yield
    }) : () -> ()
    return
  }
}

#map = affine_map<(d0, d1) -> (0, 0)>
#map1 = affine_map<(d0, d1) -> (0, 0, 0, 0)>
#map2 = affine_map<(d0, d1) -> (0, 0, 0)>
module attributes {stable_mosaic.version = 14 : i64} {
  func.func @_agg_body(%arg0: i32, %arg1: i32, %arg2: memref<10240x16xf32, #tpu.memory_space<hbm>>, %arg3: memref<10240x16xf32, #tpu.memory_space<hbm>>, %arg4: memref<2x32x80x128xi32, #tpu.memory_space<hbm>>, %arg5: memref<2x10240x16xf32, #tpu.memory_space<hbm>>, %arg6: memref<10240x16xf32, #tpu.memory_space<vmem_shared>>, %arg7: memref<10240x16xf32, #tpu.memory_space<vmem_shared>>, %arg8: memref<80x128xi32, #tpu.memory_space<vmem>>, %arg9: memref<80x128xi32, #tpu.memory_space<vmem>>, %arg10: memref<16x128x16xf32, #tpu.memory_space<vmem>>, %arg11: memref<!tpu.dma_semaphore, #tpu.memory_space<semaphore_mem>>, %arg12: memref<!tpu.dma_semaphore, #tpu.memory_space<semaphore_mem>>, %arg13: memref<!tpu.dma_semaphore, #tpu.memory_space<semaphore_mem>>) attributes {dimension_semantics = [#tpu.dimension_semantics<core_parallel>, #tpu.dimension_semantics<subcore_parallel>], iteration_bounds = array<i64: 2, 16>, scalar_prefetch = 0 : i64, scratch_operands = 8 : i64, tpu.core_type = #tpu.core_type<sc_vector_subcore>, window_params = [{transform_indices = #map}, {transform_indices = #map}, {transform_indices = #map1}, {transform_indices = #map2}]} {
    %mul3A = arith.constant 16 : i32
    %mul3A_0 = arith.muli %arg0, %mul3A : i32
    %add3A = arith.addi %mul3A_0, %arg1 : i32
    %mul3A_1 = arith.constant 640 : i32
    %mul3A_2 = arith.muli %arg1, %mul3A_1 : i32
    %mul3A_3 = arith.constant 640 : i32
    %mul3A_4 = arith.muli %arg1, %mul3A_3 : i32
    "tpu.region"() ({
      %run_scoped3A_114 = tpu.sem_alloc : memref<!tpu.dma_semaphore, #tpu.memory_space<semaphore_mem>>
      %dma_start3A_115 = arith.constant 0 : i32
      %dma_start3A_116 = tpu.memref_slice %arg7[%mul3A_4, %dma_start3A_115] : memref<10240x16xf32, #tpu.memory_space<vmem_shared>> -> memref<640x16xf32, #tpu.memory_space<vmem_shared>>
      %dma_start3A_117 = arith.constant 0 : i32
      %dma_start3A_118 = tpu.memref_slice %arg3[%mul3A_2, %dma_start3A_117] : memref<10240x16xf32, #tpu.memory_space<hbm>> -> memref<640x16xf32, #tpu.memory_space<hbm>>
      tpu.enqueue_dma source(%dma_start3A_118 : memref<640x16xf32, #tpu.memory_space<hbm>>) target(%dma_start3A_116 : memref<640x16xf32, #tpu.memory_space<vmem_shared>>) target_semaphore(%run_scoped3A_114 : memref<!tpu.dma_semaphore, #tpu.memory_space<semaphore_mem>>)
      %dma_wait3A = arith.constant 0 : i32
      %dma_wait3A_119 = tpu.memref_slice %arg7[%mul3A_4, %dma_wait3A] : memref<10240x16xf32, #tpu.memory_space<vmem_shared>> -> memref<640x16xf32, #tpu.memory_space<vmem_shared>>
      %dma_wait3A_120 = arith.constant 0 : i32
      %dma_wait3A_121 = tpu.memref_slice %arg3[%mul3A_2, %dma_wait3A_120] : memref<10240x16xf32, #tpu.memory_space<hbm>> -> memref<640x16xf32, #tpu.memory_space<hbm>>
      tpu.wait_dma2 semaphore(%run_scoped3A_114 : memref<!tpu.dma_semaphore, #tpu.memory_space<semaphore_mem>>) src(%dma_wait3A_121 : memref<640x16xf32, #tpu.memory_space<hbm>>) dst(%dma_wait3A_119 : memref<640x16xf32, #tpu.memory_space<vmem_shared>>)
      tpu.yield
    }) : () -> ()
    %mul3A_5 = arith.constant 640 : i32
    %mul3A_6 = arith.muli %arg1, %mul3A_5 : i32
    %mul3A_7 = arith.constant 640 : i32
    %mul3A_8 = arith.muli %arg1, %mul3A_7 : i32
    "tpu.region"() ({
      %run_scoped3A_114 = tpu.sem_alloc : memref<!tpu.dma_semaphore, #tpu.memory_space<semaphore_mem>>
      %dma_start3A_115 = arith.constant 0 : i32
      %dma_start3A_116 = tpu.memref_slice %arg6[%mul3A_8, %dma_start3A_115] : memref<10240x16xf32, #tpu.memory_space<vmem_shared>> -> memref<640x16xf32, #tpu.memory_space<vmem_shared>>
      %dma_start3A_117 = arith.constant 0 : i32
      %dma_start3A_118 = tpu.memref_slice %arg2[%mul3A_6, %dma_start3A_117] : memref<10240x16xf32, #tpu.memory_space<hbm>> -> memref<640x16xf32, #tpu.memory_space<hbm>>
      tpu.enqueue_dma source(%dma_start3A_118 : memref<640x16xf32, #tpu.memory_space<hbm>>) target(%dma_start3A_116 : memref<640x16xf32, #tpu.memory_space<vmem_shared>>) target_semaphore(%run_scoped3A_114 : memref<!tpu.dma_semaphore, #tpu.memory_space<semaphore_mem>>)
      %dma_wait3A = arith.constant 0 : i32
      %dma_wait3A_119 = tpu.memref_slice %arg6[%mul3A_8, %dma_wait3A] : memref<10240x16xf32, #tpu.memory_space<vmem_shared>> -> memref<640x16xf32, #tpu.memory_space<vmem_shared>>
      %dma_wait3A_120 = arith.constant 0 : i32
      %dma_wait3A_121 = tpu.memref_slice %arg2[%mul3A_6, %dma_wait3A_120] : memref<10240x16xf32, #tpu.memory_space<hbm>> -> memref<640x16xf32, #tpu.memory_space<hbm>>
      tpu.wait_dma2 semaphore(%run_scoped3A_114 : memref<!tpu.dma_semaphore, #tpu.memory_space<semaphore_mem>>) src(%dma_wait3A_121 : memref<640x16xf32, #tpu.memory_space<hbm>>) dst(%dma_wait3A_119 : memref<640x16xf32, #tpu.memory_space<vmem_shared>>)
      tpu.yield
    }) : () -> ()
    %run_scoped3A = arith.constant 0 : i32
    "tpu.region"() ({
      %run_scoped3A_114 = tpu.sem_alloc : memref<!tpu.dma_semaphore, #tpu.memory_space<semaphore_mem>>
      %dma_start3A_115 = arith.constant 0 : i32
      %dma_start3A_116 = arith.constant 0 : i32
      %dma_start3A_117 = tpu.memref_slice %arg4[%run_scoped3A, %add3A, %dma_start3A_115, %dma_start3A_116] : memref<2x32x80x128xi32, #tpu.memory_space<hbm>> -> memref<1x1x80x128xi32, #tpu.memory_space<hbm>>
      %dma_start3A_118 = tpu.memref_squeeze %dma_start3A_117 : memref<1x1x80x128xi32, #tpu.memory_space<hbm>> -> memref<80x128xi32, #tpu.memory_space<hbm>>
      %dma_start3A_119 = arith.constant 0 : i32
      %dma_start3A_120 = arith.constant 0 : i32
      %dma_start3A_121 = tpu.memref_slice %arg4[%run_scoped3A, %add3A, %dma_start3A_119, %dma_start3A_120] : memref<2x32x80x128xi32, #tpu.memory_space<hbm>> -> memref<1x1x80x128xi32, #tpu.memory_space<hbm>>
      %dma_start3A_122 = tpu.memref_squeeze %dma_start3A_121 : memref<1x1x80x128xi32, #tpu.memory_space<hbm>> -> memref<80x128xi32, #tpu.memory_space<hbm>>
      tpu.enqueue_dma source(%dma_start3A_122 : memref<80x128xi32, #tpu.memory_space<hbm>>) target(%arg8 : memref<80x128xi32, #tpu.memory_space<vmem>>) target_semaphore(%run_scoped3A_114 : memref<!tpu.dma_semaphore, #tpu.memory_space<semaphore_mem>>)
      %dma_wait3A = arith.constant 0 : i32
      %dma_wait3A_123 = arith.constant 0 : i32
      %dma_wait3A_124 = tpu.memref_slice %arg4[%run_scoped3A, %add3A, %dma_wait3A, %dma_wait3A_123] : memref<2x32x80x128xi32, #tpu.memory_space<hbm>> -> memref<1x1x80x128xi32, #tpu.memory_space<hbm>>
      %dma_wait3A_125 = tpu.memref_squeeze %dma_wait3A_124 : memref<1x1x80x128xi32, #tpu.memory_space<hbm>> -> memref<80x128xi32, #tpu.memory_space<hbm>>
      %dma_wait3A_126 = arith.constant 0 : i32
      %dma_wait3A_127 = arith.constant 0 : i32
      %dma_wait3A_128 = tpu.memref_slice %arg4[%run_scoped3A, %add3A, %dma_wait3A_126, %dma_wait3A_127] : memref<2x32x80x128xi32, #tpu.memory_space<hbm>> -> memref<1x1x80x128xi32, #tpu.memory_space<hbm>>
      %dma_wait3A_129 = tpu.memref_squeeze %dma_wait3A_128 : memref<1x1x80x128xi32, #tpu.memory_space<hbm>> -> memref<80x128xi32, #tpu.memory_space<hbm>>
      tpu.wait_dma2 semaphore(%run_scoped3A_114 : memref<!tpu.dma_semaphore, #tpu.memory_space<semaphore_mem>>) src(%dma_wait3A_129 : memref<80x128xi32, #tpu.memory_space<hbm>>) dst(%arg8 : memref<80x128xi32, #tpu.memory_space<vmem>>)
      tpu.yield
    }) : () -> ()
    %run_scoped3A_9 = arith.constant 1 : i32
    "tpu.region"() ({
      %run_scoped3A_114 = tpu.sem_alloc : memref<!tpu.dma_semaphore, #tpu.memory_space<semaphore_mem>>
      %dma_start3A_115 = arith.constant 0 : i32
      %dma_start3A_116 = arith.constant 0 : i32
      %dma_start3A_117 = tpu.memref_slice %arg4[%run_scoped3A_9, %add3A, %dma_start3A_115, %dma_start3A_116] : memref<2x32x80x128xi32, #tpu.memory_space<hbm>> -> memref<1x1x80x128xi32, #tpu.memory_space<hbm>>
      %dma_start3A_118 = tpu.memref_squeeze %dma_start3A_117 : memref<1x1x80x128xi32, #tpu.memory_space<hbm>> -> memref<80x128xi32, #tpu.memory_space<hbm>>
      %dma_start3A_119 = arith.constant 0 : i32
      %dma_start3A_120 = arith.constant 0 : i32
      %dma_start3A_121 = tpu.memref_slice %arg4[%run_scoped3A_9, %add3A, %dma_start3A_119, %dma_start3A_120] : memref<2x32x80x128xi32, #tpu.memory_space<hbm>> -> memref<1x1x80x128xi32, #tpu.memory_space<hbm>>
      %dma_start3A_122 = tpu.memref_squeeze %dma_start3A_121 : memref<1x1x80x128xi32, #tpu.memory_space<hbm>> -> memref<80x128xi32, #tpu.memory_space<hbm>>
      tpu.enqueue_dma source(%dma_start3A_122 : memref<80x128xi32, #tpu.memory_space<hbm>>) target(%arg9 : memref<80x128xi32, #tpu.memory_space<vmem>>) target_semaphore(%run_scoped3A_114 : memref<!tpu.dma_semaphore, #tpu.memory_space<semaphore_mem>>)
      %dma_wait3A = arith.constant 0 : i32
      %dma_wait3A_123 = arith.constant 0 : i32
      %dma_wait3A_124 = tpu.memref_slice %arg4[%run_scoped3A_9, %add3A, %dma_wait3A, %dma_wait3A_123] : memref<2x32x80x128xi32, #tpu.memory_space<hbm>> -> memref<1x1x80x128xi32, #tpu.memory_space<hbm>>
      %dma_wait3A_125 = tpu.memref_squeeze %dma_wait3A_124 : memref<1x1x80x128xi32, #tpu.memory_space<hbm>> -> memref<80x128xi32, #tpu.memory_space<hbm>>
      %dma_wait3A_126 = arith.constant 0 : i32
      %dma_wait3A_127 = arith.constant 0 : i32
      %dma_wait3A_128 = tpu.memref_slice %arg4[%run_scoped3A_9, %add3A, %dma_wait3A_126, %dma_wait3A_127] : memref<2x32x80x128xi32, #tpu.memory_space<hbm>> -> memref<1x1x80x128xi32, #tpu.memory_space<hbm>>
      %dma_wait3A_129 = tpu.memref_squeeze %dma_wait3A_128 : memref<1x1x80x128xi32, #tpu.memory_space<hbm>> -> memref<80x128xi32, #tpu.memory_space<hbm>>
      tpu.wait_dma2 semaphore(%run_scoped3A_114 : memref<!tpu.dma_semaphore, #tpu.memory_space<semaphore_mem>>) src(%dma_wait3A_129 : memref<80x128xi32, #tpu.memory_space<hbm>>) dst(%arg9 : memref<80x128xi32, #tpu.memory_space<vmem>>)
      tpu.yield
    }) : () -> ()
    %barrier3A = arith.constant 0 : index
    tpu.barrier barrier_id(%barrier3A)
    %dma_start3A = arith.constant 0 : i32
    %dma_start3A_10 = arith.constant 0 : i32
    %dma_start3A_11 = arith.constant 0 : i32
    %dma_start3A_12 = arith.constant 0 : i32
    %dma_start3A_13 = tpu.memref_slice %arg10[%dma_start3A_10, %dma_start3A_11, %dma_start3A_12] : memref<16x128x16xf32, #tpu.memory_space<vmem>> -> memref<1x128x16xf32, #tpu.memory_space<vmem>>
    %dma_start3A_14 = tpu.memref_squeeze %dma_start3A_13 : memref<1x128x16xf32, #tpu.memory_space<vmem>> -> memref<128x16xf32, #tpu.memory_space<vmem>>
    %dma_start3A_15 = arith.constant 0 : i32
    %dma_start3A_16 = tpu.memref_slice %arg8[%dma_start3A, %dma_start3A_15] : memref<80x128xi32, #tpu.memory_space<vmem>> -> memref<1x128xi32, #tpu.memory_space<vmem>>
    %dma_start3A_17 = tpu.memref_squeeze %dma_start3A_16 : memref<1x128xi32, #tpu.memory_space<vmem>> -> memref<128xi32, #tpu.memory_space<vmem>>
    %dma_start3A_18 = arith.constant 0 : i32
    %dma_start3A_19 = arith.constant 0 : i32
    %dma_start3A_20 = tpu.memref_slice %arg6[%dma_start3A_18, %dma_start3A_19] : memref<10240x16xf32, #tpu.memory_space<vmem_shared>> -> memref<10240x16xf32, #tpu.memory_space<vmem_shared>>
    tpu.enqueue_indirect_dma source(%dma_start3A_20 : memref<10240x16xf32, #tpu.memory_space<vmem_shared>>) target(%dma_start3A_14 : memref<128x16xf32, #tpu.memory_space<vmem>>) offsets(%dma_start3A_17 : memref<128xi32, #tpu.memory_space<vmem>>) semaphore(%arg11 : memref<!tpu.dma_semaphore, #tpu.memory_space<semaphore_mem>>)
    %dma_start3A_21 = arith.constant 1 : i32
    %dma_start3A_22 = arith.constant 1 : i32
    %dma_start3A_23 = arith.constant 0 : i32
    %dma_start3A_24 = arith.constant 0 : i32
    %dma_start3A_25 = tpu.memref_slice %arg10[%dma_start3A_22, %dma_start3A_23, %dma_start3A_24] : memref<16x128x16xf32, #tpu.memory_space<vmem>> -> memref<1x128x16xf32, #tpu.memory_space<vmem>>
    %dma_start3A_26 = tpu.memref_squeeze %dma_start3A_25 : memref<1x128x16xf32, #tpu.memory_space<vmem>> -> memref<128x16xf32, #tpu.memory_space<vmem>>
    %dma_start3A_27 = arith.constant 0 : i32
    %dma_start3A_28 = tpu.memref_slice %arg8[%dma_start3A_21, %dma_start3A_27] : memref<80x128xi32, #tpu.memory_space<vmem>> -> memref<1x128xi32, #tpu.memory_space<vmem>>
    %dma_start3A_29 = tpu.memref_squeeze %dma_start3A_28 : memref<1x128xi32, #tpu.memory_space<vmem>> -> memref<128xi32, #tpu.memory_space<vmem>>
    %dma_start3A_30 = arith.constant 0 : i32
    %dma_start3A_31 = arith.constant 0 : i32
    %dma_start3A_32 = tpu.memref_slice %arg6[%dma_start3A_30, %dma_start3A_31] : memref<10240x16xf32, #tpu.memory_space<vmem_shared>> -> memref<10240x16xf32, #tpu.memory_space<vmem_shared>>
    tpu.enqueue_indirect_dma source(%dma_start3A_32 : memref<10240x16xf32, #tpu.memory_space<vmem_shared>>) target(%dma_start3A_26 : memref<128x16xf32, #tpu.memory_space<vmem>>) offsets(%dma_start3A_29 : memref<128xi32, #tpu.memory_space<vmem>>) semaphore(%arg11 : memref<!tpu.dma_semaphore, #tpu.memory_space<semaphore_mem>>)
    %dma_start3A_33 = arith.constant 2 : i32
    %dma_start3A_34 = arith.constant 2 : i32
    %dma_start3A_35 = arith.constant 0 : i32
    %dma_start3A_36 = arith.constant 0 : i32
    %dma_start3A_37 = tpu.memref_slice %arg10[%dma_start3A_34, %dma_start3A_35, %dma_start3A_36] : memref<16x128x16xf32, #tpu.memory_space<vmem>> -> memref<1x128x16xf32, #tpu.memory_space<vmem>>
    %dma_start3A_38 = tpu.memref_squeeze %dma_start3A_37 : memref<1x128x16xf32, #tpu.memory_space<vmem>> -> memref<128x16xf32, #tpu.memory_space<vmem>>
    %dma_start3A_39 = arith.constant 0 : i32
    %dma_start3A_40 = tpu.memref_slice %arg8[%dma_start3A_33, %dma_start3A_39] : memref<80x128xi32, #tpu.memory_space<vmem>> -> memref<1x128xi32, #tpu.memory_space<vmem>>
    %dma_start3A_41 = tpu.memref_squeeze %dma_start3A_40 : memref<1x128xi32, #tpu.memory_space<vmem>> -> memref<128xi32, #tpu.memory_space<vmem>>
    %dma_start3A_42 = arith.constant 0 : i32
    %dma_start3A_43 = arith.constant 0 : i32
    %dma_start3A_44 = tpu.memref_slice %arg6[%dma_start3A_42, %dma_start3A_43] : memref<10240x16xf32, #tpu.memory_space<vmem_shared>> -> memref<10240x16xf32, #tpu.memory_space<vmem_shared>>
    tpu.enqueue_indirect_dma source(%dma_start3A_44 : memref<10240x16xf32, #tpu.memory_space<vmem_shared>>) target(%dma_start3A_38 : memref<128x16xf32, #tpu.memory_space<vmem>>) offsets(%dma_start3A_41 : memref<128xi32, #tpu.memory_space<vmem>>) semaphore(%arg11 : memref<!tpu.dma_semaphore, #tpu.memory_space<semaphore_mem>>)
    %dma_start3A_45 = arith.constant 3 : i32
    %dma_start3A_46 = arith.constant 3 : i32
    %dma_start3A_47 = arith.constant 0 : i32
    %dma_start3A_48 = arith.constant 0 : i32
    %dma_start3A_49 = tpu.memref_slice %arg10[%dma_start3A_46, %dma_start3A_47, %dma_start3A_48] : memref<16x128x16xf32, #tpu.memory_space<vmem>> -> memref<1x128x16xf32, #tpu.memory_space<vmem>>
    %dma_start3A_50 = tpu.memref_squeeze %dma_start3A_49 : memref<1x128x16xf32, #tpu.memory_space<vmem>> -> memref<128x16xf32, #tpu.memory_space<vmem>>
    %dma_start3A_51 = arith.constant 0 : i32
    %dma_start3A_52 = tpu.memref_slice %arg8[%dma_start3A_45, %dma_start3A_51] : memref<80x128xi32, #tpu.memory_space<vmem>> -> memref<1x128xi32, #tpu.memory_space<vmem>>
    %dma_start3A_53 = tpu.memref_squeeze %dma_start3A_52 : memref<1x128xi32, #tpu.memory_space<vmem>> -> memref<128xi32, #tpu.memory_space<vmem>>
    %dma_start3A_54 = arith.constant 0 : i32
    %dma_start3A_55 = arith.constant 0 : i32
    %dma_start3A_56 = tpu.memref_slice %arg6[%dma_start3A_54, %dma_start3A_55] : memref<10240x16xf32, #tpu.memory_space<vmem_shared>> -> memref<10240x16xf32, #tpu.memory_space<vmem_shared>>
    tpu.enqueue_indirect_dma source(%dma_start3A_56 : memref<10240x16xf32, #tpu.memory_space<vmem_shared>>) target(%dma_start3A_50 : memref<128x16xf32, #tpu.memory_space<vmem>>) offsets(%dma_start3A_53 : memref<128xi32, #tpu.memory_space<vmem>>) semaphore(%arg11 : memref<!tpu.dma_semaphore, #tpu.memory_space<semaphore_mem>>)
    %dma_start3A_57 = arith.constant 4 : i32
    %dma_start3A_58 = arith.constant 4 : i32
    %dma_start3A_59 = arith.constant 0 : i32
    %dma_start3A_60 = arith.constant 0 : i32
    %dma_start3A_61 = tpu.memref_slice %arg10[%dma_start3A_58, %dma_start3A_59, %dma_start3A_60] : memref<16x128x16xf32, #tpu.memory_space<vmem>> -> memref<1x128x16xf32, #tpu.memory_space<vmem>>
    %dma_start3A_62 = tpu.memref_squeeze %dma_start3A_61 : memref<1x128x16xf32, #tpu.memory_space<vmem>> -> memref<128x16xf32, #tpu.memory_space<vmem>>
    %dma_start3A_63 = arith.constant 0 : i32
    %dma_start3A_64 = tpu.memref_slice %arg8[%dma_start3A_57, %dma_start3A_63] : memref<80x128xi32, #tpu.memory_space<vmem>> -> memref<1x128xi32, #tpu.memory_space<vmem>>
    %dma_start3A_65 = tpu.memref_squeeze %dma_start3A_64 : memref<1x128xi32, #tpu.memory_space<vmem>> -> memref<128xi32, #tpu.memory_space<vmem>>
    %dma_start3A_66 = arith.constant 0 : i32
    %dma_start3A_67 = arith.constant 0 : i32
    %dma_start3A_68 = tpu.memref_slice %arg6[%dma_start3A_66, %dma_start3A_67] : memref<10240x16xf32, #tpu.memory_space<vmem_shared>> -> memref<10240x16xf32, #tpu.memory_space<vmem_shared>>
    tpu.enqueue_indirect_dma source(%dma_start3A_68 : memref<10240x16xf32, #tpu.memory_space<vmem_shared>>) target(%dma_start3A_62 : memref<128x16xf32, #tpu.memory_space<vmem>>) offsets(%dma_start3A_65 : memref<128xi32, #tpu.memory_space<vmem>>) semaphore(%arg11 : memref<!tpu.dma_semaphore, #tpu.memory_space<semaphore_mem>>)
    %dma_start3A_69 = arith.constant 5 : i32
    %dma_start3A_70 = arith.constant 5 : i32
    %dma_start3A_71 = arith.constant 0 : i32
    %dma_start3A_72 = arith.constant 0 : i32
    %dma_start3A_73 = tpu.memref_slice %arg10[%dma_start3A_70, %dma_start3A_71, %dma_start3A_72] : memref<16x128x16xf32, #tpu.memory_space<vmem>> -> memref<1x128x16xf32, #tpu.memory_space<vmem>>
    %dma_start3A_74 = tpu.memref_squeeze %dma_start3A_73 : memref<1x128x16xf32, #tpu.memory_space<vmem>> -> memref<128x16xf32, #tpu.memory_space<vmem>>
    %dma_start3A_75 = arith.constant 0 : i32
    %dma_start3A_76 = tpu.memref_slice %arg8[%dma_start3A_69, %dma_start3A_75] : memref<80x128xi32, #tpu.memory_space<vmem>> -> memref<1x128xi32, #tpu.memory_space<vmem>>
    %dma_start3A_77 = tpu.memref_squeeze %dma_start3A_76 : memref<1x128xi32, #tpu.memory_space<vmem>> -> memref<128xi32, #tpu.memory_space<vmem>>
    %dma_start3A_78 = arith.constant 0 : i32
    %dma_start3A_79 = arith.constant 0 : i32
    %dma_start3A_80 = tpu.memref_slice %arg6[%dma_start3A_78, %dma_start3A_79] : memref<10240x16xf32, #tpu.memory_space<vmem_shared>> -> memref<10240x16xf32, #tpu.memory_space<vmem_shared>>
    tpu.enqueue_indirect_dma source(%dma_start3A_80 : memref<10240x16xf32, #tpu.memory_space<vmem_shared>>) target(%dma_start3A_74 : memref<128x16xf32, #tpu.memory_space<vmem>>) offsets(%dma_start3A_77 : memref<128xi32, #tpu.memory_space<vmem>>) semaphore(%arg11 : memref<!tpu.dma_semaphore, #tpu.memory_space<semaphore_mem>>)
    %dma_start3A_81 = arith.constant 6 : i32
    %dma_start3A_82 = arith.constant 6 : i32
    %dma_start3A_83 = arith.constant 0 : i32
    %dma_start3A_84 = arith.constant 0 : i32
    %dma_start3A_85 = tpu.memref_slice %arg10[%dma_start3A_82, %dma_start3A_83, %dma_start3A_84] : memref<16x128x16xf32, #tpu.memory_space<vmem>> -> memref<1x128x16xf32, #tpu.memory_space<vmem>>
    %dma_start3A_86 = tpu.memref_squeeze %dma_start3A_85 : memref<1x128x16xf32, #tpu.memory_space<vmem>> -> memref<128x16xf32, #tpu.memory_space<vmem>>
    %dma_start3A_87 = arith.constant 0 : i32
    %dma_start3A_88 = tpu.memref_slice %arg8[%dma_start3A_81, %dma_start3A_87] : memref<80x128xi32, #tpu.memory_space<vmem>> -> memref<1x128xi32, #tpu.memory_space<vmem>>
    %dma_start3A_89 = tpu.memref_squeeze %dma_start3A_88 : memref<1x128xi32, #tpu.memory_space<vmem>> -> memref<128xi32, #tpu.memory_space<vmem>>
    %dma_start3A_90 = arith.constant 0 : i32
    %dma_start3A_91 = arith.constant 0 : i32
    %dma_start3A_92 = tpu.memref_slice %arg6[%dma_start3A_90, %dma_start3A_91] : memref<10240x16xf32, #tpu.memory_space<vmem_shared>> -> memref<10240x16xf32, #tpu.memory_space<vmem_shared>>
    tpu.enqueue_indirect_dma source(%dma_start3A_92 : memref<10240x16xf32, #tpu.memory_space<vmem_shared>>) target(%dma_start3A_86 : memref<128x16xf32, #tpu.memory_space<vmem>>) offsets(%dma_start3A_89 : memref<128xi32, #tpu.memory_space<vmem>>) semaphore(%arg11 : memref<!tpu.dma_semaphore, #tpu.memory_space<semaphore_mem>>)
    %dma_start3A_93 = arith.constant 7 : i32
    %dma_start3A_94 = arith.constant 7 : i32
    %dma_start3A_95 = arith.constant 0 : i32
    %dma_start3A_96 = arith.constant 0 : i32
    %dma_start3A_97 = tpu.memref_slice %arg10[%dma_start3A_94, %dma_start3A_95, %dma_start3A_96] : memref<16x128x16xf32, #tpu.memory_space<vmem>> -> memref<1x128x16xf32, #tpu.memory_space<vmem>>
    %dma_start3A_98 = tpu.memref_squeeze %dma_start3A_97 : memref<1x128x16xf32, #tpu.memory_space<vmem>> -> memref<128x16xf32, #tpu.memory_space<vmem>>
    %dma_start3A_99 = arith.constant 0 : i32
    %dma_start3A_100 = tpu.memref_slice %arg8[%dma_start3A_93, %dma_start3A_99] : memref<80x128xi32, #tpu.memory_space<vmem>> -> memref<1x128xi32, #tpu.memory_space<vmem>>
    %dma_start3A_101 = tpu.memref_squeeze %dma_start3A_100 : memref<1x128xi32, #tpu.memory_space<vmem>> -> memref<128xi32, #tpu.memory_space<vmem>>
    %dma_start3A_102 = arith.constant 0 : i32
    %dma_start3A_103 = arith.constant 0 : i32
    %dma_start3A_104 = tpu.memref_slice %arg6[%dma_start3A_102, %dma_start3A_103] : memref<10240x16xf32, #tpu.memory_space<vmem_shared>> -> memref<10240x16xf32, #tpu.memory_space<vmem_shared>>
    tpu.enqueue_indirect_dma source(%dma_start3A_104 : memref<10240x16xf32, #tpu.memory_space<vmem_shared>>) target(%dma_start3A_98 : memref<128x16xf32, #tpu.memory_space<vmem>>) offsets(%dma_start3A_101 : memref<128xi32, #tpu.memory_space<vmem>>) semaphore(%arg11 : memref<!tpu.dma_semaphore, #tpu.memory_space<semaphore_mem>>)
    %scan3A = arith.constant 0 : i32
    %scan3A_105 = arith.constant 5 : i32
    %scan3A_106 = arith.addi %scan3A, %scan3A_105 : i32
    %scan3A_107 = arith.constant 1 : i32
    scf.for %scan3A_114 = %scan3A to %scan3A_106 step %scan3A_107  : i32 {
      %mul3A_115 = arith.constant 2 : i32
      %mul3A_116 = arith.muli %scan3A_114, %mul3A_115 : i32
      %add3A_117 = arith.constant 0 : i32
      %add3A_118 = arith.addi %add3A_117, %mul3A_116 : i32
      %add3A_119 = arith.constant 1 : i32
      %add3A_120 = arith.addi %add3A_118, %add3A_119 : i32
      %mul3A_121 = arith.constant 8 : i32
      %mul3A_122 = arith.muli %add3A_120, %mul3A_121 : i32
      %add3A_123 = arith.constant 0 : i32
      %add3A_124 = arith.addi %mul3A_122, %add3A_123 : i32
      %dma_start3A_125 = arith.constant 8 : i32
      %dma_start3A_126 = arith.constant 0 : i32
      %dma_start3A_127 = arith.constant 0 : i32
      %dma_start3A_128 = tpu.memref_slice %arg10[%dma_start3A_125, %dma_start3A_126, %dma_start3A_127] : memref<16x128x16xf32, #tpu.memory_space<vmem>> -> memref<1x128x16xf32, #tpu.memory_space<vmem>>
      %dma_start3A_129 = tpu.memref_squeeze %dma_start3A_128 : memref<1x128x16xf32, #tpu.memory_space<vmem>> -> memref<128x16xf32, #tpu.memory_space<vmem>>
      %dma_start3A_130 = arith.constant 0 : i32
      %dma_start3A_131 = tpu.memref_slice %arg8[%add3A_124, %dma_start3A_130] : memref<80x128xi32, #tpu.memory_space<vmem>> -> memref<1x128xi32, #tpu.memory_space<vmem>>
      %dma_start3A_132 = tpu.memref_squeeze %dma_start3A_131 : memref<1x128xi32, #tpu.memory_space<vmem>> -> memref<128xi32, #tpu.memory_space<vmem>>
      %dma_start3A_133 = arith.constant 0 : i32
      %dma_start3A_134 = arith.constant 0 : i32
      %dma_start3A_135 = tpu.memref_slice %arg6[%dma_start3A_133, %dma_start3A_134] : memref<10240x16xf32, #tpu.memory_space<vmem_shared>> -> memref<10240x16xf32, #tpu.memory_space<vmem_shared>>
      tpu.enqueue_indirect_dma source(%dma_start3A_135 : memref<10240x16xf32, #tpu.memory_space<vmem_shared>>) target(%dma_start3A_129 : memref<128x16xf32, #tpu.memory_space<vmem>>) offsets(%dma_start3A_132 : memref<128xi32, #tpu.memory_space<vmem>>) semaphore(%arg12 : memref<!tpu.dma_semaphore, #tpu.memory_space<semaphore_mem>>)
      %mul3A_136 = arith.constant 8 : i32
      %mul3A_137 = arith.muli %add3A_120, %mul3A_136 : i32
      %add3A_138 = arith.constant 1 : i32
      %add3A_139 = arith.addi %mul3A_137, %add3A_138 : i32
      %dma_start3A_140 = arith.constant 9 : i32
      %dma_start3A_141 = arith.constant 0 : i32
      %dma_start3A_142 = arith.constant 0 : i32
      %dma_start3A_143 = tpu.memref_slice %arg10[%dma_start3A_140, %dma_start3A_141, %dma_start3A_142] : memref<16x128x16xf32, #tpu.memory_space<vmem>> -> memref<1x128x16xf32, #tpu.memory_space<vmem>>
      %dma_start3A_144 = tpu.memref_squeeze %dma_start3A_143 : memref<1x128x16xf32, #tpu.memory_space<vmem>> -> memref<128x16xf32, #tpu.memory_space<vmem>>
      %dma_start3A_145 = arith.constant 0 : i32
      %dma_start3A_146 = tpu.memref_slice %arg8[%add3A_139, %dma_start3A_145] : memref<80x128xi32, #tpu.memory_space<vmem>> -> memref<1x128xi32, #tpu.memory_space<vmem>>
      %dma_start3A_147 = tpu.memref_squeeze %dma_start3A_146 : memref<1x128xi32, #tpu.memory_space<vmem>> -> memref<128xi32, #tpu.memory_space<vmem>>
      %dma_start3A_148 = arith.constant 0 : i32
      %dma_start3A_149 = arith.constant 0 : i32
      %dma_start3A_150 = tpu.memref_slice %arg6[%dma_start3A_148, %dma_start3A_149] : memref<10240x16xf32, #tpu.memory_space<vmem_shared>> -> memref<10240x16xf32, #tpu.memory_space<vmem_shared>>
      tpu.enqueue_indirect_dma source(%dma_start3A_150 : memref<10240x16xf32, #tpu.memory_space<vmem_shared>>) target(%dma_start3A_144 : memref<128x16xf32, #tpu.memory_space<vmem>>) offsets(%dma_start3A_147 : memref<128xi32, #tpu.memory_space<vmem>>) semaphore(%arg12 : memref<!tpu.dma_semaphore, #tpu.memory_space<semaphore_mem>>)
      %mul3A_151 = arith.constant 8 : i32
      %mul3A_152 = arith.muli %add3A_120, %mul3A_151 : i32
      %add3A_153 = arith.constant 2 : i32
      %add3A_154 = arith.addi %mul3A_152, %add3A_153 : i32
      %dma_start3A_155 = arith.constant 10 : i32
      %dma_start3A_156 = arith.constant 0 : i32
      %dma_start3A_157 = arith.constant 0 : i32
      %dma_start3A_158 = tpu.memref_slice %arg10[%dma_start3A_155, %dma_start3A_156, %dma_start3A_157] : memref<16x128x16xf32, #tpu.memory_space<vmem>> -> memref<1x128x16xf32, #tpu.memory_space<vmem>>
      %dma_start3A_159 = tpu.memref_squeeze %dma_start3A_158 : memref<1x128x16xf32, #tpu.memory_space<vmem>> -> memref<128x16xf32, #tpu.memory_space<vmem>>
      %dma_start3A_160 = arith.constant 0 : i32
      %dma_start3A_161 = tpu.memref_slice %arg8[%add3A_154, %dma_start3A_160] : memref<80x128xi32, #tpu.memory_space<vmem>> -> memref<1x128xi32, #tpu.memory_space<vmem>>
      %dma_start3A_162 = tpu.memref_squeeze %dma_start3A_161 : memref<1x128xi32, #tpu.memory_space<vmem>> -> memref<128xi32, #tpu.memory_space<vmem>>
      %dma_start3A_163 = arith.constant 0 : i32
      %dma_start3A_164 = arith.constant 0 : i32
      %dma_start3A_165 = tpu.memref_slice %arg6[%dma_start3A_163, %dma_start3A_164] : memref<10240x16xf32, #tpu.memory_space<vmem_shared>> -> memref<10240x16xf32, #tpu.memory_space<vmem_shared>>
      tpu.enqueue_indirect_dma source(%dma_start3A_165 : memref<10240x16xf32, #tpu.memory_space<vmem_shared>>) target(%dma_start3A_159 : memref<128x16xf32, #tpu.memory_space<vmem>>) offsets(%dma_start3A_162 : memref<128xi32, #tpu.memory_space<vmem>>) semaphore(%arg12 : memref<!tpu.dma_semaphore, #tpu.memory_space<semaphore_mem>>)
      %mul3A_166 = arith.constant 8 : i32
      %mul3A_167 = arith.muli %add3A_120, %mul3A_166 : i32
      %add3A_168 = arith.constant 3 : i32
      %add3A_169 = arith.addi %mul3A_167, %add3A_168 : i32
      %dma_start3A_170 = arith.constant 11 : i32
      %dma_start3A_171 = arith.constant 0 : i32
      %dma_start3A_172 = arith.constant 0 : i32
      %dma_start3A_173 = tpu.memref_slice %arg10[%dma_start3A_170, %dma_start3A_171, %dma_start3A_172] : memref<16x128x16xf32, #tpu.memory_space<vmem>> -> memref<1x128x16xf32, #tpu.memory_space<vmem>>
      %dma_start3A_174 = tpu.memref_squeeze %dma_start3A_173 : memref<1x128x16xf32, #tpu.memory_space<vmem>> -> memref<128x16xf32, #tpu.memory_space<vmem>>
      %dma_start3A_175 = arith.constant 0 : i32
      %dma_start3A_176 = tpu.memref_slice %arg8[%add3A_169, %dma_start3A_175] : memref<80x128xi32, #tpu.memory_space<vmem>> -> memref<1x128xi32, #tpu.memory_space<vmem>>
      %dma_start3A_177 = tpu.memref_squeeze %dma_start3A_176 : memref<1x128xi32, #tpu.memory_space<vmem>> -> memref<128xi32, #tpu.memory_space<vmem>>
      %dma_start3A_178 = arith.constant 0 : i32
      %dma_start3A_179 = arith.constant 0 : i32
      %dma_start3A_180 = tpu.memref_slice %arg6[%dma_start3A_178, %dma_start3A_179] : memref<10240x16xf32, #tpu.memory_space<vmem_shared>> -> memref<10240x16xf32, #tpu.memory_space<vmem_shared>>
      tpu.enqueue_indirect_dma source(%dma_start3A_180 : memref<10240x16xf32, #tpu.memory_space<vmem_shared>>) target(%dma_start3A_174 : memref<128x16xf32, #tpu.memory_space<vmem>>) offsets(%dma_start3A_177 : memref<128xi32, #tpu.memory_space<vmem>>) semaphore(%arg12 : memref<!tpu.dma_semaphore, #tpu.memory_space<semaphore_mem>>)
      %mul3A_181 = arith.constant 8 : i32
      %mul3A_182 = arith.muli %add3A_120, %mul3A_181 : i32
      %add3A_183 = arith.constant 4 : i32
      %add3A_184 = arith.addi %mul3A_182, %add3A_183 : i32
      %dma_start3A_185 = arith.constant 12 : i32
      %dma_start3A_186 = arith.constant 0 : i32
      %dma_start3A_187 = arith.constant 0 : i32
      %dma_start3A_188 = tpu.memref_slice %arg10[%dma_start3A_185, %dma_start3A_186, %dma_start3A_187] : memref<16x128x16xf32, #tpu.memory_space<vmem>> -> memref<1x128x16xf32, #tpu.memory_space<vmem>>
      %dma_start3A_189 = tpu.memref_squeeze %dma_start3A_188 : memref<1x128x16xf32, #tpu.memory_space<vmem>> -> memref<128x16xf32, #tpu.memory_space<vmem>>
      %dma_start3A_190 = arith.constant 0 : i32
      %dma_start3A_191 = tpu.memref_slice %arg8[%add3A_184, %dma_start3A_190] : memref<80x128xi32, #tpu.memory_space<vmem>> -> memref<1x128xi32, #tpu.memory_space<vmem>>
      %dma_start3A_192 = tpu.memref_squeeze %dma_start3A_191 : memref<1x128xi32, #tpu.memory_space<vmem>> -> memref<128xi32, #tpu.memory_space<vmem>>
      %dma_start3A_193 = arith.constant 0 : i32
      %dma_start3A_194 = arith.constant 0 : i32
      %dma_start3A_195 = tpu.memref_slice %arg6[%dma_start3A_193, %dma_start3A_194] : memref<10240x16xf32, #tpu.memory_space<vmem_shared>> -> memref<10240x16xf32, #tpu.memory_space<vmem_shared>>
      tpu.enqueue_indirect_dma source(%dma_start3A_195 : memref<10240x16xf32, #tpu.memory_space<vmem_shared>>) target(%dma_start3A_189 : memref<128x16xf32, #tpu.memory_space<vmem>>) offsets(%dma_start3A_192 : memref<128xi32, #tpu.memory_space<vmem>>) semaphore(%arg12 : memref<!tpu.dma_semaphore, #tpu.memory_space<semaphore_mem>>)
      %mul3A_196 = arith.constant 8 : i32
      %mul3A_197 = arith.muli %add3A_120, %mul3A_196 : i32
      %add3A_198 = arith.constant 5 : i32
      %add3A_199 = arith.addi %mul3A_197, %add3A_198 : i32
      %dma_start3A_200 = arith.constant 13 : i32
      %dma_start3A_201 = arith.constant 0 : i32
      %dma_start3A_202 = arith.constant 0 : i32
      %dma_start3A_203 = tpu.memref_slice %arg10[%dma_start3A_200, %dma_start3A_201, %dma_start3A_202] : memref<16x128x16xf32, #tpu.memory_space<vmem>> -> memref<1x128x16xf32, #tpu.memory_space<vmem>>
      %dma_start3A_204 = tpu.memref_squeeze %dma_start3A_203 : memref<1x128x16xf32, #tpu.memory_space<vmem>> -> memref<128x16xf32, #tpu.memory_space<vmem>>
      %dma_start3A_205 = arith.constant 0 : i32
      %dma_start3A_206 = tpu.memref_slice %arg8[%add3A_199, %dma_start3A_205] : memref<80x128xi32, #tpu.memory_space<vmem>> -> memref<1x128xi32, #tpu.memory_space<vmem>>
      %dma_start3A_207 = tpu.memref_squeeze %dma_start3A_206 : memref<1x128xi32, #tpu.memory_space<vmem>> -> memref<128xi32, #tpu.memory_space<vmem>>
      %dma_start3A_208 = arith.constant 0 : i32
      %dma_start3A_209 = arith.constant 0 : i32
      %dma_start3A_210 = tpu.memref_slice %arg6[%dma_start3A_208, %dma_start3A_209] : memref<10240x16xf32, #tpu.memory_space<vmem_shared>> -> memref<10240x16xf32, #tpu.memory_space<vmem_shared>>
      tpu.enqueue_indirect_dma source(%dma_start3A_210 : memref<10240x16xf32, #tpu.memory_space<vmem_shared>>) target(%dma_start3A_204 : memref<128x16xf32, #tpu.memory_space<vmem>>) offsets(%dma_start3A_207 : memref<128xi32, #tpu.memory_space<vmem>>) semaphore(%arg12 : memref<!tpu.dma_semaphore, #tpu.memory_space<semaphore_mem>>)
      %mul3A_211 = arith.constant 8 : i32
      %mul3A_212 = arith.muli %add3A_120, %mul3A_211 : i32
      %add3A_213 = arith.constant 6 : i32
      %add3A_214 = arith.addi %mul3A_212, %add3A_213 : i32
      %dma_start3A_215 = arith.constant 14 : i32
      %dma_start3A_216 = arith.constant 0 : i32
      %dma_start3A_217 = arith.constant 0 : i32
      %dma_start3A_218 = tpu.memref_slice %arg10[%dma_start3A_215, %dma_start3A_216, %dma_start3A_217] : memref<16x128x16xf32, #tpu.memory_space<vmem>> -> memref<1x128x16xf32, #tpu.memory_space<vmem>>
      %dma_start3A_219 = tpu.memref_squeeze %dma_start3A_218 : memref<1x128x16xf32, #tpu.memory_space<vmem>> -> memref<128x16xf32, #tpu.memory_space<vmem>>
      %dma_start3A_220 = arith.constant 0 : i32
      %dma_start3A_221 = tpu.memref_slice %arg8[%add3A_214, %dma_start3A_220] : memref<80x128xi32, #tpu.memory_space<vmem>> -> memref<1x128xi32, #tpu.memory_space<vmem>>
      %dma_start3A_222 = tpu.memref_squeeze %dma_start3A_221 : memref<1x128xi32, #tpu.memory_space<vmem>> -> memref<128xi32, #tpu.memory_space<vmem>>
      %dma_start3A_223 = arith.constant 0 : i32
      %dma_start3A_224 = arith.constant 0 : i32
      %dma_start3A_225 = tpu.memref_slice %arg6[%dma_start3A_223, %dma_start3A_224] : memref<10240x16xf32, #tpu.memory_space<vmem_shared>> -> memref<10240x16xf32, #tpu.memory_space<vmem_shared>>
      tpu.enqueue_indirect_dma source(%dma_start3A_225 : memref<10240x16xf32, #tpu.memory_space<vmem_shared>>) target(%dma_start3A_219 : memref<128x16xf32, #tpu.memory_space<vmem>>) offsets(%dma_start3A_222 : memref<128xi32, #tpu.memory_space<vmem>>) semaphore(%arg12 : memref<!tpu.dma_semaphore, #tpu.memory_space<semaphore_mem>>)
      %mul3A_226 = arith.constant 8 : i32
      %mul3A_227 = arith.muli %add3A_120, %mul3A_226 : i32
      %add3A_228 = arith.constant 7 : i32
      %add3A_229 = arith.addi %mul3A_227, %add3A_228 : i32
      %dma_start3A_230 = arith.constant 15 : i32
      %dma_start3A_231 = arith.constant 0 : i32
      %dma_start3A_232 = arith.constant 0 : i32
      %dma_start3A_233 = tpu.memref_slice %arg10[%dma_start3A_230, %dma_start3A_231, %dma_start3A_232] : memref<16x128x16xf32, #tpu.memory_space<vmem>> -> memref<1x128x16xf32, #tpu.memory_space<vmem>>
      %dma_start3A_234 = tpu.memref_squeeze %dma_start3A_233 : memref<1x128x16xf32, #tpu.memory_space<vmem>> -> memref<128x16xf32, #tpu.memory_space<vmem>>
      %dma_start3A_235 = arith.constant 0 : i32
      %dma_start3A_236 = tpu.memref_slice %arg8[%add3A_229, %dma_start3A_235] : memref<80x128xi32, #tpu.memory_space<vmem>> -> memref<1x128xi32, #tpu.memory_space<vmem>>
      %dma_start3A_237 = tpu.memref_squeeze %dma_start3A_236 : memref<1x128xi32, #tpu.memory_space<vmem>> -> memref<128xi32, #tpu.memory_space<vmem>>
      %dma_start3A_238 = arith.constant 0 : i32
      %dma_start3A_239 = arith.constant 0 : i32
      %dma_start3A_240 = tpu.memref_slice %arg6[%dma_start3A_238, %dma_start3A_239] : memref<10240x16xf32, #tpu.memory_space<vmem_shared>> -> memref<10240x16xf32, #tpu.memory_space<vmem_shared>>
      tpu.enqueue_indirect_dma source(%dma_start3A_240 : memref<10240x16xf32, #tpu.memory_space<vmem_shared>>) target(%dma_start3A_234 : memref<128x16xf32, #tpu.memory_space<vmem>>) offsets(%dma_start3A_237 : memref<128xi32, #tpu.memory_space<vmem>>) semaphore(%arg12 : memref<!tpu.dma_semaphore, #tpu.memory_space<semaphore_mem>>)
      %dma_wait3A = arith.constant 0 : i32
      %dma_wait3A_241 = arith.constant 0 : i32
      %dma_wait3A_242 = arith.constant 0 : i32
      %dma_wait3A_243 = arith.constant 0 : i32
      %dma_wait3A_244 = tpu.memref_slice %arg10[%dma_wait3A_241, %dma_wait3A_242, %dma_wait3A_243] : memref<16x128x16xf32, #tpu.memory_space<vmem>> -> memref<1x128x16xf32, #tpu.memory_space<vmem>>
      %dma_wait3A_245 = tpu.memref_squeeze %dma_wait3A_244 : memref<1x128x16xf32, #tpu.memory_space<vmem>> -> memref<128x16xf32, #tpu.memory_space<vmem>>
      %dma_wait3A_246 = arith.constant 0 : i32
      %dma_wait3A_247 = tpu.memref_slice %arg8[%dma_wait3A, %dma_wait3A_246] : memref<80x128xi32, #tpu.memory_space<vmem>> -> memref<1x128xi32, #tpu.memory_space<vmem>>
      %dma_wait3A_248 = tpu.memref_squeeze %dma_wait3A_247 : memref<1x128xi32, #tpu.memory_space<vmem>> -> memref<128xi32, #tpu.memory_space<vmem>>
      %dma_wait3A_249 = arith.constant 0 : i32
      %dma_wait3A_250 = arith.constant 0 : i32
      %dma_wait3A_251 = tpu.memref_slice %arg6[%dma_wait3A_249, %dma_wait3A_250] : memref<10240x16xf32, #tpu.memory_space<vmem_shared>> -> memref<10240x16xf32, #tpu.memory_space<vmem_shared>>
      tpu.wait_indirect_dma semaphore(%arg11 : memref<!tpu.dma_semaphore, #tpu.memory_space<semaphore_mem>>) src(%dma_wait3A_251 : memref<10240x16xf32, #tpu.memory_space<vmem_shared>>) dst(%dma_wait3A_245 : memref<128x16xf32, #tpu.memory_space<vmem>>)
      %dma_wait3A_252 = arith.constant 1 : i32
      %dma_wait3A_253 = arith.constant 1 : i32
      %dma_wait3A_254 = arith.constant 0 : i32
      %dma_wait3A_255 = arith.constant 0 : i32
      %dma_wait3A_256 = tpu.memref_slice %arg10[%dma_wait3A_253, %dma_wait3A_254, %dma_wait3A_255] : memref<16x128x16xf32, #tpu.memory_space<vmem>> -> memref<1x128x16xf32, #tpu.memory_space<vmem>>
      %dma_wait3A_257 = tpu.memref_squeeze %dma_wait3A_256 : memref<1x128x16xf32, #tpu.memory_space<vmem>> -> memref<128x16xf32, #tpu.memory_space<vmem>>
      %dma_wait3A_258 = arith.constant 0 : i32
      %dma_wait3A_259 = tpu.memref_slice %arg8[%dma_wait3A_252, %dma_wait3A_258] : memref<80x128xi32, #tpu.memory_space<vmem>> -> memref<1x128xi32, #tpu.memory_space<vmem>>
      %dma_wait3A_260 = tpu.memref_squeeze %dma_wait3A_259 : memref<1x128xi32, #tpu.memory_space<vmem>> -> memref<128xi32, #tpu.memory_space<vmem>>
      %dma_wait3A_261 = arith.constant 0 : i32
      %dma_wait3A_262 = arith.constant 0 : i32
      %dma_wait3A_263 = tpu.memref_slice %arg6[%dma_wait3A_261, %dma_wait3A_262] : memref<10240x16xf32, #tpu.memory_space<vmem_shared>> -> memref<10240x16xf32, #tpu.memory_space<vmem_shared>>
      tpu.wait_indirect_dma semaphore(%arg11 : memref<!tpu.dma_semaphore, #tpu.memory_space<semaphore_mem>>) src(%dma_wait3A_263 : memref<10240x16xf32, #tpu.memory_space<vmem_shared>>) dst(%dma_wait3A_257 : memref<128x16xf32, #tpu.memory_space<vmem>>)
      %dma_wait3A_264 = arith.constant 2 : i32
      %dma_wait3A_265 = arith.constant 2 : i32
      %dma_wait3A_266 = arith.constant 0 : i32
      %dma_wait3A_267 = arith.constant 0 : i32
      %dma_wait3A_268 = tpu.memref_slice %arg10[%dma_wait3A_265, %dma_wait3A_266, %dma_wait3A_267] : memref<16x128x16xf32, #tpu.memory_space<vmem>> -> memref<1x128x16xf32, #tpu.memory_space<vmem>>
      %dma_wait3A_269 = tpu.memref_squeeze %dma_wait3A_268 : memref<1x128x16xf32, #tpu.memory_space<vmem>> -> memref<128x16xf32, #tpu.memory_space<vmem>>
      %dma_wait3A_270 = arith.constant 0 : i32
      %dma_wait3A_271 = tpu.memref_slice %arg8[%dma_wait3A_264, %dma_wait3A_270] : memref<80x128xi32, #tpu.memory_space<vmem>> -> memref<1x128xi32, #tpu.memory_space<vmem>>
      %dma_wait3A_272 = tpu.memref_squeeze %dma_wait3A_271 : memref<1x128xi32, #tpu.memory_space<vmem>> -> memref<128xi32, #tpu.memory_space<vmem>>
      %dma_wait3A_273 = arith.constant 0 : i32
      %dma_wait3A_274 = arith.constant 0 : i32
      %dma_wait3A_275 = tpu.memref_slice %arg6[%dma_wait3A_273, %dma_wait3A_274] : memref<10240x16xf32, #tpu.memory_space<vmem_shared>> -> memref<10240x16xf32, #tpu.memory_space<vmem_shared>>
      tpu.wait_indirect_dma semaphore(%arg11 : memref<!tpu.dma_semaphore, #tpu.memory_space<semaphore_mem>>) src(%dma_wait3A_275 : memref<10240x16xf32, #tpu.memory_space<vmem_shared>>) dst(%dma_wait3A_269 : memref<128x16xf32, #tpu.memory_space<vmem>>)
      %dma_wait3A_276 = arith.constant 3 : i32
      %dma_wait3A_277 = arith.constant 3 : i32
      %dma_wait3A_278 = arith.constant 0 : i32
      %dma_wait3A_279 = arith.constant 0 : i32
      %dma_wait3A_280 = tpu.memref_slice %arg10[%dma_wait3A_277, %dma_wait3A_278, %dma_wait3A_279] : memref<16x128x16xf32, #tpu.memory_space<vmem>> -> memref<1x128x16xf32, #tpu.memory_space<vmem>>
      %dma_wait3A_281 = tpu.memref_squeeze %dma_wait3A_280 : memref<1x128x16xf32, #tpu.memory_space<vmem>> -> memref<128x16xf32, #tpu.memory_space<vmem>>
      %dma_wait3A_282 = arith.constant 0 : i32
      %dma_wait3A_283 = tpu.memref_slice %arg8[%dma_wait3A_276, %dma_wait3A_282] : memref<80x128xi32, #tpu.memory_space<vmem>> -> memref<1x128xi32, #tpu.memory_space<vmem>>
      %dma_wait3A_284 = tpu.memref_squeeze %dma_wait3A_283 : memref<1x128xi32, #tpu.memory_space<vmem>> -> memref<128xi32, #tpu.memory_space<vmem>>
      %dma_wait3A_285 = arith.constant 0 : i32
      %dma_wait3A_286 = arith.constant 0 : i32
      %dma_wait3A_287 = tpu.memref_slice %arg6[%dma_wait3A_285, %dma_wait3A_286] : memref<10240x16xf32, #tpu.memory_space<vmem_shared>> -> memref<10240x16xf32, #tpu.memory_space<vmem_shared>>
      tpu.wait_indirect_dma semaphore(%arg11 : memref<!tpu.dma_semaphore, #tpu.memory_space<semaphore_mem>>) src(%dma_wait3A_287 : memref<10240x16xf32, #tpu.memory_space<vmem_shared>>) dst(%dma_wait3A_281 : memref<128x16xf32, #tpu.memory_space<vmem>>)
      %dma_wait3A_288 = arith.constant 4 : i32
      %dma_wait3A_289 = arith.constant 4 : i32
      %dma_wait3A_290 = arith.constant 0 : i32
      %dma_wait3A_291 = arith.constant 0 : i32
      %dma_wait3A_292 = tpu.memref_slice %arg10[%dma_wait3A_289, %dma_wait3A_290, %dma_wait3A_291] : memref<16x128x16xf32, #tpu.memory_space<vmem>> -> memref<1x128x16xf32, #tpu.memory_space<vmem>>
      %dma_wait3A_293 = tpu.memref_squeeze %dma_wait3A_292 : memref<1x128x16xf32, #tpu.memory_space<vmem>> -> memref<128x16xf32, #tpu.memory_space<vmem>>
      %dma_wait3A_294 = arith.constant 0 : i32
      %dma_wait3A_295 = tpu.memref_slice %arg8[%dma_wait3A_288, %dma_wait3A_294] : memref<80x128xi32, #tpu.memory_space<vmem>> -> memref<1x128xi32, #tpu.memory_space<vmem>>
      %dma_wait3A_296 = tpu.memref_squeeze %dma_wait3A_295 : memref<1x128xi32, #tpu.memory_space<vmem>> -> memref<128xi32, #tpu.memory_space<vmem>>
      %dma_wait3A_297 = arith.constant 0 : i32
      %dma_wait3A_298 = arith.constant 0 : i32
      %dma_wait3A_299 = tpu.memref_slice %arg6[%dma_wait3A_297, %dma_wait3A_298] : memref<10240x16xf32, #tpu.memory_space<vmem_shared>> -> memref<10240x16xf32, #tpu.memory_space<vmem_shared>>
      tpu.wait_indirect_dma semaphore(%arg11 : memref<!tpu.dma_semaphore, #tpu.memory_space<semaphore_mem>>) src(%dma_wait3A_299 : memref<10240x16xf32, #tpu.memory_space<vmem_shared>>) dst(%dma_wait3A_293 : memref<128x16xf32, #tpu.memory_space<vmem>>)
      %dma_wait3A_300 = arith.constant 5 : i32
      %dma_wait3A_301 = arith.constant 5 : i32
      %dma_wait3A_302 = arith.constant 0 : i32
      %dma_wait3A_303 = arith.constant 0 : i32
      %dma_wait3A_304 = tpu.memref_slice %arg10[%dma_wait3A_301, %dma_wait3A_302, %dma_wait3A_303] : memref<16x128x16xf32, #tpu.memory_space<vmem>> -> memref<1x128x16xf32, #tpu.memory_space<vmem>>
      %dma_wait3A_305 = tpu.memref_squeeze %dma_wait3A_304 : memref<1x128x16xf32, #tpu.memory_space<vmem>> -> memref<128x16xf32, #tpu.memory_space<vmem>>
      %dma_wait3A_306 = arith.constant 0 : i32
      %dma_wait3A_307 = tpu.memref_slice %arg8[%dma_wait3A_300, %dma_wait3A_306] : memref<80x128xi32, #tpu.memory_space<vmem>> -> memref<1x128xi32, #tpu.memory_space<vmem>>
      %dma_wait3A_308 = tpu.memref_squeeze %dma_wait3A_307 : memref<1x128xi32, #tpu.memory_space<vmem>> -> memref<128xi32, #tpu.memory_space<vmem>>
      %dma_wait3A_309 = arith.constant 0 : i32
      %dma_wait3A_310 = arith.constant 0 : i32
      %dma_wait3A_311 = tpu.memref_slice %arg6[%dma_wait3A_309, %dma_wait3A_310] : memref<10240x16xf32, #tpu.memory_space<vmem_shared>> -> memref<10240x16xf32, #tpu.memory_space<vmem_shared>>
      tpu.wait_indirect_dma semaphore(%arg11 : memref<!tpu.dma_semaphore, #tpu.memory_space<semaphore_mem>>) src(%dma_wait3A_311 : memref<10240x16xf32, #tpu.memory_space<vmem_shared>>) dst(%dma_wait3A_305 : memref<128x16xf32, #tpu.memory_space<vmem>>)
      %dma_wait3A_312 = arith.constant 6 : i32
      %dma_wait3A_313 = arith.constant 6 : i32
      %dma_wait3A_314 = arith.constant 0 : i32
      %dma_wait3A_315 = arith.constant 0 : i32
      %dma_wait3A_316 = tpu.memref_slice %arg10[%dma_wait3A_313, %dma_wait3A_314, %dma_wait3A_315] : memref<16x128x16xf32, #tpu.memory_space<vmem>> -> memref<1x128x16xf32, #tpu.memory_space<vmem>>
      %dma_wait3A_317 = tpu.memref_squeeze %dma_wait3A_316 : memref<1x128x16xf32, #tpu.memory_space<vmem>> -> memref<128x16xf32, #tpu.memory_space<vmem>>
      %dma_wait3A_318 = arith.constant 0 : i32
      %dma_wait3A_319 = tpu.memref_slice %arg8[%dma_wait3A_312, %dma_wait3A_318] : memref<80x128xi32, #tpu.memory_space<vmem>> -> memref<1x128xi32, #tpu.memory_space<vmem>>
      %dma_wait3A_320 = tpu.memref_squeeze %dma_wait3A_319 : memref<1x128xi32, #tpu.memory_space<vmem>> -> memref<128xi32, #tpu.memory_space<vmem>>
      %dma_wait3A_321 = arith.constant 0 : i32
      %dma_wait3A_322 = arith.constant 0 : i32
      %dma_wait3A_323 = tpu.memref_slice %arg6[%dma_wait3A_321, %dma_wait3A_322] : memref<10240x16xf32, #tpu.memory_space<vmem_shared>> -> memref<10240x16xf32, #tpu.memory_space<vmem_shared>>
      tpu.wait_indirect_dma semaphore(%arg11 : memref<!tpu.dma_semaphore, #tpu.memory_space<semaphore_mem>>) src(%dma_wait3A_323 : memref<10240x16xf32, #tpu.memory_space<vmem_shared>>) dst(%dma_wait3A_317 : memref<128x16xf32, #tpu.memory_space<vmem>>)
      %dma_wait3A_324 = arith.constant 7 : i32
      %dma_wait3A_325 = arith.constant 7 : i32
      %dma_wait3A_326 = arith.constant 0 : i32
      %dma_wait3A_327 = arith.constant 0 : i32
      %dma_wait3A_328 = tpu.memref_slice %arg10[%dma_wait3A_325, %dma_wait3A_326, %dma_wait3A_327] : memref<16x128x16xf32, #tpu.memory_space<vmem>> -> memref<1x128x16xf32, #tpu.memory_space<vmem>>
      %dma_wait3A_329 = tpu.memref_squeeze %dma_wait3A_328 : memref<1x128x16xf32, #tpu.memory_space<vmem>> -> memref<128x16xf32, #tpu.memory_space<vmem>>
      %dma_wait3A_330 = arith.constant 0 : i32
      %dma_wait3A_331 = tpu.memref_slice %arg8[%dma_wait3A_324, %dma_wait3A_330] : memref<80x128xi32, #tpu.memory_space<vmem>> -> memref<1x128xi32, #tpu.memory_space<vmem>>
      %dma_wait3A_332 = tpu.memref_squeeze %dma_wait3A_331 : memref<1x128xi32, #tpu.memory_space<vmem>> -> memref<128xi32, #tpu.memory_space<vmem>>
      %dma_wait3A_333 = arith.constant 0 : i32
      %dma_wait3A_334 = arith.constant 0 : i32
      %dma_wait3A_335 = tpu.memref_slice %arg6[%dma_wait3A_333, %dma_wait3A_334] : memref<10240x16xf32, #tpu.memory_space<vmem_shared>> -> memref<10240x16xf32, #tpu.memory_space<vmem_shared>>
      tpu.wait_indirect_dma semaphore(%arg11 : memref<!tpu.dma_semaphore, #tpu.memory_space<semaphore_mem>>) src(%dma_wait3A_335 : memref<10240x16xf32, #tpu.memory_space<vmem_shared>>) dst(%dma_wait3A_329 : memref<128x16xf32, #tpu.memory_space<vmem>>)
      %mul3A_336 = arith.constant 8 : i32
      %mul3A_337 = arith.muli %add3A_118, %mul3A_336 : i32
      %add3A_338 = arith.constant 0 : i32
      %add3A_339 = arith.addi %mul3A_337, %add3A_338 : i32
      %dma_start3A_340 = arith.constant 0 : i32
      %dma_start3A_341 = arith.constant 0 : i32
      %dma_start3A_342 = arith.constant 0 : i32
      %dma_start3A_343 = tpu.memref_slice %arg10[%dma_start3A_340, %dma_start3A_341, %dma_start3A_342] : memref<16x128x16xf32, #tpu.memory_space<vmem>> -> memref<1x128x16xf32, #tpu.memory_space<vmem>>
      %dma_start3A_344 = tpu.memref_squeeze %dma_start3A_343 : memref<1x128x16xf32, #tpu.memory_space<vmem>> -> memref<128x16xf32, #tpu.memory_space<vmem>>
      %dma_start3A_345 = arith.constant 0 : i32
      %dma_start3A_346 = tpu.memref_slice %arg9[%add3A_339, %dma_start3A_345] : memref<80x128xi32, #tpu.memory_space<vmem>> -> memref<1x128xi32, #tpu.memory_space<vmem>>
      %dma_start3A_347 = tpu.memref_squeeze %dma_start3A_346 : memref<1x128xi32, #tpu.memory_space<vmem>> -> memref<128xi32, #tpu.memory_space<vmem>>
      %dma_start3A_348 = arith.constant 0 : i32
      %dma_start3A_349 = arith.constant 0 : i32
      %dma_start3A_350 = tpu.memref_slice %arg7[%dma_start3A_348, %dma_start3A_349] : memref<10240x16xf32, #tpu.memory_space<vmem_shared>> -> memref<10240x16xf32, #tpu.memory_space<vmem_shared>>
      tpu.enqueue_indirect_dma source(%dma_start3A_344 : memref<128x16xf32, #tpu.memory_space<vmem>>) target(%dma_start3A_350 : memref<10240x16xf32, #tpu.memory_space<vmem_shared>>) offsets(%dma_start3A_347 : memref<128xi32, #tpu.memory_space<vmem>>) semaphore(%arg13 : memref<!tpu.dma_semaphore, #tpu.memory_space<semaphore_mem>>) {add = true}
      %mul3A_351 = arith.constant 8 : i32
      %mul3A_352 = arith.muli %add3A_118, %mul3A_351 : i32
      %add3A_353 = arith.constant 1 : i32
      %add3A_354 = arith.addi %mul3A_352, %add3A_353 : i32
      %dma_start3A_355 = arith.constant 1 : i32
      %dma_start3A_356 = arith.constant 0 : i32
      %dma_start3A_357 = arith.constant 0 : i32
      %dma_start3A_358 = tpu.memref_slice %arg10[%dma_start3A_355, %dma_start3A_356, %dma_start3A_357] : memref<16x128x16xf32, #tpu.memory_space<vmem>> -> memref<1x128x16xf32, #tpu.memory_space<vmem>>
      %dma_start3A_359 = tpu.memref_squeeze %dma_start3A_358 : memref<1x128x16xf32, #tpu.memory_space<vmem>> -> memref<128x16xf32, #tpu.memory_space<vmem>>
      %dma_start3A_360 = arith.constant 0 : i32
      %dma_start3A_361 = tpu.memref_slice %arg9[%add3A_354, %dma_start3A_360] : memref<80x128xi32, #tpu.memory_space<vmem>> -> memref<1x128xi32, #tpu.memory_space<vmem>>
      %dma_start3A_362 = tpu.memref_squeeze %dma_start3A_361 : memref<1x128xi32, #tpu.memory_space<vmem>> -> memref<128xi32, #tpu.memory_space<vmem>>
      %dma_start3A_363 = arith.constant 0 : i32
      %dma_start3A_364 = arith.constant 0 : i32
      %dma_start3A_365 = tpu.memref_slice %arg7[%dma_start3A_363, %dma_start3A_364] : memref<10240x16xf32, #tpu.memory_space<vmem_shared>> -> memref<10240x16xf32, #tpu.memory_space<vmem_shared>>
      tpu.enqueue_indirect_dma source(%dma_start3A_359 : memref<128x16xf32, #tpu.memory_space<vmem>>) target(%dma_start3A_365 : memref<10240x16xf32, #tpu.memory_space<vmem_shared>>) offsets(%dma_start3A_362 : memref<128xi32, #tpu.memory_space<vmem>>) semaphore(%arg13 : memref<!tpu.dma_semaphore, #tpu.memory_space<semaphore_mem>>) {add = true}
      %mul3A_366 = arith.constant 8 : i32
      %mul3A_367 = arith.muli %add3A_118, %mul3A_366 : i32
      %add3A_368 = arith.constant 2 : i32
      %add3A_369 = arith.addi %mul3A_367, %add3A_368 : i32
      %dma_start3A_370 = arith.constant 2 : i32
      %dma_start3A_371 = arith.constant 0 : i32
      %dma_start3A_372 = arith.constant 0 : i32
      %dma_start3A_373 = tpu.memref_slice %arg10[%dma_start3A_370, %dma_start3A_371, %dma_start3A_372] : memref<16x128x16xf32, #tpu.memory_space<vmem>> -> memref<1x128x16xf32, #tpu.memory_space<vmem>>
      %dma_start3A_374 = tpu.memref_squeeze %dma_start3A_373 : memref<1x128x16xf32, #tpu.memory_space<vmem>> -> memref<128x16xf32, #tpu.memory_space<vmem>>
      %dma_start3A_375 = arith.constant 0 : i32
      %dma_start3A_376 = tpu.memref_slice %arg9[%add3A_369, %dma_start3A_375] : memref<80x128xi32, #tpu.memory_space<vmem>> -> memref<1x128xi32, #tpu.memory_space<vmem>>
      %dma_start3A_377 = tpu.memref_squeeze %dma_start3A_376 : memref<1x128xi32, #tpu.memory_space<vmem>> -> memref<128xi32, #tpu.memory_space<vmem>>
      %dma_start3A_378 = arith.constant 0 : i32
      %dma_start3A_379 = arith.constant 0 : i32
      %dma_start3A_380 = tpu.memref_slice %arg7[%dma_start3A_378, %dma_start3A_379] : memref<10240x16xf32, #tpu.memory_space<vmem_shared>> -> memref<10240x16xf32, #tpu.memory_space<vmem_shared>>
      tpu.enqueue_indirect_dma source(%dma_start3A_374 : memref<128x16xf32, #tpu.memory_space<vmem>>) target(%dma_start3A_380 : memref<10240x16xf32, #tpu.memory_space<vmem_shared>>) offsets(%dma_start3A_377 : memref<128xi32, #tpu.memory_space<vmem>>) semaphore(%arg13 : memref<!tpu.dma_semaphore, #tpu.memory_space<semaphore_mem>>) {add = true}
      %mul3A_381 = arith.constant 8 : i32
      %mul3A_382 = arith.muli %add3A_118, %mul3A_381 : i32
      %add3A_383 = arith.constant 3 : i32
      %add3A_384 = arith.addi %mul3A_382, %add3A_383 : i32
      %dma_start3A_385 = arith.constant 3 : i32
      %dma_start3A_386 = arith.constant 0 : i32
      %dma_start3A_387 = arith.constant 0 : i32
      %dma_start3A_388 = tpu.memref_slice %arg10[%dma_start3A_385, %dma_start3A_386, %dma_start3A_387] : memref<16x128x16xf32, #tpu.memory_space<vmem>> -> memref<1x128x16xf32, #tpu.memory_space<vmem>>
      %dma_start3A_389 = tpu.memref_squeeze %dma_start3A_388 : memref<1x128x16xf32, #tpu.memory_space<vmem>> -> memref<128x16xf32, #tpu.memory_space<vmem>>
      %dma_start3A_390 = arith.constant 0 : i32
      %dma_start3A_391 = tpu.memref_slice %arg9[%add3A_384, %dma_start3A_390] : memref<80x128xi32, #tpu.memory_space<vmem>> -> memref<1x128xi32, #tpu.memory_space<vmem>>
      %dma_start3A_392 = tpu.memref_squeeze %dma_start3A_391 : memref<1x128xi32, #tpu.memory_space<vmem>> -> memref<128xi32, #tpu.memory_space<vmem>>
      %dma_start3A_393 = arith.constant 0 : i32
      %dma_start3A_394 = arith.constant 0 : i32
      %dma_start3A_395 = tpu.memref_slice %arg7[%dma_start3A_393, %dma_start3A_394] : memref<10240x16xf32, #tpu.memory_space<vmem_shared>> -> memref<10240x16xf32, #tpu.memory_space<vmem_shared>>
      tpu.enqueue_indirect_dma source(%dma_start3A_389 : memref<128x16xf32, #tpu.memory_space<vmem>>) target(%dma_start3A_395 : memref<10240x16xf32, #tpu.memory_space<vmem_shared>>) offsets(%dma_start3A_392 : memref<128xi32, #tpu.memory_space<vmem>>) semaphore(%arg13 : memref<!tpu.dma_semaphore, #tpu.memory_space<semaphore_mem>>) {add = true}
      %mul3A_396 = arith.constant 8 : i32
      %mul3A_397 = arith.muli %add3A_118, %mul3A_396 : i32
      %add3A_398 = arith.constant 4 : i32
      %add3A_399 = arith.addi %mul3A_397, %add3A_398 : i32
      %dma_start3A_400 = arith.constant 4 : i32
      %dma_start3A_401 = arith.constant 0 : i32
      %dma_start3A_402 = arith.constant 0 : i32
      %dma_start3A_403 = tpu.memref_slice %arg10[%dma_start3A_400, %dma_start3A_401, %dma_start3A_402] : memref<16x128x16xf32, #tpu.memory_space<vmem>> -> memref<1x128x16xf32, #tpu.memory_space<vmem>>
      %dma_start3A_404 = tpu.memref_squeeze %dma_start3A_403 : memref<1x128x16xf32, #tpu.memory_space<vmem>> -> memref<128x16xf32, #tpu.memory_space<vmem>>
      %dma_start3A_405 = arith.constant 0 : i32
      %dma_start3A_406 = tpu.memref_slice %arg9[%add3A_399, %dma_start3A_405] : memref<80x128xi32, #tpu.memory_space<vmem>> -> memref<1x128xi32, #tpu.memory_space<vmem>>
      %dma_start3A_407 = tpu.memref_squeeze %dma_start3A_406 : memref<1x128xi32, #tpu.memory_space<vmem>> -> memref<128xi32, #tpu.memory_space<vmem>>
      %dma_start3A_408 = arith.constant 0 : i32
      %dma_start3A_409 = arith.constant 0 : i32
      %dma_start3A_410 = tpu.memref_slice %arg7[%dma_start3A_408, %dma_start3A_409] : memref<10240x16xf32, #tpu.memory_space<vmem_shared>> -> memref<10240x16xf32, #tpu.memory_space<vmem_shared>>
      tpu.enqueue_indirect_dma source(%dma_start3A_404 : memref<128x16xf32, #tpu.memory_space<vmem>>) target(%dma_start3A_410 : memref<10240x16xf32, #tpu.memory_space<vmem_shared>>) offsets(%dma_start3A_407 : memref<128xi32, #tpu.memory_space<vmem>>) semaphore(%arg13 : memref<!tpu.dma_semaphore, #tpu.memory_space<semaphore_mem>>) {add = true}
      %mul3A_411 = arith.constant 8 : i32
      %mul3A_412 = arith.muli %add3A_118, %mul3A_411 : i32
      %add3A_413 = arith.constant 5 : i32
      %add3A_414 = arith.addi %mul3A_412, %add3A_413 : i32
      %dma_start3A_415 = arith.constant 5 : i32
      %dma_start3A_416 = arith.constant 0 : i32
      %dma_start3A_417 = arith.constant 0 : i32
      %dma_start3A_418 = tpu.memref_slice %arg10[%dma_start3A_415, %dma_start3A_416, %dma_start3A_417] : memref<16x128x16xf32, #tpu.memory_space<vmem>> -> memref<1x128x16xf32, #tpu.memory_space<vmem>>
      %dma_start3A_419 = tpu.memref_squeeze %dma_start3A_418 : memref<1x128x16xf32, #tpu.memory_space<vmem>> -> memref<128x16xf32, #tpu.memory_space<vmem>>
      %dma_start3A_420 = arith.constant 0 : i32
      %dma_start3A_421 = tpu.memref_slice %arg9[%add3A_414, %dma_start3A_420] : memref<80x128xi32, #tpu.memory_space<vmem>> -> memref<1x128xi32, #tpu.memory_space<vmem>>
      %dma_start3A_422 = tpu.memref_squeeze %dma_start3A_421 : memref<1x128xi32, #tpu.memory_space<vmem>> -> memref<128xi32, #tpu.memory_space<vmem>>
      %dma_start3A_423 = arith.constant 0 : i32
      %dma_start3A_424 = arith.constant 0 : i32
      %dma_start3A_425 = tpu.memref_slice %arg7[%dma_start3A_423, %dma_start3A_424] : memref<10240x16xf32, #tpu.memory_space<vmem_shared>> -> memref<10240x16xf32, #tpu.memory_space<vmem_shared>>
      tpu.enqueue_indirect_dma source(%dma_start3A_419 : memref<128x16xf32, #tpu.memory_space<vmem>>) target(%dma_start3A_425 : memref<10240x16xf32, #tpu.memory_space<vmem_shared>>) offsets(%dma_start3A_422 : memref<128xi32, #tpu.memory_space<vmem>>) semaphore(%arg13 : memref<!tpu.dma_semaphore, #tpu.memory_space<semaphore_mem>>) {add = true}
      %mul3A_426 = arith.constant 8 : i32
      %mul3A_427 = arith.muli %add3A_118, %mul3A_426 : i32
      %add3A_428 = arith.constant 6 : i32
      %add3A_429 = arith.addi %mul3A_427, %add3A_428 : i32
      %dma_start3A_430 = arith.constant 6 : i32
      %dma_start3A_431 = arith.constant 0 : i32
      %dma_start3A_432 = arith.constant 0 : i32
      %dma_start3A_433 = tpu.memref_slice %arg10[%dma_start3A_430, %dma_start3A_431, %dma_start3A_432] : memref<16x128x16xf32, #tpu.memory_space<vmem>> -> memref<1x128x16xf32, #tpu.memory_space<vmem>>
      %dma_start3A_434 = tpu.memref_squeeze %dma_start3A_433 : memref<1x128x16xf32, #tpu.memory_space<vmem>> -> memref<128x16xf32, #tpu.memory_space<vmem>>
      %dma_start3A_435 = arith.constant 0 : i32
      %dma_start3A_436 = tpu.memref_slice %arg9[%add3A_429, %dma_start3A_435] : memref<80x128xi32, #tpu.memory_space<vmem>> -> memref<1x128xi32, #tpu.memory_space<vmem>>
      %dma_start3A_437 = tpu.memref_squeeze %dma_start3A_436 : memref<1x128xi32, #tpu.memory_space<vmem>> -> memref<128xi32, #tpu.memory_space<vmem>>
      %dma_start3A_438 = arith.constant 0 : i32
      %dma_start3A_439 = arith.constant 0 : i32
      %dma_start3A_440 = tpu.memref_slice %arg7[%dma_start3A_438, %dma_start3A_439] : memref<10240x16xf32, #tpu.memory_space<vmem_shared>> -> memref<10240x16xf32, #tpu.memory_space<vmem_shared>>
      tpu.enqueue_indirect_dma source(%dma_start3A_434 : memref<128x16xf32, #tpu.memory_space<vmem>>) target(%dma_start3A_440 : memref<10240x16xf32, #tpu.memory_space<vmem_shared>>) offsets(%dma_start3A_437 : memref<128xi32, #tpu.memory_space<vmem>>) semaphore(%arg13 : memref<!tpu.dma_semaphore, #tpu.memory_space<semaphore_mem>>) {add = true}
      %mul3A_441 = arith.constant 8 : i32
      %mul3A_442 = arith.muli %add3A_118, %mul3A_441 : i32
      %add3A_443 = arith.constant 7 : i32
      %add3A_444 = arith.addi %mul3A_442, %add3A_443 : i32
      %dma_start3A_445 = arith.constant 7 : i32
      %dma_start3A_446 = arith.constant 0 : i32
      %dma_start3A_447 = arith.constant 0 : i32
      %dma_start3A_448 = tpu.memref_slice %arg10[%dma_start3A_445, %dma_start3A_446, %dma_start3A_447] : memref<16x128x16xf32, #tpu.memory_space<vmem>> -> memref<1x128x16xf32, #tpu.memory_space<vmem>>
      %dma_start3A_449 = tpu.memref_squeeze %dma_start3A_448 : memref<1x128x16xf32, #tpu.memory_space<vmem>> -> memref<128x16xf32, #tpu.memory_space<vmem>>
      %dma_start3A_450 = arith.constant 0 : i32
      %dma_start3A_451 = tpu.memref_slice %arg9[%add3A_444, %dma_start3A_450] : memref<80x128xi32, #tpu.memory_space<vmem>> -> memref<1x128xi32, #tpu.memory_space<vmem>>
      %dma_start3A_452 = tpu.memref_squeeze %dma_start3A_451 : memref<1x128xi32, #tpu.memory_space<vmem>> -> memref<128xi32, #tpu.memory_space<vmem>>
      %dma_start3A_453 = arith.constant 0 : i32
      %dma_start3A_454 = arith.constant 0 : i32
      %dma_start3A_455 = tpu.memref_slice %arg7[%dma_start3A_453, %dma_start3A_454] : memref<10240x16xf32, #tpu.memory_space<vmem_shared>> -> memref<10240x16xf32, #tpu.memory_space<vmem_shared>>
      tpu.enqueue_indirect_dma source(%dma_start3A_449 : memref<128x16xf32, #tpu.memory_space<vmem>>) target(%dma_start3A_455 : memref<10240x16xf32, #tpu.memory_space<vmem_shared>>) offsets(%dma_start3A_452 : memref<128xi32, #tpu.memory_space<vmem>>) semaphore(%arg13 : memref<!tpu.dma_semaphore, #tpu.memory_space<semaphore_mem>>) {add = true}
      %dma_wait3A_456 = arith.constant 0 : i32
      %dma_wait3A_457 = arith.constant 0 : i32
      %dma_wait3A_458 = arith.constant 0 : i32
      %dma_wait3A_459 = tpu.memref_slice %arg10[%dma_wait3A_456, %dma_wait3A_457, %dma_wait3A_458] : memref<16x128x16xf32, #tpu.memory_space<vmem>> -> memref<1x128x16xf32, #tpu.memory_space<vmem>>
      %dma_wait3A_460 = tpu.memref_squeeze %dma_wait3A_459 : memref<1x128x16xf32, #tpu.memory_space<vmem>> -> memref<128x16xf32, #tpu.memory_space<vmem>>
      %dma_wait3A_461 = arith.constant 0 : i32
      %dma_wait3A_462 = tpu.memref_slice %arg9[%add3A_339, %dma_wait3A_461] : memref<80x128xi32, #tpu.memory_space<vmem>> -> memref<1x128xi32, #tpu.memory_space<vmem>>
      %dma_wait3A_463 = tpu.memref_squeeze %dma_wait3A_462 : memref<1x128xi32, #tpu.memory_space<vmem>> -> memref<128xi32, #tpu.memory_space<vmem>>
      %dma_wait3A_464 = arith.constant 0 : i32
      %dma_wait3A_465 = arith.constant 0 : i32
      %dma_wait3A_466 = tpu.memref_slice %arg7[%dma_wait3A_464, %dma_wait3A_465] : memref<10240x16xf32, #tpu.memory_space<vmem_shared>> -> memref<10240x16xf32, #tpu.memory_space<vmem_shared>>
      tpu.wait_indirect_dma semaphore(%arg13 : memref<!tpu.dma_semaphore, #tpu.memory_space<semaphore_mem>>) src(%dma_wait3A_460 : memref<128x16xf32, #tpu.memory_space<vmem>>) dst(%dma_wait3A_466 : memref<10240x16xf32, #tpu.memory_space<vmem_shared>>)
      %dma_wait3A_467 = arith.constant 1 : i32
      %dma_wait3A_468 = arith.constant 0 : i32
      %dma_wait3A_469 = arith.constant 0 : i32
      %dma_wait3A_470 = tpu.memref_slice %arg10[%dma_wait3A_467, %dma_wait3A_468, %dma_wait3A_469] : memref<16x128x16xf32, #tpu.memory_space<vmem>> -> memref<1x128x16xf32, #tpu.memory_space<vmem>>
      %dma_wait3A_471 = tpu.memref_squeeze %dma_wait3A_470 : memref<1x128x16xf32, #tpu.memory_space<vmem>> -> memref<128x16xf32, #tpu.memory_space<vmem>>
      %dma_wait3A_472 = arith.constant 0 : i32
      %dma_wait3A_473 = tpu.memref_slice %arg9[%add3A_354, %dma_wait3A_472] : memref<80x128xi32, #tpu.memory_space<vmem>> -> memref<1x128xi32, #tpu.memory_space<vmem>>
      %dma_wait3A_474 = tpu.memref_squeeze %dma_wait3A_473 : memref<1x128xi32, #tpu.memory_space<vmem>> -> memref<128xi32, #tpu.memory_space<vmem>>
      %dma_wait3A_475 = arith.constant 0 : i32
      %dma_wait3A_476 = arith.constant 0 : i32
      %dma_wait3A_477 = tpu.memref_slice %arg7[%dma_wait3A_475, %dma_wait3A_476] : memref<10240x16xf32, #tpu.memory_space<vmem_shared>> -> memref<10240x16xf32, #tpu.memory_space<vmem_shared>>
      tpu.wait_indirect_dma semaphore(%arg13 : memref<!tpu.dma_semaphore, #tpu.memory_space<semaphore_mem>>) src(%dma_wait3A_471 : memref<128x16xf32, #tpu.memory_space<vmem>>) dst(%dma_wait3A_477 : memref<10240x16xf32, #tpu.memory_space<vmem_shared>>)
      %dma_wait3A_478 = arith.constant 2 : i32
      %dma_wait3A_479 = arith.constant 0 : i32
      %dma_wait3A_480 = arith.constant 0 : i32
      %dma_wait3A_481 = tpu.memref_slice %arg10[%dma_wait3A_478, %dma_wait3A_479, %dma_wait3A_480] : memref<16x128x16xf32, #tpu.memory_space<vmem>> -> memref<1x128x16xf32, #tpu.memory_space<vmem>>
      %dma_wait3A_482 = tpu.memref_squeeze %dma_wait3A_481 : memref<1x128x16xf32, #tpu.memory_space<vmem>> -> memref<128x16xf32, #tpu.memory_space<vmem>>
      %dma_wait3A_483 = arith.constant 0 : i32
      %dma_wait3A_484 = tpu.memref_slice %arg9[%add3A_369, %dma_wait3A_483] : memref<80x128xi32, #tpu.memory_space<vmem>> -> memref<1x128xi32, #tpu.memory_space<vmem>>
      %dma_wait3A_485 = tpu.memref_squeeze %dma_wait3A_484 : memref<1x128xi32, #tpu.memory_space<vmem>> -> memref<128xi32, #tpu.memory_space<vmem>>
      %dma_wait3A_486 = arith.constant 0 : i32
      %dma_wait3A_487 = arith.constant 0 : i32
      %dma_wait3A_488 = tpu.memref_slice %arg7[%dma_wait3A_486, %dma_wait3A_487] : memref<10240x16xf32, #tpu.memory_space<vmem_shared>> -> memref<10240x16xf32, #tpu.memory_space<vmem_shared>>
      tpu.wait_indirect_dma semaphore(%arg13 : memref<!tpu.dma_semaphore, #tpu.memory_space<semaphore_mem>>) src(%dma_wait3A_482 : memref<128x16xf32, #tpu.memory_space<vmem>>) dst(%dma_wait3A_488 : memref<10240x16xf32, #tpu.memory_space<vmem_shared>>)
      %dma_wait3A_489 = arith.constant 3 : i32
      %dma_wait3A_490 = arith.constant 0 : i32
      %dma_wait3A_491 = arith.constant 0 : i32
      %dma_wait3A_492 = tpu.memref_slice %arg10[%dma_wait3A_489, %dma_wait3A_490, %dma_wait3A_491] : memref<16x128x16xf32, #tpu.memory_space<vmem>> -> memref<1x128x16xf32, #tpu.memory_space<vmem>>
      %dma_wait3A_493 = tpu.memref_squeeze %dma_wait3A_492 : memref<1x128x16xf32, #tpu.memory_space<vmem>> -> memref<128x16xf32, #tpu.memory_space<vmem>>
      %dma_wait3A_494 = arith.constant 0 : i32
      %dma_wait3A_495 = tpu.memref_slice %arg9[%add3A_384, %dma_wait3A_494] : memref<80x128xi32, #tpu.memory_space<vmem>> -> memref<1x128xi32, #tpu.memory_space<vmem>>
      %dma_wait3A_496 = tpu.memref_squeeze %dma_wait3A_495 : memref<1x128xi32, #tpu.memory_space<vmem>> -> memref<128xi32, #tpu.memory_space<vmem>>
      %dma_wait3A_497 = arith.constant 0 : i32
      %dma_wait3A_498 = arith.constant 0 : i32
      %dma_wait3A_499 = tpu.memref_slice %arg7[%dma_wait3A_497, %dma_wait3A_498] : memref<10240x16xf32, #tpu.memory_space<vmem_shared>> -> memref<10240x16xf32, #tpu.memory_space<vmem_shared>>
      tpu.wait_indirect_dma semaphore(%arg13 : memref<!tpu.dma_semaphore, #tpu.memory_space<semaphore_mem>>) src(%dma_wait3A_493 : memref<128x16xf32, #tpu.memory_space<vmem>>) dst(%dma_wait3A_499 : memref<10240x16xf32, #tpu.memory_space<vmem_shared>>)
      %dma_wait3A_500 = arith.constant 4 : i32
      %dma_wait3A_501 = arith.constant 0 : i32
      %dma_wait3A_502 = arith.constant 0 : i32
      %dma_wait3A_503 = tpu.memref_slice %arg10[%dma_wait3A_500, %dma_wait3A_501, %dma_wait3A_502] : memref<16x128x16xf32, #tpu.memory_space<vmem>> -> memref<1x128x16xf32, #tpu.memory_space<vmem>>
      %dma_wait3A_504 = tpu.memref_squeeze %dma_wait3A_503 : memref<1x128x16xf32, #tpu.memory_space<vmem>> -> memref<128x16xf32, #tpu.memory_space<vmem>>
      %dma_wait3A_505 = arith.constant 0 : i32
      %dma_wait3A_506 = tpu.memref_slice %arg9[%add3A_399, %dma_wait3A_505] : memref<80x128xi32, #tpu.memory_space<vmem>> -> memref<1x128xi32, #tpu.memory_space<vmem>>
      %dma_wait3A_507 = tpu.memref_squeeze %dma_wait3A_506 : memref<1x128xi32, #tpu.memory_space<vmem>> -> memref<128xi32, #tpu.memory_space<vmem>>
      %dma_wait3A_508 = arith.constant 0 : i32
      %dma_wait3A_509 = arith.constant 0 : i32
      %dma_wait3A_510 = tpu.memref_slice %arg7[%dma_wait3A_508, %dma_wait3A_509] : memref<10240x16xf32, #tpu.memory_space<vmem_shared>> -> memref<10240x16xf32, #tpu.memory_space<vmem_shared>>
      tpu.wait_indirect_dma semaphore(%arg13 : memref<!tpu.dma_semaphore, #tpu.memory_space<semaphore_mem>>) src(%dma_wait3A_504 : memref<128x16xf32, #tpu.memory_space<vmem>>) dst(%dma_wait3A_510 : memref<10240x16xf32, #tpu.memory_space<vmem_shared>>)
      %dma_wait3A_511 = arith.constant 5 : i32
      %dma_wait3A_512 = arith.constant 0 : i32
      %dma_wait3A_513 = arith.constant 0 : i32
      %dma_wait3A_514 = tpu.memref_slice %arg10[%dma_wait3A_511, %dma_wait3A_512, %dma_wait3A_513] : memref<16x128x16xf32, #tpu.memory_space<vmem>> -> memref<1x128x16xf32, #tpu.memory_space<vmem>>
      %dma_wait3A_515 = tpu.memref_squeeze %dma_wait3A_514 : memref<1x128x16xf32, #tpu.memory_space<vmem>> -> memref<128x16xf32, #tpu.memory_space<vmem>>
      %dma_wait3A_516 = arith.constant 0 : i32
      %dma_wait3A_517 = tpu.memref_slice %arg9[%add3A_414, %dma_wait3A_516] : memref<80x128xi32, #tpu.memory_space<vmem>> -> memref<1x128xi32, #tpu.memory_space<vmem>>
      %dma_wait3A_518 = tpu.memref_squeeze %dma_wait3A_517 : memref<1x128xi32, #tpu.memory_space<vmem>> -> memref<128xi32, #tpu.memory_space<vmem>>
      %dma_wait3A_519 = arith.constant 0 : i32
      %dma_wait3A_520 = arith.constant 0 : i32
      %dma_wait3A_521 = tpu.memref_slice %arg7[%dma_wait3A_519, %dma_wait3A_520] : memref<10240x16xf32, #tpu.memory_space<vmem_shared>> -> memref<10240x16xf32, #tpu.memory_space<vmem_shared>>
      tpu.wait_indirect_dma semaphore(%arg13 : memref<!tpu.dma_semaphore, #tpu.memory_space<semaphore_mem>>) src(%dma_wait3A_515 : memref<128x16xf32, #tpu.memory_space<vmem>>) dst(%dma_wait3A_521 : memref<10240x16xf32, #tpu.memory_space<vmem_shared>>)
      %dma_wait3A_522 = arith.constant 6 : i32
      %dma_wait3A_523 = arith.constant 0 : i32
      %dma_wait3A_524 = arith.constant 0 : i32
      %dma_wait3A_525 = tpu.memref_slice %arg10[%dma_wait3A_522, %dma_wait3A_523, %dma_wait3A_524] : memref<16x128x16xf32, #tpu.memory_space<vmem>> -> memref<1x128x16xf32, #tpu.memory_space<vmem>>
      %dma_wait3A_526 = tpu.memref_squeeze %dma_wait3A_525 : memref<1x128x16xf32, #tpu.memory_space<vmem>> -> memref<128x16xf32, #tpu.memory_space<vmem>>
      %dma_wait3A_527 = arith.constant 0 : i32
      %dma_wait3A_528 = tpu.memref_slice %arg9[%add3A_429, %dma_wait3A_527] : memref<80x128xi32, #tpu.memory_space<vmem>> -> memref<1x128xi32, #tpu.memory_space<vmem>>
      %dma_wait3A_529 = tpu.memref_squeeze %dma_wait3A_528 : memref<1x128xi32, #tpu.memory_space<vmem>> -> memref<128xi32, #tpu.memory_space<vmem>>
      %dma_wait3A_530 = arith.constant 0 : i32
      %dma_wait3A_531 = arith.constant 0 : i32
      %dma_wait3A_532 = tpu.memref_slice %arg7[%dma_wait3A_530, %dma_wait3A_531] : memref<10240x16xf32, #tpu.memory_space<vmem_shared>> -> memref<10240x16xf32, #tpu.memory_space<vmem_shared>>
      tpu.wait_indirect_dma semaphore(%arg13 : memref<!tpu.dma_semaphore, #tpu.memory_space<semaphore_mem>>) src(%dma_wait3A_526 : memref<128x16xf32, #tpu.memory_space<vmem>>) dst(%dma_wait3A_532 : memref<10240x16xf32, #tpu.memory_space<vmem_shared>>)
      %dma_wait3A_533 = arith.constant 7 : i32
      %dma_wait3A_534 = arith.constant 0 : i32
      %dma_wait3A_535 = arith.constant 0 : i32
      %dma_wait3A_536 = tpu.memref_slice %arg10[%dma_wait3A_533, %dma_wait3A_534, %dma_wait3A_535] : memref<16x128x16xf32, #tpu.memory_space<vmem>> -> memref<1x128x16xf32, #tpu.memory_space<vmem>>
      %dma_wait3A_537 = tpu.memref_squeeze %dma_wait3A_536 : memref<1x128x16xf32, #tpu.memory_space<vmem>> -> memref<128x16xf32, #tpu.memory_space<vmem>>
      %dma_wait3A_538 = arith.constant 0 : i32
      %dma_wait3A_539 = tpu.memref_slice %arg9[%add3A_444, %dma_wait3A_538] : memref<80x128xi32, #tpu.memory_space<vmem>> -> memref<1x128xi32, #tpu.memory_space<vmem>>
      %dma_wait3A_540 = tpu.memref_squeeze %dma_wait3A_539 : memref<1x128xi32, #tpu.memory_space<vmem>> -> memref<128xi32, #tpu.memory_space<vmem>>
      %dma_wait3A_541 = arith.constant 0 : i32
      %dma_wait3A_542 = arith.constant 0 : i32
      %dma_wait3A_543 = tpu.memref_slice %arg7[%dma_wait3A_541, %dma_wait3A_542] : memref<10240x16xf32, #tpu.memory_space<vmem_shared>> -> memref<10240x16xf32, #tpu.memory_space<vmem_shared>>
      tpu.wait_indirect_dma semaphore(%arg13 : memref<!tpu.dma_semaphore, #tpu.memory_space<semaphore_mem>>) src(%dma_wait3A_537 : memref<128x16xf32, #tpu.memory_space<vmem>>) dst(%dma_wait3A_543 : memref<10240x16xf32, #tpu.memory_space<vmem_shared>>)
      %add3A_544 = arith.constant 2 : i32
      %add3A_545 = arith.addi %add3A_118, %add3A_544 : i32
      %lt3A = arith.constant 10 : i32
      %lt3A_546 = arith.cmpi slt, %add3A_545, %lt3A : i32
      %convert_element_type3A = arith.extui %lt3A_546 : i1 to i32
      %cond3A = arith.constant 0 : i32
      %cond3A_547 = arith.cmpi ne, %convert_element_type3A, %cond3A : i32
      scf.if %cond3A_547 {
        %add3A_846 = arith.constant 2 : i32
        %add3A_847 = arith.addi %add3A_118, %add3A_846 : i32
        %mul3A_848 = arith.constant 8 : i32
        %mul3A_849 = arith.muli %add3A_847, %mul3A_848 : i32
        %add3A_850 = arith.constant 0 : i32
        %add3A_851 = arith.addi %mul3A_849, %add3A_850 : i32
        %dma_start3A_852 = arith.constant 0 : i32
        %dma_start3A_853 = arith.constant 0 : i32
        %dma_start3A_854 = arith.constant 0 : i32
        %dma_start3A_855 = tpu.memref_slice %arg10[%dma_start3A_852, %dma_start3A_853, %dma_start3A_854] : memref<16x128x16xf32, #tpu.memory_space<vmem>> -> memref<1x128x16xf32, #tpu.memory_space<vmem>>
        %dma_start3A_856 = tpu.memref_squeeze %dma_start3A_855 : memref<1x128x16xf32, #tpu.memory_space<vmem>> -> memref<128x16xf32, #tpu.memory_space<vmem>>
        %dma_start3A_857 = arith.constant 0 : i32
        %dma_start3A_858 = tpu.memref_slice %arg8[%add3A_851, %dma_start3A_857] : memref<80x128xi32, #tpu.memory_space<vmem>> -> memref<1x128xi32, #tpu.memory_space<vmem>>
        %dma_start3A_859 = tpu.memref_squeeze %dma_start3A_858 : memref<1x128xi32, #tpu.memory_space<vmem>> -> memref<128xi32, #tpu.memory_space<vmem>>
        %dma_start3A_860 = arith.constant 0 : i32
        %dma_start3A_861 = arith.constant 0 : i32
        %dma_start3A_862 = tpu.memref_slice %arg6[%dma_start3A_860, %dma_start3A_861] : memref<10240x16xf32, #tpu.memory_space<vmem_shared>> -> memref<10240x16xf32, #tpu.memory_space<vmem_shared>>
        tpu.enqueue_indirect_dma source(%dma_start3A_862 : memref<10240x16xf32, #tpu.memory_space<vmem_shared>>) target(%dma_start3A_856 : memref<128x16xf32, #tpu.memory_space<vmem>>) offsets(%dma_start3A_859 : memref<128xi32, #tpu.memory_space<vmem>>) semaphore(%arg11 : memref<!tpu.dma_semaphore, #tpu.memory_space<semaphore_mem>>)
        %mul3A_863 = arith.constant 8 : i32
        %mul3A_864 = arith.muli %add3A_847, %mul3A_863 : i32
        %add3A_865 = arith.constant 1 : i32
        %add3A_866 = arith.addi %mul3A_864, %add3A_865 : i32
        %dma_start3A_867 = arith.constant 1 : i32
        %dma_start3A_868 = arith.constant 0 : i32
        %dma_start3A_869 = arith.constant 0 : i32
        %dma_start3A_870 = tpu.memref_slice %arg10[%dma_start3A_867, %dma_start3A_868, %dma_start3A_869] : memref<16x128x16xf32, #tpu.memory_space<vmem>> -> memref<1x128x16xf32, #tpu.memory_space<vmem>>
        %dma_start3A_871 = tpu.memref_squeeze %dma_start3A_870 : memref<1x128x16xf32, #tpu.memory_space<vmem>> -> memref<128x16xf32, #tpu.memory_space<vmem>>
        %dma_start3A_872 = arith.constant 0 : i32
        %dma_start3A_873 = tpu.memref_slice %arg8[%add3A_866, %dma_start3A_872] : memref<80x128xi32, #tpu.memory_space<vmem>> -> memref<1x128xi32, #tpu.memory_space<vmem>>
        %dma_start3A_874 = tpu.memref_squeeze %dma_start3A_873 : memref<1x128xi32, #tpu.memory_space<vmem>> -> memref<128xi32, #tpu.memory_space<vmem>>
        %dma_start3A_875 = arith.constant 0 : i32
        %dma_start3A_876 = arith.constant 0 : i32
        %dma_start3A_877 = tpu.memref_slice %arg6[%dma_start3A_875, %dma_start3A_876] : memref<10240x16xf32, #tpu.memory_space<vmem_shared>> -> memref<10240x16xf32, #tpu.memory_space<vmem_shared>>
        tpu.enqueue_indirect_dma source(%dma_start3A_877 : memref<10240x16xf32, #tpu.memory_space<vmem_shared>>) target(%dma_start3A_871 : memref<128x16xf32, #tpu.memory_space<vmem>>) offsets(%dma_start3A_874 : memref<128xi32, #tpu.memory_space<vmem>>) semaphore(%arg11 : memref<!tpu.dma_semaphore, #tpu.memory_space<semaphore_mem>>)
        %mul3A_878 = arith.constant 8 : i32
        %mul3A_879 = arith.muli %add3A_847, %mul3A_878 : i32
        %add3A_880 = arith.constant 2 : i32
        %add3A_881 = arith.addi %mul3A_879, %add3A_880 : i32
        %dma_start3A_882 = arith.constant 2 : i32
        %dma_start3A_883 = arith.constant 0 : i32
        %dma_start3A_884 = arith.constant 0 : i32
        %dma_start3A_885 = tpu.memref_slice %arg10[%dma_start3A_882, %dma_start3A_883, %dma_start3A_884] : memref<16x128x16xf32, #tpu.memory_space<vmem>> -> memref<1x128x16xf32, #tpu.memory_space<vmem>>
        %dma_start3A_886 = tpu.memref_squeeze %dma_start3A_885 : memref<1x128x16xf32, #tpu.memory_space<vmem>> -> memref<128x16xf32, #tpu.memory_space<vmem>>
        %dma_start3A_887 = arith.constant 0 : i32
        %dma_start3A_888 = tpu.memref_slice %arg8[%add3A_881, %dma_start3A_887] : memref<80x128xi32, #tpu.memory_space<vmem>> -> memref<1x128xi32, #tpu.memory_space<vmem>>
        %dma_start3A_889 = tpu.memref_squeeze %dma_start3A_888 : memref<1x128xi32, #tpu.memory_space<vmem>> -> memref<128xi32, #tpu.memory_space<vmem>>
        %dma_start3A_890 = arith.constant 0 : i32
        %dma_start3A_891 = arith.constant 0 : i32
        %dma_start3A_892 = tpu.memref_slice %arg6[%dma_start3A_890, %dma_start3A_891] : memref<10240x16xf32, #tpu.memory_space<vmem_shared>> -> memref<10240x16xf32, #tpu.memory_space<vmem_shared>>
        tpu.enqueue_indirect_dma source(%dma_start3A_892 : memref<10240x16xf32, #tpu.memory_space<vmem_shared>>) target(%dma_start3A_886 : memref<128x16xf32, #tpu.memory_space<vmem>>) offsets(%dma_start3A_889 : memref<128xi32, #tpu.memory_space<vmem>>) semaphore(%arg11 : memref<!tpu.dma_semaphore, #tpu.memory_space<semaphore_mem>>)
        %mul3A_893 = arith.constant 8 : i32
        %mul3A_894 = arith.muli %add3A_847, %mul3A_893 : i32
        %add3A_895 = arith.constant 3 : i32
        %add3A_896 = arith.addi %mul3A_894, %add3A_895 : i32
        %dma_start3A_897 = arith.constant 3 : i32
        %dma_start3A_898 = arith.constant 0 : i32
        %dma_start3A_899 = arith.constant 0 : i32
        %dma_start3A_900 = tpu.memref_slice %arg10[%dma_start3A_897, %dma_start3A_898, %dma_start3A_899] : memref<16x128x16xf32, #tpu.memory_space<vmem>> -> memref<1x128x16xf32, #tpu.memory_space<vmem>>
        %dma_start3A_901 = tpu.memref_squeeze %dma_start3A_900 : memref<1x128x16xf32, #tpu.memory_space<vmem>> -> memref<128x16xf32, #tpu.memory_space<vmem>>
        %dma_start3A_902 = arith.constant 0 : i32
        %dma_start3A_903 = tpu.memref_slice %arg8[%add3A_896, %dma_start3A_902] : memref<80x128xi32, #tpu.memory_space<vmem>> -> memref<1x128xi32, #tpu.memory_space<vmem>>
        %dma_start3A_904 = tpu.memref_squeeze %dma_start3A_903 : memref<1x128xi32, #tpu.memory_space<vmem>> -> memref<128xi32, #tpu.memory_space<vmem>>
        %dma_start3A_905 = arith.constant 0 : i32
        %dma_start3A_906 = arith.constant 0 : i32
        %dma_start3A_907 = tpu.memref_slice %arg6[%dma_start3A_905, %dma_start3A_906] : memref<10240x16xf32, #tpu.memory_space<vmem_shared>> -> memref<10240x16xf32, #tpu.memory_space<vmem_shared>>
        tpu.enqueue_indirect_dma source(%dma_start3A_907 : memref<10240x16xf32, #tpu.memory_space<vmem_shared>>) target(%dma_start3A_901 : memref<128x16xf32, #tpu.memory_space<vmem>>) offsets(%dma_start3A_904 : memref<128xi32, #tpu.memory_space<vmem>>) semaphore(%arg11 : memref<!tpu.dma_semaphore, #tpu.memory_space<semaphore_mem>>)
        %mul3A_908 = arith.constant 8 : i32
        %mul3A_909 = arith.muli %add3A_847, %mul3A_908 : i32
        %add3A_910 = arith.constant 4 : i32
        %add3A_911 = arith.addi %mul3A_909, %add3A_910 : i32
        %dma_start3A_912 = arith.constant 4 : i32
        %dma_start3A_913 = arith.constant 0 : i32
        %dma_start3A_914 = arith.constant 0 : i32
        %dma_start3A_915 = tpu.memref_slice %arg10[%dma_start3A_912, %dma_start3A_913, %dma_start3A_914] : memref<16x128x16xf32, #tpu.memory_space<vmem>> -> memref<1x128x16xf32, #tpu.memory_space<vmem>>
        %dma_start3A_916 = tpu.memref_squeeze %dma_start3A_915 : memref<1x128x16xf32, #tpu.memory_space<vmem>> -> memref<128x16xf32, #tpu.memory_space<vmem>>
        %dma_start3A_917 = arith.constant 0 : i32
        %dma_start3A_918 = tpu.memref_slice %arg8[%add3A_911, %dma_start3A_917] : memref<80x128xi32, #tpu.memory_space<vmem>> -> memref<1x128xi32, #tpu.memory_space<vmem>>
        %dma_start3A_919 = tpu.memref_squeeze %dma_start3A_918 : memref<1x128xi32, #tpu.memory_space<vmem>> -> memref<128xi32, #tpu.memory_space<vmem>>
        %dma_start3A_920 = arith.constant 0 : i32
        %dma_start3A_921 = arith.constant 0 : i32
        %dma_start3A_922 = tpu.memref_slice %arg6[%dma_start3A_920, %dma_start3A_921] : memref<10240x16xf32, #tpu.memory_space<vmem_shared>> -> memref<10240x16xf32, #tpu.memory_space<vmem_shared>>
        tpu.enqueue_indirect_dma source(%dma_start3A_922 : memref<10240x16xf32, #tpu.memory_space<vmem_shared>>) target(%dma_start3A_916 : memref<128x16xf32, #tpu.memory_space<vmem>>) offsets(%dma_start3A_919 : memref<128xi32, #tpu.memory_space<vmem>>) semaphore(%arg11 : memref<!tpu.dma_semaphore, #tpu.memory_space<semaphore_mem>>)
        %mul3A_923 = arith.constant 8 : i32
        %mul3A_924 = arith.muli %add3A_847, %mul3A_923 : i32
        %add3A_925 = arith.constant 5 : i32
        %add3A_926 = arith.addi %mul3A_924, %add3A_925 : i32
        %dma_start3A_927 = arith.constant 5 : i32
        %dma_start3A_928 = arith.constant 0 : i32
        %dma_start3A_929 = arith.constant 0 : i32
        %dma_start3A_930 = tpu.memref_slice %arg10[%dma_start3A_927, %dma_start3A_928, %dma_start3A_929] : memref<16x128x16xf32, #tpu.memory_space<vmem>> -> memref<1x128x16xf32, #tpu.memory_space<vmem>>
        %dma_start3A_931 = tpu.memref_squeeze %dma_start3A_930 : memref<1x128x16xf32, #tpu.memory_space<vmem>> -> memref<128x16xf32, #tpu.memory_space<vmem>>
        %dma_start3A_932 = arith.constant 0 : i32
        %dma_start3A_933 = tpu.memref_slice %arg8[%add3A_926, %dma_start3A_932] : memref<80x128xi32, #tpu.memory_space<vmem>> -> memref<1x128xi32, #tpu.memory_space<vmem>>
        %dma_start3A_934 = tpu.memref_squeeze %dma_start3A_933 : memref<1x128xi32, #tpu.memory_space<vmem>> -> memref<128xi32, #tpu.memory_space<vmem>>
        %dma_start3A_935 = arith.constant 0 : i32
        %dma_start3A_936 = arith.constant 0 : i32
        %dma_start3A_937 = tpu.memref_slice %arg6[%dma_start3A_935, %dma_start3A_936] : memref<10240x16xf32, #tpu.memory_space<vmem_shared>> -> memref<10240x16xf32, #tpu.memory_space<vmem_shared>>
        tpu.enqueue_indirect_dma source(%dma_start3A_937 : memref<10240x16xf32, #tpu.memory_space<vmem_shared>>) target(%dma_start3A_931 : memref<128x16xf32, #tpu.memory_space<vmem>>) offsets(%dma_start3A_934 : memref<128xi32, #tpu.memory_space<vmem>>) semaphore(%arg11 : memref<!tpu.dma_semaphore, #tpu.memory_space<semaphore_mem>>)
        %mul3A_938 = arith.constant 8 : i32
        %mul3A_939 = arith.muli %add3A_847, %mul3A_938 : i32
        %add3A_940 = arith.constant 6 : i32
        %add3A_941 = arith.addi %mul3A_939, %add3A_940 : i32
        %dma_start3A_942 = arith.constant 6 : i32
        %dma_start3A_943 = arith.constant 0 : i32
        %dma_start3A_944 = arith.constant 0 : i32
        %dma_start3A_945 = tpu.memref_slice %arg10[%dma_start3A_942, %dma_start3A_943, %dma_start3A_944] : memref<16x128x16xf32, #tpu.memory_space<vmem>> -> memref<1x128x16xf32, #tpu.memory_space<vmem>>
        %dma_start3A_946 = tpu.memref_squeeze %dma_start3A_945 : memref<1x128x16xf32, #tpu.memory_space<vmem>> -> memref<128x16xf32, #tpu.memory_space<vmem>>
        %dma_start3A_947 = arith.constant 0 : i32
        %dma_start3A_948 = tpu.memref_slice %arg8[%add3A_941, %dma_start3A_947] : memref<80x128xi32, #tpu.memory_space<vmem>> -> memref<1x128xi32, #tpu.memory_space<vmem>>
        %dma_start3A_949 = tpu.memref_squeeze %dma_start3A_948 : memref<1x128xi32, #tpu.memory_space<vmem>> -> memref<128xi32, #tpu.memory_space<vmem>>
        %dma_start3A_950 = arith.constant 0 : i32
        %dma_start3A_951 = arith.constant 0 : i32
        %dma_start3A_952 = tpu.memref_slice %arg6[%dma_start3A_950, %dma_start3A_951] : memref<10240x16xf32, #tpu.memory_space<vmem_shared>> -> memref<10240x16xf32, #tpu.memory_space<vmem_shared>>
        tpu.enqueue_indirect_dma source(%dma_start3A_952 : memref<10240x16xf32, #tpu.memory_space<vmem_shared>>) target(%dma_start3A_946 : memref<128x16xf32, #tpu.memory_space<vmem>>) offsets(%dma_start3A_949 : memref<128xi32, #tpu.memory_space<vmem>>) semaphore(%arg11 : memref<!tpu.dma_semaphore, #tpu.memory_space<semaphore_mem>>)
        %mul3A_953 = arith.constant 8 : i32
        %mul3A_954 = arith.muli %add3A_847, %mul3A_953 : i32
        %add3A_955 = arith.constant 7 : i32
        %add3A_956 = arith.addi %mul3A_954, %add3A_955 : i32
        %dma_start3A_957 = arith.constant 7 : i32
        %dma_start3A_958 = arith.constant 0 : i32
        %dma_start3A_959 = arith.constant 0 : i32
        %dma_start3A_960 = tpu.memref_slice %arg10[%dma_start3A_957, %dma_start3A_958, %dma_start3A_959] : memref<16x128x16xf32, #tpu.memory_space<vmem>> -> memref<1x128x16xf32, #tpu.memory_space<vmem>>
        %dma_start3A_961 = tpu.memref_squeeze %dma_start3A_960 : memref<1x128x16xf32, #tpu.memory_space<vmem>> -> memref<128x16xf32, #tpu.memory_space<vmem>>
        %dma_start3A_962 = arith.constant 0 : i32
        %dma_start3A_963 = tpu.memref_slice %arg8[%add3A_956, %dma_start3A_962] : memref<80x128xi32, #tpu.memory_space<vmem>> -> memref<1x128xi32, #tpu.memory_space<vmem>>
        %dma_start3A_964 = tpu.memref_squeeze %dma_start3A_963 : memref<1x128xi32, #tpu.memory_space<vmem>> -> memref<128xi32, #tpu.memory_space<vmem>>
        %dma_start3A_965 = arith.constant 0 : i32
        %dma_start3A_966 = arith.constant 0 : i32
        %dma_start3A_967 = tpu.memref_slice %arg6[%dma_start3A_965, %dma_start3A_966] : memref<10240x16xf32, #tpu.memory_space<vmem_shared>> -> memref<10240x16xf32, #tpu.memory_space<vmem_shared>>
        tpu.enqueue_indirect_dma source(%dma_start3A_967 : memref<10240x16xf32, #tpu.memory_space<vmem_shared>>) target(%dma_start3A_961 : memref<128x16xf32, #tpu.memory_space<vmem>>) offsets(%dma_start3A_964 : memref<128xi32, #tpu.memory_space<vmem>>) semaphore(%arg11 : memref<!tpu.dma_semaphore, #tpu.memory_space<semaphore_mem>>)
      } else {
      }
      %dma_wait3A_548 = arith.constant 8 : i32
      %dma_wait3A_549 = arith.constant 0 : i32
      %dma_wait3A_550 = arith.constant 0 : i32
      %dma_wait3A_551 = tpu.memref_slice %arg10[%dma_wait3A_548, %dma_wait3A_549, %dma_wait3A_550] : memref<16x128x16xf32, #tpu.memory_space<vmem>> -> memref<1x128x16xf32, #tpu.memory_space<vmem>>
      %dma_wait3A_552 = tpu.memref_squeeze %dma_wait3A_551 : memref<1x128x16xf32, #tpu.memory_space<vmem>> -> memref<128x16xf32, #tpu.memory_space<vmem>>
      %dma_wait3A_553 = arith.constant 0 : i32
      %dma_wait3A_554 = tpu.memref_slice %arg8[%add3A_124, %dma_wait3A_553] : memref<80x128xi32, #tpu.memory_space<vmem>> -> memref<1x128xi32, #tpu.memory_space<vmem>>
      %dma_wait3A_555 = tpu.memref_squeeze %dma_wait3A_554 : memref<1x128xi32, #tpu.memory_space<vmem>> -> memref<128xi32, #tpu.memory_space<vmem>>
      %dma_wait3A_556 = arith.constant 0 : i32
      %dma_wait3A_557 = arith.constant 0 : i32
      %dma_wait3A_558 = tpu.memref_slice %arg6[%dma_wait3A_556, %dma_wait3A_557] : memref<10240x16xf32, #tpu.memory_space<vmem_shared>> -> memref<10240x16xf32, #tpu.memory_space<vmem_shared>>
      tpu.wait_indirect_dma semaphore(%arg12 : memref<!tpu.dma_semaphore, #tpu.memory_space<semaphore_mem>>) src(%dma_wait3A_558 : memref<10240x16xf32, #tpu.memory_space<vmem_shared>>) dst(%dma_wait3A_552 : memref<128x16xf32, #tpu.memory_space<vmem>>)
      %dma_wait3A_559 = arith.constant 9 : i32
      %dma_wait3A_560 = arith.constant 0 : i32
      %dma_wait3A_561 = arith.constant 0 : i32
      %dma_wait3A_562 = tpu.memref_slice %arg10[%dma_wait3A_559, %dma_wait3A_560, %dma_wait3A_561] : memref<16x128x16xf32, #tpu.memory_space<vmem>> -> memref<1x128x16xf32, #tpu.memory_space<vmem>>
      %dma_wait3A_563 = tpu.memref_squeeze %dma_wait3A_562 : memref<1x128x16xf32, #tpu.memory_space<vmem>> -> memref<128x16xf32, #tpu.memory_space<vmem>>
      %dma_wait3A_564 = arith.constant 0 : i32
      %dma_wait3A_565 = tpu.memref_slice %arg8[%add3A_139, %dma_wait3A_564] : memref<80x128xi32, #tpu.memory_space<vmem>> -> memref<1x128xi32, #tpu.memory_space<vmem>>
      %dma_wait3A_566 = tpu.memref_squeeze %dma_wait3A_565 : memref<1x128xi32, #tpu.memory_space<vmem>> -> memref<128xi32, #tpu.memory_space<vmem>>
      %dma_wait3A_567 = arith.constant 0 : i32
      %dma_wait3A_568 = arith.constant 0 : i32
      %dma_wait3A_569 = tpu.memref_slice %arg6[%dma_wait3A_567, %dma_wait3A_568] : memref<10240x16xf32, #tpu.memory_space<vmem_shared>> -> memref<10240x16xf32, #tpu.memory_space<vmem_shared>>
      tpu.wait_indirect_dma semaphore(%arg12 : memref<!tpu.dma_semaphore, #tpu.memory_space<semaphore_mem>>) src(%dma_wait3A_569 : memref<10240x16xf32, #tpu.memory_space<vmem_shared>>) dst(%dma_wait3A_563 : memref<128x16xf32, #tpu.memory_space<vmem>>)
      %dma_wait3A_570 = arith.constant 10 : i32
      %dma_wait3A_571 = arith.constant 0 : i32
      %dma_wait3A_572 = arith.constant 0 : i32
      %dma_wait3A_573 = tpu.memref_slice %arg10[%dma_wait3A_570, %dma_wait3A_571, %dma_wait3A_572] : memref<16x128x16xf32, #tpu.memory_space<vmem>> -> memref<1x128x16xf32, #tpu.memory_space<vmem>>
      %dma_wait3A_574 = tpu.memref_squeeze %dma_wait3A_573 : memref<1x128x16xf32, #tpu.memory_space<vmem>> -> memref<128x16xf32, #tpu.memory_space<vmem>>
      %dma_wait3A_575 = arith.constant 0 : i32
      %dma_wait3A_576 = tpu.memref_slice %arg8[%add3A_154, %dma_wait3A_575] : memref<80x128xi32, #tpu.memory_space<vmem>> -> memref<1x128xi32, #tpu.memory_space<vmem>>
      %dma_wait3A_577 = tpu.memref_squeeze %dma_wait3A_576 : memref<1x128xi32, #tpu.memory_space<vmem>> -> memref<128xi32, #tpu.memory_space<vmem>>
      %dma_wait3A_578 = arith.constant 0 : i32
      %dma_wait3A_579 = arith.constant 0 : i32
      %dma_wait3A_580 = tpu.memref_slice %arg6[%dma_wait3A_578, %dma_wait3A_579] : memref<10240x16xf32, #tpu.memory_space<vmem_shared>> -> memref<10240x16xf32, #tpu.memory_space<vmem_shared>>
      tpu.wait_indirect_dma semaphore(%arg12 : memref<!tpu.dma_semaphore, #tpu.memory_space<semaphore_mem>>) src(%dma_wait3A_580 : memref<10240x16xf32, #tpu.memory_space<vmem_shared>>) dst(%dma_wait3A_574 : memref<128x16xf32, #tpu.memory_space<vmem>>)
      %dma_wait3A_581 = arith.constant 11 : i32
      %dma_wait3A_582 = arith.constant 0 : i32
      %dma_wait3A_583 = arith.constant 0 : i32
      %dma_wait3A_584 = tpu.memref_slice %arg10[%dma_wait3A_581, %dma_wait3A_582, %dma_wait3A_583] : memref<16x128x16xf32, #tpu.memory_space<vmem>> -> memref<1x128x16xf32, #tpu.memory_space<vmem>>
      %dma_wait3A_585 = tpu.memref_squeeze %dma_wait3A_584 : memref<1x128x16xf32, #tpu.memory_space<vmem>> -> memref<128x16xf32, #tpu.memory_space<vmem>>
      %dma_wait3A_586 = arith.constant 0 : i32
      %dma_wait3A_587 = tpu.memref_slice %arg8[%add3A_169, %dma_wait3A_586] : memref<80x128xi32, #tpu.memory_space<vmem>> -> memref<1x128xi32, #tpu.memory_space<vmem>>
      %dma_wait3A_588 = tpu.memref_squeeze %dma_wait3A_587 : memref<1x128xi32, #tpu.memory_space<vmem>> -> memref<128xi32, #tpu.memory_space<vmem>>
      %dma_wait3A_589 = arith.constant 0 : i32
      %dma_wait3A_590 = arith.constant 0 : i32
      %dma_wait3A_591 = tpu.memref_slice %arg6[%dma_wait3A_589, %dma_wait3A_590] : memref<10240x16xf32, #tpu.memory_space<vmem_shared>> -> memref<10240x16xf32, #tpu.memory_space<vmem_shared>>
      tpu.wait_indirect_dma semaphore(%arg12 : memref<!tpu.dma_semaphore, #tpu.memory_space<semaphore_mem>>) src(%dma_wait3A_591 : memref<10240x16xf32, #tpu.memory_space<vmem_shared>>) dst(%dma_wait3A_585 : memref<128x16xf32, #tpu.memory_space<vmem>>)
      %dma_wait3A_592 = arith.constant 12 : i32
      %dma_wait3A_593 = arith.constant 0 : i32
      %dma_wait3A_594 = arith.constant 0 : i32
      %dma_wait3A_595 = tpu.memref_slice %arg10[%dma_wait3A_592, %dma_wait3A_593, %dma_wait3A_594] : memref<16x128x16xf32, #tpu.memory_space<vmem>> -> memref<1x128x16xf32, #tpu.memory_space<vmem>>
      %dma_wait3A_596 = tpu.memref_squeeze %dma_wait3A_595 : memref<1x128x16xf32, #tpu.memory_space<vmem>> -> memref<128x16xf32, #tpu.memory_space<vmem>>
      %dma_wait3A_597 = arith.constant 0 : i32
      %dma_wait3A_598 = tpu.memref_slice %arg8[%add3A_184, %dma_wait3A_597] : memref<80x128xi32, #tpu.memory_space<vmem>> -> memref<1x128xi32, #tpu.memory_space<vmem>>
      %dma_wait3A_599 = tpu.memref_squeeze %dma_wait3A_598 : memref<1x128xi32, #tpu.memory_space<vmem>> -> memref<128xi32, #tpu.memory_space<vmem>>
      %dma_wait3A_600 = arith.constant 0 : i32
      %dma_wait3A_601 = arith.constant 0 : i32
      %dma_wait3A_602 = tpu.memref_slice %arg6[%dma_wait3A_600, %dma_wait3A_601] : memref<10240x16xf32, #tpu.memory_space<vmem_shared>> -> memref<10240x16xf32, #tpu.memory_space<vmem_shared>>
      tpu.wait_indirect_dma semaphore(%arg12 : memref<!tpu.dma_semaphore, #tpu.memory_space<semaphore_mem>>) src(%dma_wait3A_602 : memref<10240x16xf32, #tpu.memory_space<vmem_shared>>) dst(%dma_wait3A_596 : memref<128x16xf32, #tpu.memory_space<vmem>>)
      %dma_wait3A_603 = arith.constant 13 : i32
      %dma_wait3A_604 = arith.constant 0 : i32
      %dma_wait3A_605 = arith.constant 0 : i32
      %dma_wait3A_606 = tpu.memref_slice %arg10[%dma_wait3A_603, %dma_wait3A_604, %dma_wait3A_605] : memref<16x128x16xf32, #tpu.memory_space<vmem>> -> memref<1x128x16xf32, #tpu.memory_space<vmem>>
      %dma_wait3A_607 = tpu.memref_squeeze %dma_wait3A_606 : memref<1x128x16xf32, #tpu.memory_space<vmem>> -> memref<128x16xf32, #tpu.memory_space<vmem>>
      %dma_wait3A_608 = arith.constant 0 : i32
      %dma_wait3A_609 = tpu.memref_slice %arg8[%add3A_199, %dma_wait3A_608] : memref<80x128xi32, #tpu.memory_space<vmem>> -> memref<1x128xi32, #tpu.memory_space<vmem>>
      %dma_wait3A_610 = tpu.memref_squeeze %dma_wait3A_609 : memref<1x128xi32, #tpu.memory_space<vmem>> -> memref<128xi32, #tpu.memory_space<vmem>>
      %dma_wait3A_611 = arith.constant 0 : i32
      %dma_wait3A_612 = arith.constant 0 : i32
      %dma_wait3A_613 = tpu.memref_slice %arg6[%dma_wait3A_611, %dma_wait3A_612] : memref<10240x16xf32, #tpu.memory_space<vmem_shared>> -> memref<10240x16xf32, #tpu.memory_space<vmem_shared>>
      tpu.wait_indirect_dma semaphore(%arg12 : memref<!tpu.dma_semaphore, #tpu.memory_space<semaphore_mem>>) src(%dma_wait3A_613 : memref<10240x16xf32, #tpu.memory_space<vmem_shared>>) dst(%dma_wait3A_607 : memref<128x16xf32, #tpu.memory_space<vmem>>)
      %dma_wait3A_614 = arith.constant 14 : i32
      %dma_wait3A_615 = arith.constant 0 : i32
      %dma_wait3A_616 = arith.constant 0 : i32
      %dma_wait3A_617 = tpu.memref_slice %arg10[%dma_wait3A_614, %dma_wait3A_615, %dma_wait3A_616] : memref<16x128x16xf32, #tpu.memory_space<vmem>> -> memref<1x128x16xf32, #tpu.memory_space<vmem>>
      %dma_wait3A_618 = tpu.memref_squeeze %dma_wait3A_617 : memref<1x128x16xf32, #tpu.memory_space<vmem>> -> memref<128x16xf32, #tpu.memory_space<vmem>>
      %dma_wait3A_619 = arith.constant 0 : i32
      %dma_wait3A_620 = tpu.memref_slice %arg8[%add3A_214, %dma_wait3A_619] : memref<80x128xi32, #tpu.memory_space<vmem>> -> memref<1x128xi32, #tpu.memory_space<vmem>>
      %dma_wait3A_621 = tpu.memref_squeeze %dma_wait3A_620 : memref<1x128xi32, #tpu.memory_space<vmem>> -> memref<128xi32, #tpu.memory_space<vmem>>
      %dma_wait3A_622 = arith.constant 0 : i32
      %dma_wait3A_623 = arith.constant 0 : i32
      %dma_wait3A_624 = tpu.memref_slice %arg6[%dma_wait3A_622, %dma_wait3A_623] : memref<10240x16xf32, #tpu.memory_space<vmem_shared>> -> memref<10240x16xf32, #tpu.memory_space<vmem_shared>>
      tpu.wait_indirect_dma semaphore(%arg12 : memref<!tpu.dma_semaphore, #tpu.memory_space<semaphore_mem>>) src(%dma_wait3A_624 : memref<10240x16xf32, #tpu.memory_space<vmem_shared>>) dst(%dma_wait3A_618 : memref<128x16xf32, #tpu.memory_space<vmem>>)
      %dma_wait3A_625 = arith.constant 15 : i32
      %dma_wait3A_626 = arith.constant 0 : i32
      %dma_wait3A_627 = arith.constant 0 : i32
      %dma_wait3A_628 = tpu.memref_slice %arg10[%dma_wait3A_625, %dma_wait3A_626, %dma_wait3A_627] : memref<16x128x16xf32, #tpu.memory_space<vmem>> -> memref<1x128x16xf32, #tpu.memory_space<vmem>>
      %dma_wait3A_629 = tpu.memref_squeeze %dma_wait3A_628 : memref<1x128x16xf32, #tpu.memory_space<vmem>> -> memref<128x16xf32, #tpu.memory_space<vmem>>
      %dma_wait3A_630 = arith.constant 0 : i32
      %dma_wait3A_631 = tpu.memref_slice %arg8[%add3A_229, %dma_wait3A_630] : memref<80x128xi32, #tpu.memory_space<vmem>> -> memref<1x128xi32, #tpu.memory_space<vmem>>
      %dma_wait3A_632 = tpu.memref_squeeze %dma_wait3A_631 : memref<1x128xi32, #tpu.memory_space<vmem>> -> memref<128xi32, #tpu.memory_space<vmem>>
      %dma_wait3A_633 = arith.constant 0 : i32
      %dma_wait3A_634 = arith.constant 0 : i32
      %dma_wait3A_635 = tpu.memref_slice %arg6[%dma_wait3A_633, %dma_wait3A_634] : memref<10240x16xf32, #tpu.memory_space<vmem_shared>> -> memref<10240x16xf32, #tpu.memory_space<vmem_shared>>
      tpu.wait_indirect_dma semaphore(%arg12 : memref<!tpu.dma_semaphore, #tpu.memory_space<semaphore_mem>>) src(%dma_wait3A_635 : memref<10240x16xf32, #tpu.memory_space<vmem_shared>>) dst(%dma_wait3A_629 : memref<128x16xf32, #tpu.memory_space<vmem>>)
      %add3A_636 = arith.constant 1 : i32
      %add3A_637 = arith.addi %add3A_118, %add3A_636 : i32
      %mul3A_638 = arith.constant 8 : i32
      %mul3A_639 = arith.muli %add3A_637, %mul3A_638 : i32
      %add3A_640 = arith.constant 0 : i32
      %add3A_641 = arith.addi %mul3A_639, %add3A_640 : i32
      %dma_start3A_642 = arith.constant 8 : i32
      %dma_start3A_643 = arith.constant 0 : i32
      %dma_start3A_644 = arith.constant 0 : i32
      %dma_start3A_645 = tpu.memref_slice %arg10[%dma_start3A_642, %dma_start3A_643, %dma_start3A_644] : memref<16x128x16xf32, #tpu.memory_space<vmem>> -> memref<1x128x16xf32, #tpu.memory_space<vmem>>
      %dma_start3A_646 = tpu.memref_squeeze %dma_start3A_645 : memref<1x128x16xf32, #tpu.memory_space<vmem>> -> memref<128x16xf32, #tpu.memory_space<vmem>>
      %dma_start3A_647 = arith.constant 0 : i32
      %dma_start3A_648 = tpu.memref_slice %arg9[%add3A_641, %dma_start3A_647] : memref<80x128xi32, #tpu.memory_space<vmem>> -> memref<1x128xi32, #tpu.memory_space<vmem>>
      %dma_start3A_649 = tpu.memref_squeeze %dma_start3A_648 : memref<1x128xi32, #tpu.memory_space<vmem>> -> memref<128xi32, #tpu.memory_space<vmem>>
      %dma_start3A_650 = arith.constant 0 : i32
      %dma_start3A_651 = arith.constant 0 : i32
      %dma_start3A_652 = tpu.memref_slice %arg7[%dma_start3A_650, %dma_start3A_651] : memref<10240x16xf32, #tpu.memory_space<vmem_shared>> -> memref<10240x16xf32, #tpu.memory_space<vmem_shared>>
      tpu.enqueue_indirect_dma source(%dma_start3A_646 : memref<128x16xf32, #tpu.memory_space<vmem>>) target(%dma_start3A_652 : memref<10240x16xf32, #tpu.memory_space<vmem_shared>>) offsets(%dma_start3A_649 : memref<128xi32, #tpu.memory_space<vmem>>) semaphore(%arg13 : memref<!tpu.dma_semaphore, #tpu.memory_space<semaphore_mem>>) {add = true}
      %mul3A_653 = arith.constant 8 : i32
      %mul3A_654 = arith.muli %add3A_637, %mul3A_653 : i32
      %add3A_655 = arith.constant 1 : i32
      %add3A_656 = arith.addi %mul3A_654, %add3A_655 : i32
      %dma_start3A_657 = arith.constant 9 : i32
      %dma_start3A_658 = arith.constant 0 : i32
      %dma_start3A_659 = arith.constant 0 : i32
      %dma_start3A_660 = tpu.memref_slice %arg10[%dma_start3A_657, %dma_start3A_658, %dma_start3A_659] : memref<16x128x16xf32, #tpu.memory_space<vmem>> -> memref<1x128x16xf32, #tpu.memory_space<vmem>>
      %dma_start3A_661 = tpu.memref_squeeze %dma_start3A_660 : memref<1x128x16xf32, #tpu.memory_space<vmem>> -> memref<128x16xf32, #tpu.memory_space<vmem>>
      %dma_start3A_662 = arith.constant 0 : i32
      %dma_start3A_663 = tpu.memref_slice %arg9[%add3A_656, %dma_start3A_662] : memref<80x128xi32, #tpu.memory_space<vmem>> -> memref<1x128xi32, #tpu.memory_space<vmem>>
      %dma_start3A_664 = tpu.memref_squeeze %dma_start3A_663 : memref<1x128xi32, #tpu.memory_space<vmem>> -> memref<128xi32, #tpu.memory_space<vmem>>
      %dma_start3A_665 = arith.constant 0 : i32
      %dma_start3A_666 = arith.constant 0 : i32
      %dma_start3A_667 = tpu.memref_slice %arg7[%dma_start3A_665, %dma_start3A_666] : memref<10240x16xf32, #tpu.memory_space<vmem_shared>> -> memref<10240x16xf32, #tpu.memory_space<vmem_shared>>
      tpu.enqueue_indirect_dma source(%dma_start3A_661 : memref<128x16xf32, #tpu.memory_space<vmem>>) target(%dma_start3A_667 : memref<10240x16xf32, #tpu.memory_space<vmem_shared>>) offsets(%dma_start3A_664 : memref<128xi32, #tpu.memory_space<vmem>>) semaphore(%arg13 : memref<!tpu.dma_semaphore, #tpu.memory_space<semaphore_mem>>) {add = true}
      %mul3A_668 = arith.constant 8 : i32
      %mul3A_669 = arith.muli %add3A_637, %mul3A_668 : i32
      %add3A_670 = arith.constant 2 : i32
      %add3A_671 = arith.addi %mul3A_669, %add3A_670 : i32
      %dma_start3A_672 = arith.constant 10 : i32
      %dma_start3A_673 = arith.constant 0 : i32
      %dma_start3A_674 = arith.constant 0 : i32
      %dma_start3A_675 = tpu.memref_slice %arg10[%dma_start3A_672, %dma_start3A_673, %dma_start3A_674] : memref<16x128x16xf32, #tpu.memory_space<vmem>> -> memref<1x128x16xf32, #tpu.memory_space<vmem>>
      %dma_start3A_676 = tpu.memref_squeeze %dma_start3A_675 : memref<1x128x16xf32, #tpu.memory_space<vmem>> -> memref<128x16xf32, #tpu.memory_space<vmem>>
      %dma_start3A_677 = arith.constant 0 : i32
      %dma_start3A_678 = tpu.memref_slice %arg9[%add3A_671, %dma_start3A_677] : memref<80x128xi32, #tpu.memory_space<vmem>> -> memref<1x128xi32, #tpu.memory_space<vmem>>
      %dma_start3A_679 = tpu.memref_squeeze %dma_start3A_678 : memref<1x128xi32, #tpu.memory_space<vmem>> -> memref<128xi32, #tpu.memory_space<vmem>>
      %dma_start3A_680 = arith.constant 0 : i32
      %dma_start3A_681 = arith.constant 0 : i32
      %dma_start3A_682 = tpu.memref_slice %arg7[%dma_start3A_680, %dma_start3A_681] : memref<10240x16xf32, #tpu.memory_space<vmem_shared>> -> memref<10240x16xf32, #tpu.memory_space<vmem_shared>>
      tpu.enqueue_indirect_dma source(%dma_start3A_676 : memref<128x16xf32, #tpu.memory_space<vmem>>) target(%dma_start3A_682 : memref<10240x16xf32, #tpu.memory_space<vmem_shared>>) offsets(%dma_start3A_679 : memref<128xi32, #tpu.memory_space<vmem>>) semaphore(%arg13 : memref<!tpu.dma_semaphore, #tpu.memory_space<semaphore_mem>>) {add = true}
      %mul3A_683 = arith.constant 8 : i32
      %mul3A_684 = arith.muli %add3A_637, %mul3A_683 : i32
      %add3A_685 = arith.constant 3 : i32
      %add3A_686 = arith.addi %mul3A_684, %add3A_685 : i32
      %dma_start3A_687 = arith.constant 11 : i32
      %dma_start3A_688 = arith.constant 0 : i32
      %dma_start3A_689 = arith.constant 0 : i32
      %dma_start3A_690 = tpu.memref_slice %arg10[%dma_start3A_687, %dma_start3A_688, %dma_start3A_689] : memref<16x128x16xf32, #tpu.memory_space<vmem>> -> memref<1x128x16xf32, #tpu.memory_space<vmem>>
      %dma_start3A_691 = tpu.memref_squeeze %dma_start3A_690 : memref<1x128x16xf32, #tpu.memory_space<vmem>> -> memref<128x16xf32, #tpu.memory_space<vmem>>
      %dma_start3A_692 = arith.constant 0 : i32
      %dma_start3A_693 = tpu.memref_slice %arg9[%add3A_686, %dma_start3A_692] : memref<80x128xi32, #tpu.memory_space<vmem>> -> memref<1x128xi32, #tpu.memory_space<vmem>>
      %dma_start3A_694 = tpu.memref_squeeze %dma_start3A_693 : memref<1x128xi32, #tpu.memory_space<vmem>> -> memref<128xi32, #tpu.memory_space<vmem>>
      %dma_start3A_695 = arith.constant 0 : i32
      %dma_start3A_696 = arith.constant 0 : i32
      %dma_start3A_697 = tpu.memref_slice %arg7[%dma_start3A_695, %dma_start3A_696] : memref<10240x16xf32, #tpu.memory_space<vmem_shared>> -> memref<10240x16xf32, #tpu.memory_space<vmem_shared>>
      tpu.enqueue_indirect_dma source(%dma_start3A_691 : memref<128x16xf32, #tpu.memory_space<vmem>>) target(%dma_start3A_697 : memref<10240x16xf32, #tpu.memory_space<vmem_shared>>) offsets(%dma_start3A_694 : memref<128xi32, #tpu.memory_space<vmem>>) semaphore(%arg13 : memref<!tpu.dma_semaphore, #tpu.memory_space<semaphore_mem>>) {add = true}
      %mul3A_698 = arith.constant 8 : i32
      %mul3A_699 = arith.muli %add3A_637, %mul3A_698 : i32
      %add3A_700 = arith.constant 4 : i32
      %add3A_701 = arith.addi %mul3A_699, %add3A_700 : i32
      %dma_start3A_702 = arith.constant 12 : i32
      %dma_start3A_703 = arith.constant 0 : i32
      %dma_start3A_704 = arith.constant 0 : i32
      %dma_start3A_705 = tpu.memref_slice %arg10[%dma_start3A_702, %dma_start3A_703, %dma_start3A_704] : memref<16x128x16xf32, #tpu.memory_space<vmem>> -> memref<1x128x16xf32, #tpu.memory_space<vmem>>
      %dma_start3A_706 = tpu.memref_squeeze %dma_start3A_705 : memref<1x128x16xf32, #tpu.memory_space<vmem>> -> memref<128x16xf32, #tpu.memory_space<vmem>>
      %dma_start3A_707 = arith.constant 0 : i32
      %dma_start3A_708 = tpu.memref_slice %arg9[%add3A_701, %dma_start3A_707] : memref<80x128xi32, #tpu.memory_space<vmem>> -> memref<1x128xi32, #tpu.memory_space<vmem>>
      %dma_start3A_709 = tpu.memref_squeeze %dma_start3A_708 : memref<1x128xi32, #tpu.memory_space<vmem>> -> memref<128xi32, #tpu.memory_space<vmem>>
      %dma_start3A_710 = arith.constant 0 : i32
      %dma_start3A_711 = arith.constant 0 : i32
      %dma_start3A_712 = tpu.memref_slice %arg7[%dma_start3A_710, %dma_start3A_711] : memref<10240x16xf32, #tpu.memory_space<vmem_shared>> -> memref<10240x16xf32, #tpu.memory_space<vmem_shared>>
      tpu.enqueue_indirect_dma source(%dma_start3A_706 : memref<128x16xf32, #tpu.memory_space<vmem>>) target(%dma_start3A_712 : memref<10240x16xf32, #tpu.memory_space<vmem_shared>>) offsets(%dma_start3A_709 : memref<128xi32, #tpu.memory_space<vmem>>) semaphore(%arg13 : memref<!tpu.dma_semaphore, #tpu.memory_space<semaphore_mem>>) {add = true}
      %mul3A_713 = arith.constant 8 : i32
      %mul3A_714 = arith.muli %add3A_637, %mul3A_713 : i32
      %add3A_715 = arith.constant 5 : i32
      %add3A_716 = arith.addi %mul3A_714, %add3A_715 : i32
      %dma_start3A_717 = arith.constant 13 : i32
      %dma_start3A_718 = arith.constant 0 : i32
      %dma_start3A_719 = arith.constant 0 : i32
      %dma_start3A_720 = tpu.memref_slice %arg10[%dma_start3A_717, %dma_start3A_718, %dma_start3A_719] : memref<16x128x16xf32, #tpu.memory_space<vmem>> -> memref<1x128x16xf32, #tpu.memory_space<vmem>>
      %dma_start3A_721 = tpu.memref_squeeze %dma_start3A_720 : memref<1x128x16xf32, #tpu.memory_space<vmem>> -> memref<128x16xf32, #tpu.memory_space<vmem>>
      %dma_start3A_722 = arith.constant 0 : i32
      %dma_start3A_723 = tpu.memref_slice %arg9[%add3A_716, %dma_start3A_722] : memref<80x128xi32, #tpu.memory_space<vmem>> -> memref<1x128xi32, #tpu.memory_space<vmem>>
      %dma_start3A_724 = tpu.memref_squeeze %dma_start3A_723 : memref<1x128xi32, #tpu.memory_space<vmem>> -> memref<128xi32, #tpu.memory_space<vmem>>
      %dma_start3A_725 = arith.constant 0 : i32
      %dma_start3A_726 = arith.constant 0 : i32
      %dma_start3A_727 = tpu.memref_slice %arg7[%dma_start3A_725, %dma_start3A_726] : memref<10240x16xf32, #tpu.memory_space<vmem_shared>> -> memref<10240x16xf32, #tpu.memory_space<vmem_shared>>
      tpu.enqueue_indirect_dma source(%dma_start3A_721 : memref<128x16xf32, #tpu.memory_space<vmem>>) target(%dma_start3A_727 : memref<10240x16xf32, #tpu.memory_space<vmem_shared>>) offsets(%dma_start3A_724 : memref<128xi32, #tpu.memory_space<vmem>>) semaphore(%arg13 : memref<!tpu.dma_semaphore, #tpu.memory_space<semaphore_mem>>) {add = true}
      %mul3A_728 = arith.constant 8 : i32
      %mul3A_729 = arith.muli %add3A_637, %mul3A_728 : i32
      %add3A_730 = arith.constant 6 : i32
      %add3A_731 = arith.addi %mul3A_729, %add3A_730 : i32
      %dma_start3A_732 = arith.constant 14 : i32
      %dma_start3A_733 = arith.constant 0 : i32
      %dma_start3A_734 = arith.constant 0 : i32
      %dma_start3A_735 = tpu.memref_slice %arg10[%dma_start3A_732, %dma_start3A_733, %dma_start3A_734] : memref<16x128x16xf32, #tpu.memory_space<vmem>> -> memref<1x128x16xf32, #tpu.memory_space<vmem>>
      %dma_start3A_736 = tpu.memref_squeeze %dma_start3A_735 : memref<1x128x16xf32, #tpu.memory_space<vmem>> -> memref<128x16xf32, #tpu.memory_space<vmem>>
      %dma_start3A_737 = arith.constant 0 : i32
      %dma_start3A_738 = tpu.memref_slice %arg9[%add3A_731, %dma_start3A_737] : memref<80x128xi32, #tpu.memory_space<vmem>> -> memref<1x128xi32, #tpu.memory_space<vmem>>
      %dma_start3A_739 = tpu.memref_squeeze %dma_start3A_738 : memref<1x128xi32, #tpu.memory_space<vmem>> -> memref<128xi32, #tpu.memory_space<vmem>>
      %dma_start3A_740 = arith.constant 0 : i32
      %dma_start3A_741 = arith.constant 0 : i32
      %dma_start3A_742 = tpu.memref_slice %arg7[%dma_start3A_740, %dma_start3A_741] : memref<10240x16xf32, #tpu.memory_space<vmem_shared>> -> memref<10240x16xf32, #tpu.memory_space<vmem_shared>>
      tpu.enqueue_indirect_dma source(%dma_start3A_736 : memref<128x16xf32, #tpu.memory_space<vmem>>) target(%dma_start3A_742 : memref<10240x16xf32, #tpu.memory_space<vmem_shared>>) offsets(%dma_start3A_739 : memref<128xi32, #tpu.memory_space<vmem>>) semaphore(%arg13 : memref<!tpu.dma_semaphore, #tpu.memory_space<semaphore_mem>>) {add = true}
      %mul3A_743 = arith.constant 8 : i32
      %mul3A_744 = arith.muli %add3A_637, %mul3A_743 : i32
      %add3A_745 = arith.constant 7 : i32
      %add3A_746 = arith.addi %mul3A_744, %add3A_745 : i32
      %dma_start3A_747 = arith.constant 15 : i32
      %dma_start3A_748 = arith.constant 0 : i32
      %dma_start3A_749 = arith.constant 0 : i32
      %dma_start3A_750 = tpu.memref_slice %arg10[%dma_start3A_747, %dma_start3A_748, %dma_start3A_749] : memref<16x128x16xf32, #tpu.memory_space<vmem>> -> memref<1x128x16xf32, #tpu.memory_space<vmem>>
      %dma_start3A_751 = tpu.memref_squeeze %dma_start3A_750 : memref<1x128x16xf32, #tpu.memory_space<vmem>> -> memref<128x16xf32, #tpu.memory_space<vmem>>
      %dma_start3A_752 = arith.constant 0 : i32
      %dma_start3A_753 = tpu.memref_slice %arg9[%add3A_746, %dma_start3A_752] : memref<80x128xi32, #tpu.memory_space<vmem>> -> memref<1x128xi32, #tpu.memory_space<vmem>>
      %dma_start3A_754 = tpu.memref_squeeze %dma_start3A_753 : memref<1x128xi32, #tpu.memory_space<vmem>> -> memref<128xi32, #tpu.memory_space<vmem>>
      %dma_start3A_755 = arith.constant 0 : i32
      %dma_start3A_756 = arith.constant 0 : i32
      %dma_start3A_757 = tpu.memref_slice %arg7[%dma_start3A_755, %dma_start3A_756] : memref<10240x16xf32, #tpu.memory_space<vmem_shared>> -> memref<10240x16xf32, #tpu.memory_space<vmem_shared>>
      tpu.enqueue_indirect_dma source(%dma_start3A_751 : memref<128x16xf32, #tpu.memory_space<vmem>>) target(%dma_start3A_757 : memref<10240x16xf32, #tpu.memory_space<vmem_shared>>) offsets(%dma_start3A_754 : memref<128xi32, #tpu.memory_space<vmem>>) semaphore(%arg13 : memref<!tpu.dma_semaphore, #tpu.memory_space<semaphore_mem>>) {add = true}
      %dma_wait3A_758 = arith.constant 8 : i32
      %dma_wait3A_759 = arith.constant 0 : i32
      %dma_wait3A_760 = arith.constant 0 : i32
      %dma_wait3A_761 = tpu.memref_slice %arg10[%dma_wait3A_758, %dma_wait3A_759, %dma_wait3A_760] : memref<16x128x16xf32, #tpu.memory_space<vmem>> -> memref<1x128x16xf32, #tpu.memory_space<vmem>>
      %dma_wait3A_762 = tpu.memref_squeeze %dma_wait3A_761 : memref<1x128x16xf32, #tpu.memory_space<vmem>> -> memref<128x16xf32, #tpu.memory_space<vmem>>
      %dma_wait3A_763 = arith.constant 0 : i32
      %dma_wait3A_764 = tpu.memref_slice %arg9[%add3A_641, %dma_wait3A_763] : memref<80x128xi32, #tpu.memory_space<vmem>> -> memref<1x128xi32, #tpu.memory_space<vmem>>
      %dma_wait3A_765 = tpu.memref_squeeze %dma_wait3A_764 : memref<1x128xi32, #tpu.memory_space<vmem>> -> memref<128xi32, #tpu.memory_space<vmem>>
      %dma_wait3A_766 = arith.constant 0 : i32
      %dma_wait3A_767 = arith.constant 0 : i32
      %dma_wait3A_768 = tpu.memref_slice %arg7[%dma_wait3A_766, %dma_wait3A_767] : memref<10240x16xf32, #tpu.memory_space<vmem_shared>> -> memref<10240x16xf32, #tpu.memory_space<vmem_shared>>
      tpu.wait_indirect_dma semaphore(%arg13 : memref<!tpu.dma_semaphore, #tpu.memory_space<semaphore_mem>>) src(%dma_wait3A_762 : memref<128x16xf32, #tpu.memory_space<vmem>>) dst(%dma_wait3A_768 : memref<10240x16xf32, #tpu.memory_space<vmem_shared>>)
      %dma_wait3A_769 = arith.constant 9 : i32
      %dma_wait3A_770 = arith.constant 0 : i32
      %dma_wait3A_771 = arith.constant 0 : i32
      %dma_wait3A_772 = tpu.memref_slice %arg10[%dma_wait3A_769, %dma_wait3A_770, %dma_wait3A_771] : memref<16x128x16xf32, #tpu.memory_space<vmem>> -> memref<1x128x16xf32, #tpu.memory_space<vmem>>
      %dma_wait3A_773 = tpu.memref_squeeze %dma_wait3A_772 : memref<1x128x16xf32, #tpu.memory_space<vmem>> -> memref<128x16xf32, #tpu.memory_space<vmem>>
      %dma_wait3A_774 = arith.constant 0 : i32
      %dma_wait3A_775 = tpu.memref_slice %arg9[%add3A_656, %dma_wait3A_774] : memref<80x128xi32, #tpu.memory_space<vmem>> -> memref<1x128xi32, #tpu.memory_space<vmem>>
      %dma_wait3A_776 = tpu.memref_squeeze %dma_wait3A_775 : memref<1x128xi32, #tpu.memory_space<vmem>> -> memref<128xi32, #tpu.memory_space<vmem>>
      %dma_wait3A_777 = arith.constant 0 : i32
      %dma_wait3A_778 = arith.constant 0 : i32
      %dma_wait3A_779 = tpu.memref_slice %arg7[%dma_wait3A_777, %dma_wait3A_778] : memref<10240x16xf32, #tpu.memory_space<vmem_shared>> -> memref<10240x16xf32, #tpu.memory_space<vmem_shared>>
      tpu.wait_indirect_dma semaphore(%arg13 : memref<!tpu.dma_semaphore, #tpu.memory_space<semaphore_mem>>) src(%dma_wait3A_773 : memref<128x16xf32, #tpu.memory_space<vmem>>) dst(%dma_wait3A_779 : memref<10240x16xf32, #tpu.memory_space<vmem_shared>>)
      %dma_wait3A_780 = arith.constant 10 : i32
      %dma_wait3A_781 = arith.constant 0 : i32
      %dma_wait3A_782 = arith.constant 0 : i32
      %dma_wait3A_783 = tpu.memref_slice %arg10[%dma_wait3A_780, %dma_wait3A_781, %dma_wait3A_782] : memref<16x128x16xf32, #tpu.memory_space<vmem>> -> memref<1x128x16xf32, #tpu.memory_space<vmem>>
      %dma_wait3A_784 = tpu.memref_squeeze %dma_wait3A_783 : memref<1x128x16xf32, #tpu.memory_space<vmem>> -> memref<128x16xf32, #tpu.memory_space<vmem>>
      %dma_wait3A_785 = arith.constant 0 : i32
      %dma_wait3A_786 = tpu.memref_slice %arg9[%add3A_671, %dma_wait3A_785] : memref<80x128xi32, #tpu.memory_space<vmem>> -> memref<1x128xi32, #tpu.memory_space<vmem>>
      %dma_wait3A_787 = tpu.memref_squeeze %dma_wait3A_786 : memref<1x128xi32, #tpu.memory_space<vmem>> -> memref<128xi32, #tpu.memory_space<vmem>>
      %dma_wait3A_788 = arith.constant 0 : i32
      %dma_wait3A_789 = arith.constant 0 : i32
      %dma_wait3A_790 = tpu.memref_slice %arg7[%dma_wait3A_788, %dma_wait3A_789] : memref<10240x16xf32, #tpu.memory_space<vmem_shared>> -> memref<10240x16xf32, #tpu.memory_space<vmem_shared>>
      tpu.wait_indirect_dma semaphore(%arg13 : memref<!tpu.dma_semaphore, #tpu.memory_space<semaphore_mem>>) src(%dma_wait3A_784 : memref<128x16xf32, #tpu.memory_space<vmem>>) dst(%dma_wait3A_790 : memref<10240x16xf32, #tpu.memory_space<vmem_shared>>)
      %dma_wait3A_791 = arith.constant 11 : i32
      %dma_wait3A_792 = arith.constant 0 : i32
      %dma_wait3A_793 = arith.constant 0 : i32
      %dma_wait3A_794 = tpu.memref_slice %arg10[%dma_wait3A_791, %dma_wait3A_792, %dma_wait3A_793] : memref<16x128x16xf32, #tpu.memory_space<vmem>> -> memref<1x128x16xf32, #tpu.memory_space<vmem>>
      %dma_wait3A_795 = tpu.memref_squeeze %dma_wait3A_794 : memref<1x128x16xf32, #tpu.memory_space<vmem>> -> memref<128x16xf32, #tpu.memory_space<vmem>>
      %dma_wait3A_796 = arith.constant 0 : i32
      %dma_wait3A_797 = tpu.memref_slice %arg9[%add3A_686, %dma_wait3A_796] : memref<80x128xi32, #tpu.memory_space<vmem>> -> memref<1x128xi32, #tpu.memory_space<vmem>>
      %dma_wait3A_798 = tpu.memref_squeeze %dma_wait3A_797 : memref<1x128xi32, #tpu.memory_space<vmem>> -> memref<128xi32, #tpu.memory_space<vmem>>
      %dma_wait3A_799 = arith.constant 0 : i32
      %dma_wait3A_800 = arith.constant 0 : i32
      %dma_wait3A_801 = tpu.memref_slice %arg7[%dma_wait3A_799, %dma_wait3A_800] : memref<10240x16xf32, #tpu.memory_space<vmem_shared>> -> memref<10240x16xf32, #tpu.memory_space<vmem_shared>>
      tpu.wait_indirect_dma semaphore(%arg13 : memref<!tpu.dma_semaphore, #tpu.memory_space<semaphore_mem>>) src(%dma_wait3A_795 : memref<128x16xf32, #tpu.memory_space<vmem>>) dst(%dma_wait3A_801 : memref<10240x16xf32, #tpu.memory_space<vmem_shared>>)
      %dma_wait3A_802 = arith.constant 12 : i32
      %dma_wait3A_803 = arith.constant 0 : i32
      %dma_wait3A_804 = arith.constant 0 : i32
      %dma_wait3A_805 = tpu.memref_slice %arg10[%dma_wait3A_802, %dma_wait3A_803, %dma_wait3A_804] : memref<16x128x16xf32, #tpu.memory_space<vmem>> -> memref<1x128x16xf32, #tpu.memory_space<vmem>>
      %dma_wait3A_806 = tpu.memref_squeeze %dma_wait3A_805 : memref<1x128x16xf32, #tpu.memory_space<vmem>> -> memref<128x16xf32, #tpu.memory_space<vmem>>
      %dma_wait3A_807 = arith.constant 0 : i32
      %dma_wait3A_808 = tpu.memref_slice %arg9[%add3A_701, %dma_wait3A_807] : memref<80x128xi32, #tpu.memory_space<vmem>> -> memref<1x128xi32, #tpu.memory_space<vmem>>
      %dma_wait3A_809 = tpu.memref_squeeze %dma_wait3A_808 : memref<1x128xi32, #tpu.memory_space<vmem>> -> memref<128xi32, #tpu.memory_space<vmem>>
      %dma_wait3A_810 = arith.constant 0 : i32
      %dma_wait3A_811 = arith.constant 0 : i32
      %dma_wait3A_812 = tpu.memref_slice %arg7[%dma_wait3A_810, %dma_wait3A_811] : memref<10240x16xf32, #tpu.memory_space<vmem_shared>> -> memref<10240x16xf32, #tpu.memory_space<vmem_shared>>
      tpu.wait_indirect_dma semaphore(%arg13 : memref<!tpu.dma_semaphore, #tpu.memory_space<semaphore_mem>>) src(%dma_wait3A_806 : memref<128x16xf32, #tpu.memory_space<vmem>>) dst(%dma_wait3A_812 : memref<10240x16xf32, #tpu.memory_space<vmem_shared>>)
      %dma_wait3A_813 = arith.constant 13 : i32
      %dma_wait3A_814 = arith.constant 0 : i32
      %dma_wait3A_815 = arith.constant 0 : i32
      %dma_wait3A_816 = tpu.memref_slice %arg10[%dma_wait3A_813, %dma_wait3A_814, %dma_wait3A_815] : memref<16x128x16xf32, #tpu.memory_space<vmem>> -> memref<1x128x16xf32, #tpu.memory_space<vmem>>
      %dma_wait3A_817 = tpu.memref_squeeze %dma_wait3A_816 : memref<1x128x16xf32, #tpu.memory_space<vmem>> -> memref<128x16xf32, #tpu.memory_space<vmem>>
      %dma_wait3A_818 = arith.constant 0 : i32
      %dma_wait3A_819 = tpu.memref_slice %arg9[%add3A_716, %dma_wait3A_818] : memref<80x128xi32, #tpu.memory_space<vmem>> -> memref<1x128xi32, #tpu.memory_space<vmem>>
      %dma_wait3A_820 = tpu.memref_squeeze %dma_wait3A_819 : memref<1x128xi32, #tpu.memory_space<vmem>> -> memref<128xi32, #tpu.memory_space<vmem>>
      %dma_wait3A_821 = arith.constant 0 : i32
      %dma_wait3A_822 = arith.constant 0 : i32
      %dma_wait3A_823 = tpu.memref_slice %arg7[%dma_wait3A_821, %dma_wait3A_822] : memref<10240x16xf32, #tpu.memory_space<vmem_shared>> -> memref<10240x16xf32, #tpu.memory_space<vmem_shared>>
      tpu.wait_indirect_dma semaphore(%arg13 : memref<!tpu.dma_semaphore, #tpu.memory_space<semaphore_mem>>) src(%dma_wait3A_817 : memref<128x16xf32, #tpu.memory_space<vmem>>) dst(%dma_wait3A_823 : memref<10240x16xf32, #tpu.memory_space<vmem_shared>>)
      %dma_wait3A_824 = arith.constant 14 : i32
      %dma_wait3A_825 = arith.constant 0 : i32
      %dma_wait3A_826 = arith.constant 0 : i32
      %dma_wait3A_827 = tpu.memref_slice %arg10[%dma_wait3A_824, %dma_wait3A_825, %dma_wait3A_826] : memref<16x128x16xf32, #tpu.memory_space<vmem>> -> memref<1x128x16xf32, #tpu.memory_space<vmem>>
      %dma_wait3A_828 = tpu.memref_squeeze %dma_wait3A_827 : memref<1x128x16xf32, #tpu.memory_space<vmem>> -> memref<128x16xf32, #tpu.memory_space<vmem>>
      %dma_wait3A_829 = arith.constant 0 : i32
      %dma_wait3A_830 = tpu.memref_slice %arg9[%add3A_731, %dma_wait3A_829] : memref<80x128xi32, #tpu.memory_space<vmem>> -> memref<1x128xi32, #tpu.memory_space<vmem>>
      %dma_wait3A_831 = tpu.memref_squeeze %dma_wait3A_830 : memref<1x128xi32, #tpu.memory_space<vmem>> -> memref<128xi32, #tpu.memory_space<vmem>>
      %dma_wait3A_832 = arith.constant 0 : i32
      %dma_wait3A_833 = arith.constant 0 : i32
      %dma_wait3A_834 = tpu.memref_slice %arg7[%dma_wait3A_832, %dma_wait3A_833] : memref<10240x16xf32, #tpu.memory_space<vmem_shared>> -> memref<10240x16xf32, #tpu.memory_space<vmem_shared>>
      tpu.wait_indirect_dma semaphore(%arg13 : memref<!tpu.dma_semaphore, #tpu.memory_space<semaphore_mem>>) src(%dma_wait3A_828 : memref<128x16xf32, #tpu.memory_space<vmem>>) dst(%dma_wait3A_834 : memref<10240x16xf32, #tpu.memory_space<vmem_shared>>)
      %dma_wait3A_835 = arith.constant 15 : i32
      %dma_wait3A_836 = arith.constant 0 : i32
      %dma_wait3A_837 = arith.constant 0 : i32
      %dma_wait3A_838 = tpu.memref_slice %arg10[%dma_wait3A_835, %dma_wait3A_836, %dma_wait3A_837] : memref<16x128x16xf32, #tpu.memory_space<vmem>> -> memref<1x128x16xf32, #tpu.memory_space<vmem>>
      %dma_wait3A_839 = tpu.memref_squeeze %dma_wait3A_838 : memref<1x128x16xf32, #tpu.memory_space<vmem>> -> memref<128x16xf32, #tpu.memory_space<vmem>>
      %dma_wait3A_840 = arith.constant 0 : i32
      %dma_wait3A_841 = tpu.memref_slice %arg9[%add3A_746, %dma_wait3A_840] : memref<80x128xi32, #tpu.memory_space<vmem>> -> memref<1x128xi32, #tpu.memory_space<vmem>>
      %dma_wait3A_842 = tpu.memref_squeeze %dma_wait3A_841 : memref<1x128xi32, #tpu.memory_space<vmem>> -> memref<128xi32, #tpu.memory_space<vmem>>
      %dma_wait3A_843 = arith.constant 0 : i32
      %dma_wait3A_844 = arith.constant 0 : i32
      %dma_wait3A_845 = tpu.memref_slice %arg7[%dma_wait3A_843, %dma_wait3A_844] : memref<10240x16xf32, #tpu.memory_space<vmem_shared>> -> memref<10240x16xf32, #tpu.memory_space<vmem_shared>>
      tpu.wait_indirect_dma semaphore(%arg13 : memref<!tpu.dma_semaphore, #tpu.memory_space<semaphore_mem>>) src(%dma_wait3A_839 : memref<128x16xf32, #tpu.memory_space<vmem>>) dst(%dma_wait3A_845 : memref<10240x16xf32, #tpu.memory_space<vmem_shared>>)
    }
    %scan3A_108 = arith.constant 5 : i32
    %barrier3A_109 = arith.constant 0 : index
    tpu.barrier barrier_id(%barrier3A_109)
    %mul3A_110 = arith.constant 640 : i32
    %mul3A_111 = arith.muli %arg1, %mul3A_110 : i32
    %mul3A_112 = arith.constant 640 : i32
    %mul3A_113 = arith.muli %arg1, %mul3A_112 : i32
    "tpu.region"() ({
      %run_scoped3A_114 = tpu.sem_alloc : memref<!tpu.dma_semaphore, #tpu.memory_space<semaphore_mem>>
      %dma_start3A_115 = arith.constant 0 : i32
      %dma_start3A_116 = tpu.memref_slice %arg5[%arg0, %mul3A_113, %dma_start3A_115] : memref<2x10240x16xf32, #tpu.memory_space<hbm>> -> memref<1x640x16xf32, #tpu.memory_space<hbm>>
      %dma_start3A_117 = tpu.memref_squeeze %dma_start3A_116 : memref<1x640x16xf32, #tpu.memory_space<hbm>> -> memref<640x16xf32, #tpu.memory_space<hbm>>
      %dma_start3A_118 = arith.constant 0 : i32
      %dma_start3A_119 = tpu.memref_slice %arg7[%mul3A_111, %dma_start3A_118] : memref<10240x16xf32, #tpu.memory_space<vmem_shared>> -> memref<640x16xf32, #tpu.memory_space<vmem_shared>>
      tpu.enqueue_dma source(%dma_start3A_119 : memref<640x16xf32, #tpu.memory_space<vmem_shared>>) target(%dma_start3A_117 : memref<640x16xf32, #tpu.memory_space<hbm>>) target_semaphore(%run_scoped3A_114 : memref<!tpu.dma_semaphore, #tpu.memory_space<semaphore_mem>>)
      %dma_wait3A = arith.constant 0 : i32
      %dma_wait3A_120 = tpu.memref_slice %arg5[%arg0, %mul3A_113, %dma_wait3A] : memref<2x10240x16xf32, #tpu.memory_space<hbm>> -> memref<1x640x16xf32, #tpu.memory_space<hbm>>
      %dma_wait3A_121 = tpu.memref_squeeze %dma_wait3A_120 : memref<1x640x16xf32, #tpu.memory_space<hbm>> -> memref<640x16xf32, #tpu.memory_space<hbm>>
      %dma_wait3A_122 = arith.constant 0 : i32
      %dma_wait3A_123 = tpu.memref_slice %arg7[%mul3A_111, %dma_wait3A_122] : memref<10240x16xf32, #tpu.memory_space<vmem_shared>> -> memref<640x16xf32, #tpu.memory_space<vmem_shared>>
      tpu.wait_dma2 semaphore(%run_scoped3A_114 : memref<!tpu.dma_semaphore, #tpu.memory_space<semaphore_mem>>) src(%dma_wait3A_123 : memref<640x16xf32, #tpu.memory_space<vmem_shared>>) dst(%dma_wait3A_121 : memref<640x16xf32, #tpu.memory_space<hbm>>)
      tpu.yield
    }) : () -> ()
    return
  }
}

module attributes {stable_mosaic.version = 14 : i64} {
  func.func @_dis_body(%arg0: memref<80x128xf32, #tpu.memory_space<vmem>>, %arg1: memref<80x128xf32, #tpu.memory_space<vmem>>, %arg2: memref<80x128xf32, #tpu.memory_space<vmem>>, %arg3: memref<80x128xf32, #tpu.memory_space<vmem>>) attributes {dimension_semantics = [], scalar_prefetch = 0 : i64, scratch_operands = 0 : i64, tpu.core_type = #tpu.core_type<tc>} {
    %get3A = arith.constant 0 : index
    %get3A_0 = arith.constant 0 : index
    %get3A_1 = vector.load %arg2[%get3A, %get3A_0] : memref<80x128xf32, #tpu.memory_space<vmem>>, vector<80x128xf32>
    %get3A_2 = arith.constant 0 : index
    %get3A_3 = arith.constant 0 : index
    %get3A_4 = vector.load %arg0[%get3A_2, %get3A_3] : memref<80x128xf32, #tpu.memory_space<vmem>>, vector<80x128xf32>
    %get3A_5 = arith.constant 0 : index
    %get3A_6 = arith.constant 0 : index
    %get3A_7 = vector.load %arg1[%get3A_5, %get3A_6] : memref<80x128xf32, #tpu.memory_space<vmem>>, vector<80x128xf32>
    %add3A = arith.addf %get3A_4, %get3A_7 : vector<80x128xf32>
    %add3A_8 = arith.constant 1.000000e+00 : f32
    %add3A_9 = vector.broadcast %add3A_8 : f32 to vector<80x128xf32>
    %add3A_10 = arith.addf %add3A, %add3A_9 : vector<80x128xf32>
    %rsqrt3A = math.rsqrt %add3A_10 : vector<80x128xf32>
    %mul3A = arith.mulf %get3A_1, %rsqrt3A : vector<80x128xf32>
    %swap3A = arith.constant 0 : index
    %swap3A_11 = arith.constant 0 : index
    %swap3A_12 = vector.load %arg3[%swap3A, %swap3A_11] : memref<80x128xf32, #tpu.memory_space<vmem>>, vector<80x128xf32>
    tpu.vector_store %arg3[%swap3A, %swap3A_11], %mul3A {strides = array<i32>} : memref<80x128xf32, #tpu.memory_space<vmem>>, vector<80x128xf32>,
    return
  }
}

module attributes {stable_mosaic.version = 14 : i64} {
  func.func @_mm1_body(%arg0: i32, %arg1: memref<10000x128xf32, #tpu.memory_space<vmem>>, %arg2: memref<128x16xf32, #tpu.memory_space<vmem>>, %arg3: memref<10240x16xf32, #tpu.memory_space<vmem>>, %arg4: memref<10240x16xf32, #tpu.memory_space<vmem>>) attributes {dimension_semantics = [#tpu.dimension_semantics<arbitrary>], iteration_bounds = array<i64: 1>, scalar_prefetch = 0 : i64, scratch_operands = 0 : i64, tpu.core_type = #tpu.core_type<tc>, window_params = [{pipeline_mode = #tpu.pipeline_mode<synchronous>, transform_indices = @transform_0, window_bounds = array<i64: 10000, 128>}, {pipeline_mode = #tpu.pipeline_mode<synchronous>, transform_indices = @transform_1, window_bounds = array<i64: 128, 16>}, {pipeline_mode = #tpu.pipeline_mode<synchronous>, transform_indices = @transform_2, window_bounds = array<i64: 10240, 16>}, {pipeline_mode = #tpu.pipeline_mode<synchronous>, transform_indices = @transform_3, window_bounds = array<i64: 10240, 16>}]} {
    %get3A = arith.constant 0 : index
    %get3A_0 = arith.constant 0 : index
    %get3A_1 = vector.load %arg1[%get3A, %get3A_0] : memref<10000x128xf32, #tpu.memory_space<vmem>>, vector<10000x128xf32>
    %get3A_2 = arith.constant 0 : index
    %get3A_3 = arith.constant 0 : index
    %get3A_4 = vector.load %arg2[%get3A_2, %get3A_3] : memref<128x16xf32, #tpu.memory_space<vmem>>, vector<128x16xf32>
    %dot_general3A = arith.constant dense<0.000000e+00> : vector<10000x16xf32>
    %dot_general3A_5 = tpu.matmul %get3A_1, %get3A_4, %dot_general3A {dimension_numbers = #tpu.dot_dimension_numbers<[1], [0], [0], [1], [0, 0, 1, 1], [], []>, transpose_lhs_hint = false} : vector<10000x128xf32>, vector<128x16xf32>, vector<10000x16xf32> -> vector<10000x16xf32>
    %broadcast_in_dim3A = arith.constant 0.000000e+00 : f32
    %broadcast_in_dim3A_6 = vector.broadcast %broadcast_in_dim3A : f32 to vector<240x16xf32>
    %concatenate3A = tpu.concatenate %dot_general3A_5, %broadcast_in_dim3A_6 in 0 : vector<10000x16xf32>, vector<240x16xf32> -> vector<10240x16xf32>
    %get3A_7 = arith.constant 0 : index
    %get3A_8 = arith.constant 0 : index
    %get3A_9 = vector.load %arg3[%get3A_7, %get3A_8] : memref<10240x16xf32, #tpu.memory_space<vmem>>, vector<10240x16xf32>
    %mul3A = arith.mulf %get3A_9, %concatenate3A : vector<10240x16xf32>
    %swap3A = arith.constant 0 : index
    %swap3A_10 = arith.constant 0 : index
    %swap3A_11 = vector.load %arg4[%swap3A, %swap3A_10] : memref<10240x16xf32, #tpu.memory_space<vmem>>, vector<10240x16xf32>
    tpu.vector_store %arg4[%swap3A, %swap3A_10], %mul3A {strides = array<i32>} : memref<10240x16xf32, #tpu.memory_space<vmem>>, vector<10240x16xf32>,
    return
  }
  func.func @transform_0(%arg0: i32) -> (i32, i32) {
    %c0_i32 = arith.constant 0 : i32
    %c0_i32_0 = arith.constant 0 : i32
    %c0_i32_1 = arith.constant 0 : i32
    return %c0_i32, %c0_i32_0 : i32, i32
  }
  func.func @transform_1(%arg0: i32) -> (i32, i32) {
    %c0_i32 = arith.constant 0 : i32
    %c0_i32_0 = arith.constant 0 : i32
    %c0_i32_1 = arith.constant 0 : i32
    return %c0_i32, %c0_i32_0 : i32, i32
  }
  func.func @transform_2(%arg0: i32) -> (i32, i32) {
    %c0_i32 = arith.constant 0 : i32
    %c0_i32_0 = arith.constant 0 : i32
    %c0_i32_1 = arith.constant 0 : i32
    return %c0_i32, %c0_i32_0 : i32, i32
  }
  func.func @transform_3(%arg0: i32) -> (i32, i32) {
    %c0_i32 = arith.constant 0 : i32
    %c0_i32_0 = arith.constant 0 : i32
    %c0_i32_1 = arith.constant 0 : i32
    return %c0_i32, %c0_i32_0 : i32, i32
  }
}

module attributes {stable_mosaic.version = 14 : i64} {
  func.func @_mm2_body(%arg0: i32, %arg1: memref<10240x16xf32, #tpu.memory_space<vmem>>, %arg2: memref<10240x16xf32, #tpu.memory_space<vmem>>, %arg3: memref<10240x16xf32, #tpu.memory_space<vmem>>, %arg4: memref<10240x16xf32, #tpu.memory_space<vmem>>, %arg5: memref<1x16xf32, #tpu.memory_space<vmem>>, %arg6: memref<16x16xf32, #tpu.memory_space<vmem>>, %arg7: memref<10240x16xf32, #tpu.memory_space<vmem>>) attributes {dimension_semantics = [#tpu.dimension_semantics<arbitrary>], iteration_bounds = array<i64: 1>, scalar_prefetch = 0 : i64, scratch_operands = 0 : i64, tpu.core_type = #tpu.core_type<tc>, window_params = [{transform_indices = @transform_0, window_bounds = array<i64: 10240, 16>}, {transform_indices = @transform_1, window_bounds = array<i64: 10240, 16>}, {transform_indices = @transform_2, window_bounds = array<i64: 10240, 16>}, {transform_indices = @transform_3, window_bounds = array<i64: 10240, 16>}, {pipeline_mode = #tpu.pipeline_mode<synchronous>, transform_indices = @transform_4, window_bounds = array<i64: 1, 16>}, {pipeline_mode = #tpu.pipeline_mode<synchronous>, transform_indices = @transform_5, window_bounds = array<i64: 16, 16>}, {transform_indices = @transform_6, window_bounds = array<i64: 10240, 16>}]} {
    %get3A = arith.constant 0 : index
    %get3A_0 = arith.constant 0 : index
    %get3A_1 = vector.load %arg4[%get3A, %get3A_0] : memref<10240x16xf32, #tpu.memory_space<vmem>>, vector<10240x16xf32>
    %get3A_2 = arith.constant 0 : index
    %get3A_3 = arith.constant 0 : index
    %get3A_4 = vector.load %arg1[%get3A_2, %get3A_3] : memref<10240x16xf32, #tpu.memory_space<vmem>>, vector<10240x16xf32>
    %get3A_5 = arith.constant 0 : index
    %get3A_6 = arith.constant 0 : index
    %get3A_7 = vector.load %arg2[%get3A_5, %get3A_6] : memref<10240x16xf32, #tpu.memory_space<vmem>>, vector<10240x16xf32>
    %add3A = arith.addf %get3A_4, %get3A_7 : vector<10240x16xf32>
    %get3A_8 = arith.constant 0 : index
    %get3A_9 = arith.constant 0 : index
    %get3A_10 = vector.load %arg3[%get3A_8, %get3A_9] : memref<10240x16xf32, #tpu.memory_space<vmem>>, vector<10240x16xf32>
    %add3A_11 = arith.addf %add3A, %get3A_10 : vector<10240x16xf32>
    %mul3A = arith.mulf %get3A_1, %add3A_11 : vector<10240x16xf32>
    %get3A_12 = arith.constant 0 : index
    %get3A_13 = arith.constant 0 : index
    %get3A_14 = vector.load %arg5[%get3A_12, %get3A_13] : memref<1x16xf32, #tpu.memory_space<vmem>>, vector<1x16xf32>
    %add3A_15 = vector.broadcast %get3A_14 : vector<1x16xf32> to vector<10240x16xf32>
    %add3A_16 = arith.addf %mul3A, %add3A_15 : vector<10240x16xf32>
    %max3A = arith.constant 0.000000e+00 : f32
    %max3A_17 = vector.broadcast %max3A : f32 to vector<10240x16xf32>
    %max3A_18 = arith.maximumf %add3A_16, %max3A_17 : vector<10240x16xf32>
    %get3A_19 = arith.constant 0 : index
    %get3A_20 = arith.constant 0 : index
    %get3A_21 = vector.load %arg4[%get3A_19, %get3A_20] : memref<10240x16xf32, #tpu.memory_space<vmem>>, vector<10240x16xf32>
    %get3A_22 = arith.constant 0 : index
    %get3A_23 = arith.constant 0 : index
    %get3A_24 = vector.load %arg6[%get3A_22, %get3A_23] : memref<16x16xf32, #tpu.memory_space<vmem>>, vector<16x16xf32>
    %dot_general3A = arith.constant dense<0.000000e+00> : vector<10240x16xf32>
    %dot_general3A_25 = tpu.matmul %max3A_18, %get3A_24, %dot_general3A {dimension_numbers = #tpu.dot_dimension_numbers<[1], [0], [0], [1], [0, 0, 1, 1], [], []>, transpose_lhs_hint = false} : vector<10240x16xf32>, vector<16x16xf32>, vector<10240x16xf32> -> vector<10240x16xf32>
    %mul3A_26 = arith.mulf %get3A_21, %dot_general3A_25 : vector<10240x16xf32>
    %swap3A = arith.constant 0 : index
    %swap3A_27 = arith.constant 0 : index
    %swap3A_28 = vector.load %arg7[%swap3A, %swap3A_27] : memref<10240x16xf32, #tpu.memory_space<vmem>>, vector<10240x16xf32>
    tpu.vector_store %arg7[%swap3A, %swap3A_27], %mul3A_26 {strides = array<i32>} : memref<10240x16xf32, #tpu.memory_space<vmem>>, vector<10240x16xf32>,
    return
  }
  func.func @transform_0(%arg0: i32) -> (i32, i32) {
    %c0_i32 = arith.constant 0 : i32
    %c0_i32_0 = arith.constant 0 : i32
    return %arg0, %c0_i32 : i32, i32
  }
  func.func @transform_1(%arg0: i32) -> (i32, i32) {
    %c0_i32 = arith.constant 0 : i32
    %c0_i32_0 = arith.constant 0 : i32
    return %arg0, %c0_i32 : i32, i32
  }
  func.func @transform_2(%arg0: i32) -> (i32, i32) {
    %c0_i32 = arith.constant 0 : i32
    %c0_i32_0 = arith.constant 0 : i32
    return %arg0, %c0_i32 : i32, i32
  }
  func.func @transform_3(%arg0: i32) -> (i32, i32) {
    %c0_i32 = arith.constant 0 : i32
    %c0_i32_0 = arith.constant 0 : i32
    return %arg0, %c0_i32 : i32, i32
  }
  func.func @transform_4(%arg0: i32) -> (i32, i32) {
    %c0_i32 = arith.constant 0 : i32
    %c0_i32_0 = arith.constant 0 : i32
    %c0_i32_1 = arith.constant 0 : i32
    return %c0_i32, %c0_i32_0 : i32, i32
  }
  func.func @transform_5(%arg0: i32) -> (i32, i32) {
    %c0_i32 = arith.constant 0 : i32
    %c0_i32_0 = arith.constant 0 : i32
    %c0_i32_1 = arith.constant 0 : i32
    return %c0_i32, %c0_i32_0 : i32, i32
  }
  func.func @transform_6(%arg0: i32) -> (i32, i32) {
    %c0_i32 = arith.constant 0 : i32
    %c0_i32_0 = arith.constant 0 : i32
    return %arg0, %c0_i32 : i32, i32
  }
}

module attributes {stable_mosaic.version = 14 : i64} {
  func.func @_fin_body(%arg0: i32, %arg1: memref<10240x16xf32, #tpu.memory_space<vmem>>, %arg2: memref<10240x16xf32, #tpu.memory_space<vmem>>, %arg3: memref<10240x16xf32, #tpu.memory_space<vmem>>, %arg4: memref<10240x16xf32, #tpu.memory_space<vmem>>, %arg5: memref<1x16xf32, #tpu.memory_space<vmem>>, %arg6: memref<10000x16xf32, #tpu.memory_space<vmem>>) attributes {dimension_semantics = [#tpu.dimension_semantics<arbitrary>], iteration_bounds = array<i64: 1>, scalar_prefetch = 0 : i64, scratch_operands = 0 : i64, tpu.core_type = #tpu.core_type<tc>, window_params = [{pipeline_mode = #tpu.pipeline_mode<synchronous>, transform_indices = @transform_0, window_bounds = array<i64: 10240, 16>}, {pipeline_mode = #tpu.pipeline_mode<synchronous>, transform_indices = @transform_1, window_bounds = array<i64: 10240, 16>}, {pipeline_mode = #tpu.pipeline_mode<synchronous>, transform_indices = @transform_2, window_bounds = array<i64: 10240, 16>}, {pipeline_mode = #tpu.pipeline_mode<synchronous>, transform_indices = @transform_3, window_bounds = array<i64: 10240, 16>}, {pipeline_mode = #tpu.pipeline_mode<synchronous>, transform_indices = @transform_4, window_bounds = array<i64: 1, 16>}, {pipeline_mode = #tpu.pipeline_mode<synchronous>, transform_indices = @transform_5, window_bounds = array<i64: 10000, 16>}]} {
    %get3A = arith.constant 0 : index
    %get3A_0 = arith.constant 0 : index
    %get3A_1 = vector.load %arg4[%get3A, %get3A_0] : memref<10240x16xf32, #tpu.memory_space<vmem>>, vector<10240x16xf32>
    %get3A_2 = arith.constant 0 : index
    %get3A_3 = arith.constant 0 : index
    %get3A_4 = vector.load %arg1[%get3A_2, %get3A_3] : memref<10240x16xf32, #tpu.memory_space<vmem>>, vector<10240x16xf32>
    %get3A_5 = arith.constant 0 : index
    %get3A_6 = arith.constant 0 : index
    %get3A_7 = vector.load %arg2[%get3A_5, %get3A_6] : memref<10240x16xf32, #tpu.memory_space<vmem>>, vector<10240x16xf32>
    %add3A = arith.addf %get3A_4, %get3A_7 : vector<10240x16xf32>
    %get3A_8 = arith.constant 0 : index
    %get3A_9 = arith.constant 0 : index
    %get3A_10 = vector.load %arg3[%get3A_8, %get3A_9] : memref<10240x16xf32, #tpu.memory_space<vmem>>, vector<10240x16xf32>
    %add3A_11 = arith.addf %add3A, %get3A_10 : vector<10240x16xf32>
    %mul3A = arith.mulf %get3A_1, %add3A_11 : vector<10240x16xf32>
    %get3A_12 = arith.constant 0 : index
    %get3A_13 = arith.constant 0 : index
    %get3A_14 = vector.load %arg5[%get3A_12, %get3A_13] : memref<1x16xf32, #tpu.memory_space<vmem>>, vector<1x16xf32>
    %add3A_15 = vector.broadcast %get3A_14 : vector<1x16xf32> to vector<10240x16xf32>
    %add3A_16 = arith.addf %mul3A, %add3A_15 : vector<10240x16xf32>
    %slice3A = vector.extract_strided_slice %add3A_16 {offsets = [0, 0], sizes = [10000, 16], strides = [1, 1]} : vector<10240x16xf32> to vector<10000x16xf32>
    %max3A = arith.constant 0.000000e+00 : f32
    %max3A_17 = vector.broadcast %max3A : f32 to vector<10000x16xf32>
    %max3A_18 = arith.maximumf %slice3A, %max3A_17 : vector<10000x16xf32>
    %swap3A = arith.constant 0 : index
    %swap3A_19 = arith.constant 0 : index
    %swap3A_20 = vector.load %arg6[%swap3A, %swap3A_19] : memref<10000x16xf32, #tpu.memory_space<vmem>>, vector<10000x16xf32>
    tpu.vector_store %arg6[%swap3A, %swap3A_19], %max3A_18 {strides = array<i32>} : memref<10000x16xf32, #tpu.memory_space<vmem>>, vector<10000x16xf32>,
    return
  }
  func.func @transform_0(%arg0: i32) -> (i32, i32) {
    %c0_i32 = arith.constant 0 : i32
    %c0_i32_0 = arith.constant 0 : i32
    %c0_i32_1 = arith.constant 0 : i32
    return %c0_i32, %c0_i32_0 : i32, i32
  }
  func.func @transform_1(%arg0: i32) -> (i32, i32) {
    %c0_i32 = arith.constant 0 : i32
    %c0_i32_0 = arith.constant 0 : i32
    %c0_i32_1 = arith.constant 0 : i32
    return %c0_i32, %c0_i32_0 : i32, i32
  }
  func.func @transform_2(%arg0: i32) -> (i32, i32) {
    %c0_i32 = arith.constant 0 : i32
    %c0_i32_0 = arith.constant 0 : i32
    %c0_i32_1 = arith.constant 0 : i32
    return %c0_i32, %c0_i32_0 : i32, i32
  }
  func.func @transform_3(%arg0: i32) -> (i32, i32) {
    %c0_i32 = arith.constant 0 : i32
    %c0_i32_0 = arith.constant 0 : i32
    %c0_i32_1 = arith.constant 0 : i32
    return %c0_i32, %c0_i32_0 : i32, i32
  }
  func.func @transform_4(%arg0: i32) -> (i32, i32) {
    %c0_i32 = arith.constant 0 : i32
    %c0_i32_0 = arith.constant 0 : i32
    %c0_i32_1 = arith.constant 0 : i32
    return %c0_i32, %c0_i32_0 : i32, i32
  }
  func.func @transform_5(%arg0: i32) -> (i32, i32) {
    %c0_i32 = arith.constant 0 : i32
    %c0_i32_0 = arith.constant 0 : i32
    %c0_i32_1 = arith.constant 0 : i32
    return %c0_i32, %c0_i32_0 : i32, i32
  }
}

</mosaic_0001>

<sc_bundles>
// kernel: kernel.12.cloned.1.call-start
scs
__scs_entry_jumppad:
0x0: {  	(pc) =	sbr.rel $0x88, $3  }
0x1: {  	(tag) =	ssettag $0x0;
	lr =	simm.s32 $0x1  }
0x2: {  	[smem:$0x3F9B] =	sst lr;
	_ =	strace $0xD0000000  }
0x3: {  	_ = 	snop  }
0x4: {  	_ = 	snop  }
0x5: {  	_ = 	snop  }
0x6: {  	_ = 	snop  }
0x7: {  	_ = 	snop  }
__scs_overlays_trampoline_lowered:
0x8: {  	[smem:$0x3FAA] =	sst s0  }
0x9: {  	[smem:$0x3FAB] =	sst s1  }
0xa: {  	[smem:$0x3FAC] =	sst s2  }
0xb: {  	[smem:$0x3FAD] =	sst s3  }
0xc: {  	[smem:$0x3FAE] =	sst s4  }
0xd: {  	[smem:$0x3FAF] =	sst s5  }
0xe: {  	[smem:$0x3FB0] =	sst s6  }
0xf: {  	[smem:$0x3FB1] =	sst s7  }
0x10: {  	[smem:$0x3FB2] =	sst s8  }
0x11: {  	[smem:$0x3FB3] =	sst s9;
	s0 =	simm.s32 @!p0 $0x0  }
0x12: {  	s1 =	sld [smem:$0x3F99];
	s0 =	simm.s32 @p0 $0x1  }
0x13: {  	[smem:$0x3FB4] =	sst s0;
	s0 =	simm.s32 @!p1 $0x0  }
0x14: {  	s2 =	sld [smem:$0x3F98];
	s0 =	simm.s32 @p1 $0x1  }
0x15: {  	[smem:$0x3FB5] =	sst s0;
	s0 =	simm.s32 @!p2 $0x0  }
0x16: {  	s3 =	sld [smem:$0x3FDB];
	s0 =	simm.s32 @p2 $0x1  }
0x17: {  	s4 =	simm.s32 $0x1BF5;
	[smem:$0x3FB7] =	sst s0  }
0x18: {  	s0 =	sld [smem:$0x3F9A];
	_ =	swait.ge [sflag:s4], $0x0  }
0x19: {  	s7 =	sld [smem:$0x3F9B]  }
0x1a: {  	s8 =	sadd.s32 $0xFFFFE003, lr  }
0x1b: {  	s9 =	sadd.s32 $0xFFFFFEF7, lr;
	s5 =	simm.s32 $0xFFFFFFFF;
	p2 =	slt.u32 s8, $0xFFFFF086  }
0x1c: {  	p1 =	slt.u32 s9, $0xF7A;
	s5 =	simm.s32 @!p2 $0x0  }
0x1d: {  	s5 =	simm.s32 @p1 $0x1;
	p0 =	seq.s32 s7, s2  }
0x1e: {  	s7 =	smul.u32 @!p0 $0xF7A, s2;
	p2 =	seq.s32 @!p0 s5, $0x0  }
0x1f: {  	s9 =	smul.u32 $0xF7A, s1;
	s8 =	simm.s32 @!p0 $0x1BF5;
	p2 =	por !p2, p0  }
0x20: {  	[sflag:s8] =	ssyncset.s32 @!p0 $0xFFFFF086;
	s6 =	sadd.s32 @!p0 s3, s7;
	s7 =	simm.s32 @!p0 $0x108  }
0x21: {  	s3 =	sadd.s32 s3, s9;
	s6 =	sadd.s32 @!p0 $0x88, s6;
	s7 =	simm.s32 @p2 $0x1082  }
0x22: {  	[simem:s7], [sflag:s8] =	dma.local @!p0 [hbm:s6], $0xF7A  }
0x23: {  	s9 =	sor.u32 $0xD0000000, s2;
	s6 =	simm.s32 $0x108;
	_ =	swait.ge @!p0 [sflag:s8], $0x0  }
0x24: {  	s3 =	sadd.s32 $0x88, s3;
	s6 =	simm.s32 @!p1 $0x1082;
	[sflag:s4] =	ssyncset.s32 $0xFFFFF086  }
0x25: {  	[simem:s6], [sflag:s4] =	dma.local [hbm:s3], $0xF7A  }
0x26: {  	[smem:$0x3F9B] =	sst s1;
	(tag) =	ssettag s2;
	_ =	strace s9  }
0x27: {  	s1 =	sld [smem:$0x3FAB]  }
0x28: {  	s2 =	sld [smem:$0x3FAC]  }
0x29: {  	s4 =	sld [smem:$0x3FAE]  }
0x2a: {  	p0 =	seq.s32 s5, $0x0;
	s5 =	sld [smem:$0x3FAF]  }
0x2b: {  	s6 =	sld [smem:$0x3FB0]  }
0x2c: {  	s7 =	sld [smem:$0x3FB1]  }
0x2d: {  	s3 =	simm.s32 $0x108;
	s8 =	sld [smem:$0x3FB2]  }
0x2e: {  	s3 =	simm.s32 @!p0 $0x1082;
	s9 =	sld [smem:$0x3FB3]  }
0x2f: {  	lr =	sadd.s32 s0, s3;
	s0 =	sld [smem:$0x3FAA]  }
0x30: {  	s3 =	sld [smem:$0x3FAD]  }
0x31: {  	[smem:$0x3FB6] =	sst s10  }
0x32: {  	s10 =	sld [smem:$0x3FB4];
	_ =	sdelay $0x3  }
0x33: {  	p0 =	seq.s32 s10, $0x1;
	s10 =	sld [smem:$0x3FB6];
	_ =	sdelay $0x3  }
0x34: {  	[smem:$0x3FB6] =	sst s10  }
0x35: {  	s10 =	sld [smem:$0x3FB5];
	_ =	sdelay $0x3  }
0x36: {  	p1 =	seq.s32 s10, $0x1;
	s10 =	sld [smem:$0x3FB6];
	_ =	sdelay $0x3  }
0x37: {  	[smem:$0x3FB6] =	sst s10  }
0x38: {  	s10 =	sld [smem:$0x3FB7]  }
0x39: {  	_ = 	snop;
	(pc) =	sbr.ind lr, $3  }
0x3a: {  	_ = 	snop  }
0x3b: {  	_ = 	snop  }
0x3c: {  	p2 =	seq.s32 s10, $0x1;
	s10 =	sld [smem:$0x3FB6]  }
0x3d: {  	_ =	shalt  }
0x3e: {  	_ =	shalt  }
0x3f: {  	_ =	shalt  }
0x40: {  	_ =	shalt  }
0x41: {  	_ =	shalt  }
0x42: {  	_ =	shalt  }
0x43: {  	_ =	shalt  }
0x44: {  	_ =	shalt  }
0x45: {  	_ =	shalt  }
0x46: {  	_ =	shalt  }
0x47: {  	_ =	shalt  }
0x48: {  	_ =	shalt  }
0x49: {  	_ =	shalt  }
0x4a: {  	_ =	shalt  }
0x4b: {  	_ =	shalt  }
0x4c: {  	_ =	shalt  }
0x4d: {  	_ =	shalt  }
0x4e: {  	_ =	shalt  }
0x4f: {  	_ =	shalt  }
0x50: {  	_ =	shalt  }
0x51: {  	_ =	shalt  }
0x52: {  	_ =	shalt  }
0x53: {  	_ =	shalt  }
0x54: {  	_ =	shalt  }
0x55: {  	_ =	shalt  }
0x56: {  	_ =	shalt  }
0x57: {  	_ =	shalt  }
0x58: {  	_ =	shalt  }
0x59: {  	_ =	shalt  }
0x5a: {  	_ =	shalt  }
0x5b: {  	_ =	shalt  }
0x5c: {  	_ =	shalt  }
0x5d: {  	_ =	shalt  }
0x5e: {  	_ =	shalt  }
0x5f: {  	_ =	shalt  }
0x60: {  	_ =	shalt  }
0x61: {  	_ =	shalt  }
0x62: {  	_ =	shalt  }
0x63: {  	_ =	shalt  }
0x64: {  	_ =	shalt  }
0x65: {  	_ =	shalt  }
0x66: {  	_ =	shalt  }
0x67: {  	_ =	shalt  }
0x68: {  	_ =	shalt  }
0x69: {  	_ =	shalt  }
0x6a: {  	_ =	shalt  }
0x6b: {  	_ =	shalt  }
0x6c: {  	_ =	shalt  }
0x6d: {  	_ =	shalt  }
0x6e: {  	_ =	shalt  }
0x6f: {  	_ =	shalt  }
0x70: {  	_ =	shalt  }
0x71: {  	_ =	shalt  }
0x72: {  	_ =	shalt  }
0x73: {  	_ =	shalt  }
0x74: {  	_ =	shalt  }
0x75: {  	_ =	shalt  }
0x76: {  	_ =	shalt  }
0x77: {  	_ =	shalt  }
0x78: {  	_ =	shalt  }
0x79: {  	_ =	shalt  }
0x7a: {  	_ =	shalt  }
0x7b: {  	_ =	shalt  }
0x7c: {  	_ =	shalt  }
0x7d: {  	_ =	shalt  }
0x7e: {  	_ =	shalt  }
0x7f: {  	_ =	shalt  }
0x80: {  	_ =	shalt  }
0x81: {  	_ =	shalt  }
0x82: {  	_ =	shalt  }
0x83: {  	_ =	shalt  }
0x84: {  	_ =	shalt  }
0x85: {  	_ =	shalt  }
0x86: {  	_ =	shalt  }
0x87: {  	_ =	shalt  }
.Lfunc_end0:
.L_simem_size_0:
called_computation.1_lowered:
.L_overlay_start_0:
0x88: {  	s2 =	sld [smem:$0x3FD9]  }
0x89: {  	s3 =	sld [smem:$0x3FFE];
	_ =	sdelay $0x1  }
0x8a: {  	s1 =	srdreg.scid  }
0x8b: {  	s0 =	sand.u32 $0x1, s1  }
0x8c: {  	s16 =	sshll.u32 s0, $0xA;
	s2 =	sadd.s32 s3, s2  }
0x8d: {  	s2 =	sadd.s32 s2, s16  }
0x8e: {  	[smem:$0x3FC2] =	sst s2  }
0x8f: {  	_ = 	snop  }
0x90: {  	(tm) =	ssettm $0x1  }
0x91: {  	s17 =	sld [smem:$0x3FFB];
	_ =	sdelay $0x3  }
0x92: {  	_ =	strace s17  }
0x93: {  	s2 =	sld [smem:$0x3FFC];
	_ =	sdelay $0x3  }
0x94: {  	_ =	strace s2  }
0x95: {  	s2 =	sld [smem:$0x3FFD];
	_ =	sdelay $0x3  }
0x96: {  	_ =	strace s2  }
0x97: {  	_ =	strace $0x8FFFFFFF  }
0x98: {  	s18 =	sld [smem:$0x3FDB];
	_ =	sdelay $0x1  }
0x99: {  	s19 =	simm.s32 $_scs_section_size  }
0x9a: {  	s4 =	simm.s32 $_size__tile_overlayer_lowered;
	s5 =	simm.s32 $_tile_overlayer_lowered  }
0x9b: {  	s22 =	simm.s32 $0x1BFF;
	s21 =	sshll.u32 s5, $0x1;
	s2 =	sadd.s32 s19, s18  }
0x9c: {  	s6 =	simm.s32 $0x0;
	s20 =	sshll.u32 s4, $0x1;
	s4 =	sadd.s32 s21, s2  }
0x9d: {  	[timem:s6], [sflag:s22] =	dma.local [hbm:s4], s20  }
0x9e: {  	_ =	swait.ge [sflag:s22], s20  }
0x9f: {  	s3 =	ssub.s32 $0x0, s20;
	[sflag:s22] =	ssyncset.done $0x0  }
0xa0: {  	[sflag:s22] =	ssyncadd.s32 s3;
	_ =	sdelay $0x1  }
0xa1: {  	s23 =	simm.s32 $0x1B8B  }
0xa2: {  	_ =	swait.ge [sflag:s23], $0x1  }
0xa3: {  	[sflag:s23] =	ssyncset.done $0x0  }
0xa4: {  	s25 =	simm.s32 $0x1B8E;
	s24 =	sld [smem:$0x3FFE];
	[sflag:s23] =	ssyncadd.s32 $0xFFFFFFFF  }
0xa5: {  	s26 =	simm.s32 $execute0_lowered;
	[smem:$0x3FD2] =	sst s25  }
0xa6: {  	s4 =	sshll.u32 s26, $0x1;
	_ =	strace $0x80000049;
	[dreg:$0x1] =	wrdreg $0xFFFFFFFF  }
0xa7: {  	s28 =	simm.s32 $_size_execute0_lowered;
	s2 =	sadd.s32 s2, s4;
	[dreg:$0x0] =	wrdreg $0x0  }
0xa8: {  	s4 =	sshll.u32 s28, $0x1;
	[dreg:$0x2] =	wrdreg s2  }
0xa9: {  	[dreg:$0x3] =	wrdreg s4  }
0xaa: {  	[dreg:$0x4] =	wrdreg $0xC0  }
0xab: {  	_ =	task [dreg:s6], $0x5FFFF  }
0xac: {  	[dreg:$0x1] =	wrdreg $0xFFFFFFFF  }
0xad: {  	[dreg:$0x0] =	wrdreg $0x60  }
0xae: {  	[dreg:$0x2] =	wrdreg s24  }
0xaf: {  	[dreg:$0x3] =	wrdreg $0x28000  }
0xb0: {  	[dreg:$0x4] =	wrdreg $0x0  }
0xb1: {  	[dreg:$0x5] =	wrdreg $0x9  }
0xb2: {  	_ =	task.clear_ibuf [dreg:s6], $0x6FFFF;
	_ =	strace $0x90000049  }
0xb3: {  	s29 =	simm.s32 $0x9;
	_ =	strace $0x8000004B  }
0xb4: {  	_ =	swait.ge [sflag:s29], $0x1  }
0xb5: {  	[sflag:s29] =	ssyncadd.s32 $0xFFFFFFFF  }
0xb6: {  	_ =	strace $0x9000004B  }
0xb7: {  	_ =	sfence  }
0xb8: {  	s30 =	sld [smem:$0x0];
	_ =	sdelay $0x2  }
0xb9: {  	s31 =	sshll.u32 s1, $0xD;
	s1 =	sshrl.u32 s1, $0x2  }
0xba: {  	s3 =	sand.u32 $0x4000, s31;
	s1 =	sadd.s32 s1, s30  }
0xbb: {  	s0 =	sor.u32 s3, s0;
	s1 =	sshll.u32 s1, $0x11  }
0xbc: {  	s0 =	sor.u32 s1, s0  }
0xbd: {  	s0 =	sadd.s32 $0x8F2B, s0  }
0xbe: {  	[sflag:s0] =	ssyncadd.remote.s32 $0x1  }
0xbf: {  	_ =	sfence.sel $0xFFFF  }
0xc0: {  	[dreg:$0x0] =	wrdreg $0xFFFFFFFF;
	(pc) =	sbr.abs _section_cstart, $3  }
0xc1: {  	[dreg:$0x1] =	wrdreg $0xFFFFFFFF  }
0xc2: {  	_ =	task.clear_ibuf [dreg:s6], $0x2FFFF;
	_ =	strace $0x9FFFFFFF  }
0xc3: {  	(tm) =	ssettm $0x7FFFFFFF  }
tec
execute0_lowered:
.L_overlay_start_1:
0x0: {  	(tag) =	ssettag $0x1  }
0x1: {  	s1 =	rddreg [dreg:$0x0]  }
0x2: {  	s0 =	srdreg.scid;
	s2 =	rddreg [dreg:$0x1]  }
0x3: {  	s9 =	stileid.u32;
	s3 =	rddreg [dreg:$0x2]  }
0x4: {  	s6 =	simm.s32 $0x0;
	s17 =	simm.s32 $0x80;
	s16 =	simm.s32 $0xE000  }
0x5: {  	s28 =	simm.s32 $0x10800;
	s30 =	simm.s32 $0x11000;
	s15 =	simm.s32 $0x3  }
0x6: {  	s29 =	simm.s32 $0xC000;
	s31 =	simm.s32 $0xC800;
	s0 =	sand.u32 $0x1, s0  }
0x7: {  	s5 =	smul.u32 $0x2800, s9;
	[smem:$0x7FF] =	sst s6;
	s21 =	sshll.u32 s9, $0x6  }
0x8: {  	s4 =	sshll.u32 s0, $0x4;
	s7 =	smul.u32 $0x28000, s0;
	_ =	strace $0x8000004A  }
0x9: {  	s0 =	ssub.s32 $0x2, s0;
	s4 =	sor.u32 s9, s4;
	s18 =	sshrl.u32 s5, $0x3  }
0xa: {  	s20 =	sshrl.u32 s0, $0x1;
	s22 =	sadd.s32 s5, s2;
	s9 =	sor.u32 $0x1C04, s21  }
0xb: {  	s21 =	simm.s32 $0xF000;
	s4 =	smul.u32 $0x2800, s4;
	s8 =	sadd.s32 s18, s1  }
0xc: {  	s19 =	sadd.s32 s5, s7;
	s0 =	ssub.s32 s0, s20;
	s5 =	sadd.s32 s5, s3  }
0xd: {  	s7 =	sshrl.u32 s22, $0x3;
	[dreg:$0x5] =	wrdreg s9;
	s20 =	simm.s32 $0xA000  }
0xe: {  	s22 =	simm.s32 $0xA800;
	s6 =	sshrl.u32 s19, $0x3;
	s23 =	sadd.s32 $0x43400, s8  }
0xf: {  	s24 =	sadd.s32 $0x3E400, s8;
	s0 =	smax.u32 s0, $0x1;
	[dreg:$0xb] =	wrdreg s7  }
0x10: {  	s8 =	simm.s32 $0x4;
	s26 =	sshrl.u32 s5, $0x3;
	[dreg:$0x4] =	wrdreg s23  }
0x11: {  	s19 =	simm.s32 $0xE800;
	s4 =	sshrl.u32 s4, $0x3;
	[dreg:$0x6] =	wrdreg s24  }
0x12: {  	s5 =	simm.s32 $0x2;
	[dreg:$0xa] =	wrdreg s0;
	s4 =	sadd.s32 s4, s1  }
0x13: {  	[dreg:$0xc] =	wrdreg s26;
	s23 =	simm.s32 $0xF800;
	s25 =	sadd.s32 $0x2400, s4  }
0x14: {  	s1 =	sadd.s32 s6, s1;
	s4 =	sadd.s32 $0xC400, s4;
	[dreg:$0x7] =	wrdreg s25  }
0x15: {  	s0 =	simm.s32 $0x0;
	s1 =	sadd.s32 $0x48400, s1;
	[dreg:$0x8] =	wrdreg s4  }
0x16: {  	s24 =	simm.s32 $0xB000;
	s26 =	simm.s32 $0xB800;
	[dreg:$0x9] =	wrdreg s1  }
0x17: {  	s25 =	simm.s32 $0x10000;
	s1 =	simm.s32 $0x11800;
	s4 =	simm.s32 $0x1  }
.LBB2_1:
0x18: {  	[dreg:$0xd] =	wrdreg s0  }
0x19: {  	s6 =	rddreg [dreg:$0x4]  }
0x1a: {  	[spmem:s7], [sflag:s9] =	dma.local [hbm:s6], $0x500  }
0x1b: {  	_ =	swait.ge [sflag:s8], $0x500  }
0x1c: {  	[sflag:s8] =	ssyncset.done $0x0;
	s12 =	rddreg [dreg:$0x6]  }
0x1d: {  	s13 =	rddreg [dreg:$0xc];
	[sflag:s8] =	ssyncadd.s32 $0xFFFFFB00  }
0x1e: {  	[spmem:s13], [sflag:s9] =	dma.local [hbm:s12], $0x500  }
0x1f: {  	_ =	swait.ge [sflag:s8], $0x500  }
0x20: {  	s14 =	simm.s32 $0x0;
	[sflag:s8] =	ssyncset.done $0x0  }
0x21: {  	s0 =	simm.s32 $0x5000;
	s18 =	rddreg [dreg:$0x7];
	[sflag:s8] =	ssyncadd.s32 $0xFFFFFB00  }
0x22: {  	[tilespmem:s0], [sflag:$0x4] =	stream.linear.gather [hbm4b:s18+s14], $0x2800, $0x38;
	[tilespmem:$0x12000] =	vst v63  }
0x23: {  	_ =	swait.ge [sflag:s8], $0x2800  }
0x24: {  	[sflag:s8] =	ssyncset.done $0x0  }
0x25: {  	s10 =	simm.s32 $0x7800;
	s11 =	rddreg [dreg:$0x8];
	[sflag:s8] =	ssyncadd.s32 $0xFFFFD800  }
0x26: {  	[tilespmem:s10], [sflag:$0x4] =	stream.linear.gather [hbm4b:s11+s14], $0x2800, $0x38;
	[tilespmem:$0x12000] =	vst v63  }
0x27: {  	_ =	swait.ge [sflag:s8], $0x2800  }
0x28: {  	[sflag:s8] =	ssyncset.done $0x0  }
0x29: {  	[sflag:s8] =	ssyncadd.s32 $0xFFFFD800  }
0x2a: {  	s6 =	simm.s32 $0xA000;
	[bflag:$0x0] =	sbarrier.arrive $0xFFFF  }
0x2b: {  	[tilespmem:s6], [sflag:$0x1] =	stream.indirect.gather [spmem:s3], $0x10, s0, s17, $0xb8;
	[tilespmem:$0x12000] =	vst v63  }
0x2c: {  	s12 =	simm.s32 $0x5080;
	s9 =	simm.s32 $0xA800  }
0x2d: {  	[tilespmem:s9], [sflag:$0x1] =	stream.indirect.gather [spmem:s3], $0x10, s12, s17, $0xb8;
	[tilespmem:$0x12000] =	vst v63  }
0x2e: {  	s13 =	simm.s32 $0x5100;
	s10 =	simm.s32 $0xB000  }
0x2f: {  	[tilespmem:s10], [sflag:$0x1] =	stream.indirect.gather [spmem:s3], $0x10, s13, s17, $0xb8;
	[tilespmem:$0x12000] =	vst v63  }
0x30: {  	s14 =	simm.s32 $0x5180;
	s11 =	simm.s32 $0xB800  }
0x31: {  	[tilespmem:s11], [sflag:$0x1] =	stream.indirect.gather [spmem:s3], $0x10, s14, s17, $0xb8;
	[tilespmem:$0x12000] =	vst v63  }
0x32: {  	s18 =	simm.s32 $0x5200;
	s12 =	simm.s32 $0xC000  }
0x33: {  	[tilespmem:s12], [sflag:$0x1] =	stream.indirect.gather [spmem:s3], $0x10, s18, s17, $0xb8;
	[tilespmem:$0x12000] =	vst v63  }
0x34: {  	s0 =	simm.s32 $0x5280;
	s13 =	simm.s32 $0xC800  }
0x35: {  	[tilespmem:s13], [sflag:$0x1] =	stream.indirect.gather [spmem:s3], $0x10, s0, s17, $0xb8;
	[tilespmem:$0x12000] =	vst v63  }
0x36: {  	s8 =	simm.s32 $0x5300;
	s14 =	simm.s32 $0xD000  }
0x37: {  	[tilespmem:s14], [sflag:$0x1] =	stream.indirect.gather [spmem:s3], $0x10, s8, s17, $0xb8;
	[tilespmem:$0x12000] =	vst v63  }
0x38: {  	s7 =	simm.s32 $0xD800;
	s18 =	simm.s32 $0x5380  }
0x39: {  	[tilespmem:s7], [sflag:$0x1] =	stream.indirect.gather [spmem:s3], $0x10, s18, s17, $0xb8;
	[tilespmem:$0x12000] =	vst v63  }
0x3a: {  	s0 =	simm.s32 $0x5400  }
0x3b: {  	[tilespmem:s16], [sflag:$0x2] =	stream.indirect.gather [spmem:s3], $0x10, s0, s17, $0xb8;
	[tilespmem:$0x12000] =	vst v63  }
0x3c: {  	s18 =	simm.s32 $0x5480  }
0x3d: {  	[tilespmem:s19], [sflag:$0x2] =	stream.indirect.gather [spmem:s3], $0x10, s18, s17, $0xb8;
	[tilespmem:$0x12000] =	vst v63  }
0x3e: {  	s0 =	simm.s32 $0x5500  }
0x3f: {  	[tilespmem:s21], [sflag:$0x2] =	stream.indirect.gather [spmem:s3], $0x10, s0, s17, $0xb8;
	[tilespmem:$0x12000] =	vst v63  }
0x40: {  	s18 =	simm.s32 $0x5580  }
0x41: {  	[tilespmem:s23], [sflag:$0x2] =	stream.indirect.gather [spmem:s3], $0x10, s18, s17, $0xb8;
	[tilespmem:$0x12000] =	vst v63  }
0x42: {  	s0 =	simm.s32 $0x5600  }
0x43: {  	[tilespmem:s25], [sflag:$0x2] =	stream.indirect.gather [spmem:s3], $0x10, s0, s17, $0xb8;
	[tilespmem:$0x12000] =	vst v63  }
0x44: {  	s18 =	simm.s32 $0x5680  }
0x45: {  	[tilespmem:s28], [sflag:$0x2] =	stream.indirect.gather [spmem:s3], $0x10, s18, s17, $0xb8;
	[tilespmem:$0x12000] =	vst v63  }
0x46: {  	s0 =	simm.s32 $0x5700  }
0x47: {  	[tilespmem:s30], [sflag:$0x2] =	stream.indirect.gather [spmem:s3], $0x10, s0, s17, $0xb8;
	[tilespmem:$0x12000] =	vst v63  }
0x48: {  	s18 =	simm.s32 $0x5780  }
0x49: {  	[tilespmem:s1], [sflag:$0x2] =	stream.indirect.gather [spmem:s3], $0x10, s18, s17, $0xb8;
	[tilespmem:$0x12000] =	vst v63  }
0x4a: {  	_ =	swait.ge [sflag:s4], $0x800  }
0x4b: {  	[sflag:s4] =	ssyncset.done $0x0  }
0x4c: {  	[sflag:s4] =	ssyncadd.s32 $0xFFFFF800  }
0x4d: {  	_ =	swait.ge [sflag:s4], $0x800  }
0x4e: {  	[sflag:s4] =	ssyncset.done $0x0  }
0x4f: {  	[sflag:s4] =	ssyncadd.s32 $0xFFFFF800  }
0x50: {  	_ =	swait.ge [sflag:s4], $0x800  }
0x51: {  	[sflag:s4] =	ssyncset.done $0x0  }
0x52: {  	[sflag:s4] =	ssyncadd.s32 $0xFFFFF800  }
0x53: {  	_ =	swait.ge [sflag:s4], $0x800  }
0x54: {  	[sflag:s4] =	ssyncset.done $0x0  }
0x55: {  	[sflag:s4] =	ssyncadd.s32 $0xFFFFF800  }
0x56: {  	_ =	swait.ge [sflag:s4], $0x800  }
0x57: {  	[sflag:s4] =	ssyncset.done $0x0  }
0x58: {  	[sflag:s4] =	ssyncadd.s32 $0xFFFFF800  }
0x59: {  	_ =	swait.ge [sflag:s4], $0x800  }
0x5a: {  	[sflag:s4] =	ssyncset.done $0x0  }
0x5b: {  	[sflag:s4] =	ssyncadd.s32 $0xFFFFF800  }
0x5c: {  	_ =	swait.ge [sflag:s4], $0x800  }
0x5d: {  	[sflag:s4] =	ssyncset.done $0x0  }
0x5e: {  	[sflag:s4] =	ssyncadd.s32 $0xFFFFF800  }
0x5f: {  	_ =	swait.ge [sflag:s4], $0x800  }
0x60: {  	[sflag:s4] =	ssyncset.done $0x0  }
0x61: {  	s0 =	simm.s32 $0x7800;
	[sflag:s4] =	ssyncadd.s32 $0xFFFFF800  }
0x62: {  	[spmem:s2] =	stream.indirect.scatter.add.f32 [tilespmem:s6], [sflag:$0x3], $0x10, s0, s17, $0xb8;
	[tilespmem:$0x12000] =	vst v63  }
0x63: {  	s6 =	simm.s32 $0x7880  }
0x64: {  	[spmem:s2] =	stream.indirect.scatter.add.f32 [tilespmem:s9], [sflag:$0x3], $0x10, s6, s17, $0xb8;
	[tilespmem:$0x12000] =	vst v63  }
0x65: {  	s9 =	simm.s32 $0x7900  }
0x66: {  	[spmem:s2] =	stream.indirect.scatter.add.f32 [tilespmem:s10], [sflag:$0x3], $0x10, s9, s17, $0xb8;
	[tilespmem:$0x12000] =	vst v63  }
0x67: {  	s10 =	simm.s32 $0x7980  }
0x68: {  	[spmem:s2] =	stream.indirect.scatter.add.f32 [tilespmem:s11], [sflag:$0x3], $0x10, s10, s17, $0xb8;
	[tilespmem:$0x12000] =	vst v63  }
0x69: {  	s11 =	simm.s32 $0x7A00  }
0x6a: {  	[spmem:s2] =	stream.indirect.scatter.add.f32 [tilespmem:s12], [sflag:$0x3], $0x10, s11, s17, $0xb8;
	[tilespmem:$0x12000] =	vst v63  }
0x6b: {  	s12 =	simm.s32 $0x7A80  }
0x6c: {  	[spmem:s2] =	stream.indirect.scatter.add.f32 [tilespmem:s13], [sflag:$0x3], $0x10, s12, s17, $0xb8;
	[tilespmem:$0x12000] =	vst v63  }
0x6d: {  	s18 =	simm.s32 $0x7B00  }
0x6e: {  	[spmem:s2] =	stream.indirect.scatter.add.f32 [tilespmem:s14], [sflag:$0x3], $0x10, s18, s17, $0xb8;
	[tilespmem:$0x12000] =	vst v63  }
0x6f: {  	s6 =	simm.s32 $0x7B80  }
0x70: {  	[spmem:s2] =	stream.indirect.scatter.add.f32 [tilespmem:s7], [sflag:$0x3], $0x10, s6, s17, $0xb8;
	[tilespmem:$0x12000] =	vst v63  }
0x71: {  	_ =	swait.ge [sflag:s15], $0x800  }
0x72: {  	[sflag:s15] =	ssyncset.done $0x0  }
0x73: {  	[sflag:s15] =	ssyncadd.s32 $0xFFFFF800  }
0x74: {  	_ =	swait.ge [sflag:s15], $0x800  }
0x75: {  	[sflag:s15] =	ssyncset.done $0x0  }
0x76: {  	[sflag:s15] =	ssyncadd.s32 $0xFFFFF800  }
0x77: {  	_ =	swait.ge [sflag:s15], $0x800  }
0x78: {  	[sflag:s15] =	ssyncset.done $0x0  }
0x79: {  	[sflag:s15] =	ssyncadd.s32 $0xFFFFF800  }
0x7a: {  	_ =	swait.ge [sflag:s15], $0x800  }
0x7b: {  	[sflag:s15] =	ssyncset.done $0x0  }
0x7c: {  	[sflag:s15] =	ssyncadd.s32 $0xFFFFF800  }
0x7d: {  	_ =	swait.ge [sflag:s15], $0x800  }
0x7e: {  	[sflag:s15] =	ssyncset.done $0x0  }
0x7f: {  	[sflag:s15] =	ssyncadd.s32 $0xFFFFF800  }
0x80: {  	_ =	swait.ge [sflag:s15], $0x800  }
0x81: {  	[sflag:s15] =	ssyncset.done $0x0  }
0x82: {  	[sflag:s15] =	ssyncadd.s32 $0xFFFFF800  }
0x83: {  	_ =	swait.ge [sflag:s15], $0x800  }
0x84: {  	[sflag:s15] =	ssyncset.done $0x0  }
0x85: {  	[sflag:s15] =	ssyncadd.s32 $0xFFFFF800  }
0x86: {  	p0 =	por $0x0, $0x0;
	_ =	swait.ge [sflag:s15], $0x800  }
0x87: {  	s8 =	simm.s32 @!p0 $0xA000;
	[sflag:s15] =	ssyncset.done $0x0  }
0x88: {  	s9 =	simm.s32 @!p0 $0x5800;
	s10 =	simm.s32 @!p0 $0x80;
	[sflag:s15] =	ssyncadd.s32 $0xFFFFF800  }
0x89: {  	[tilespmem:s8], [sflag:$0x1] =	stream.indirect.gather @!p0 [spmem:s3], $0x10, s9, s10, $0xb8;
	[tilespmem:$0x12000] =	vst v63  }
0x8a: {  	s8 =	simm.s32 @!p0 $0x5880;
	s9 =	simm.s32 @!p0 $0xA800  }
0x8b: {  	[tilespmem:s9], [sflag:$0x1] =	stream.indirect.gather @!p0 [spmem:s3], $0x10, s8, s10, $0xb8;
	[tilespmem:$0x12000] =	vst v63  }
0x8c: {  	s8 =	simm.s32 @!p0 $0x5900;
	s9 =	simm.s32 @!p0 $0xB000  }
0x8d: {  	[tilespmem:s9], [sflag:$0x1] =	stream.indirect.gather @!p0 [spmem:s3], $0x10, s8, s10, $0xb8;
	[tilespmem:$0x12000] =	vst v63  }
0x8e: {  	s8 =	simm.s32 @!p0 $0x5980;
	s9 =	simm.s32 @!p0 $0xB800  }
0x8f: {  	[tilespmem:s9], [sflag:$0x1] =	stream.indirect.gather @!p0 [spmem:s3], $0x10, s8, s10, $0xb8;
	[tilespmem:$0x12000] =	vst v63  }
0x90: {  	s8 =	simm.s32 @!p0 $0x5A00;
	s9 =	simm.s32 @!p0 $0xC000  }
0x91: {  	[tilespmem:s9], [sflag:$0x1] =	stream.indirect.gather @!p0 [spmem:s3], $0x10, s8, s10, $0xb8;
	[tilespmem:$0x12000] =	vst v63  }
0x92: {  	s8 =	simm.s32 @!p0 $0x5A80;
	s9 =	simm.s32 @!p0 $0xC800  }
0x93: {  	[tilespmem:s9], [sflag:$0x1] =	stream.indirect.gather @!p0 [spmem:s3], $0x10, s8, s10, $0xb8;
	[tilespmem:$0x12000] =	vst v63  }
0x94: {  	s8 =	simm.s32 @!p0 $0x5B00;
	s9 =	simm.s32 @!p0 $0xD000  }
0x95: {  	[tilespmem:s9], [sflag:$0x1] =	stream.indirect.gather @!p0 [spmem:s3], $0x10, s8, s10, $0xb8;
	[tilespmem:$0x12000] =	vst v63  }
0x96: {  	s8 =	simm.s32 @!p0 $0x5B80;
	s9 =	simm.s32 @!p0 $0xD800  }
0x97: {  	[tilespmem:s9], [sflag:$0x1] =	stream.indirect.gather @!p0 [spmem:s3], $0x10, s8, s10, $0xb8;
	[tilespmem:$0x12000] =	vst v63  }
0x98: {  	_ =	swait.ge [sflag:s5], $0x800  }
0x99: {  	[sflag:s5] =	ssyncset.done $0x0  }
0x9a: {  	[sflag:s5] =	ssyncadd.s32 $0xFFFFF800  }
0x9b: {  	_ =	swait.ge [sflag:s5], $0x800  }
0x9c: {  	[sflag:s5] =	ssyncset.done $0x0  }
0x9d: {  	[sflag:s5] =	ssyncadd.s32 $0xFFFFF800  }
0x9e: {  	_ =	swait.ge [sflag:s5], $0x800  }
0x9f: {  	[sflag:s5] =	ssyncset.done $0x0  }
0xa0: {  	[sflag:s5] =	ssyncadd.s32 $0xFFFFF800  }
0xa1: {  	_ =	swait.ge [sflag:s5], $0x800  }
0xa2: {  	[sflag:s5] =	ssyncset.done $0x0  }
0xa3: {  	[sflag:s5] =	ssyncadd.s32 $0xFFFFF800  }
0xa4: {  	_ =	swait.ge [sflag:s5], $0x800  }
0xa5: {  	[sflag:s5] =	ssyncset.done $0x0  }
0xa6: {  	[sflag:s5] =	ssyncadd.s32 $0xFFFFF800  }
0xa7: {  	_ =	swait.ge [sflag:s5], $0x800  }
0xa8: {  	[sflag:s5] =	ssyncset.done $0x0  }
0xa9: {  	[sflag:s5] =	ssyncadd.s32 $0xFFFFF800  }
0xaa: {  	_ =	swait.ge [sflag:s5], $0x800  }
0xab: {  	[sflag:s5] =	ssyncset.done $0x0  }
0xac: {  	[sflag:s5] =	ssyncadd.s32 $0xFFFFF800  }
0xad: {  	_ =	swait.ge [sflag:s5], $0x800  }
0xae: {  	[sflag:s5] =	ssyncset.done $0x0  }
0xaf: {  	s7 =	simm.s32 $0x7C00;
	[sflag:s5] =	ssyncadd.s32 $0xFFFFF800  }
0xb0: {  	[spmem:s2] =	stream.indirect.scatter.add.f32 [tilespmem:s16], [sflag:$0x3], $0x10, s7, s17, $0xb8;
	[tilespmem:$0x12000] =	vst v63  }
0xb1: {  	s9 =	simm.s32 $0x7C80  }
0xb2: {  	[spmem:s2] =	stream.indirect.scatter.add.f32 [tilespmem:s19], [sflag:$0x3], $0x10, s9, s17, $0xb8;
	[tilespmem:$0x12000] =	vst v63  }
0xb3: {  	s10 =	simm.s32 $0x7D00  }
0xb4: {  	[spmem:s2] =	stream.indirect.scatter.add.f32 [tilespmem:s21], [sflag:$0x3], $0x10, s10, s17, $0xb8;
	[tilespmem:$0x12000] =	vst v63  }
0xb5: {  	s11 =	simm.s32 $0x7D80  }
0xb6: {  	[spmem:s2] =	stream.indirect.scatter.add.f32 [tilespmem:s23], [sflag:$0x3], $0x10, s11, s17, $0xb8;
	[tilespmem:$0x12000] =	vst v63  }
0xb7: {  	s12 =	simm.s32 $0x7E00  }
0xb8: {  	[spmem:s2] =	stream.indirect.scatter.add.f32 [tilespmem:s25], [sflag:$0x3], $0x10, s12, s17, $0xb8;
	[tilespmem:$0x12000] =	vst v63  }
0xb9: {  	s13 =	simm.s32 $0x7E80  }
0xba: {  	[spmem:s2] =	stream.indirect.scatter.add.f32 [tilespmem:s28], [sflag:$0x3], $0x10, s13, s17, $0xb8;
	[tilespmem:$0x12000] =	vst v63  }
0xbb: {  	s14 =	simm.s32 $0x7F00  }
0xbc: {  	[spmem:s2] =	stream.indirect.scatter.add.f32 [tilespmem:s30], [sflag:$0x3], $0x10, s14, s17, $0xb8;
	[tilespmem:$0x12000] =	vst v63  }
0xbd: {  	s18 =	simm.s32 $0x7F80  }
0xbe: {  	[spmem:s2] =	stream.indirect.scatter.add.f32 [tilespmem:s1], [sflag:$0x3], $0x10, s18, s17, $0xb8;
	[tilespmem:$0x12000] =	vst v63  }
0xbf: {  	_ =	swait.ge [sflag:s15], $0x800  }
0xc0: {  	[sflag:s15] =	ssyncset.done $0x0  }
0xc1: {  	[sflag:s15] =	ssyncadd.s32 $0xFFFFF800  }
0xc2: {  	_ =	swait.ge [sflag:s15], $0x800  }
0xc3: {  	[sflag:s15] =	ssyncset.done $0x0  }
0xc4: {  	[sflag:s15] =	ssyncadd.s32 $0xFFFFF800  }
0xc5: {  	_ =	swait.ge [sflag:s15], $0x800  }
0xc6: {  	[sflag:s15] =	ssyncset.done $0x0  }
0xc7: {  	[sflag:s15] =	ssyncadd.s32 $0xFFFFF800  }
0xc8: {  	_ =	swait.ge [sflag:s15], $0x800  }
0xc9: {  	[sflag:s15] =	ssyncset.done $0x0  }
0xca: {  	[sflag:s15] =	ssyncadd.s32 $0xFFFFF800  }
0xcb: {  	_ =	swait.ge [sflag:s15], $0x800  }
0xcc: {  	[sflag:s15] =	ssyncset.done $0x0  }
0xcd: {  	[sflag:s15] =	ssyncadd.s32 $0xFFFFF800  }
0xce: {  	_ =	swait.ge [sflag:s15], $0x800  }
0xcf: {  	[sflag:s15] =	ssyncset.done $0x0  }
0xd0: {  	[sflag:s15] =	ssyncadd.s32 $0xFFFFF800  }
0xd1: {  	_ =	swait.ge [sflag:s15], $0x800  }
0xd2: {  	[sflag:s15] =	ssyncset.done $0x0  }
0xd3: {  	[sflag:s15] =	ssyncadd.s32 $0xFFFFF800  }
0xd4: {  	s0 =	simm.s32 $0xD000;
	s8 =	simm.s32 $0x800;
	_ =	swait.ge [sflag:s15], $0x800  }
0xd5: {  	s9 =	simm.s32 $0x2000;
	s10 =	simm.s32 $0x4000;
	[sflag:s15] =	ssyncset.done $0x0  }
.LBB2_2:
0xd6: {  	s14 =	sadd.s32 $0x5400, s8  }
0xd7: {  	[sflag:s15] =	ssyncadd.s32 $0xFFFFF800;
	s11 =	smov.u32 s10;
	s10 =	sadd.s32 $0x2000, s10  }
0xd8: {  	[tilespmem:s16], [sflag:$0x2] =	stream.indirect.gather [spmem:s3], $0x10, s14, s17, $0xb8;
	[tilespmem:$0x12000] =	vst v63  }
0xd9: {  	p0 =	sne.s32 s10, $0xA000;
	s14 =	sadd.s32 $0x5480, s8  }
0xda: {  	[tilespmem:s19], [sflag:$0x2] =	stream.indirect.gather [spmem:s3], $0x10, s14, s17, $0xb8;
	[tilespmem:$0x12000] =	vst v63  }
0xdb: {  	s14 =	sadd.s32 $0x5500, s8  }
0xdc: {  	[tilespmem:s21], [sflag:$0x2] =	stream.indirect.gather [spmem:s3], $0x10, s14, s17, $0xb8;
	[tilespmem:$0x12000] =	vst v63  }
0xdd: {  	s14 =	sadd.s32 $0x5580, s8  }
0xde: {  	[tilespmem:s23], [sflag:$0x2] =	stream.indirect.gather [spmem:s3], $0x10, s14, s17, $0xb8;
	[tilespmem:$0x12000] =	vst v63  }
0xdf: {  	s14 =	sadd.s32 $0x5600, s8  }
0xe0: {  	[tilespmem:s25], [sflag:$0x2] =	stream.indirect.gather [spmem:s3], $0x10, s14, s17, $0xb8;
	[tilespmem:$0x12000] =	vst v63  }
0xe1: {  	s14 =	sadd.s32 $0x5680, s8  }
0xe2: {  	[tilespmem:s28], [sflag:$0x2] =	stream.indirect.gather [spmem:s3], $0x10, s14, s17, $0xb8;
	[tilespmem:$0x12000] =	vst v63  }
0xe3: {  	s14 =	sadd.s32 $0x5700, s8  }
0xe4: {  	[tilespmem:s30], [sflag:$0x2] =	stream.indirect.gather [spmem:s3], $0x10, s14, s17, $0xb8;
	[tilespmem:$0x12000] =	vst v63  }
0xe5: {  	s14 =	sadd.s32 $0x5780, s8  }
0xe6: {  	[tilespmem:s1], [sflag:$0x2] =	stream.indirect.gather [spmem:s3], $0x10, s14, s17, $0xb8;
	[tilespmem:$0x12000] =	vst v63  }
0xe7: {  	_ =	swait.ge [sflag:s4], $0x800  }
0xe8: {  	[sflag:s4] =	ssyncset.done $0x0  }
0xe9: {  	[sflag:s4] =	ssyncadd.s32 $0xFFFFF800  }
0xea: {  	_ =	swait.ge [sflag:s4], $0x800  }
0xeb: {  	[sflag:s4] =	ssyncset.done $0x0  }
0xec: {  	[sflag:s4] =	ssyncadd.s32 $0xFFFFF800  }
0xed: {  	_ =	swait.ge [sflag:s4], $0x800  }
0xee: {  	[sflag:s4] =	ssyncset.done $0x0  }
0xef: {  	[sflag:s4] =	ssyncadd.s32 $0xFFFFF800  }
0xf0: {  	_ =	swait.ge [sflag:s4], $0x800  }
0xf1: {  	[sflag:s4] =	ssyncset.done $0x0  }
0xf2: {  	[sflag:s4] =	ssyncadd.s32 $0xFFFFF800  }
0xf3: {  	_ =	swait.ge [sflag:s4], $0x800  }
0xf4: {  	[sflag:s4] =	ssyncset.done $0x0  }
0xf5: {  	[sflag:s4] =	ssyncadd.s32 $0xFFFFF800  }
0xf6: {  	_ =	swait.ge [sflag:s4], $0x800  }
0xf7: {  	[sflag:s4] =	ssyncset.done $0x0  }
0xf8: {  	[sflag:s4] =	ssyncadd.s32 $0xFFFFF800  }
0xf9: {  	_ =	swait.ge [sflag:s4], $0x800  }
0xfa: {  	[sflag:s4] =	ssyncset.done $0x0  }
0xfb: {  	[sflag:s4] =	ssyncadd.s32 $0xFFFFF800  }
0xfc: {  	_ =	swait.ge [sflag:s4], $0x800  }
0xfd: {  	[sflag:s4] =	ssyncset.done $0x0  }
0xfe: {  	s14 =	sadd.s32 $0x7800, s8;
	[sflag:s4] =	ssyncadd.s32 $0xFFFFF800  }
0xff: {  	[spmem:s2] =	stream.indirect.scatter.add.f32 [tilespmem:s20], [sflag:$0x3], $0x10, s14, s17, $0xb8;
	[tilespmem:$0x12000] =	vst v63  }
0x100: {  	s14 =	sadd.s32 $0x7880, s8  }
0x101: {  	[spmem:s2] =	stream.indirect.scatter.add.f32 [tilespmem:s22], [sflag:$0x3], $0x10, s14, s17, $0xb8;
	[tilespmem:$0x12000] =	vst v63  }
0x102: {  	s14 =	sadd.s32 $0x7900, s8  }
0x103: {  	[spmem:s2] =	stream.indirect.scatter.add.f32 [tilespmem:s24], [sflag:$0x3], $0x10, s14, s17, $0xb8;
	[tilespmem:$0x12000] =	vst v63  }
0x104: {  	s14 =	sadd.s32 $0x7980, s8  }
0x105: {  	[spmem:s2] =	stream.indirect.scatter.add.f32 [tilespmem:s26], [sflag:$0x3], $0x10, s14, s17, $0xb8;
	[tilespmem:$0x12000] =	vst v63  }
0x106: {  	s14 =	sadd.s32 $0x7A00, s8  }
0x107: {  	[spmem:s2] =	stream.indirect.scatter.add.f32 [tilespmem:s29], [sflag:$0x3], $0x10, s14, s17, $0xb8;
	[tilespmem:$0x12000] =	vst v63  }
0x108: {  	s14 =	sadd.s32 $0x7A80, s8  }
0x109: {  	[spmem:s2] =	stream.indirect.scatter.add.f32 [tilespmem:s31], [sflag:$0x3], $0x10, s14, s17, $0xb8;
	[tilespmem:$0x12000] =	vst v63  }
0x10a: {  	s14 =	sadd.s32 $0x7B00, s8  }
0x10b: {  	[spmem:s2] =	stream.indirect.scatter.add.f32 [tilespmem:s0], [sflag:$0x3], $0x10, s14, s17, $0xb8;
	[tilespmem:$0x12000] =	vst v63  }
0x10c: {  	s6 =	simm.s32 $0xD800;
	s14 =	sadd.s32 $0x7B80, s8  }
0x10d: {  	[spmem:s2] =	stream.indirect.scatter.add.f32 [tilespmem:s6], [sflag:$0x3], $0x10, s14, s17, $0xb8;
	[tilespmem:$0x12000] =	vst v63  }
0x10e: {  	_ =	swait.ge [sflag:s15], $0x800  }
0x10f: {  	[sflag:s15] =	ssyncset.done $0x0  }
0x110: {  	[sflag:s15] =	ssyncadd.s32 $0xFFFFF800  }
0x111: {  	_ =	swait.ge [sflag:s15], $0x800  }
0x112: {  	[sflag:s15] =	ssyncset.done $0x0  }
0x113: {  	[sflag:s15] =	ssyncadd.s32 $0xFFFFF800  }
0x114: {  	_ =	swait.ge [sflag:s15], $0x800  }
0x115: {  	[sflag:s15] =	ssyncset.done $0x0  }
0x116: {  	[sflag:s15] =	ssyncadd.s32 $0xFFFFF800  }
0x117: {  	_ =	swait.ge [sflag:s15], $0x800  }
0x118: {  	[sflag:s15] =	ssyncset.done $0x0  }
0x119: {  	[sflag:s15] =	ssyncadd.s32 $0xFFFFF800  }
0x11a: {  	_ =	swait.ge [sflag:s15], $0x800  }
0x11b: {  	[sflag:s15] =	ssyncset.done $0x0  }
0x11c: {  	[sflag:s15] =	ssyncadd.s32 $0xFFFFF800  }
0x11d: {  	_ =	swait.ge [sflag:s15], $0x800  }
0x11e: {  	[sflag:s15] =	ssyncset.done $0x0  }
0x11f: {  	[sflag:s15] =	ssyncadd.s32 $0xFFFFF800  }
0x120: {  	_ =	swait.ge [sflag:s15], $0x800  }
0x121: {  	[sflag:s15] =	ssyncset.done $0x0  }
0x122: {  	[sflag:s15] =	ssyncadd.s32 $0xFFFFF800  }
0x123: {  	p1 =	seq.s32 s9, $0x8000;
	_ =	swait.ge [sflag:s15], $0x800  }
0x124: {  	s9 =	sshra.s32 @!p1 s9, $0x2;
	s14 =	simm.s32 @!p1 $0xA000;
	[sflag:s15] =	ssyncset.done $0x0  }
0x125: {  	s12 =	sadd.s32 @!p1 $0x5800, s9;
	s6 =	simm.s32 @!p1 $0x80;
	[sflag:s15] =	ssyncadd.s32 $0xFFFFF800  }
0x126: {  	[tilespmem:s14], [sflag:$0x1] =	stream.indirect.gather @!p1 [spmem:s3], $0x10, s12, s6, $0xb8;
	[tilespmem:$0x12000] =	vst v63  }
0x127: {  	s7 =	sadd.s32 @!p1 $0x5900, s9;
	s12 =	sadd.s32 @!p1 $0x5880, s9;
	s14 =	simm.s32 @!p1 $0xA800  }
0x128: {  	[tilespmem:s14], [sflag:$0x1] =	stream.indirect.gather @!p1 [spmem:s3], $0x10, s12, s6, $0xb8;
	[tilespmem:$0x12000] =	vst v63  }
0x129: {  	s13 =	sadd.s32 @!p1 $0x5A00, s9;
	s12 =	simm.s32 @!p1 $0xB000;
	s14 =	sadd.s32 @!p1 $0x5980, s9  }
0x12a: {  	[tilespmem:s12], [sflag:$0x1] =	stream.indirect.gather @!p1 [spmem:s3], $0x10, s7, s6, $0xb8;
	[tilespmem:$0x12000] =	vst v63  }
0x12b: {  	s18 =	sadd.s32 @!p1 $0x5B00, s9;
	s7 =	simm.s32 @!p1 $0xB800;
	s12 =	sadd.s32 @!p1 $0x5A80, s9  }
0x12c: {  	[tilespmem:s7], [sflag:$0x1] =	stream.indirect.gather @!p1 [spmem:s3], $0x10, s14, s6, $0xb8;
	[tilespmem:$0x12000] =	vst v63  }
0x12d: {  	s7 =	simm.s32 @!p1 $0xC000;
	s14 =	sadd.s32 @!p1 $0x5B80, s9;
	s9 =	smov.u32 s11  }
0x12e: {  	[tilespmem:s7], [sflag:$0x1] =	stream.indirect.gather @!p1 [spmem:s3], $0x10, s13, s6, $0xb8;
	[tilespmem:$0x12000] =	vst v63  }
0x12f: {  	s7 =	simm.s32 @!p1 $0xC800  }
0x130: {  	[tilespmem:s7], [sflag:$0x1] =	stream.indirect.gather @!p1 [spmem:s3], $0x10, s12, s6, $0xb8;
	[tilespmem:$0x12000] =	vst v63  }
0x131: {  	s7 =	simm.s32 @!p1 $0xD000  }
0x132: {  	[tilespmem:s7], [sflag:$0x1] =	stream.indirect.gather @!p1 [spmem:s3], $0x10, s18, s6, $0xb8;
	[tilespmem:$0x12000] =	vst v63  }
0x133: {  	s7 =	simm.s32 @!p1 $0xD800  }
0x134: {  	[tilespmem:s7], [sflag:$0x1] =	stream.indirect.gather @!p1 [spmem:s3], $0x10, s14, s6, $0xb8;
	[tilespmem:$0x12000] =	vst v63  }
0x135: {  	_ =	swait.ge [sflag:s5], $0x800  }
0x136: {  	[sflag:s5] =	ssyncset.done $0x0  }
0x137: {  	[sflag:s5] =	ssyncadd.s32 $0xFFFFF800  }
0x138: {  	_ =	swait.ge [sflag:s5], $0x800  }
0x139: {  	[sflag:s5] =	ssyncset.done $0x0  }
0x13a: {  	[sflag:s5] =	ssyncadd.s32 $0xFFFFF800  }
0x13b: {  	_ =	swait.ge [sflag:s5], $0x800  }
0x13c: {  	[sflag:s5] =	ssyncset.done $0x0  }
0x13d: {  	[sflag:s5] =	ssyncadd.s32 $0xFFFFF800  }
0x13e: {  	_ =	swait.ge [sflag:s5], $0x800  }
0x13f: {  	[sflag:s5] =	ssyncset.done $0x0  }
0x140: {  	[sflag:s5] =	ssyncadd.s32 $0xFFFFF800  }
0x141: {  	_ =	swait.ge [sflag:s5], $0x800  }
0x142: {  	[sflag:s5] =	ssyncset.done $0x0  }
0x143: {  	[sflag:s5] =	ssyncadd.s32 $0xFFFFF800  }
0x144: {  	_ =	swait.ge [sflag:s5], $0x800  }
0x145: {  	[sflag:s5] =	ssyncset.done $0x0  }
0x146: {  	[sflag:s5] =	ssyncadd.s32 $0xFFFFF800  }
0x147: {  	_ =	swait.ge [sflag:s5], $0x800  }
0x148: {  	[sflag:s5] =	ssyncset.done $0x0  }
0x149: {  	[sflag:s5] =	ssyncadd.s32 $0xFFFFF800  }
0x14a: {  	_ =	swait.ge [sflag:s5], $0x800  }
0x14b: {  	[sflag:s5] =	ssyncset.done $0x0  }
0x14c: {  	s6 =	sadd.s32 $0x7C00, s8;
	[sflag:s5] =	ssyncadd.s32 $0xFFFFF800  }
0x14d: {  	[spmem:s2] =	stream.indirect.scatter.add.f32 [tilespmem:s16], [sflag:$0x3], $0x10, s6, s17, $0xb8;
	[tilespmem:$0x12000] =	vst v63  }
0x14e: {  	s6 =	sadd.s32 $0x7C80, s8  }
0x14f: {  	[spmem:s2] =	stream.indirect.scatter.add.f32 [tilespmem:s19], [sflag:$0x3], $0x10, s6, s17, $0xb8;
	[tilespmem:$0x12000] =	vst v63  }
0x150: {  	s6 =	sadd.s32 $0x7D00, s8  }
0x151: {  	[spmem:s2] =	stream.indirect.scatter.add.f32 [tilespmem:s21], [sflag:$0x3], $0x10, s6, s17, $0xb8;
	[tilespmem:$0x12000] =	vst v63  }
0x152: {  	s6 =	sadd.s32 $0x7D80, s8  }
0x153: {  	[spmem:s2] =	stream.indirect.scatter.add.f32 [tilespmem:s23], [sflag:$0x3], $0x10, s6, s17, $0xb8;
	[tilespmem:$0x12000] =	vst v63  }
0x154: {  	s6 =	sadd.s32 $0x7E00, s8  }
0x155: {  	[spmem:s2] =	stream.indirect.scatter.add.f32 [tilespmem:s25], [sflag:$0x3], $0x10, s6, s17, $0xb8;
	[tilespmem:$0x12000] =	vst v63  }
0x156: {  	s6 =	sadd.s32 $0x7E80, s8  }
0x157: {  	[spmem:s2] =	stream.indirect.scatter.add.f32 [tilespmem:s28], [sflag:$0x3], $0x10, s6, s17, $0xb8;
	[tilespmem:$0x12000] =	vst v63  }
0x158: {  	s6 =	sadd.s32 $0x7F00, s8  }
0x159: {  	[spmem:s2] =	stream.indirect.scatter.add.f32 [tilespmem:s30], [sflag:$0x3], $0x10, s6, s17, $0xb8;
	[tilespmem:$0x12000] =	vst v63  }
0x15a: {  	s6 =	sadd.s32 $0x7F80, s8  }
0x15b: {  	[spmem:s2] =	stream.indirect.scatter.add.f32 [tilespmem:s1], [sflag:$0x3], $0x10, s6, s17, $0xb8;
	[tilespmem:$0x12000] =	vst v63  }
0x15c: {  	_ =	swait.ge [sflag:s15], $0x800  }
0x15d: {  	[sflag:s15] =	ssyncset.done $0x0  }
0x15e: {  	[sflag:s15] =	ssyncadd.s32 $0xFFFFF800  }
0x15f: {  	_ =	swait.ge [sflag:s15], $0x800  }
0x160: {  	[sflag:s15] =	ssyncset.done $0x0  }
0x161: {  	[sflag:s15] =	ssyncadd.s32 $0xFFFFF800  }
0x162: {  	_ =	swait.ge [sflag:s15], $0x800  }
0x163: {  	[sflag:s15] =	ssyncset.done $0x0  }
0x164: {  	[sflag:s15] =	ssyncadd.s32 $0xFFFFF800  }
0x165: {  	_ =	swait.ge [sflag:s15], $0x800  }
0x166: {  	[sflag:s15] =	ssyncset.done $0x0  }
0x167: {  	[sflag:s15] =	ssyncadd.s32 $0xFFFFF800  }
0x168: {  	_ =	swait.ge [sflag:s15], $0x800  }
0x169: {  	[sflag:s15] =	ssyncset.done $0x0  }
0x16a: {  	[sflag:s15] =	ssyncadd.s32 $0xFFFFF800  }
0x16b: {  	_ =	swait.ge [sflag:s15], $0x800  }
0x16c: {  	[sflag:s15] =	ssyncset.done $0x0  }
0x16d: {  	[sflag:s15] =	ssyncadd.s32 $0xFFFFF800  }
.Ltmp0:
0x16e: {  	_ =	swait.ge [sflag:s15], $0x800;
	(pc) =	sbr.rel @p0 .LBB2_2-.Ltmp0, $4  }
0x16f: {  	[sflag:s15] =	ssyncset.done $0x0  }
0x170: {  	[sflag:s15] =	ssyncadd.s32 $0xFFFFF800  }
0x171: {  	_ =	swait.ge [sflag:s15], $0x800  }
0x172: {  	s8 =	sshra.s32 s9, $0x2;
	[sflag:s15] =	ssyncset.done $0x0  }
0x173: {  	s6 =	sadd.s32 $0x5400, s8;
	[sflag:s15] =	ssyncadd.s32 $0xFFFFF800  }
0x174: {  	[tilespmem:s16], [sflag:$0x2] =	stream.indirect.gather [spmem:s3], $0x10, s6, s17, $0xb8;
	[tilespmem:$0x12000] =	vst v63  }
0x175: {  	s12 =	sadd.s32 $0x5480, s8  }
0x176: {  	[tilespmem:s19], [sflag:$0x2] =	stream.indirect.gather [spmem:s3], $0x10, s12, s17, $0xb8;
	[tilespmem:$0x12000] =	vst v63  }
0x177: {  	s13 =	sadd.s32 $0x5500, s8  }
0x178: {  	[tilespmem:s21], [sflag:$0x2] =	stream.indirect.gather [spmem:s3], $0x10, s13, s17, $0xb8;
	[tilespmem:$0x12000] =	vst v63  }
0x179: {  	s14 =	sadd.s32 $0x5580, s8  }
0x17a: {  	[tilespmem:s23], [sflag:$0x2] =	stream.indirect.gather [spmem:s3], $0x10, s14, s17, $0xb8;
	[tilespmem:$0x12000] =	vst v63  }
0x17b: {  	s18 =	sadd.s32 $0x5600, s8  }
0x17c: {  	[tilespmem:s25], [sflag:$0x2] =	stream.indirect.gather [spmem:s3], $0x10, s18, s17, $0xb8;
	[tilespmem:$0x12000] =	vst v63  }
0x17d: {  	s7 =	sadd.s32 $0x5680, s8  }
0x17e: {  	[tilespmem:s28], [sflag:$0x2] =	stream.indirect.gather [spmem:s3], $0x10, s7, s17, $0xb8;
	[tilespmem:$0x12000] =	vst v63  }
0x17f: {  	s10 =	sadd.s32 $0x5700, s8  }
0x180: {  	[tilespmem:s30], [sflag:$0x2] =	stream.indirect.gather [spmem:s3], $0x10, s10, s17, $0xb8;
	[tilespmem:$0x12000] =	vst v63  }
0x181: {  	s11 =	sadd.s32 $0x5780, s8  }
0x182: {  	[tilespmem:s1], [sflag:$0x2] =	stream.indirect.gather [spmem:s3], $0x10, s11, s17, $0xb8;
	[tilespmem:$0x12000] =	vst v63  }
0x183: {  	_ =	swait.ge [sflag:s4], $0x800  }
0x184: {  	[sflag:s4] =	ssyncset.done $0x0  }
0x185: {  	[sflag:s4] =	ssyncadd.s32 $0xFFFFF800  }
0x186: {  	_ =	swait.ge [sflag:s4], $0x800  }
0x187: {  	[sflag:s4] =	ssyncset.done $0x0  }
0x188: {  	[sflag:s4] =	ssyncadd.s32 $0xFFFFF800  }
0x189: {  	_ =	swait.ge [sflag:s4], $0x800  }
0x18a: {  	[sflag:s4] =	ssyncset.done $0x0  }
0x18b: {  	[sflag:s4] =	ssyncadd.s32 $0xFFFFF800  }
0x18c: {  	_ =	swait.ge [sflag:s4], $0x800  }
0x18d: {  	[sflag:s4] =	ssyncset.done $0x0  }
0x18e: {  	[sflag:s4] =	ssyncadd.s32 $0xFFFFF800  }
0x18f: {  	_ =	swait.ge [sflag:s4], $0x800  }
0x190: {  	[sflag:s4] =	ssyncset.done $0x0  }
0x191: {  	[sflag:s4] =	ssyncadd.s32 $0xFFFFF800  }
0x192: {  	_ =	swait.ge [sflag:s4], $0x800  }
0x193: {  	[sflag:s4] =	ssyncset.done $0x0  }
0x194: {  	[sflag:s4] =	ssyncadd.s32 $0xFFFFF800  }
0x195: {  	_ =	swait.ge [sflag:s4], $0x800  }
0x196: {  	[sflag:s4] =	ssyncset.done $0x0  }
0x197: {  	[sflag:s4] =	ssyncadd.s32 $0xFFFFF800  }
0x198: {  	_ =	swait.ge [sflag:s4], $0x800  }
0x199: {  	[sflag:s4] =	ssyncset.done $0x0  }
0x19a: {  	s12 =	sadd.s32 $0x7800, s8;
	[sflag:s4] =	ssyncadd.s32 $0xFFFFF800  }
0x19b: {  	[spmem:s2] =	stream.indirect.scatter.add.f32 [tilespmem:s20], [sflag:$0x3], $0x10, s12, s17, $0xb8;
	[tilespmem:$0x12000] =	vst v63  }
0x19c: {  	s13 =	sadd.s32 $0x7880, s8  }
0x19d: {  	[spmem:s2] =	stream.indirect.scatter.add.f32 [tilespmem:s22], [sflag:$0x3], $0x10, s13, s17, $0xb8;
	[tilespmem:$0x12000] =	vst v63  }
0x19e: {  	s14 =	sadd.s32 $0x7900, s8  }
0x19f: {  	[spmem:s2] =	stream.indirect.scatter.add.f32 [tilespmem:s24], [sflag:$0x3], $0x10, s14, s17, $0xb8;
	[tilespmem:$0x12000] =	vst v63  }
0x1a0: {  	s18 =	sadd.s32 $0x7980, s8  }
0x1a1: {  	[spmem:s2] =	stream.indirect.scatter.add.f32 [tilespmem:s26], [sflag:$0x3], $0x10, s18, s17, $0xb8;
	[tilespmem:$0x12000] =	vst v63  }
0x1a2: {  	s7 =	sadd.s32 $0x7A00, s8  }
0x1a3: {  	[spmem:s2] =	stream.indirect.scatter.add.f32 [tilespmem:s29], [sflag:$0x3], $0x10, s7, s17, $0xb8;
	[tilespmem:$0x12000] =	vst v63  }
0x1a4: {  	s10 =	sadd.s32 $0x7A80, s8  }
0x1a5: {  	[spmem:s2] =	stream.indirect.scatter.add.f32 [tilespmem:s31], [sflag:$0x3], $0x10, s10, s17, $0xb8;
	[tilespmem:$0x12000] =	vst v63  }
0x1a6: {  	s11 =	sadd.s32 $0x7B00, s8  }
0x1a7: {  	[spmem:s2] =	stream.indirect.scatter.add.f32 [tilespmem:s0], [sflag:$0x3], $0x10, s11, s17, $0xb8;
	[tilespmem:$0x12000] =	vst v63  }
0x1a8: {  	s12 =	sadd.s32 $0x7B80, s8;
	s13 =	simm.s32 $0xD800  }
0x1a9: {  	[spmem:s2] =	stream.indirect.scatter.add.f32 [tilespmem:s13], [sflag:$0x3], $0x10, s12, s17, $0xb8;
	[tilespmem:$0x12000] =	vst v63  }
0x1aa: {  	_ =	swait.ge [sflag:s15], $0x800  }
0x1ab: {  	[sflag:s15] =	ssyncset.done $0x0  }
0x1ac: {  	[sflag:s15] =	ssyncadd.s32 $0xFFFFF800  }
0x1ad: {  	_ =	swait.ge [sflag:s15], $0x800  }
0x1ae: {  	[sflag:s15] =	ssyncset.done $0x0  }
0x1af: {  	[sflag:s15] =	ssyncadd.s32 $0xFFFFF800  }
0x1b0: {  	_ =	swait.ge [sflag:s15], $0x800  }
0x1b1: {  	[sflag:s15] =	ssyncset.done $0x0  }
0x1b2: {  	[sflag:s15] =	ssyncadd.s32 $0xFFFFF800  }
0x1b3: {  	_ =	swait.ge [sflag:s15], $0x800  }
0x1b4: {  	[sflag:s15] =	ssyncset.done $0x0  }
0x1b5: {  	[sflag:s15] =	ssyncadd.s32 $0xFFFFF800  }
0x1b6: {  	_ =	swait.ge [sflag:s15], $0x800  }
0x1b7: {  	[sflag:s15] =	ssyncset.done $0x0  }
0x1b8: {  	[sflag:s15] =	ssyncadd.s32 $0xFFFFF800  }
0x1b9: {  	_ =	swait.ge [sflag:s15], $0x800  }
0x1ba: {  	[sflag:s15] =	ssyncset.done $0x0  }
0x1bb: {  	[sflag:s15] =	ssyncadd.s32 $0xFFFFF800  }
0x1bc: {  	_ =	swait.ge [sflag:s15], $0x800  }
0x1bd: {  	[sflag:s15] =	ssyncset.done $0x0  }
0x1be: {  	p0 =	seq.s32 s9, $0x8000;
	[sflag:s15] =	ssyncadd.s32 $0xFFFFF800  }
0x1bf: {  	s6 =	sshra.s32 @!p0 s9, $0x2;
	_ =	swait.ge [sflag:s15], $0x800  }
0x1c0: {  	s9 =	sadd.s32 @!p0 $0x5800, s6;
	[sflag:s15] =	ssyncset.done $0x0  }
0x1c1: {  	s7 =	simm.s32 @!p0 $0xA000;
	s10 =	simm.s32 @!p0 $0x80;
	[sflag:s15] =	ssyncadd.s32 $0xFFFFF800  }
0x1c2: {  	[tilespmem:s7], [sflag:$0x1] =	stream.indirect.gather @!p0 [spmem:s3], $0x10, s9, s10, $0xb8;
	[tilespmem:$0x12000] =	vst v63  }
0x1c3: {  	s7 =	sadd.s32 @!p0 $0x5880, s6;
	s9 =	simm.s32 @!p0 $0xA800  }
0x1c4: {  	[tilespmem:s9], [sflag:$0x1] =	stream.indirect.gather @!p0 [spmem:s3], $0x10, s7, s10, $0xb8;
	[tilespmem:$0x12000] =	vst v63  }
0x1c5: {  	s7 =	sadd.s32 @!p0 $0x5900, s6;
	s9 =	simm.s32 @!p0 $0xB000  }
0x1c6: {  	[tilespmem:s9], [sflag:$0x1] =	stream.indirect.gather @!p0 [spmem:s3], $0x10, s7, s10, $0xb8;
	[tilespmem:$0x12000] =	vst v63  }
0x1c7: {  	s7 =	sadd.s32 @!p0 $0x5980, s6;
	s9 =	simm.s32 @!p0 $0xB800  }
0x1c8: {  	[tilespmem:s9], [sflag:$0x1] =	stream.indirect.gather @!p0 [spmem:s3], $0x10, s7, s10, $0xb8;
	[tilespmem:$0x12000] =	vst v63  }
0x1c9: {  	s7 =	sadd.s32 @!p0 $0x5A00, s6;
	s9 =	simm.s32 @!p0 $0xC000  }
0x1ca: {  	[tilespmem:s9], [sflag:$0x1] =	stream.indirect.gather @!p0 [spmem:s3], $0x10, s7, s10, $0xb8;
	[tilespmem:$0x12000] =	vst v63  }
0x1cb: {  	s7 =	sadd.s32 @!p0 $0x5A80, s6;
	s9 =	simm.s32 @!p0 $0xC800  }
0x1cc: {  	[tilespmem:s9], [sflag:$0x1] =	stream.indirect.gather @!p0 [spmem:s3], $0x10, s7, s10, $0xb8;
	[tilespmem:$0x12000] =	vst v63  }
0x1cd: {  	s7 =	sadd.s32 @!p0 $0x5B00, s6;
	s9 =	simm.s32 @!p0 $0xD000  }
0x1ce: {  	[tilespmem:s9], [sflag:$0x1] =	stream.indirect.gather @!p0 [spmem:s3], $0x10, s7, s10, $0xb8;
	[tilespmem:$0x12000] =	vst v63  }
0x1cf: {  	s6 =	sadd.s32 @!p0 $0x5B80, s6;
	s7 =	simm.s32 @!p0 $0xD800  }
0x1d0: {  	[tilespmem:s7], [sflag:$0x1] =	stream.indirect.gather @!p0 [spmem:s3], $0x10, s6, s10, $0xb8;
	[tilespmem:$0x12000] =	vst v63  }
0x1d1: {  	_ =	swait.ge [sflag:s5], $0x800  }
0x1d2: {  	[sflag:s5] =	ssyncset.done $0x0  }
0x1d3: {  	[sflag:s5] =	ssyncadd.s32 $0xFFFFF800  }
0x1d4: {  	_ =	swait.ge [sflag:s5], $0x800  }
0x1d5: {  	[sflag:s5] =	ssyncset.done $0x0  }
0x1d6: {  	[sflag:s5] =	ssyncadd.s32 $0xFFFFF800  }
0x1d7: {  	_ =	swait.ge [sflag:s5], $0x800  }
0x1d8: {  	[sflag:s5] =	ssyncset.done $0x0  }
0x1d9: {  	[sflag:s5] =	ssyncadd.s32 $0xFFFFF800  }
0x1da: {  	_ =	swait.ge [sflag:s5], $0x800  }
0x1db: {  	[sflag:s5] =	ssyncset.done $0x0  }
0x1dc: {  	[sflag:s5] =	ssyncadd.s32 $0xFFFFF800  }
0x1dd: {  	_ =	swait.ge [sflag:s5], $0x800  }
0x1de: {  	[sflag:s5] =	ssyncset.done $0x0  }
0x1df: {  	[sflag:s5] =	ssyncadd.s32 $0xFFFFF800  }
0x1e0: {  	_ =	swait.ge [sflag:s5], $0x800  }
0x1e1: {  	[sflag:s5] =	ssyncset.done $0x0  }
0x1e2: {  	[sflag:s5] =	ssyncadd.s32 $0xFFFFF800  }
0x1e3: {  	_ =	swait.ge [sflag:s5], $0x800  }
0x1e4: {  	[sflag:s5] =	ssyncset.done $0x0  }
0x1e5: {  	[sflag:s5] =	ssyncadd.s32 $0xFFFFF800  }
0x1e6: {  	_ =	swait.ge [sflag:s5], $0x800  }
0x1e7: {  	[sflag:s5] =	ssyncset.done $0x0  }
0x1e8: {  	s14 =	sadd.s32 $0x7C00, s8;
	[sflag:s5] =	ssyncadd.s32 $0xFFFFF800  }
0x1e9: {  	[spmem:s2] =	stream.indirect.scatter.add.f32 [tilespmem:s16], [sflag:$0x3], $0x10, s14, s17, $0xb8;
	[tilespmem:$0x12000] =	vst v63  }
0x1ea: {  	s18 =	sadd.s32 $0x7C80, s8  }
0x1eb: {  	[spmem:s2] =	stream.indirect.scatter.add.f32 [tilespmem:s19], [sflag:$0x3], $0x10, s18, s17, $0xb8;
	[tilespmem:$0x12000] =	vst v63  }
0x1ec: {  	s0 =	sadd.s32 $0x7D00, s8  }
0x1ed: {  	[spmem:s2] =	stream.indirect.scatter.add.f32 [tilespmem:s21], [sflag:$0x3], $0x10, s0, s17, $0xb8;
	[tilespmem:$0x12000] =	vst v63  }
0x1ee: {  	s7 =	sadd.s32 $0x7D80, s8  }
0x1ef: {  	[spmem:s2] =	stream.indirect.scatter.add.f32 [tilespmem:s23], [sflag:$0x3], $0x10, s7, s17, $0xb8;
	[tilespmem:$0x12000] =	vst v63  }
0x1f0: {  	s9 =	sadd.s32 $0x7E00, s8  }
0x1f1: {  	[spmem:s2] =	stream.indirect.scatter.add.f32 [tilespmem:s25], [sflag:$0x3], $0x10, s9, s17, $0xb8;
	[tilespmem:$0x12000] =	vst v63  }
0x1f2: {  	s10 =	sadd.s32 $0x7E80, s8  }
0x1f3: {  	[spmem:s2] =	stream.indirect.scatter.add.f32 [tilespmem:s28], [sflag:$0x3], $0x10, s10, s17, $0xb8;
	[tilespmem:$0x12000] =	vst v63  }
0x1f4: {  	s11 =	sadd.s32 $0x7F00, s8  }
0x1f5: {  	[spmem:s2] =	stream.indirect.scatter.add.f32 [tilespmem:s30], [sflag:$0x3], $0x10, s11, s17, $0xb8;
	[tilespmem:$0x12000] =	vst v63  }
0x1f6: {  	s12 =	sadd.s32 $0x7F80, s8  }
0x1f7: {  	[spmem:s2] =	stream.indirect.scatter.add.f32 [tilespmem:s1], [sflag:$0x3], $0x10, s12, s17, $0xb8;
	[tilespmem:$0x12000] =	vst v63  }
0x1f8: {  	_ =	swait.ge [sflag:s15], $0x800  }
0x1f9: {  	[sflag:s15] =	ssyncset.done $0x0  }
0x1fa: {  	[sflag:s15] =	ssyncadd.s32 $0xFFFFF800  }
0x1fb: {  	_ =	swait.ge [sflag:s15], $0x800  }
0x1fc: {  	[sflag:s15] =	ssyncset.done $0x0  }
0x1fd: {  	[sflag:s15] =	ssyncadd.s32 $0xFFFFF800  }
0x1fe: {  	_ =	swait.ge [sflag:s15], $0x800  }
0x1ff: {  	[sflag:s15] =	ssyncset.done $0x0  }
0x200: {  	[sflag:s15] =	ssyncadd.s32 $0xFFFFF800  }
0x201: {  	_ =	swait.ge [sflag:s15], $0x800  }
0x202: {  	[sflag:s15] =	ssyncset.done $0x0  }
0x203: {  	[sflag:s15] =	ssyncadd.s32 $0xFFFFF800  }
0x204: {  	_ =	swait.ge [sflag:s15], $0x800  }
0x205: {  	[sflag:s15] =	ssyncset.done $0x0  }
0x206: {  	[sflag:s15] =	ssyncadd.s32 $0xFFFFF800  }
0x207: {  	_ =	swait.ge [sflag:s15], $0x800  }
0x208: {  	[sflag:s15] =	ssyncset.done $0x0  }
0x209: {  	[sflag:s15] =	ssyncadd.s32 $0xFFFFF800  }
0x20a: {  	_ =	swait.ge [sflag:s15], $0x800  }
0x20b: {  	[sflag:s15] =	ssyncset.done $0x0  }
0x20c: {  	[sflag:s15] =	ssyncadd.s32 $0xFFFFF800  }
0x20d: {  	_ =	swait.ge [sflag:s15], $0x800  }
0x20e: {  	[sflag:s15] =	ssyncset.done $0x0  }
0x20f: {  	[sflag:s15] =	ssyncadd.s32 $0xFFFFF800  }
0x210: {  	[bflag:$0x0] =	sbarrier.arrive $0xFFFF  }
0x211: {  	s9 =	rddreg [dreg:$0x5]  }
0x212: {  	s13 =	rddreg [dreg:$0x9]  }
0x213: {  	s8 =	simm.s32 $0x4;
	s7 =	rddreg [dreg:$0xb]  }
0x214: {  	[hbm:s13], [sflag:s9] =	dma.local [spmem:s7], $0x500  }
0x215: {  	_ =	swait.ge [sflag:s8], $0x500  }
0x216: {  	s14 =	rddreg [dreg:$0xd]  }
0x217: {  	s18 =	rddreg [dreg:$0xa];
	s0 =	sadd.s32 $0x1, s14  }
0x218: {  	p0 =	sne.s32 s0, s18  }
.Ltmp1:
0x219: {  	_ = 	snop;
	(pc) =	sbr.rel @p0 .LBB2_1-.Ltmp1, $3  }
0x21a: {  	_ =	sdelay $0x1  }
0x21b: {  	[sflag:s8] =	ssyncset.done $0x0  }
0x21c: {  	[sflag:s8] =	ssyncadd.s32 $0xFFFFFB00  }
0x21d: {  	_ =	sfence.sel $0x180000  }
0x21e: {  	[bflag:$0x0] =	sbarrier.arrive $0xFFFF  }
0x21f: {  	_ =	strace $0x9000004A  }
0x220: {  	s0 =	stileid.u32;
	[bflag:$0x2] =	sbarrier.arrive $0xFFFF  }
0x221: {  	p0 =	sne.s32 s0, $0x0;
	s0 =	rddreg [dreg:$0x3]  }
0x222: {  	s0 =	sadd.s32 @!p0 $0x100000, s0  }
0x223: {  	[sflag:s0] =	ssyncadd.tile.s32 @!p0 $0x1;
	_ =	shalt  }
.Lfunc_end2:
_tile_overlayer_lowered:
.L_overlay_start_2:
0x224: {  	(tag) =	ssettag $0x2  }
0x225: {  	s0 =	rddreg [dreg:$0x0];
	s2 =	stileid.u32  }
0x226: {  	s1 =	rddreg [dreg:$0x1];
	p0 =	sne.s32 s2, $0x0  }
0x227: {  	s3 =	rddreg [dreg:$0x2];
	[bflag:$0x3] =	sbarrier.arrive $0xFFFF;
	s2 =	simm.s32 @!p0 $0x1C04  }
0x228: {  	[timem:s3], [sflag:s2] =	dma.local @!p0 [hbm:s0], s1  }
0x229: {  	s0 =	simm.s32 @!p0 $0x4  }
0x22a: {  	_ =	swait.ge @!p0 [sflag:s0], s1  }
0x22b: {  	s1 =	ssub.s32 @!p0 $0x0, s1;
	[sflag:s0] =	ssyncset.done @!p0 $0x0  }
0x22c: {  	[sflag:s0] =	ssyncadd.s32 @!p0 s1  }
0x22d: {  	[bflag:$0x3] =	sbarrier.arrive $0xFFFF  }
0x22e: {  	_ =	shalt  }

// kernel: kernel.15.cloned.1.call-start
scs
__scs_entry_jumppad:
0x0: {  	(pc) =	sbr.rel $0x88, $3  }
0x1: {  	(tag) =	ssettag $0x0;
	lr =	simm.s32 $0x1  }
0x2: {  	[smem:$0x3F9B] =	sst lr;
	_ =	strace $0xD0000000  }
0x3: {  	_ = 	snop  }
0x4: {  	_ = 	snop  }
0x5: {  	_ = 	snop  }
0x6: {  	_ = 	snop  }
0x7: {  	_ = 	snop  }
__scs_overlays_trampoline_lowered:
0x8: {  	[smem:$0x3FAA] =	sst s0  }
0x9: {  	[smem:$0x3FAB] =	sst s1  }
0xa: {  	[smem:$0x3FAC] =	sst s2  }
0xb: {  	[smem:$0x3FAD] =	sst s3  }
0xc: {  	[smem:$0x3FAE] =	sst s4  }
0xd: {  	[smem:$0x3FAF] =	sst s5  }
0xe: {  	[smem:$0x3FB0] =	sst s6  }
0xf: {  	[smem:$0x3FB1] =	sst s7  }
0x10: {  	[smem:$0x3FB2] =	sst s8  }
0x11: {  	[smem:$0x3FB3] =	sst s9;
	s0 =	simm.s32 @!p0 $0x0  }
0x12: {  	s1 =	sld [smem:$0x3F99];
	s0 =	simm.s32 @p0 $0x1  }
0x13: {  	[smem:$0x3FB4] =	sst s0;
	s0 =	simm.s32 @!p1 $0x0  }
0x14: {  	s2 =	sld [smem:$0x3F98];
	s0 =	simm.s32 @p1 $0x1  }
0x15: {  	[smem:$0x3FB5] =	sst s0;
	s0 =	simm.s32 @!p2 $0x0  }
0x16: {  	s3 =	sld [smem:$0x3FDB];
	s0 =	simm.s32 @p2 $0x1  }
0x17: {  	s4 =	simm.s32 $0x1BF5;
	[smem:$0x3FB7] =	sst s0  }
0x18: {  	s0 =	sld [smem:$0x3F9A];
	_ =	swait.ge [sflag:s4], $0x0  }
0x19: {  	s7 =	sld [smem:$0x3F9B]  }
0x1a: {  	s8 =	sadd.s32 $0xFFFFE003, lr  }
0x1b: {  	s9 =	sadd.s32 $0xFFFFFEF7, lr;
	s5 =	simm.s32 $0xFFFFFFFF;
	p2 =	slt.u32 s8, $0xFFFFF086  }
0x1c: {  	p1 =	slt.u32 s9, $0xF7A;
	s5 =	simm.s32 @!p2 $0x0  }
0x1d: {  	s5 =	simm.s32 @p1 $0x1;
	p0 =	seq.s32 s7, s2  }
0x1e: {  	s7 =	smul.u32 @!p0 $0xF7A, s2;
	p2 =	seq.s32 @!p0 s5, $0x0  }
0x1f: {  	s9 =	smul.u32 $0xF7A, s1;
	s8 =	simm.s32 @!p0 $0x1BF5;
	p2 =	por !p2, p0  }
0x20: {  	[sflag:s8] =	ssyncset.s32 @!p0 $0xFFFFF086;
	s6 =	sadd.s32 @!p0 s3, s7;
	s7 =	simm.s32 @!p0 $0x108  }
0x21: {  	s3 =	sadd.s32 s3, s9;
	s6 =	sadd.s32 @!p0 $0x88, s6;
	s7 =	simm.s32 @p2 $0x1082  }
0x22: {  	[simem:s7], [sflag:s8] =	dma.local @!p0 [hbm:s6], $0xF7A  }
0x23: {  	s9 =	sor.u32 $0xD0000000, s2;
	s6 =	simm.s32 $0x108;
	_ =	swait.ge @!p0 [sflag:s8], $0x0  }
0x24: {  	s3 =	sadd.s32 $0x88, s3;
	s6 =	simm.s32 @!p1 $0x1082;
	[sflag:s4] =	ssyncset.s32 $0xFFFFF086  }
0x25: {  	[simem:s6], [sflag:s4] =	dma.local [hbm:s3], $0xF7A  }
0x26: {  	[smem:$0x3F9B] =	sst s1;
	(tag) =	ssettag s2;
	_ =	strace s9  }
0x27: {  	s1 =	sld [smem:$0x3FAB]  }
0x28: {  	s2 =	sld [smem:$0x3FAC]  }
0x29: {  	s4 =	sld [smem:$0x3FAE]  }
0x2a: {  	p0 =	seq.s32 s5, $0x0;
	s5 =	sld [smem:$0x3FAF]  }
0x2b: {  	s6 =	sld [smem:$0x3FB0]  }
0x2c: {  	s7 =	sld [smem:$0x3FB1]  }
0x2d: {  	s3 =	simm.s32 $0x108;
	s8 =	sld [smem:$0x3FB2]  }
0x2e: {  	s3 =	simm.s32 @!p0 $0x1082;
	s9 =	sld [smem:$0x3FB3]  }
0x2f: {  	lr =	sadd.s32 s0, s3;
	s0 =	sld [smem:$0x3FAA]  }
0x30: {  	s3 =	sld [smem:$0x3FAD]  }
0x31: {  	[smem:$0x3FB6] =	sst s10  }
0x32: {  	s10 =	sld [smem:$0x3FB4];
	_ =	sdelay $0x3  }
0x33: {  	p0 =	seq.s32 s10, $0x1;
	s10 =	sld [smem:$0x3FB6];
	_ =	sdelay $0x3  }
0x34: {  	[smem:$0x3FB6] =	sst s10  }
0x35: {  	s10 =	sld [smem:$0x3FB5];
	_ =	sdelay $0x3  }
0x36: {  	p1 =	seq.s32 s10, $0x1;
	s10 =	sld [smem:$0x3FB6];
	_ =	sdelay $0x3  }
0x37: {  	[smem:$0x3FB6] =	sst s10  }
0x38: {  	s10 =	sld [smem:$0x3FB7]  }
0x39: {  	_ = 	snop;
	(pc) =	sbr.ind lr, $3  }
0x3a: {  	_ = 	snop  }
0x3b: {  	_ = 	snop  }
0x3c: {  	p2 =	seq.s32 s10, $0x1;
	s10 =	sld [smem:$0x3FB6]  }
0x3d: {  	_ =	shalt  }
0x3e: {  	_ =	shalt  }
0x3f: {  	_ =	shalt  }
0x40: {  	_ =	shalt  }
0x41: {  	_ =	shalt  }
0x42: {  	_ =	shalt  }
0x43: {  	_ =	shalt  }
0x44: {  	_ =	shalt  }
0x45: {  	_ =	shalt  }
0x46: {  	_ =	shalt  }
0x47: {  	_ =	shalt  }
0x48: {  	_ =	shalt  }
0x49: {  	_ =	shalt  }
0x4a: {  	_ =	shalt  }
0x4b: {  	_ =	shalt  }
0x4c: {  	_ =	shalt  }
0x4d: {  	_ =	shalt  }
0x4e: {  	_ =	shalt  }
0x4f: {  	_ =	shalt  }
0x50: {  	_ =	shalt  }
0x51: {  	_ =	shalt  }
0x52: {  	_ =	shalt  }
0x53: {  	_ =	shalt  }
0x54: {  	_ =	shalt  }
0x55: {  	_ =	shalt  }
0x56: {  	_ =	shalt  }
0x57: {  	_ =	shalt  }
0x58: {  	_ =	shalt  }
0x59: {  	_ =	shalt  }
0x5a: {  	_ =	shalt  }
0x5b: {  	_ =	shalt  }
0x5c: {  	_ =	shalt  }
0x5d: {  	_ =	shalt  }
0x5e: {  	_ =	shalt  }
0x5f: {  	_ =	shalt  }
0x60: {  	_ =	shalt  }
0x61: {  	_ =	shalt  }
0x62: {  	_ =	shalt  }
0x63: {  	_ =	shalt  }
0x64: {  	_ =	shalt  }
0x65: {  	_ =	shalt  }
0x66: {  	_ =	shalt  }
0x67: {  	_ =	shalt  }
0x68: {  	_ =	shalt  }
0x69: {  	_ =	shalt  }
0x6a: {  	_ =	shalt  }
0x6b: {  	_ =	shalt  }
0x6c: {  	_ =	shalt  }
0x6d: {  	_ =	shalt  }
0x6e: {  	_ =	shalt  }
0x6f: {  	_ =	shalt  }
0x70: {  	_ =	shalt  }
0x71: {  	_ =	shalt  }
0x72: {  	_ =	shalt  }
0x73: {  	_ =	shalt  }
0x74: {  	_ =	shalt  }
0x75: {  	_ =	shalt  }
0x76: {  	_ =	shalt  }
0x77: {  	_ =	shalt  }
0x78: {  	_ =	shalt  }
0x79: {  	_ =	shalt  }
0x7a: {  	_ =	shalt  }
0x7b: {  	_ =	shalt  }
0x7c: {  	_ =	shalt  }
0x7d: {  	_ =	shalt  }
0x7e: {  	_ =	shalt  }
0x7f: {  	_ =	shalt  }
0x80: {  	_ =	shalt  }
0x81: {  	_ =	shalt  }
0x82: {  	_ =	shalt  }
0x83: {  	_ =	shalt  }
0x84: {  	_ =	shalt  }
0x85: {  	_ =	shalt  }
0x86: {  	_ =	shalt  }
0x87: {  	_ =	shalt  }
.Lfunc_end0:
.L_simem_size_0:
called_computation.2_lowered:
.L_overlay_start_0:
0x88: {  	s2 =	sld [smem:$0x3FD9]  }
0x89: {  	s3 =	sld [smem:$0x3FFE];
	_ =	sdelay $0x1  }
0x8a: {  	s1 =	srdreg.scid  }
0x8b: {  	s0 =	sand.u32 $0x1, s1  }
0x8c: {  	s16 =	sshll.u32 s0, $0xA;
	s2 =	sadd.s32 s3, s2  }
0x8d: {  	s2 =	sadd.s32 s2, s16  }
0x8e: {  	[smem:$0x3FC2] =	sst s2  }
0x8f: {  	_ = 	snop  }
0x90: {  	(tm) =	ssettm $0x1  }
0x91: {  	s17 =	sld [smem:$0x3FFB];
	_ =	sdelay $0x3  }
0x92: {  	_ =	strace s17  }
0x93: {  	s2 =	sld [smem:$0x3FFC];
	_ =	sdelay $0x3  }
0x94: {  	_ =	strace s2  }
0x95: {  	s2 =	sld [smem:$0x3FFD];
	_ =	sdelay $0x3  }
0x96: {  	_ =	strace s2  }
0x97: {  	_ =	strace $0x8FFFFFFF  }
0x98: {  	s18 =	sld [smem:$0x3FDB];
	_ =	sdelay $0x1  }
0x99: {  	s19 =	simm.s32 $_scs_section_size  }
0x9a: {  	s4 =	simm.s32 $_size__tile_overlayer_lowered;
	s5 =	simm.s32 $_tile_overlayer_lowered  }
0x9b: {  	s22 =	simm.s32 $0x1BFF;
	s21 =	sshll.u32 s5, $0x1;
	s2 =	sadd.s32 s19, s18  }
0x9c: {  	s6 =	simm.s32 $0x0;
	s20 =	sshll.u32 s4, $0x1;
	s4 =	sadd.s32 s21, s2  }
0x9d: {  	[timem:s6], [sflag:s22] =	dma.local [hbm:s4], s20  }
0x9e: {  	_ =	swait.ge [sflag:s22], s20  }
0x9f: {  	s3 =	ssub.s32 $0x0, s20;
	[sflag:s22] =	ssyncset.done $0x0  }
0xa0: {  	[sflag:s22] =	ssyncadd.s32 s3;
	_ =	sdelay $0x1  }
0xa1: {  	s23 =	simm.s32 $0x1B8B  }
0xa2: {  	_ =	swait.ge [sflag:s23], $0x1  }
0xa3: {  	[sflag:s23] =	ssyncset.done $0x0  }
0xa4: {  	s25 =	simm.s32 $0x1B8E;
	s24 =	sld [smem:$0x3FFE];
	[sflag:s23] =	ssyncadd.s32 $0xFFFFFFFF  }
0xa5: {  	s26 =	simm.s32 $execute0_lowered;
	[smem:$0x3FD2] =	sst s25  }
0xa6: {  	s4 =	sshll.u32 s26, $0x1;
	_ =	strace $0x8000004C;
	[dreg:$0x1] =	wrdreg $0xFFFFFFFF  }
0xa7: {  	s28 =	simm.s32 $_size_execute0_lowered;
	s2 =	sadd.s32 s2, s4;
	[dreg:$0x0] =	wrdreg $0x0  }
0xa8: {  	s4 =	sshll.u32 s28, $0x1;
	[dreg:$0x2] =	wrdreg s2  }
0xa9: {  	[dreg:$0x3] =	wrdreg s4  }
0xaa: {  	[dreg:$0x4] =	wrdreg $0xC0  }
0xab: {  	_ =	task [dreg:s6], $0x5FFFF  }
0xac: {  	[dreg:$0x1] =	wrdreg $0xFFFFFFFF  }
0xad: {  	[dreg:$0x0] =	wrdreg $0x60  }
0xae: {  	[dreg:$0x2] =	wrdreg s24  }
0xaf: {  	[dreg:$0x3] =	wrdreg $0x28000  }
0xb0: {  	[dreg:$0x4] =	wrdreg $0x0  }
0xb1: {  	[dreg:$0x5] =	wrdreg $0x9  }
0xb2: {  	_ =	task.clear_ibuf [dreg:s6], $0x6FFFF;
	_ =	strace $0x9000004C  }
0xb3: {  	s29 =	simm.s32 $0x9;
	_ =	strace $0x8000004E  }
0xb4: {  	_ =	swait.ge [sflag:s29], $0x1  }
0xb5: {  	[sflag:s29] =	ssyncadd.s32 $0xFFFFFFFF  }
0xb6: {  	_ =	strace $0x9000004E  }
0xb7: {  	_ =	sfence  }
0xb8: {  	s30 =	sld [smem:$0x0];
	_ =	sdelay $0x2  }
0xb9: {  	s31 =	sshll.u32 s1, $0xD;
	s1 =	sshrl.u32 s1, $0x2  }
0xba: {  	s3 =	sand.u32 $0x4000, s31;
	s1 =	sadd.s32 s1, s30  }
0xbb: {  	s0 =	sor.u32 s3, s0;
	s1 =	sshll.u32 s1, $0x11  }
0xbc: {  	s0 =	sor.u32 s1, s0  }
0xbd: {  	s0 =	sadd.s32 $0x8F2B, s0  }
0xbe: {  	[sflag:s0] =	ssyncadd.remote.s32 $0x1  }
0xbf: {  	_ =	sfence.sel $0xFFFF  }
0xc0: {  	[dreg:$0x0] =	wrdreg $0xFFFFFFFF;
	(pc) =	sbr.abs _section_cstart, $3  }
0xc1: {  	[dreg:$0x1] =	wrdreg $0xFFFFFFFF  }
0xc2: {  	_ =	task.clear_ibuf [dreg:s6], $0x2FFFF;
	_ =	strace $0x9FFFFFFF  }
0xc3: {  	(tm) =	ssettm $0x7FFFFFFF  }
tec
execute0_lowered:
.L_overlay_start_1:
0x0: {  	(tag) =	ssettag $0x1  }
0x1: {  	s1 =	rddreg [dreg:$0x0]  }
0x2: {  	s0 =	srdreg.scid;
	s2 =	rddreg [dreg:$0x1]  }
0x3: {  	s9 =	stileid.u32;
	s3 =	rddreg [dreg:$0x2]  }
0x4: {  	s6 =	simm.s32 $0x0;
	s17 =	simm.s32 $0x80;
	s16 =	simm.s32 $0xE000  }
0x5: {  	s28 =	simm.s32 $0x10800;
	s30 =	simm.s32 $0x11000;
	s15 =	simm.s32 $0x3  }
0x6: {  	s29 =	simm.s32 $0xC000;
	s31 =	simm.s32 $0xC800;
	s0 =	sand.u32 $0x1, s0  }
0x7: {  	s5 =	smul.u32 $0x2800, s9;
	[smem:$0x7FF] =	sst s6;
	s21 =	sshll.u32 s9, $0x6  }
0x8: {  	s4 =	sshll.u32 s0, $0x4;
	s7 =	smul.u32 $0x28000, s0;
	_ =	strace $0x8000004D  }
0x9: {  	s0 =	ssub.s32 $0x2, s0;
	s4 =	sor.u32 s9, s4;
	s18 =	sshrl.u32 s5, $0x3  }
0xa: {  	s20 =	sshrl.u32 s0, $0x1;
	s22 =	sadd.s32 s5, s2;
	s9 =	sor.u32 $0x1C04, s21  }
0xb: {  	s21 =	simm.s32 $0xF000;
	s4 =	smul.u32 $0x2800, s4;
	s8 =	sadd.s32 s18, s1  }
0xc: {  	s19 =	sadd.s32 s5, s7;
	s0 =	ssub.s32 s0, s20;
	s5 =	sadd.s32 s5, s3  }
0xd: {  	s7 =	sshrl.u32 s22, $0x3;
	[dreg:$0x5] =	wrdreg s9;
	s20 =	simm.s32 $0xA000  }
0xe: {  	s22 =	simm.s32 $0xA800;
	s6 =	sshrl.u32 s19, $0x3;
	s23 =	sadd.s32 $0x43400, s8  }
0xf: {  	s24 =	sadd.s32 $0x3E400, s8;
	s0 =	smax.u32 s0, $0x1;
	[dreg:$0xb] =	wrdreg s7  }
0x10: {  	s8 =	simm.s32 $0x4;
	s26 =	sshrl.u32 s5, $0x3;
	[dreg:$0x4] =	wrdreg s23  }
0x11: {  	s19 =	simm.s32 $0xE800;
	s4 =	sshrl.u32 s4, $0x3;
	[dreg:$0x6] =	wrdreg s24  }
0x12: {  	s5 =	simm.s32 $0x2;
	[dreg:$0xa] =	wrdreg s0;
	s4 =	sadd.s32 s4, s1  }
0x13: {  	[dreg:$0xc] =	wrdreg s26;
	s23 =	simm.s32 $0xF800;
	s25 =	sadd.s32 $0x2400, s4  }
0x14: {  	s1 =	sadd.s32 s6, s1;
	s4 =	sadd.s32 $0xC400, s4;
	[dreg:$0x7] =	wrdreg s25  }
0x15: {  	s0 =	simm.s32 $0x0;
	s1 =	sadd.s32 $0x48400, s1;
	[dreg:$0x8] =	wrdreg s4  }
0x16: {  	s24 =	simm.s32 $0xB000;
	s26 =	simm.s32 $0xB800;
	[dreg:$0x9] =	wrdreg s1  }
0x17: {  	s25 =	simm.s32 $0x10000;
	s1 =	simm.s32 $0x11800;
	s4 =	simm.s32 $0x1  }
.LBB2_1:
0x18: {  	[dreg:$0xd] =	wrdreg s0  }
0x19: {  	s6 =	rddreg [dreg:$0x4]  }
0x1a: {  	[spmem:s7], [sflag:s9] =	dma.local [hbm:s6], $0x500  }
0x1b: {  	_ =	swait.ge [sflag:s8], $0x500  }
0x1c: {  	[sflag:s8] =	ssyncset.done $0x0;
	s12 =	rddreg [dreg:$0x6]  }
0x1d: {  	s13 =	rddreg [dreg:$0xc];
	[sflag:s8] =	ssyncadd.s32 $0xFFFFFB00  }
0x1e: {  	[spmem:s13], [sflag:s9] =	dma.local [hbm:s12], $0x500  }
0x1f: {  	_ =	swait.ge [sflag:s8], $0x500  }
0x20: {  	s14 =	simm.s32 $0x0;
	[sflag:s8] =	ssyncset.done $0x0  }
0x21: {  	s0 =	simm.s32 $0x5000;
	s18 =	rddreg [dreg:$0x7];
	[sflag:s8] =	ssyncadd.s32 $0xFFFFFB00  }
0x22: {  	[tilespmem:s0], [sflag:$0x4] =	stream.linear.gather [hbm4b:s18+s14], $0x2800, $0x38;
	[tilespmem:$0x12000] =	vst v63  }
0x23: {  	_ =	swait.ge [sflag:s8], $0x2800  }
0x24: {  	[sflag:s8] =	ssyncset.done $0x0  }
0x25: {  	s10 =	simm.s32 $0x7800;
	s11 =	rddreg [dreg:$0x8];
	[sflag:s8] =	ssyncadd.s32 $0xFFFFD800  }
0x26: {  	[tilespmem:s10], [sflag:$0x4] =	stream.linear.gather [hbm4b:s11+s14], $0x2800, $0x38;
	[tilespmem:$0x12000] =	vst v63  }
0x27: {  	_ =	swait.ge [sflag:s8], $0x2800  }
0x28: {  	[sflag:s8] =	ssyncset.done $0x0  }
0x29: {  	[sflag:s8] =	ssyncadd.s32 $0xFFFFD800  }
0x2a: {  	s6 =	simm.s32 $0xA000;
	[bflag:$0x0] =	sbarrier.arrive $0xFFFF  }
0x2b: {  	[tilespmem:s6], [sflag:$0x1] =	stream.indirect.gather [spmem:s3], $0x10, s0, s17, $0xb8;
	[tilespmem:$0x12000] =	vst v63  }
0x2c: {  	s12 =	simm.s32 $0x5080;
	s9 =	simm.s32 $0xA800  }
0x2d: {  	[tilespmem:s9], [sflag:$0x1] =	stream.indirect.gather [spmem:s3], $0x10, s12, s17, $0xb8;
	[tilespmem:$0x12000] =	vst v63  }
0x2e: {  	s13 =	simm.s32 $0x5100;
	s10 =	simm.s32 $0xB000  }
0x2f: {  	[tilespmem:s10], [sflag:$0x1] =	stream.indirect.gather [spmem:s3], $0x10, s13, s17, $0xb8;
	[tilespmem:$0x12000] =	vst v63  }
0x30: {  	s14 =	simm.s32 $0x5180;
	s11 =	simm.s32 $0xB800  }
0x31: {  	[tilespmem:s11], [sflag:$0x1] =	stream.indirect.gather [spmem:s3], $0x10, s14, s17, $0xb8;
	[tilespmem:$0x12000] =	vst v63  }
0x32: {  	s18 =	simm.s32 $0x5200;
	s12 =	simm.s32 $0xC000  }
0x33: {  	[tilespmem:s12], [sflag:$0x1] =	stream.indirect.gather [spmem:s3], $0x10, s18, s17, $0xb8;
	[tilespmem:$0x12000] =	vst v63  }
0x34: {  	s0 =	simm.s32 $0x5280;
	s13 =	simm.s32 $0xC800  }
0x35: {  	[tilespmem:s13], [sflag:$0x1] =	stream.indirect.gather [spmem:s3], $0x10, s0, s17, $0xb8;
	[tilespmem:$0x12000] =	vst v63  }
0x36: {  	s8 =	simm.s32 $0x5300;
	s14 =	simm.s32 $0xD000  }
0x37: {  	[tilespmem:s14], [sflag:$0x1] =	stream.indirect.gather [spmem:s3], $0x10, s8, s17, $0xb8;
	[tilespmem:$0x12000] =	vst v63  }
0x38: {  	s7 =	simm.s32 $0xD800;
	s18 =	simm.s32 $0x5380  }
0x39: {  	[tilespmem:s7], [sflag:$0x1] =	stream.indirect.gather [spmem:s3], $0x10, s18, s17, $0xb8;
	[tilespmem:$0x12000] =	vst v63  }
0x3a: {  	s0 =	simm.s32 $0x5400  }
0x3b: {  	[tilespmem:s16], [sflag:$0x2] =	stream.indirect.gather [spmem:s3], $0x10, s0, s17, $0xb8;
	[tilespmem:$0x12000] =	vst v63  }
0x3c: {  	s18 =	simm.s32 $0x5480  }
0x3d: {  	[tilespmem:s19], [sflag:$0x2] =	stream.indirect.gather [spmem:s3], $0x10, s18, s17, $0xb8;
	[tilespmem:$0x12000] =	vst v63  }
0x3e: {  	s0 =	simm.s32 $0x5500  }
0x3f: {  	[tilespmem:s21], [sflag:$0x2] =	stream.indirect.gather [spmem:s3], $0x10, s0, s17, $0xb8;
	[tilespmem:$0x12000] =	vst v63  }
0x40: {  	s18 =	simm.s32 $0x5580  }
0x41: {  	[tilespmem:s23], [sflag:$0x2] =	stream.indirect.gather [spmem:s3], $0x10, s18, s17, $0xb8;
	[tilespmem:$0x12000] =	vst v63  }
0x42: {  	s0 =	simm.s32 $0x5600  }
0x43: {  	[tilespmem:s25], [sflag:$0x2] =	stream.indirect.gather [spmem:s3], $0x10, s0, s17, $0xb8;
	[tilespmem:$0x12000] =	vst v63  }
0x44: {  	s18 =	simm.s32 $0x5680  }
0x45: {  	[tilespmem:s28], [sflag:$0x2] =	stream.indirect.gather [spmem:s3], $0x10, s18, s17, $0xb8;
	[tilespmem:$0x12000] =	vst v63  }
0x46: {  	s0 =	simm.s32 $0x5700  }
0x47: {  	[tilespmem:s30], [sflag:$0x2] =	stream.indirect.gather [spmem:s3], $0x10, s0, s17, $0xb8;
	[tilespmem:$0x12000] =	vst v63  }
0x48: {  	s18 =	simm.s32 $0x5780  }
0x49: {  	[tilespmem:s1], [sflag:$0x2] =	stream.indirect.gather [spmem:s3], $0x10, s18, s17, $0xb8;
	[tilespmem:$0x12000] =	vst v63  }
0x4a: {  	_ =	swait.ge [sflag:s4], $0x800  }
0x4b: {  	[sflag:s4] =	ssyncset.done $0x0  }
0x4c: {  	[sflag:s4] =	ssyncadd.s32 $0xFFFFF800  }
0x4d: {  	_ =	swait.ge [sflag:s4], $0x800  }
0x4e: {  	[sflag:s4] =	ssyncset.done $0x0  }
0x4f: {  	[sflag:s4] =	ssyncadd.s32 $0xFFFFF800  }
0x50: {  	_ =	swait.ge [sflag:s4], $0x800  }
0x51: {  	[sflag:s4] =	ssyncset.done $0x0  }
0x52: {  	[sflag:s4] =	ssyncadd.s32 $0xFFFFF800  }
0x53: {  	_ =	swait.ge [sflag:s4], $0x800  }
0x54: {  	[sflag:s4] =	ssyncset.done $0x0  }
0x55: {  	[sflag:s4] =	ssyncadd.s32 $0xFFFFF800  }
0x56: {  	_ =	swait.ge [sflag:s4], $0x800  }
0x57: {  	[sflag:s4] =	ssyncset.done $0x0  }
0x58: {  	[sflag:s4] =	ssyncadd.s32 $0xFFFFF800  }
0x59: {  	_ =	swait.ge [sflag:s4], $0x800  }
0x5a: {  	[sflag:s4] =	ssyncset.done $0x0  }
0x5b: {  	[sflag:s4] =	ssyncadd.s32 $0xFFFFF800  }
0x5c: {  	_ =	swait.ge [sflag:s4], $0x800  }
0x5d: {  	[sflag:s4] =	ssyncset.done $0x0  }
0x5e: {  	[sflag:s4] =	ssyncadd.s32 $0xFFFFF800  }
0x5f: {  	_ =	swait.ge [sflag:s4], $0x800  }
0x60: {  	[sflag:s4] =	ssyncset.done $0x0  }
0x61: {  	s0 =	simm.s32 $0x7800;
	[sflag:s4] =	ssyncadd.s32 $0xFFFFF800  }
0x62: {  	[spmem:s2] =	stream.indirect.scatter.add.f32 [tilespmem:s6], [sflag:$0x3], $0x10, s0, s17, $0xb8;
	[tilespmem:$0x12000] =	vst v63  }
0x63: {  	s6 =	simm.s32 $0x7880  }
0x64: {  	[spmem:s2] =	stream.indirect.scatter.add.f32 [tilespmem:s9], [sflag:$0x3], $0x10, s6, s17, $0xb8;
	[tilespmem:$0x12000] =	vst v63  }
0x65: {  	s9 =	simm.s32 $0x7900  }
0x66: {  	[spmem:s2] =	stream.indirect.scatter.add.f32 [tilespmem:s10], [sflag:$0x3], $0x10, s9, s17, $0xb8;
	[tilespmem:$0x12000] =	vst v63  }
0x67: {  	s10 =	simm.s32 $0x7980  }
0x68: {  	[spmem:s2] =	stream.indirect.scatter.add.f32 [tilespmem:s11], [sflag:$0x3], $0x10, s10, s17, $0xb8;
	[tilespmem:$0x12000] =	vst v63  }
0x69: {  	s11 =	simm.s32 $0x7A00  }
0x6a: {  	[spmem:s2] =	stream.indirect.scatter.add.f32 [tilespmem:s12], [sflag:$0x3], $0x10, s11, s17, $0xb8;
	[tilespmem:$0x12000] =	vst v63  }
0x6b: {  	s12 =	simm.s32 $0x7A80  }
0x6c: {  	[spmem:s2] =	stream.indirect.scatter.add.f32 [tilespmem:s13], [sflag:$0x3], $0x10, s12, s17, $0xb8;
	[tilespmem:$0x12000] =	vst v63  }
0x6d: {  	s18 =	simm.s32 $0x7B00  }
0x6e: {  	[spmem:s2] =	stream.indirect.scatter.add.f32 [tilespmem:s14], [sflag:$0x3], $0x10, s18, s17, $0xb8;
	[tilespmem:$0x12000] =	vst v63  }
0x6f: {  	s6 =	simm.s32 $0x7B80  }
0x70: {  	[spmem:s2] =	stream.indirect.scatter.add.f32 [tilespmem:s7], [sflag:$0x3], $0x10, s6, s17, $0xb8;
	[tilespmem:$0x12000] =	vst v63  }
0x71: {  	_ =	swait.ge [sflag:s15], $0x800  }
0x72: {  	[sflag:s15] =	ssyncset.done $0x0  }
0x73: {  	[sflag:s15] =	ssyncadd.s32 $0xFFFFF800  }
0x74: {  	_ =	swait.ge [sflag:s15], $0x800  }
0x75: {  	[sflag:s15] =	ssyncset.done $0x0  }
0x76: {  	[sflag:s15] =	ssyncadd.s32 $0xFFFFF800  }
0x77: {  	_ =	swait.ge [sflag:s15], $0x800  }
0x78: {  	[sflag:s15] =	ssyncset.done $0x0  }
0x79: {  	[sflag:s15] =	ssyncadd.s32 $0xFFFFF800  }
0x7a: {  	_ =	swait.ge [sflag:s15], $0x800  }
0x7b: {  	[sflag:s15] =	ssyncset.done $0x0  }
0x7c: {  	[sflag:s15] =	ssyncadd.s32 $0xFFFFF800  }
0x7d: {  	_ =	swait.ge [sflag:s15], $0x800  }
0x7e: {  	[sflag:s15] =	ssyncset.done $0x0  }
0x7f: {  	[sflag:s15] =	ssyncadd.s32 $0xFFFFF800  }
0x80: {  	_ =	swait.ge [sflag:s15], $0x800  }
0x81: {  	[sflag:s15] =	ssyncset.done $0x0  }
0x82: {  	[sflag:s15] =	ssyncadd.s32 $0xFFFFF800  }
0x83: {  	_ =	swait.ge [sflag:s15], $0x800  }
0x84: {  	[sflag:s15] =	ssyncset.done $0x0  }
0x85: {  	[sflag:s15] =	ssyncadd.s32 $0xFFFFF800  }
0x86: {  	p0 =	por $0x0, $0x0;
	_ =	swait.ge [sflag:s15], $0x800  }
0x87: {  	s8 =	simm.s32 @!p0 $0xA000;
	[sflag:s15] =	ssyncset.done $0x0  }
0x88: {  	s9 =	simm.s32 @!p0 $0x5800;
	s10 =	simm.s32 @!p0 $0x80;
	[sflag:s15] =	ssyncadd.s32 $0xFFFFF800  }
0x89: {  	[tilespmem:s8], [sflag:$0x1] =	stream.indirect.gather @!p0 [spmem:s3], $0x10, s9, s10, $0xb8;
	[tilespmem:$0x12000] =	vst v63  }
0x8a: {  	s8 =	simm.s32 @!p0 $0x5880;
	s9 =	simm.s32 @!p0 $0xA800  }
0x8b: {  	[tilespmem:s9], [sflag:$0x1] =	stream.indirect.gather @!p0 [spmem:s3], $0x10, s8, s10, $0xb8;
	[tilespmem:$0x12000] =	vst v63  }
0x8c: {  	s8 =	simm.s32 @!p0 $0x5900;
	s9 =	simm.s32 @!p0 $0xB000  }
0x8d: {  	[tilespmem:s9], [sflag:$0x1] =	stream.indirect.gather @!p0 [spmem:s3], $0x10, s8, s10, $0xb8;
	[tilespmem:$0x12000] =	vst v63  }
0x8e: {  	s8 =	simm.s32 @!p0 $0x5980;
	s9 =	simm.s32 @!p0 $0xB800  }
0x8f: {  	[tilespmem:s9], [sflag:$0x1] =	stream.indirect.gather @!p0 [spmem:s3], $0x10, s8, s10, $0xb8;
	[tilespmem:$0x12000] =	vst v63  }
0x90: {  	s8 =	simm.s32 @!p0 $0x5A00;
	s9 =	simm.s32 @!p0 $0xC000  }
0x91: {  	[tilespmem:s9], [sflag:$0x1] =	stream.indirect.gather @!p0 [spmem:s3], $0x10, s8, s10, $0xb8;
	[tilespmem:$0x12000] =	vst v63  }
0x92: {  	s8 =	simm.s32 @!p0 $0x5A80;
	s9 =	simm.s32 @!p0 $0xC800  }
0x93: {  	[tilespmem:s9], [sflag:$0x1] =	stream.indirect.gather @!p0 [spmem:s3], $0x10, s8, s10, $0xb8;
	[tilespmem:$0x12000] =	vst v63  }
0x94: {  	s8 =	simm.s32 @!p0 $0x5B00;
	s9 =	simm.s32 @!p0 $0xD000  }
0x95: {  	[tilespmem:s9], [sflag:$0x1] =	stream.indirect.gather @!p0 [spmem:s3], $0x10, s8, s10, $0xb8;
	[tilespmem:$0x12000] =	vst v63  }
0x96: {  	s8 =	simm.s32 @!p0 $0x5B80;
	s9 =	simm.s32 @!p0 $0xD800  }
0x97: {  	[tilespmem:s9], [sflag:$0x1] =	stream.indirect.gather @!p0 [spmem:s3], $0x10, s8, s10, $0xb8;
	[tilespmem:$0x12000] =	vst v63  }
0x98: {  	_ =	swait.ge [sflag:s5], $0x800  }
0x99: {  	[sflag:s5] =	ssyncset.done $0x0  }
0x9a: {  	[sflag:s5] =	ssyncadd.s32 $0xFFFFF800  }
0x9b: {  	_ =	swait.ge [sflag:s5], $0x800  }
0x9c: {  	[sflag:s5] =	ssyncset.done $0x0  }
0x9d: {  	[sflag:s5] =	ssyncadd.s32 $0xFFFFF800  }
0x9e: {  	_ =	swait.ge [sflag:s5], $0x800  }
0x9f: {  	[sflag:s5] =	ssyncset.done $0x0  }
0xa0: {  	[sflag:s5] =	ssyncadd.s32 $0xFFFFF800  }
0xa1: {  	_ =	swait.ge [sflag:s5], $0x800  }
0xa2: {  	[sflag:s5] =	ssyncset.done $0x0  }
0xa3: {  	[sflag:s5] =	ssyncadd.s32 $0xFFFFF800  }
0xa4: {  	_ =	swait.ge [sflag:s5], $0x800  }
0xa5: {  	[sflag:s5] =	ssyncset.done $0x0  }
0xa6: {  	[sflag:s5] =	ssyncadd.s32 $0xFFFFF800  }
0xa7: {  	_ =	swait.ge [sflag:s5], $0x800  }
0xa8: {  	[sflag:s5] =	ssyncset.done $0x0  }
0xa9: {  	[sflag:s5] =	ssyncadd.s32 $0xFFFFF800  }
0xaa: {  	_ =	swait.ge [sflag:s5], $0x800  }
0xab: {  	[sflag:s5] =	ssyncset.done $0x0  }
0xac: {  	[sflag:s5] =	ssyncadd.s32 $0xFFFFF800  }
0xad: {  	_ =	swait.ge [sflag:s5], $0x800  }
0xae: {  	[sflag:s5] =	ssyncset.done $0x0  }
0xaf: {  	s7 =	simm.s32 $0x7C00;
	[sflag:s5] =	ssyncadd.s32 $0xFFFFF800  }
0xb0: {  	[spmem:s2] =	stream.indirect.scatter.add.f32 [tilespmem:s16], [sflag:$0x3], $0x10, s7, s17, $0xb8;
	[tilespmem:$0x12000] =	vst v63  }
0xb1: {  	s9 =	simm.s32 $0x7C80  }
0xb2: {  	[spmem:s2] =	stream.indirect.scatter.add.f32 [tilespmem:s19], [sflag:$0x3], $0x10, s9, s17, $0xb8;
	[tilespmem:$0x12000] =	vst v63  }
0xb3: {  	s10 =	simm.s32 $0x7D00  }
0xb4: {  	[spmem:s2] =	stream.indirect.scatter.add.f32 [tilespmem:s21], [sflag:$0x3], $0x10, s10, s17, $0xb8;
	[tilespmem:$0x12000] =	vst v63  }
0xb5: {  	s11 =	simm.s32 $0x7D80  }
0xb6: {  	[spmem:s2] =	stream.indirect.scatter.add.f32 [tilespmem:s23], [sflag:$0x3], $0x10, s11, s17, $0xb8;
	[tilespmem:$0x12000] =	vst v63  }
0xb7: {  	s12 =	simm.s32 $0x7E00  }
0xb8: {  	[spmem:s2] =	stream.indirect.scatter.add.f32 [tilespmem:s25], [sflag:$0x3], $0x10, s12, s17, $0xb8;
	[tilespmem:$0x12000] =	vst v63  }
0xb9: {  	s13 =	simm.s32 $0x7E80  }
0xba: {  	[spmem:s2] =	stream.indirect.scatter.add.f32 [tilespmem:s28], [sflag:$0x3], $0x10, s13, s17, $0xb8;
	[tilespmem:$0x12000] =	vst v63  }
0xbb: {  	s14 =	simm.s32 $0x7F00  }
0xbc: {  	[spmem:s2] =	stream.indirect.scatter.add.f32 [tilespmem:s30], [sflag:$0x3], $0x10, s14, s17, $0xb8;
	[tilespmem:$0x12000] =	vst v63  }
0xbd: {  	s18 =	simm.s32 $0x7F80  }
0xbe: {  	[spmem:s2] =	stream.indirect.scatter.add.f32 [tilespmem:s1], [sflag:$0x3], $0x10, s18, s17, $0xb8;
	[tilespmem:$0x12000] =	vst v63  }
0xbf: {  	_ =	swait.ge [sflag:s15], $0x800  }
0xc0: {  	[sflag:s15] =	ssyncset.done $0x0  }
0xc1: {  	[sflag:s15] =	ssyncadd.s32 $0xFFFFF800  }
0xc2: {  	_ =	swait.ge [sflag:s15], $0x800  }
0xc3: {  	[sflag:s15] =	ssyncset.done $0x0  }
0xc4: {  	[sflag:s15] =	ssyncadd.s32 $0xFFFFF800  }
0xc5: {  	_ =	swait.ge [sflag:s15], $0x800  }
0xc6: {  	[sflag:s15] =	ssyncset.done $0x0  }
0xc7: {  	[sflag:s15] =	ssyncadd.s32 $0xFFFFF800  }
0xc8: {  	_ =	swait.ge [sflag:s15], $0x800  }
0xc9: {  	[sflag:s15] =	ssyncset.done $0x0  }
0xca: {  	[sflag:s15] =	ssyncadd.s32 $0xFFFFF800  }
0xcb: {  	_ =	swait.ge [sflag:s15], $0x800  }
0xcc: {  	[sflag:s15] =	ssyncset.done $0x0  }
0xcd: {  	[sflag:s15] =	ssyncadd.s32 $0xFFFFF800  }
0xce: {  	_ =	swait.ge [sflag:s15], $0x800  }
0xcf: {  	[sflag:s15] =	ssyncset.done $0x0  }
0xd0: {  	[sflag:s15] =	ssyncadd.s32 $0xFFFFF800  }
0xd1: {  	_ =	swait.ge [sflag:s15], $0x800  }
0xd2: {  	[sflag:s15] =	ssyncset.done $0x0  }
0xd3: {  	[sflag:s15] =	ssyncadd.s32 $0xFFFFF800  }
0xd4: {  	s0 =	simm.s32 $0xD000;
	s8 =	simm.s32 $0x800;
	_ =	swait.ge [sflag:s15], $0x800  }
0xd5: {  	s9 =	simm.s32 $0x2000;
	s10 =	simm.s32 $0x4000;
	[sflag:s15] =	ssyncset.done $0x0  }
.LBB2_2:
0xd6: {  	s14 =	sadd.s32 $0x5400, s8  }
0xd7: {  	[sflag:s15] =	ssyncadd.s32 $0xFFFFF800;
	s11 =	smov.u32 s10;
	s10 =	sadd.s32 $0x2000, s10  }
0xd8: {  	[tilespmem:s16], [sflag:$0x2] =	stream.indirect.gather [spmem:s3], $0x10, s14, s17, $0xb8;
	[tilespmem:$0x12000] =	vst v63  }
0xd9: {  	p0 =	sne.s32 s10, $0xA000;
	s14 =	sadd.s32 $0x5480, s8  }
0xda: {  	[tilespmem:s19], [sflag:$0x2] =	stream.indirect.gather [spmem:s3], $0x10, s14, s17, $0xb8;
	[tilespmem:$0x12000] =	vst v63  }
0xdb: {  	s14 =	sadd.s32 $0x5500, s8  }
0xdc: {  	[tilespmem:s21], [sflag:$0x2] =	stream.indirect.gather [spmem:s3], $0x10, s14, s17, $0xb8;
	[tilespmem:$0x12000] =	vst v63  }
0xdd: {  	s14 =	sadd.s32 $0x5580, s8  }
0xde: {  	[tilespmem:s23], [sflag:$0x2] =	stream.indirect.gather [spmem:s3], $0x10, s14, s17, $0xb8;
	[tilespmem:$0x12000] =	vst v63  }
0xdf: {  	s14 =	sadd.s32 $0x5600, s8  }
0xe0: {  	[tilespmem:s25], [sflag:$0x2] =	stream.indirect.gather [spmem:s3], $0x10, s14, s17, $0xb8;
	[tilespmem:$0x12000] =	vst v63  }
0xe1: {  	s14 =	sadd.s32 $0x5680, s8  }
0xe2: {  	[tilespmem:s28], [sflag:$0x2] =	stream.indirect.gather [spmem:s3], $0x10, s14, s17, $0xb8;
	[tilespmem:$0x12000] =	vst v63  }
0xe3: {  	s14 =	sadd.s32 $0x5700, s8  }
0xe4: {  	[tilespmem:s30], [sflag:$0x2] =	stream.indirect.gather [spmem:s3], $0x10, s14, s17, $0xb8;
	[tilespmem:$0x12000] =	vst v63  }
0xe5: {  	s14 =	sadd.s32 $0x5780, s8  }
0xe6: {  	[tilespmem:s1], [sflag:$0x2] =	stream.indirect.gather [spmem:s3], $0x10, s14, s17, $0xb8;
	[tilespmem:$0x12000] =	vst v63  }
0xe7: {  	_ =	swait.ge [sflag:s4], $0x800  }
0xe8: {  	[sflag:s4] =	ssyncset.done $0x0  }
0xe9: {  	[sflag:s4] =	ssyncadd.s32 $0xFFFFF800  }
0xea: {  	_ =	swait.ge [sflag:s4], $0x800  }
0xeb: {  	[sflag:s4] =	ssyncset.done $0x0  }
0xec: {  	[sflag:s4] =	ssyncadd.s32 $0xFFFFF800  }
0xed: {  	_ =	swait.ge [sflag:s4], $0x800  }
0xee: {  	[sflag:s4] =	ssyncset.done $0x0  }
0xef: {  	[sflag:s4] =	ssyncadd.s32 $0xFFFFF800  }
0xf0: {  	_ =	swait.ge [sflag:s4], $0x800  }
0xf1: {  	[sflag:s4] =	ssyncset.done $0x0  }
0xf2: {  	[sflag:s4] =	ssyncadd.s32 $0xFFFFF800  }
0xf3: {  	_ =	swait.ge [sflag:s4], $0x800  }
0xf4: {  	[sflag:s4] =	ssyncset.done $0x0  }
0xf5: {  	[sflag:s4] =	ssyncadd.s32 $0xFFFFF800  }
0xf6: {  	_ =	swait.ge [sflag:s4], $0x800  }
0xf7: {  	[sflag:s4] =	ssyncset.done $0x0  }
0xf8: {  	[sflag:s4] =	ssyncadd.s32 $0xFFFFF800  }
0xf9: {  	_ =	swait.ge [sflag:s4], $0x800  }
0xfa: {  	[sflag:s4] =	ssyncset.done $0x0  }
0xfb: {  	[sflag:s4] =	ssyncadd.s32 $0xFFFFF800  }
0xfc: {  	_ =	swait.ge [sflag:s4], $0x800  }
0xfd: {  	[sflag:s4] =	ssyncset.done $0x0  }
0xfe: {  	s14 =	sadd.s32 $0x7800, s8;
	[sflag:s4] =	ssyncadd.s32 $0xFFFFF800  }
0xff: {  	[spmem:s2] =	stream.indirect.scatter.add.f32 [tilespmem:s20], [sflag:$0x3], $0x10, s14, s17, $0xb8;
	[tilespmem:$0x12000] =	vst v63  }
0x100: {  	s14 =	sadd.s32 $0x7880, s8  }
0x101: {  	[spmem:s2] =	stream.indirect.scatter.add.f32 [tilespmem:s22], [sflag:$0x3], $0x10, s14, s17, $0xb8;
	[tilespmem:$0x12000] =	vst v63  }
0x102: {  	s14 =	sadd.s32 $0x7900, s8  }
0x103: {  	[spmem:s2] =	stream.indirect.scatter.add.f32 [tilespmem:s24], [sflag:$0x3], $0x10, s14, s17, $0xb8;
	[tilespmem:$0x12000] =	vst v63  }
0x104: {  	s14 =	sadd.s32 $0x7980, s8  }
0x105: {  	[spmem:s2] =	stream.indirect.scatter.add.f32 [tilespmem:s26], [sflag:$0x3], $0x10, s14, s17, $0xb8;
	[tilespmem:$0x12000] =	vst v63  }
0x106: {  	s14 =	sadd.s32 $0x7A00, s8  }
0x107: {  	[spmem:s2] =	stream.indirect.scatter.add.f32 [tilespmem:s29], [sflag:$0x3], $0x10, s14, s17, $0xb8;
	[tilespmem:$0x12000] =	vst v63  }
0x108: {  	s14 =	sadd.s32 $0x7A80, s8  }
0x109: {  	[spmem:s2] =	stream.indirect.scatter.add.f32 [tilespmem:s31], [sflag:$0x3], $0x10, s14, s17, $0xb8;
	[tilespmem:$0x12000] =	vst v63  }
0x10a: {  	s14 =	sadd.s32 $0x7B00, s8  }
0x10b: {  	[spmem:s2] =	stream.indirect.scatter.add.f32 [tilespmem:s0], [sflag:$0x3], $0x10, s14, s17, $0xb8;
	[tilespmem:$0x12000] =	vst v63  }
0x10c: {  	s6 =	simm.s32 $0xD800;
	s14 =	sadd.s32 $0x7B80, s8  }
0x10d: {  	[spmem:s2] =	stream.indirect.scatter.add.f32 [tilespmem:s6], [sflag:$0x3], $0x10, s14, s17, $0xb8;
	[tilespmem:$0x12000] =	vst v63  }
0x10e: {  	_ =	swait.ge [sflag:s15], $0x800  }
0x10f: {  	[sflag:s15] =	ssyncset.done $0x0  }
0x110: {  	[sflag:s15] =	ssyncadd.s32 $0xFFFFF800  }
0x111: {  	_ =	swait.ge [sflag:s15], $0x800  }
0x112: {  	[sflag:s15] =	ssyncset.done $0x0  }
0x113: {  	[sflag:s15] =	ssyncadd.s32 $0xFFFFF800  }
0x114: {  	_ =	swait.ge [sflag:s15], $0x800  }
0x115: {  	[sflag:s15] =	ssyncset.done $0x0  }
0x116: {  	[sflag:s15] =	ssyncadd.s32 $0xFFFFF800  }
0x117: {  	_ =	swait.ge [sflag:s15], $0x800  }
0x118: {  	[sflag:s15] =	ssyncset.done $0x0  }
0x119: {  	[sflag:s15] =	ssyncadd.s32 $0xFFFFF800  }
0x11a: {  	_ =	swait.ge [sflag:s15], $0x800  }
0x11b: {  	[sflag:s15] =	ssyncset.done $0x0  }
0x11c: {  	[sflag:s15] =	ssyncadd.s32 $0xFFFFF800  }
0x11d: {  	_ =	swait.ge [sflag:s15], $0x800  }
0x11e: {  	[sflag:s15] =	ssyncset.done $0x0  }
0x11f: {  	[sflag:s15] =	ssyncadd.s32 $0xFFFFF800  }
0x120: {  	_ =	swait.ge [sflag:s15], $0x800  }
0x121: {  	[sflag:s15] =	ssyncset.done $0x0  }
0x122: {  	[sflag:s15] =	ssyncadd.s32 $0xFFFFF800  }
0x123: {  	p1 =	seq.s32 s9, $0x8000;
	_ =	swait.ge [sflag:s15], $0x800  }
0x124: {  	s9 =	sshra.s32 @!p1 s9, $0x2;
	s14 =	simm.s32 @!p1 $0xA000;
	[sflag:s15] =	ssyncset.done $0x0  }
0x125: {  	s12 =	sadd.s32 @!p1 $0x5800, s9;
	s6 =	simm.s32 @!p1 $0x80;
	[sflag:s15] =	ssyncadd.s32 $0xFFFFF800  }
0x126: {  	[tilespmem:s14], [sflag:$0x1] =	stream.indirect.gather @!p1 [spmem:s3], $0x10, s12, s6, $0xb8;
	[tilespmem:$0x12000] =	vst v63  }
0x127: {  	s7 =	sadd.s32 @!p1 $0x5900, s9;
	s12 =	sadd.s32 @!p1 $0x5880, s9;
	s14 =	simm.s32 @!p1 $0xA800  }
0x128: {  	[tilespmem:s14], [sflag:$0x1] =	stream.indirect.gather @!p1 [spmem:s3], $0x10, s12, s6, $0xb8;
	[tilespmem:$0x12000] =	vst v63  }
0x129: {  	s13 =	sadd.s32 @!p1 $0x5A00, s9;
	s12 =	simm.s32 @!p1 $0xB000;
	s14 =	sadd.s32 @!p1 $0x5980, s9  }
0x12a: {  	[tilespmem:s12], [sflag:$0x1] =	stream.indirect.gather @!p1 [spmem:s3], $0x10, s7, s6, $0xb8;
	[tilespmem:$0x12000] =	vst v63  }
0x12b: {  	s18 =	sadd.s32 @!p1 $0x5B00, s9;
	s7 =	simm.s32 @!p1 $0xB800;
	s12 =	sadd.s32 @!p1 $0x5A80, s9  }
0x12c: {  	[tilespmem:s7], [sflag:$0x1] =	stream.indirect.gather @!p1 [spmem:s3], $0x10, s14, s6, $0xb8;
	[tilespmem:$0x12000] =	vst v63  }
0x12d: {  	s7 =	simm.s32 @!p1 $0xC000;
	s14 =	sadd.s32 @!p1 $0x5B80, s9;
	s9 =	smov.u32 s11  }
0x12e: {  	[tilespmem:s7], [sflag:$0x1] =	stream.indirect.gather @!p1 [spmem:s3], $0x10, s13, s6, $0xb8;
	[tilespmem:$0x12000] =	vst v63  }
0x12f: {  	s7 =	simm.s32 @!p1 $0xC800  }
0x130: {  	[tilespmem:s7], [sflag:$0x1] =	stream.indirect.gather @!p1 [spmem:s3], $0x10, s12, s6, $0xb8;
	[tilespmem:$0x12000] =	vst v63  }
0x131: {  	s7 =	simm.s32 @!p1 $0xD000  }
0x132: {  	[tilespmem:s7], [sflag:$0x1] =	stream.indirect.gather @!p1 [spmem:s3], $0x10, s18, s6, $0xb8;
	[tilespmem:$0x12000] =	vst v63  }
0x133: {  	s7 =	simm.s32 @!p1 $0xD800  }
0x134: {  	[tilespmem:s7], [sflag:$0x1] =	stream.indirect.gather @!p1 [spmem:s3], $0x10, s14, s6, $0xb8;
	[tilespmem:$0x12000] =	vst v63  }
0x135: {  	_ =	swait.ge [sflag:s5], $0x800  }
0x136: {  	[sflag:s5] =	ssyncset.done $0x0  }
0x137: {  	[sflag:s5] =	ssyncadd.s32 $0xFFFFF800  }
0x138: {  	_ =	swait.ge [sflag:s5], $0x800  }
0x139: {  	[sflag:s5] =	ssyncset.done $0x0  }
0x13a: {  	[sflag:s5] =	ssyncadd.s32 $0xFFFFF800  }
0x13b: {  	_ =	swait.ge [sflag:s5], $0x800  }
0x13c: {  	[sflag:s5] =	ssyncset.done $0x0  }
0x13d: {  	[sflag:s5] =	ssyncadd.s32 $0xFFFFF800  }
0x13e: {  	_ =	swait.ge [sflag:s5], $0x800  }
0x13f: {  	[sflag:s5] =	ssyncset.done $0x0  }
0x140: {  	[sflag:s5] =	ssyncadd.s32 $0xFFFFF800  }
0x141: {  	_ =	swait.ge [sflag:s5], $0x800  }
0x142: {  	[sflag:s5] =	ssyncset.done $0x0  }
0x143: {  	[sflag:s5] =	ssyncadd.s32 $0xFFFFF800  }
0x144: {  	_ =	swait.ge [sflag:s5], $0x800  }
0x145: {  	[sflag:s5] =	ssyncset.done $0x0  }
0x146: {  	[sflag:s5] =	ssyncadd.s32 $0xFFFFF800  }
0x147: {  	_ =	swait.ge [sflag:s5], $0x800  }
0x148: {  	[sflag:s5] =	ssyncset.done $0x0  }
0x149: {  	[sflag:s5] =	ssyncadd.s32 $0xFFFFF800  }
0x14a: {  	_ =	swait.ge [sflag:s5], $0x800  }
0x14b: {  	[sflag:s5] =	ssyncset.done $0x0  }
0x14c: {  	s6 =	sadd.s32 $0x7C00, s8;
	[sflag:s5] =	ssyncadd.s32 $0xFFFFF800  }
0x14d: {  	[spmem:s2] =	stream.indirect.scatter.add.f32 [tilespmem:s16], [sflag:$0x3], $0x10, s6, s17, $0xb8;
	[tilespmem:$0x12000] =	vst v63  }
0x14e: {  	s6 =	sadd.s32 $0x7C80, s8  }
0x14f: {  	[spmem:s2] =	stream.indirect.scatter.add.f32 [tilespmem:s19], [sflag:$0x3], $0x10, s6, s17, $0xb8;
	[tilespmem:$0x12000] =	vst v63  }
0x150: {  	s6 =	sadd.s32 $0x7D00, s8  }
0x151: {  	[spmem:s2] =	stream.indirect.scatter.add.f32 [tilespmem:s21], [sflag:$0x3], $0x10, s6, s17, $0xb8;
	[tilespmem:$0x12000] =	vst v63  }
0x152: {  	s6 =	sadd.s32 $0x7D80, s8  }
0x153: {  	[spmem:s2] =	stream.indirect.scatter.add.f32 [tilespmem:s23], [sflag:$0x3], $0x10, s6, s17, $0xb8;
	[tilespmem:$0x12000] =	vst v63  }
0x154: {  	s6 =	sadd.s32 $0x7E00, s8  }
0x155: {  	[spmem:s2] =	stream.indirect.scatter.add.f32 [tilespmem:s25], [sflag:$0x3], $0x10, s6, s17, $0xb8;
	[tilespmem:$0x12000] =	vst v63  }
0x156: {  	s6 =	sadd.s32 $0x7E80, s8  }
0x157: {  	[spmem:s2] =	stream.indirect.scatter.add.f32 [tilespmem:s28], [sflag:$0x3], $0x10, s6, s17, $0xb8;
	[tilespmem:$0x12000] =	vst v63  }
0x158: {  	s6 =	sadd.s32 $0x7F00, s8  }
0x159: {  	[spmem:s2] =	stream.indirect.scatter.add.f32 [tilespmem:s30], [sflag:$0x3], $0x10, s6, s17, $0xb8;
	[tilespmem:$0x12000] =	vst v63  }
0x15a: {  	s6 =	sadd.s32 $0x7F80, s8  }
0x15b: {  	[spmem:s2] =	stream.indirect.scatter.add.f32 [tilespmem:s1], [sflag:$0x3], $0x10, s6, s17, $0xb8;
	[tilespmem:$0x12000] =	vst v63  }
0x15c: {  	_ =	swait.ge [sflag:s15], $0x800  }
0x15d: {  	[sflag:s15] =	ssyncset.done $0x0  }
0x15e: {  	[sflag:s15] =	ssyncadd.s32 $0xFFFFF800  }
0x15f: {  	_ =	swait.ge [sflag:s15], $0x800  }
0x160: {  	[sflag:s15] =	ssyncset.done $0x0  }
0x161: {  	[sflag:s15] =	ssyncadd.s32 $0xFFFFF800  }
0x162: {  	_ =	swait.ge [sflag:s15], $0x800  }
0x163: {  	[sflag:s15] =	ssyncset.done $0x0  }
0x164: {  	[sflag:s15] =	ssyncadd.s32 $0xFFFFF800  }
0x165: {  	_ =	swait.ge [sflag:s15], $0x800  }
0x166: {  	[sflag:s15] =	ssyncset.done $0x0  }
0x167: {  	[sflag:s15] =	ssyncadd.s32 $0xFFFFF800  }
0x168: {  	_ =	swait.ge [sflag:s15], $0x800  }
0x169: {  	[sflag:s15] =	ssyncset.done $0x0  }
0x16a: {  	[sflag:s15] =	ssyncadd.s32 $0xFFFFF800  }
0x16b: {  	_ =	swait.ge [sflag:s15], $0x800  }
0x16c: {  	[sflag:s15] =	ssyncset.done $0x0  }
0x16d: {  	[sflag:s15] =	ssyncadd.s32 $0xFFFFF800  }
.Ltmp0:
0x16e: {  	_ =	swait.ge [sflag:s15], $0x800;
	(pc) =	sbr.rel @p0 .LBB2_2-.Ltmp0, $4  }
0x16f: {  	[sflag:s15] =	ssyncset.done $0x0  }
0x170: {  	[sflag:s15] =	ssyncadd.s32 $0xFFFFF800  }
0x171: {  	_ =	swait.ge [sflag:s15], $0x800  }
0x172: {  	s8 =	sshra.s32 s9, $0x2;
	[sflag:s15] =	ssyncset.done $0x0  }
0x173: {  	s6 =	sadd.s32 $0x5400, s8;
	[sflag:s15] =	ssyncadd.s32 $0xFFFFF800  }
0x174: {  	[tilespmem:s16], [sflag:$0x2] =	stream.indirect.gather [spmem:s3], $0x10, s6, s17, $0xb8;
	[tilespmem:$0x12000] =	vst v63  }
0x175: {  	s12 =	sadd.s32 $0x5480, s8  }
0x176: {  	[tilespmem:s19], [sflag:$0x2] =	stream.indirect.gather [spmem:s3], $0x10, s12, s17, $0xb8;
	[tilespmem:$0x12000] =	vst v63  }
0x177: {  	s13 =	sadd.s32 $0x5500, s8  }
0x178: {  	[tilespmem:s21], [sflag:$0x2] =	stream.indirect.gather [spmem:s3], $0x10, s13, s17, $0xb8;
	[tilespmem:$0x12000] =	vst v63  }
0x179: {  	s14 =	sadd.s32 $0x5580, s8  }
0x17a: {  	[tilespmem:s23], [sflag:$0x2] =	stream.indirect.gather [spmem:s3], $0x10, s14, s17, $0xb8;
	[tilespmem:$0x12000] =	vst v63  }
0x17b: {  	s18 =	sadd.s32 $0x5600, s8  }
0x17c: {  	[tilespmem:s25], [sflag:$0x2] =	stream.indirect.gather [spmem:s3], $0x10, s18, s17, $0xb8;
	[tilespmem:$0x12000] =	vst v63  }
0x17d: {  	s7 =	sadd.s32 $0x5680, s8  }
0x17e: {  	[tilespmem:s28], [sflag:$0x2] =	stream.indirect.gather [spmem:s3], $0x10, s7, s17, $0xb8;
	[tilespmem:$0x12000] =	vst v63  }
0x17f: {  	s10 =	sadd.s32 $0x5700, s8  }
0x180: {  	[tilespmem:s30], [sflag:$0x2] =	stream.indirect.gather [spmem:s3], $0x10, s10, s17, $0xb8;
	[tilespmem:$0x12000] =	vst v63  }
0x181: {  	s11 =	sadd.s32 $0x5780, s8  }
0x182: {  	[tilespmem:s1], [sflag:$0x2] =	stream.indirect.gather [spmem:s3], $0x10, s11, s17, $0xb8;
	[tilespmem:$0x12000] =	vst v63  }
0x183: {  	_ =	swait.ge [sflag:s4], $0x800  }
0x184: {  	[sflag:s4] =	ssyncset.done $0x0  }
0x185: {  	[sflag:s4] =	ssyncadd.s32 $0xFFFFF800  }
0x186: {  	_ =	swait.ge [sflag:s4], $0x800  }
0x187: {  	[sflag:s4] =	ssyncset.done $0x0  }
0x188: {  	[sflag:s4] =	ssyncadd.s32 $0xFFFFF800  }
0x189: {  	_ =	swait.ge [sflag:s4], $0x800  }
0x18a: {  	[sflag:s4] =	ssyncset.done $0x0  }
0x18b: {  	[sflag:s4] =	ssyncadd.s32 $0xFFFFF800  }
0x18c: {  	_ =	swait.ge [sflag:s4], $0x800  }
0x18d: {  	[sflag:s4] =	ssyncset.done $0x0  }
0x18e: {  	[sflag:s4] =	ssyncadd.s32 $0xFFFFF800  }
0x18f: {  	_ =	swait.ge [sflag:s4], $0x800  }
0x190: {  	[sflag:s4] =	ssyncset.done $0x0  }
0x191: {  	[sflag:s4] =	ssyncadd.s32 $0xFFFFF800  }
0x192: {  	_ =	swait.ge [sflag:s4], $0x800  }
0x193: {  	[sflag:s4] =	ssyncset.done $0x0  }
0x194: {  	[sflag:s4] =	ssyncadd.s32 $0xFFFFF800  }
0x195: {  	_ =	swait.ge [sflag:s4], $0x800  }
0x196: {  	[sflag:s4] =	ssyncset.done $0x0  }
0x197: {  	[sflag:s4] =	ssyncadd.s32 $0xFFFFF800  }
0x198: {  	_ =	swait.ge [sflag:s4], $0x800  }
0x199: {  	[sflag:s4] =	ssyncset.done $0x0  }
0x19a: {  	s12 =	sadd.s32 $0x7800, s8;
	[sflag:s4] =	ssyncadd.s32 $0xFFFFF800  }
0x19b: {  	[spmem:s2] =	stream.indirect.scatter.add.f32 [tilespmem:s20], [sflag:$0x3], $0x10, s12, s17, $0xb8;
	[tilespmem:$0x12000] =	vst v63  }
0x19c: {  	s13 =	sadd.s32 $0x7880, s8  }
0x19d: {  	[spmem:s2] =	stream.indirect.scatter.add.f32 [tilespmem:s22], [sflag:$0x3], $0x10, s13, s17, $0xb8;
	[tilespmem:$0x12000] =	vst v63  }
0x19e: {  	s14 =	sadd.s32 $0x7900, s8  }
0x19f: {  	[spmem:s2] =	stream.indirect.scatter.add.f32 [tilespmem:s24], [sflag:$0x3], $0x10, s14, s17, $0xb8;
	[tilespmem:$0x12000] =	vst v63  }
0x1a0: {  	s18 =	sadd.s32 $0x7980, s8  }
0x1a1: {  	[spmem:s2] =	stream.indirect.scatter.add.f32 [tilespmem:s26], [sflag:$0x3], $0x10, s18, s17, $0xb8;
	[tilespmem:$0x12000] =	vst v63  }
0x1a2: {  	s7 =	sadd.s32 $0x7A00, s8  }
0x1a3: {  	[spmem:s2] =	stream.indirect.scatter.add.f32 [tilespmem:s29], [sflag:$0x3], $0x10, s7, s17, $0xb8;
	[tilespmem:$0x12000] =	vst v63  }
0x1a4: {  	s10 =	sadd.s32 $0x7A80, s8  }
0x1a5: {  	[spmem:s2] =	stream.indirect.scatter.add.f32 [tilespmem:s31], [sflag:$0x3], $0x10, s10, s17, $0xb8;
	[tilespmem:$0x12000] =	vst v63  }
0x1a6: {  	s11 =	sadd.s32 $0x7B00, s8  }
0x1a7: {  	[spmem:s2] =	stream.indirect.scatter.add.f32 [tilespmem:s0], [sflag:$0x3], $0x10, s11, s17, $0xb8;
	[tilespmem:$0x12000] =	vst v63  }
0x1a8: {  	s12 =	sadd.s32 $0x7B80, s8;
	s13 =	simm.s32 $0xD800  }
0x1a9: {  	[spmem:s2] =	stream.indirect.scatter.add.f32 [tilespmem:s13], [sflag:$0x3], $0x10, s12, s17, $0xb8;
	[tilespmem:$0x12000] =	vst v63  }
0x1aa: {  	_ =	swait.ge [sflag:s15], $0x800  }
0x1ab: {  	[sflag:s15] =	ssyncset.done $0x0  }
0x1ac: {  	[sflag:s15] =	ssyncadd.s32 $0xFFFFF800  }
0x1ad: {  	_ =	swait.ge [sflag:s15], $0x800  }
0x1ae: {  	[sflag:s15] =	ssyncset.done $0x0  }
0x1af: {  	[sflag:s15] =	ssyncadd.s32 $0xFFFFF800  }
0x1b0: {  	_ =	swait.ge [sflag:s15], $0x800  }
0x1b1: {  	[sflag:s15] =	ssyncset.done $0x0  }
0x1b2: {  	[sflag:s15] =	ssyncadd.s32 $0xFFFFF800  }
0x1b3: {  	_ =	swait.ge [sflag:s15], $0x800  }
0x1b4: {  	[sflag:s15] =	ssyncset.done $0x0  }
0x1b5: {  	[sflag:s15] =	ssyncadd.s32 $0xFFFFF800  }
0x1b6: {  	_ =	swait.ge [sflag:s15], $0x800  }
0x1b7: {  	[sflag:s15] =	ssyncset.done $0x0  }
0x1b8: {  	[sflag:s15] =	ssyncadd.s32 $0xFFFFF800  }
0x1b9: {  	_ =	swait.ge [sflag:s15], $0x800  }
0x1ba: {  	[sflag:s15] =	ssyncset.done $0x0  }
0x1bb: {  	[sflag:s15] =	ssyncadd.s32 $0xFFFFF800  }
0x1bc: {  	_ =	swait.ge [sflag:s15], $0x800  }
0x1bd: {  	[sflag:s15] =	ssyncset.done $0x0  }
0x1be: {  	p0 =	seq.s32 s9, $0x8000;
	[sflag:s15] =	ssyncadd.s32 $0xFFFFF800  }
0x1bf: {  	s6 =	sshra.s32 @!p0 s9, $0x2;
	_ =	swait.ge [sflag:s15], $0x800  }
0x1c0: {  	s9 =	sadd.s32 @!p0 $0x5800, s6;
	[sflag:s15] =	ssyncset.done $0x0  }
0x1c1: {  	s7 =	simm.s32 @!p0 $0xA000;
	s10 =	simm.s32 @!p0 $0x80;
	[sflag:s15] =	ssyncadd.s32 $0xFFFFF800  }
0x1c2: {  	[tilespmem:s7], [sflag:$0x1] =	stream.indirect.gather @!p0 [spmem:s3], $0x10, s9, s10, $0xb8;
	[tilespmem:$0x12000] =	vst v63  }
0x1c3: {  	s7 =	sadd.s32 @!p0 $0x5880, s6;
	s9 =	simm.s32 @!p0 $0xA800  }
0x1c4: {  	[tilespmem:s9], [sflag:$0x1] =	stream.indirect.gather @!p0 [spmem:s3], $0x10, s7, s10, $0xb8;
	[tilespmem:$0x12000] =	vst v63  }
0x1c5: {  	s7 =	sadd.s32 @!p0 $0x5900, s6;
	s9 =	simm.s32 @!p0 $0xB000  }
0x1c6: {  	[tilespmem:s9], [sflag:$0x1] =	stream.indirect.gather @!p0 [spmem:s3], $0x10, s7, s10, $0xb8;
	[tilespmem:$0x12000] =	vst v63  }
0x1c7: {  	s7 =	sadd.s32 @!p0 $0x5980, s6;
	s9 =	simm.s32 @!p0 $0xB800  }
0x1c8: {  	[tilespmem:s9], [sflag:$0x1] =	stream.indirect.gather @!p0 [spmem:s3], $0x10, s7, s10, $0xb8;
	[tilespmem:$0x12000] =	vst v63  }
0x1c9: {  	s7 =	sadd.s32 @!p0 $0x5A00, s6;
	s9 =	simm.s32 @!p0 $0xC000  }
0x1ca: {  	[tilespmem:s9], [sflag:$0x1] =	stream.indirect.gather @!p0 [spmem:s3], $0x10, s7, s10, $0xb8;
	[tilespmem:$0x12000] =	vst v63  }
0x1cb: {  	s7 =	sadd.s32 @!p0 $0x5A80, s6;
	s9 =	simm.s32 @!p0 $0xC800  }
0x1cc: {  	[tilespmem:s9], [sflag:$0x1] =	stream.indirect.gather @!p0 [spmem:s3], $0x10, s7, s10, $0xb8;
	[tilespmem:$0x12000] =	vst v63  }
0x1cd: {  	s7 =	sadd.s32 @!p0 $0x5B00, s6;
	s9 =	simm.s32 @!p0 $0xD000  }
0x1ce: {  	[tilespmem:s9], [sflag:$0x1] =	stream.indirect.gather @!p0 [spmem:s3], $0x10, s7, s10, $0xb8;
	[tilespmem:$0x12000] =	vst v63  }
0x1cf: {  	s6 =	sadd.s32 @!p0 $0x5B80, s6;
	s7 =	simm.s32 @!p0 $0xD800  }
0x1d0: {  	[tilespmem:s7], [sflag:$0x1] =	stream.indirect.gather @!p0 [spmem:s3], $0x10, s6, s10, $0xb8;
	[tilespmem:$0x12000] =	vst v63  }
0x1d1: {  	_ =	swait.ge [sflag:s5], $0x800  }
0x1d2: {  	[sflag:s5] =	ssyncset.done $0x0  }
0x1d3: {  	[sflag:s5] =	ssyncadd.s32 $0xFFFFF800  }
0x1d4: {  	_ =	swait.ge [sflag:s5], $0x800  }
0x1d5: {  	[sflag:s5] =	ssyncset.done $0x0  }
0x1d6: {  	[sflag:s5] =	ssyncadd.s32 $0xFFFFF800  }
0x1d7: {  	_ =	swait.ge [sflag:s5], $0x800  }
0x1d8: {  	[sflag:s5] =	ssyncset.done $0x0  }
0x1d9: {  	[sflag:s5] =	ssyncadd.s32 $0xFFFFF800  }
0x1da: {  	_ =	swait.ge [sflag:s5], $0x800  }
0x1db: {  	[sflag:s5] =	ssyncset.done $0x0  }
0x1dc: {  	[sflag:s5] =	ssyncadd.s32 $0xFFFFF800  }
0x1dd: {  	_ =	swait.ge [sflag:s5], $0x800  }
0x1de: {  	[sflag:s5] =	ssyncset.done $0x0  }
0x1df: {  	[sflag:s5] =	ssyncadd.s32 $0xFFFFF800  }
0x1e0: {  	_ =	swait.ge [sflag:s5], $0x800  }
0x1e1: {  	[sflag:s5] =	ssyncset.done $0x0  }
0x1e2: {  	[sflag:s5] =	ssyncadd.s32 $0xFFFFF800  }
0x1e3: {  	_ =	swait.ge [sflag:s5], $0x800  }
0x1e4: {  	[sflag:s5] =	ssyncset.done $0x0  }
0x1e5: {  	[sflag:s5] =	ssyncadd.s32 $0xFFFFF800  }
0x1e6: {  	_ =	swait.ge [sflag:s5], $0x800  }
0x1e7: {  	[sflag:s5] =	ssyncset.done $0x0  }
0x1e8: {  	s14 =	sadd.s32 $0x7C00, s8;
	[sflag:s5] =	ssyncadd.s32 $0xFFFFF800  }
0x1e9: {  	[spmem:s2] =	stream.indirect.scatter.add.f32 [tilespmem:s16], [sflag:$0x3], $0x10, s14, s17, $0xb8;
	[tilespmem:$0x12000] =	vst v63  }
0x1ea: {  	s18 =	sadd.s32 $0x7C80, s8  }
0x1eb: {  	[spmem:s2] =	stream.indirect.scatter.add.f32 [tilespmem:s19], [sflag:$0x3], $0x10, s18, s17, $0xb8;
	[tilespmem:$0x12000] =	vst v63  }
0x1ec: {  	s0 =	sadd.s32 $0x7D00, s8  }
0x1ed: {  	[spmem:s2] =	stream.indirect.scatter.add.f32 [tilespmem:s21], [sflag:$0x3], $0x10, s0, s17, $0xb8;
	[tilespmem:$0x12000] =	vst v63  }
0x1ee: {  	s7 =	sadd.s32 $0x7D80, s8  }
0x1ef: {  	[spmem:s2] =	stream.indirect.scatter.add.f32 [tilespmem:s23], [sflag:$0x3], $0x10, s7, s17, $0xb8;
	[tilespmem:$0x12000] =	vst v63  }
0x1f0: {  	s9 =	sadd.s32 $0x7E00, s8  }
0x1f1: {  	[spmem:s2] =	stream.indirect.scatter.add.f32 [tilespmem:s25], [sflag:$0x3], $0x10, s9, s17, $0xb8;
	[tilespmem:$0x12000] =	vst v63  }
0x1f2: {  	s10 =	sadd.s32 $0x7E80, s8  }
0x1f3: {  	[spmem:s2] =	stream.indirect.scatter.add.f32 [tilespmem:s28], [sflag:$0x3], $0x10, s10, s17, $0xb8;
	[tilespmem:$0x12000] =	vst v63  }
0x1f4: {  	s11 =	sadd.s32 $0x7F00, s8  }
0x1f5: {  	[spmem:s2] =	stream.indirect.scatter.add.f32 [tilespmem:s30], [sflag:$0x3], $0x10, s11, s17, $0xb8;
	[tilespmem:$0x12000] =	vst v63  }
0x1f6: {  	s12 =	sadd.s32 $0x7F80, s8  }
0x1f7: {  	[spmem:s2] =	stream.indirect.scatter.add.f32 [tilespmem:s1], [sflag:$0x3], $0x10, s12, s17, $0xb8;
	[tilespmem:$0x12000] =	vst v63  }
0x1f8: {  	_ =	swait.ge [sflag:s15], $0x800  }
0x1f9: {  	[sflag:s15] =	ssyncset.done $0x0  }
0x1fa: {  	[sflag:s15] =	ssyncadd.s32 $0xFFFFF800  }
0x1fb: {  	_ =	swait.ge [sflag:s15], $0x800  }
0x1fc: {  	[sflag:s15] =	ssyncset.done $0x0  }
0x1fd: {  	[sflag:s15] =	ssyncadd.s32 $0xFFFFF800  }
0x1fe: {  	_ =	swait.ge [sflag:s15], $0x800  }
0x1ff: {  	[sflag:s15] =	ssyncset.done $0x0  }
0x200: {  	[sflag:s15] =	ssyncadd.s32 $0xFFFFF800  }
0x201: {  	_ =	swait.ge [sflag:s15], $0x800  }
0x202: {  	[sflag:s15] =	ssyncset.done $0x0  }
0x203: {  	[sflag:s15] =	ssyncadd.s32 $0xFFFFF800  }
0x204: {  	_ =	swait.ge [sflag:s15], $0x800  }
0x205: {  	[sflag:s15] =	ssyncset.done $0x0  }
0x206: {  	[sflag:s15] =	ssyncadd.s32 $0xFFFFF800  }
0x207: {  	_ =	swait.ge [sflag:s15], $0x800  }
0x208: {  	[sflag:s15] =	ssyncset.done $0x0  }
0x209: {  	[sflag:s15] =	ssyncadd.s32 $0xFFFFF800  }
0x20a: {  	_ =	swait.ge [sflag:s15], $0x800  }
0x20b: {  	[sflag:s15] =	ssyncset.done $0x0  }
0x20c: {  	[sflag:s15] =	ssyncadd.s32 $0xFFFFF800  }
0x20d: {  	_ =	swait.ge [sflag:s15], $0x800  }
0x20e: {  	[sflag:s15] =	ssyncset.done $0x0  }
0x20f: {  	[sflag:s15] =	ssyncadd.s32 $0xFFFFF800  }
0x210: {  	[bflag:$0x0] =	sbarrier.arrive $0xFFFF  }
0x211: {  	s9 =	rddreg [dreg:$0x5]  }
0x212: {  	s13 =	rddreg [dreg:$0x9]  }
0x213: {  	s8 =	simm.s32 $0x4;
	s7 =	rddreg [dreg:$0xb]  }
0x214: {  	[hbm:s13], [sflag:s9] =	dma.local [spmem:s7], $0x500  }
0x215: {  	_ =	swait.ge [sflag:s8], $0x500  }
0x216: {  	s14 =	rddreg [dreg:$0xd]  }
0x217: {  	s18 =	rddreg [dreg:$0xa];
	s0 =	sadd.s32 $0x1, s14  }
0x218: {  	p0 =	sne.s32 s0, s18  }
.Ltmp1:
0x219: {  	_ = 	snop;
	(pc) =	sbr.rel @p0 .LBB2_1-.Ltmp1, $3  }
0x21a: {  	_ =	sdelay $0x1  }
0x21b: {  	[sflag:s8] =	ssyncset.done $0x0  }
0x21c: {  	[sflag:s8] =	ssyncadd.s32 $0xFFFFFB00  }
0x21d: {  	_ =	sfence.sel $0x180000  }
0x21e: {  	[bflag:$0x0] =	sbarrier.arrive $0xFFFF  }
0x21f: {  	_ =	strace $0x9000004D  }
0x220: {  	s0 =	stileid.u32;
	[bflag:$0x2] =	sbarrier.arrive $0xFFFF  }
0x221: {  	p0 =	sne.s32 s0, $0x0;
	s0 =	rddreg [dreg:$0x3]  }
0x222: {  	s0 =	sadd.s32 @!p0 $0x100000, s0  }
0x223: {  	[sflag:s0] =	ssyncadd.tile.s32 @!p0 $0x1;
	_ =	shalt  }
.Lfunc_end2:
_tile_overlayer_lowered:
.L_overlay_start_2:
0x224: {  	(tag) =	ssettag $0x2  }
0x225: {  	s0 =	rddreg [dreg:$0x0];
	s2 =	stileid.u32  }
0x226: {  	s1 =	rddreg [dreg:$0x1];
	p0 =	sne.s32 s2, $0x0  }
0x227: {  	s3 =	rddreg [dreg:$0x2];
	[bflag:$0x3] =	sbarrier.arrive $0xFFFF;
	s2 =	simm.s32 @!p0 $0x1C04  }
0x228: {  	[timem:s3], [sflag:s2] =	dma.local @!p0 [hbm:s0], s1  }
0x229: {  	s0 =	simm.s32 @!p0 $0x4  }
0x22a: {  	_ =	swait.ge @!p0 [sflag:s0], s1  }
0x22b: {  	s1 =	ssub.s32 @!p0 $0x0, s1;
	[sflag:s0] =	ssyncset.done @!p0 $0x0  }
0x22c: {  	[sflag:s0] =	ssyncadd.s32 @!p0 s1  }
0x22d: {  	[bflag:$0x3] =	sbarrier.arrive $0xFFFF  }
0x22e: {  	_ =	shalt  }

// kernel: kernel.9.cloned.1.call-start
scs
__scs_entry_jumppad:
0x0: {  	(pc) =	sbr.rel $0x88, $3  }
0x1: {  	(tag) =	ssettag $0x0;
	lr =	simm.s32 $0x1  }
0x2: {  	[smem:$0x3F9B] =	sst lr;
	_ =	strace $0xD0000000  }
0x3: {  	_ = 	snop  }
0x4: {  	_ = 	snop  }
0x5: {  	_ = 	snop  }
0x6: {  	_ = 	snop  }
0x7: {  	_ = 	snop  }
__scs_overlays_trampoline_lowered:
0x8: {  	[smem:$0x3FAA] =	sst s0  }
0x9: {  	[smem:$0x3FAB] =	sst s1  }
0xa: {  	[smem:$0x3FAC] =	sst s2  }
0xb: {  	[smem:$0x3FAD] =	sst s3  }
0xc: {  	[smem:$0x3FAE] =	sst s4  }
0xd: {  	[smem:$0x3FAF] =	sst s5  }
0xe: {  	[smem:$0x3FB0] =	sst s6  }
0xf: {  	[smem:$0x3FB1] =	sst s7  }
0x10: {  	[smem:$0x3FB2] =	sst s8  }
0x11: {  	[smem:$0x3FB3] =	sst s9;
	s0 =	simm.s32 @!p0 $0x0  }
0x12: {  	s1 =	sld [smem:$0x3F99];
	s0 =	simm.s32 @p0 $0x1  }
0x13: {  	[smem:$0x3FB4] =	sst s0;
	s0 =	simm.s32 @!p1 $0x0  }
0x14: {  	s2 =	sld [smem:$0x3F98];
	s0 =	simm.s32 @p1 $0x1  }
0x15: {  	[smem:$0x3FB5] =	sst s0;
	s0 =	simm.s32 @!p2 $0x0  }
0x16: {  	s3 =	sld [smem:$0x3FDB];
	s0 =	simm.s32 @p2 $0x1  }
0x17: {  	s4 =	simm.s32 $0x1BF5;
	[smem:$0x3FB7] =	sst s0  }
0x18: {  	s0 =	sld [smem:$0x3F9A];
	_ =	swait.ge [sflag:s4], $0x0  }
0x19: {  	s7 =	sld [smem:$0x3F9B]  }
0x1a: {  	s8 =	sadd.s32 $0xFFFFE003, lr  }
0x1b: {  	s9 =	sadd.s32 $0xFFFFFEF7, lr;
	s5 =	simm.s32 $0xFFFFFFFF;
	p2 =	slt.u32 s8, $0xFFFFF086  }
0x1c: {  	p1 =	slt.u32 s9, $0xF7A;
	s5 =	simm.s32 @!p2 $0x0  }
0x1d: {  	s5 =	simm.s32 @p1 $0x1;
	p0 =	seq.s32 s7, s2  }
0x1e: {  	s7 =	smul.u32 @!p0 $0xF7A, s2;
	p2 =	seq.s32 @!p0 s5, $0x0  }
0x1f: {  	s9 =	smul.u32 $0xF7A, s1;
	s8 =	simm.s32 @!p0 $0x1BF5;
	p2 =	por !p2, p0  }
0x20: {  	[sflag:s8] =	ssyncset.s32 @!p0 $0xFFFFF086;
	s6 =	sadd.s32 @!p0 s3, s7;
	s7 =	simm.s32 @!p0 $0x108  }
0x21: {  	s3 =	sadd.s32 s3, s9;
	s6 =	sadd.s32 @!p0 $0x88, s6;
	s7 =	simm.s32 @p2 $0x1082  }
0x22: {  	[simem:s7], [sflag:s8] =	dma.local @!p0 [hbm:s6], $0xF7A  }
0x23: {  	s9 =	sor.u32 $0xD0000000, s2;
	s6 =	simm.s32 $0x108;
	_ =	swait.ge @!p0 [sflag:s8], $0x0  }
0x24: {  	s3 =	sadd.s32 $0x88, s3;
	s6 =	simm.s32 @!p1 $0x1082;
	[sflag:s4] =	ssyncset.s32 $0xFFFFF086  }
0x25: {  	[simem:s6], [sflag:s4] =	dma.local [hbm:s3], $0xF7A  }
0x26: {  	[smem:$0x3F9B] =	sst s1;
	(tag) =	ssettag s2;
	_ =	strace s9  }
0x27: {  	s1 =	sld [smem:$0x3FAB]  }
0x28: {  	s2 =	sld [smem:$0x3FAC]  }
0x29: {  	s4 =	sld [smem:$0x3FAE]  }
0x2a: {  	p0 =	seq.s32 s5, $0x0;
	s5 =	sld [smem:$0x3FAF]  }
0x2b: {  	s6 =	sld [smem:$0x3FB0]  }
0x2c: {  	s7 =	sld [smem:$0x3FB1]  }
0x2d: {  	s3 =	simm.s32 $0x108;
	s8 =	sld [smem:$0x3FB2]  }
0x2e: {  	s3 =	simm.s32 @!p0 $0x1082;
	s9 =	sld [smem:$0x3FB3]  }
0x2f: {  	lr =	sadd.s32 s0, s3;
	s0 =	sld [smem:$0x3FAA]  }
0x30: {  	s3 =	sld [smem:$0x3FAD]  }
0x31: {  	[smem:$0x3FB6] =	sst s10  }
0x32: {  	s10 =	sld [smem:$0x3FB4];
	_ =	sdelay $0x3  }
0x33: {  	p0 =	seq.s32 s10, $0x1;
	s10 =	sld [smem:$0x3FB6];
	_ =	sdelay $0x3  }
0x34: {  	[smem:$0x3FB6] =	sst s10  }
0x35: {  	s10 =	sld [smem:$0x3FB5];
	_ =	sdelay $0x3  }
0x36: {  	p1 =	seq.s32 s10, $0x1;
	s10 =	sld [smem:$0x3FB6];
	_ =	sdelay $0x3  }
0x37: {  	[smem:$0x3FB6] =	sst s10  }
0x38: {  	s10 =	sld [smem:$0x3FB7]  }
0x39: {  	_ = 	snop;
	(pc) =	sbr.ind lr, $3  }
0x3a: {  	_ = 	snop  }
0x3b: {  	_ = 	snop  }
0x3c: {  	p2 =	seq.s32 s10, $0x1;
	s10 =	sld [smem:$0x3FB6]  }
0x3d: {  	_ =	shalt  }
0x3e: {  	_ =	shalt  }
0x3f: {  	_ =	shalt  }
0x40: {  	_ =	shalt  }
0x41: {  	_ =	shalt  }
0x42: {  	_ =	shalt  }
0x43: {  	_ =	shalt  }
0x44: {  	_ =	shalt  }
0x45: {  	_ =	shalt  }
0x46: {  	_ =	shalt  }
0x47: {  	_ =	shalt  }
0x48: {  	_ =	shalt  }
0x49: {  	_ =	shalt  }
0x4a: {  	_ =	shalt  }
0x4b: {  	_ =	shalt  }
0x4c: {  	_ =	shalt  }
0x4d: {  	_ =	shalt  }
0x4e: {  	_ =	shalt  }
0x4f: {  	_ =	shalt  }
0x50: {  	_ =	shalt  }
0x51: {  	_ =	shalt  }
0x52: {  	_ =	shalt  }
0x53: {  	_ =	shalt  }
0x54: {  	_ =	shalt  }
0x55: {  	_ =	shalt  }
0x56: {  	_ =	shalt  }
0x57: {  	_ =	shalt  }
0x58: {  	_ =	shalt  }
0x59: {  	_ =	shalt  }
0x5a: {  	_ =	shalt  }
0x5b: {  	_ =	shalt  }
0x5c: {  	_ =	shalt  }
0x5d: {  	_ =	shalt  }
0x5e: {  	_ =	shalt  }
0x5f: {  	_ =	shalt  }
0x60: {  	_ =	shalt  }
0x61: {  	_ =	shalt  }
0x62: {  	_ =	shalt  }
0x63: {  	_ =	shalt  }
0x64: {  	_ =	shalt  }
0x65: {  	_ =	shalt  }
0x66: {  	_ =	shalt  }
0x67: {  	_ =	shalt  }
0x68: {  	_ =	shalt  }
0x69: {  	_ =	shalt  }
0x6a: {  	_ =	shalt  }
0x6b: {  	_ =	shalt  }
0x6c: {  	_ =	shalt  }
0x6d: {  	_ =	shalt  }
0x6e: {  	_ =	shalt  }
0x6f: {  	_ =	shalt  }
0x70: {  	_ =	shalt  }
0x71: {  	_ =	shalt  }
0x72: {  	_ =	shalt  }
0x73: {  	_ =	shalt  }
0x74: {  	_ =	shalt  }
0x75: {  	_ =	shalt  }
0x76: {  	_ =	shalt  }
0x77: {  	_ =	shalt  }
0x78: {  	_ =	shalt  }
0x79: {  	_ =	shalt  }
0x7a: {  	_ =	shalt  }
0x7b: {  	_ =	shalt  }
0x7c: {  	_ =	shalt  }
0x7d: {  	_ =	shalt  }
0x7e: {  	_ =	shalt  }
0x7f: {  	_ =	shalt  }
0x80: {  	_ =	shalt  }
0x81: {  	_ =	shalt  }
0x82: {  	_ =	shalt  }
0x83: {  	_ =	shalt  }
0x84: {  	_ =	shalt  }
0x85: {  	_ =	shalt  }
0x86: {  	_ =	shalt  }
0x87: {  	_ =	shalt  }
.Lfunc_end0:
.L_simem_size_0:
called_computation_lowered:
.L_overlay_start_0:
0x88: {  	s2 =	sld [smem:$0x3FD9]  }
0x89: {  	s3 =	sld [smem:$0x3FFE];
	_ =	sdelay $0x1  }
0x8a: {  	s1 =	srdreg.scid  }
0x8b: {  	s0 =	sand.u32 $0x1, s1  }
0x8c: {  	s17 =	sshll.u32 s0, $0xA;
	s2 =	sadd.s32 s3, s2  }
0x8d: {  	s2 =	sadd.s32 s2, s17  }
0x8e: {  	[smem:$0x3FC2] =	sst s2  }
0x8f: {  	_ = 	snop  }
0x90: {  	s2 =	sld [smem:$0x3FD0];
	(tm) =	ssettm $0x1  }
0x91: {  	s18 =	sld [smem:$0x3FFB];
	_ =	sdelay $0x3  }
0x92: {  	_ =	strace s18  }
0x93: {  	s3 =	sld [smem:$0x3FFC];
	_ =	sdelay $0x3  }
0x94: {  	_ =	strace s3  }
0x95: {  	s3 =	sld [smem:$0x3FFD];
	_ =	sdelay $0x3  }
0x96: {  	_ =	strace s3  }
0x97: {  	_ =	strace $0x8FFFFFFF  }
0x98: {  	s19 =	sld [smem:$0x3FDB];
	_ =	sdelay $0x1  }
0x99: {  	s4 =	simm.s32 $_scs_section_size  }
0x9a: {  	s5 =	simm.s32 $_size__tile_overlayer_lowered;
	s6 =	simm.s32 $_tile_overlayer_lowered  }
0x9b: {  	s22 =	simm.s32 $0x1BFF;
	s21 =	sshll.u32 s6, $0x1;
	s3 =	sadd.s32 s4, s19  }
0x9c: {  	s7 =	simm.s32 $0x0;
	s20 =	sshll.u32 s5, $0x1;
	s5 =	sadd.s32 s21, s3  }
0x9d: {  	[timem:s7], [sflag:s22] =	dma.local [hbm:s5], s20  }
0x9e: {  	_ =	swait.ge [sflag:s22], s20  }
0x9f: {  	s4 =	ssub.s32 $0x0, s20;
	[sflag:s22] =	ssyncset.done $0x0  }
0xa0: {  	[sflag:s22] =	ssyncadd.s32 s4;
	_ =	sdelay $0x1  }
0xa1: {  	s23 =	simm.s32 $0x1B8B  }
0xa2: {  	_ =	swait.ge [sflag:s23], $0x1  }
0xa3: {  	[sflag:s23] =	ssyncset.done $0x0  }
0xa4: {  	s25 =	simm.s32 $0x1B8E;
	s24 =	sld [smem:$0x3FFE];
	[sflag:s23] =	ssyncadd.s32 $0xFFFFFFFF  }
0xa5: {  	s26 =	simm.s32 $execute0_lowered;
	[smem:$0x3FD2] =	sst s25  }
0xa6: {  	s5 =	sshll.u32 s26, $0x1;
	_ =	strace $0x80000046;
	[dreg:$0x1] =	wrdreg $0xFFFFFFFF  }
0xa7: {  	s28 =	simm.s32 $_size_execute0_lowered;
	s3 =	sadd.s32 s3, s5;
	[dreg:$0x0] =	wrdreg $0x0  }
0xa8: {  	s5 =	sshll.u32 s28, $0x1;
	[dreg:$0x2] =	wrdreg s3  }
0xa9: {  	[dreg:$0x3] =	wrdreg s5  }
0xaa: {  	[dreg:$0x4] =	wrdreg $0xC0  }
0xab: {  	_ =	task [dreg:s7], $0x5FFFF  }
0xac: {  	[dreg:$0x1] =	wrdreg $0xFFFFFFFF  }
0xad: {  	[dreg:$0x0] =	wrdreg $0x60  }
0xae: {  	[dreg:$0x2] =	wrdreg s24  }
0xaf: {  	[dreg:$0x3] =	wrdreg s2  }
0xb0: {  	[dreg:$0x4] =	wrdreg $0x0  }
0xb1: {  	[dreg:$0x5] =	wrdreg $0x9  }
0xb2: {  	_ =	task.clear_ibuf [dreg:s7], $0x6FFFF;
	_ =	strace $0x90000046  }
0xb3: {  	s29 =	simm.s32 $0x9;
	_ =	strace $0x80000048  }
0xb4: {  	_ =	swait.ge [sflag:s29], $0x1  }
0xb5: {  	[sflag:s29] =	ssyncadd.s32 $0xFFFFFFFF  }
0xb6: {  	_ =	strace $0x90000048  }
0xb7: {  	_ =	sfence  }
0xb8: {  	s30 =	sld [smem:$0x0];
	_ =	sdelay $0x2  }
0xb9: {  	s31 =	sshll.u32 s1, $0xD;
	s1 =	sshrl.u32 s1, $0x2  }
0xba: {  	s3 =	sand.u32 $0x4000, s31;
	s1 =	sadd.s32 s1, s30  }
0xbb: {  	s0 =	sor.u32 s3, s0;
	s1 =	sshll.u32 s1, $0x11  }
0xbc: {  	s0 =	sor.u32 s1, s0  }
0xbd: {  	s0 =	sadd.s32 $0x8F2B, s0  }
0xbe: {  	[sflag:s0] =	ssyncadd.remote.s32 $0x1  }
0xbf: {  	_ =	sfence.sel $0xFFFF  }
0xc0: {  	[dreg:$0x0] =	wrdreg $0xFFFFFFFF;
	(pc) =	sbr.abs _section_cstart, $3  }
0xc1: {  	[dreg:$0x1] =	wrdreg $0xFFFFFFFF  }
0xc2: {  	_ =	task.clear_ibuf [dreg:s7], $0x2FFFF;
	_ =	strace $0x9FFFFFFF  }
0xc3: {  	(tm) =	ssettm $0x7FFFFFFF  }
tec
execute0_lowered:
.L_overlay_start_1:
0x0: {  	(tag) =	ssettag $0x1  }
0x1: {  	s4 =	rddreg [dreg:$0x0]  }
0x2: {  	s0 =	srdreg.scid;
	s6 =	rddreg [dreg:$0x1]  }
0x3: {  	s2 =	rddreg [dreg:$0x2];
	s3 =	simm.s32 $0x0;
	s11 =	simm.s32 $0x80  }
0x4: {  	s12 =	simm.s32 $0x2A80;
	s13 =	simm.s32 $0x1;
	s16 =	simm.s32 $0x0  }
0x5: {  	s5 =	sand.u32 $0x1, s0;
	s0 =	stileid.u32;
	[smem:$0x7FF] =	sst s3  }
0x6: {  	s1 =	sshll.u32 s5, $0x4;
	s8 =	smul.u32 $0x280, s0;
	s9 =	ssub.s32 $0x2, s5  }
0x7: {  	s5 =	smul.u32 $0x2800, s5;
	s14 =	sshll.u32 s0, $0x6;
	s7 =	sor.u32 s0, s1  }
0x8: {  	s1 =	rddreg [dreg:$0x3];
	_ =	strace $0x80000047;
	s7 =	smul.u32 $0x2800, s7  }
0x9: {  	s10 =	sshrl.u32 s9, $0x1;
	s14 =	sor.u32 $0x1C02, s14;
	s30 =	sadd.s32 s8, s5  }
0xa: {  	s9 =	ssub.s32 s9, s10;
	s31 =	sshrl.u32 s30, $0x3;
	s7 =	sshrl.u32 s7, $0x3  }
0xb: {  	s10 =	simm.s32 $0x280;
	s6 =	sadd.s32 s6, s31;
	s7 =	sadd.s32 s4, s7  }
0xc: {  	s4 =	sadd.s32 s8, s2;
	s8 =	simm.s32 $0x2B00;
	s5 =	sadd.s32 $0xC400, s7  }
0xd: {  	v0 =	vimm.f32 $0.0e+00;
	v1 =	vimm.f32 $1.000000000e+00;
	s7 =	smax.u32 s9, $0x1;
	s9 =	simm.s32 $0x2;
	s15 =	sshrl.u32 s4, $0x3  }
.LBB2_1:
0xe: {  	[tilespmem:$0x2B00] =	vst v0  }
0xf: {  	[tilespmem:$0x2B10] =	vst v0  }
0x10: {  	[tilespmem:$0x2B20] =	vst v0  }
0x11: {  	[tilespmem:$0x2B30] =	vst v0  }
0x12: {  	[tilespmem:$0x2B40] =	vst v0  }
0x13: {  	[tilespmem:$0x2B50] =	vst v0  }
0x14: {  	[tilespmem:$0x2B60] =	vst v0  }
0x15: {  	[tilespmem:$0x2B70] =	vst v0  }
0x16: {  	[tilespmem:$0x2B80] =	vst v0  }
0x17: {  	[tilespmem:$0x2B90] =	vst v0  }
0x18: {  	[tilespmem:$0x2BA0] =	vst v0  }
0x19: {  	[tilespmem:$0x2BB0] =	vst v0  }
0x1a: {  	[tilespmem:$0x2BC0] =	vst v0  }
0x1b: {  	[tilespmem:$0x2BD0] =	vst v0  }
0x1c: {  	[tilespmem:$0x2BE0] =	vst v0  }
0x1d: {  	[tilespmem:$0x2BF0] =	vst v0  }
0x1e: {  	[tilespmem:$0x2C00] =	vst v0  }
0x1f: {  	[tilespmem:$0x2C10] =	vst v0  }
0x20: {  	[tilespmem:$0x2C20] =	vst v0  }
0x21: {  	[tilespmem:$0x2C30] =	vst v0  }
0x22: {  	[tilespmem:$0x2C40] =	vst v0  }
0x23: {  	[tilespmem:$0x2C50] =	vst v0  }
0x24: {  	[tilespmem:$0x2C60] =	vst v0  }
0x25: {  	[tilespmem:$0x2C70] =	vst v0  }
0x26: {  	[tilespmem:$0x2C80] =	vst v0  }
0x27: {  	[tilespmem:$0x2C90] =	vst v0  }
0x28: {  	[tilespmem:$0x2CA0] =	vst v0  }
0x29: {  	[tilespmem:$0x2CB0] =	vst v0  }
0x2a: {  	[tilespmem:$0x2CC0] =	vst v0  }
0x2b: {  	[tilespmem:$0x2CD0] =	vst v0  }
0x2c: {  	[tilespmem:$0x2CE0] =	vst v0  }
0x2d: {  	[tilespmem:$0x2CF0] =	vst v0  }
0x2e: {  	[tilespmem:$0x2D00] =	vst v0  }
0x2f: {  	[tilespmem:$0x2D10] =	vst v0  }
0x30: {  	[tilespmem:$0x2D20] =	vst v0  }
0x31: {  	[tilespmem:$0x2D30] =	vst v0  }
0x32: {  	[tilespmem:$0x2D40] =	vst v0  }
0x33: {  	[tilespmem:$0x2D50] =	vst v0  }
0x34: {  	[tilespmem:$0x2D60] =	vst v0  }
0x35: {  	[tilespmem:$0x2D70] =	vst v0  }
0x36: {  	[tilespmem:$0x2A80] =	vst v1  }
0x37: {  	[tilespmem:$0x2A90] =	vst v1  }
0x38: {  	[tilespmem:$0x2AA0] =	vst v1  }
0x39: {  	[tilespmem:$0x2AB0] =	vst v1  }
0x3a: {  	[tilespmem:$0x2AC0] =	vst v1  }
0x3b: {  	[tilespmem:$0x2AD0] =	vst v1  }
0x3c: {  	[tilespmem:$0x2AE0] =	vst v1  }
0x3d: {  	[tilespmem:$0x2AF0] =	vst v1  }
0x3e: {  	[spmem:s4] =	stream.linear.scatter [tilespmem:s8], [sflag:$0x2], $0x280, $0x38;
	[tilespmem:$0x2D80] =	vst v63  }
0x3f: {  	_ =	swait.ge [sflag:s9], $0x280  }
0x40: {  	[sflag:s9] =	ssyncset.done $0x0  }
0x41: {  	[sflag:s9] =	ssyncadd.s32 $0xFFFFFD80  }
0x42: {  	[tilespmem:s10], [sflag:$0x2] =	stream.linear.gather [hbm4b:s5+s3], $0x2800, $0x38;
	[tilespmem:$0x2D80] =	vst v63  }
0x43: {  	_ =	swait.ge [sflag:s9], $0x2800  }
0x44: {  	[sflag:s9] =	ssyncset.done $0x0  }
0x45: {  	[sflag:s9] =	ssyncadd.s32 $0xFFFFD800  }
0x46: {  	s17 =	simm.s32 $0x280;
	[bflag:$0x0] =	sbarrier.arrive $0xFFFF  }
0x47: {  	[spmem:s2] =	stream.indirect.scatter.add.f32 [tilespmem:s12], [sflag:$0x1], $0x1, s17, s11, $0xb8;
	[tilespmem:$0x2D80] =	vst v63  }
0x48: {  	s30 =	simm.s32 $0x300  }
0x49: {  	[spmem:s2] =	stream.indirect.scatter.add.f32 [tilespmem:s12], [sflag:$0x1], $0x1, s30, s11, $0xb8;
	[tilespmem:$0x2D80] =	vst v63  }
0x4a: {  	s31 =	simm.s32 $0x380  }
0x4b: {  	[spmem:s2] =	stream.indirect.scatter.add.f32 [tilespmem:s12], [sflag:$0x1], $0x1, s31, s11, $0xb8;
	[tilespmem:$0x2D80] =	vst v63  }
0x4c: {  	s18 =	simm.s32 $0x400  }
0x4d: {  	[spmem:s2] =	stream.indirect.scatter.add.f32 [tilespmem:s12], [sflag:$0x1], $0x1, s18, s11, $0xb8;
	[tilespmem:$0x2D80] =	vst v63  }
0x4e: {  	s19 =	simm.s32 $0x480  }
0x4f: {  	[spmem:s2] =	stream.indirect.scatter.add.f32 [tilespmem:s12], [sflag:$0x1], $0x1, s19, s11, $0xb8;
	[tilespmem:$0x2D80] =	vst v63  }
0x50: {  	s20 =	simm.s32 $0x500  }
0x51: {  	[spmem:s2] =	stream.indirect.scatter.add.f32 [tilespmem:s12], [sflag:$0x1], $0x1, s20, s11, $0xb8;
	[tilespmem:$0x2D80] =	vst v63  }
0x52: {  	s21 =	simm.s32 $0x580  }
0x53: {  	[spmem:s2] =	stream.indirect.scatter.add.f32 [tilespmem:s12], [sflag:$0x1], $0x1, s21, s11, $0xb8;
	[tilespmem:$0x2D80] =	vst v63  }
0x54: {  	s22 =	simm.s32 $0x600  }
0x55: {  	[spmem:s2] =	stream.indirect.scatter.add.f32 [tilespmem:s12], [sflag:$0x1], $0x1, s22, s11, $0xb8;
	[tilespmem:$0x2D80] =	vst v63  }
0x56: {  	s23 =	simm.s32 $0x680  }
0x57: {  	[spmem:s2] =	stream.indirect.scatter.add.f32 [tilespmem:s12], [sflag:$0x1], $0x1, s23, s11, $0xb8;
	[tilespmem:$0x2D80] =	vst v63  }
0x58: {  	s24 =	simm.s32 $0x700  }
0x59: {  	[spmem:s2] =	stream.indirect.scatter.add.f32 [tilespmem:s12], [sflag:$0x1], $0x1, s24, s11, $0xb8;
	[tilespmem:$0x2D80] =	vst v63  }
0x5a: {  	s25 =	simm.s32 $0x780  }
0x5b: {  	[spmem:s2] =	stream.indirect.scatter.add.f32 [tilespmem:s12], [sflag:$0x1], $0x1, s25, s11, $0xb8;
	[tilespmem:$0x2D80] =	vst v63  }
0x5c: {  	s26 =	simm.s32 $0x800  }
0x5d: {  	[spmem:s2] =	stream.indirect.scatter.add.f32 [tilespmem:s12], [sflag:$0x1], $0x1, s26, s11, $0xb8;
	[tilespmem:$0x2D80] =	vst v63  }
0x5e: {  	s28 =	simm.s32 $0x880  }
0x5f: {  	[spmem:s2] =	stream.indirect.scatter.add.f32 [tilespmem:s12], [sflag:$0x1], $0x1, s28, s11, $0xb8;
	[tilespmem:$0x2D80] =	vst v63  }
0x60: {  	s29 =	simm.s32 $0x900  }
0x61: {  	[spmem:s2] =	stream.indirect.scatter.add.f32 [tilespmem:s12], [sflag:$0x1], $0x1, s29, s11, $0xb8;
	[tilespmem:$0x2D80] =	vst v63  }
0x62: {  	s30 =	simm.s32 $0x980  }
0x63: {  	[spmem:s2] =	stream.indirect.scatter.add.f32 [tilespmem:s12], [sflag:$0x1], $0x1, s30, s11, $0xb8;
	[tilespmem:$0x2D80] =	vst v63  }
0x64: {  	s31 =	simm.s32 $0xA00  }
0x65: {  	[spmem:s2] =	stream.indirect.scatter.add.f32 [tilespmem:s12], [sflag:$0x1], $0x1, s31, s11, $0xb8;
	[tilespmem:$0x2D80] =	vst v63  }
0x66: {  	_ =	swait.ge [sflag:s13], $0x80  }
0x67: {  	[sflag:s13] =	ssyncset.done $0x0  }
0x68: {  	[sflag:s13] =	ssyncadd.s32 $0xFFFFFF80  }
0x69: {  	_ =	swait.ge [sflag:s13], $0x80  }
0x6a: {  	[sflag:s13] =	ssyncset.done $0x0  }
0x6b: {  	[sflag:s13] =	ssyncadd.s32 $0xFFFFFF80  }
0x6c: {  	_ =	swait.ge [sflag:s13], $0x80  }
0x6d: {  	[sflag:s13] =	ssyncset.done $0x0  }
0x6e: {  	[sflag:s13] =	ssyncadd.s32 $0xFFFFFF80  }
0x6f: {  	_ =	swait.ge [sflag:s13], $0x80  }
0x70: {  	[sflag:s13] =	ssyncset.done $0x0  }
0x71: {  	[sflag:s13] =	ssyncadd.s32 $0xFFFFFF80  }
0x72: {  	_ =	swait.ge [sflag:s13], $0x80  }
0x73: {  	[sflag:s13] =	ssyncset.done $0x0  }
0x74: {  	[sflag:s13] =	ssyncadd.s32 $0xFFFFFF80  }
0x75: {  	_ =	swait.ge [sflag:s13], $0x80  }
0x76: {  	[sflag:s13] =	ssyncset.done $0x0  }
0x77: {  	[sflag:s13] =	ssyncadd.s32 $0xFFFFFF80  }
0x78: {  	_ =	swait.ge [sflag:s13], $0x80  }
0x79: {  	[sflag:s13] =	ssyncset.done $0x0  }
0x7a: {  	[sflag:s13] =	ssyncadd.s32 $0xFFFFFF80  }
0x7b: {  	_ =	swait.ge [sflag:s13], $0x80  }
0x7c: {  	[sflag:s13] =	ssyncset.done $0x0  }
0x7d: {  	[sflag:s13] =	ssyncadd.s32 $0xFFFFFF80  }
0x7e: {  	_ =	swait.ge [sflag:s13], $0x80  }
0x7f: {  	[sflag:s13] =	ssyncset.done $0x0  }
0x80: {  	[sflag:s13] =	ssyncadd.s32 $0xFFFFFF80  }
0x81: {  	_ =	swait.ge [sflag:s13], $0x80  }
0x82: {  	[sflag:s13] =	ssyncset.done $0x0  }
0x83: {  	[sflag:s13] =	ssyncadd.s32 $0xFFFFFF80  }
0x84: {  	_ =	swait.ge [sflag:s13], $0x80  }
0x85: {  	[sflag:s13] =	ssyncset.done $0x0  }
0x86: {  	[sflag:s13] =	ssyncadd.s32 $0xFFFFFF80  }
0x87: {  	_ =	swait.ge [sflag:s13], $0x80  }
0x88: {  	[sflag:s13] =	ssyncset.done $0x0  }
0x89: {  	[sflag:s13] =	ssyncadd.s32 $0xFFFFFF80  }
0x8a: {  	_ =	swait.ge [sflag:s13], $0x80  }
0x8b: {  	[sflag:s13] =	ssyncset.done $0x0  }
0x8c: {  	[sflag:s13] =	ssyncadd.s32 $0xFFFFFF80  }
0x8d: {  	_ =	swait.ge [sflag:s13], $0x80  }
0x8e: {  	[sflag:s13] =	ssyncset.done $0x0  }
0x8f: {  	[sflag:s13] =	ssyncadd.s32 $0xFFFFFF80  }
0x90: {  	_ =	swait.ge [sflag:s13], $0x80  }
0x91: {  	[sflag:s13] =	ssyncset.done $0x0  }
0x92: {  	[sflag:s13] =	ssyncadd.s32 $0xFFFFFF80  }
0x93: {  	_ =	swait.ge [sflag:s13], $0x80  }
0x94: {  	s19 =	simm.s32 $0x800;
	s20 =	simm.s32 $0x4000;
	[sflag:s13] =	ssyncset.done $0x0  }
.LBB2_2:
0x95: {  	s21 =	sadd.s32 $0x280, s19  }
0x96: {  	[sflag:s13] =	ssyncadd.s32 $0xFFFFFF80;
	s18 =	smov.u32 s20;
	s17 =	sadd.s32 $0x2000, s20  }
0x97: {  	[spmem:s2] =	stream.indirect.scatter.add.f32 [tilespmem:s12], [sflag:$0x1], $0x1, s21, s11, $0xb8;
	[tilespmem:$0x2D80] =	vst v63  }
0x98: {  	p0 =	sne.s32 s20, $0x8000;
	s20 =	sadd.s32 $0x300, s19  }
0x99: {  	[spmem:s2] =	stream.indirect.scatter.add.f32 [tilespmem:s12], [sflag:$0x1], $0x1, s20, s11, $0xb8;
	[tilespmem:$0x2D80] =	vst v63  }
0x9a: {  	s20 =	sadd.s32 $0x380, s19  }
0x9b: {  	[spmem:s2] =	stream.indirect.scatter.add.f32 [tilespmem:s12], [sflag:$0x1], $0x1, s20, s11, $0xb8;
	[tilespmem:$0x2D80] =	vst v63  }
0x9c: {  	s20 =	sadd.s32 $0x400, s19  }
0x9d: {  	[spmem:s2] =	stream.indirect.scatter.add.f32 [tilespmem:s12], [sflag:$0x1], $0x1, s20, s11, $0xb8;
	[tilespmem:$0x2D80] =	vst v63  }
0x9e: {  	s20 =	sadd.s32 $0x480, s19  }
0x9f: {  	[spmem:s2] =	stream.indirect.scatter.add.f32 [tilespmem:s12], [sflag:$0x1], $0x1, s20, s11, $0xb8;
	[tilespmem:$0x2D80] =	vst v63  }
0xa0: {  	s20 =	sadd.s32 $0x500, s19  }
0xa1: {  	[spmem:s2] =	stream.indirect.scatter.add.f32 [tilespmem:s12], [sflag:$0x1], $0x1, s20, s11, $0xb8;
	[tilespmem:$0x2D80] =	vst v63  }
0xa2: {  	s20 =	sadd.s32 $0x580, s19  }
0xa3: {  	[spmem:s2] =	stream.indirect.scatter.add.f32 [tilespmem:s12], [sflag:$0x1], $0x1, s20, s11, $0xb8;
	[tilespmem:$0x2D80] =	vst v63  }
0xa4: {  	s20 =	sadd.s32 $0x600, s19  }
0xa5: {  	[spmem:s2] =	stream.indirect.scatter.add.f32 [tilespmem:s12], [sflag:$0x1], $0x1, s20, s11, $0xb8;
	[tilespmem:$0x2D80] =	vst v63  }
0xa6: {  	s20 =	sadd.s32 $0x680, s19  }
0xa7: {  	[spmem:s2] =	stream.indirect.scatter.add.f32 [tilespmem:s12], [sflag:$0x1], $0x1, s20, s11, $0xb8;
	[tilespmem:$0x2D80] =	vst v63  }
0xa8: {  	s20 =	sadd.s32 $0x700, s19  }
0xa9: {  	[spmem:s2] =	stream.indirect.scatter.add.f32 [tilespmem:s12], [sflag:$0x1], $0x1, s20, s11, $0xb8;
	[tilespmem:$0x2D80] =	vst v63  }
0xaa: {  	s20 =	sadd.s32 $0x780, s19  }
0xab: {  	[spmem:s2] =	stream.indirect.scatter.add.f32 [tilespmem:s12], [sflag:$0x1], $0x1, s20, s11, $0xb8;
	[tilespmem:$0x2D80] =	vst v63  }
0xac: {  	s20 =	sadd.s32 $0x800, s19  }
0xad: {  	[spmem:s2] =	stream.indirect.scatter.add.f32 [tilespmem:s12], [sflag:$0x1], $0x1, s20, s11, $0xb8;
	[tilespmem:$0x2D80] =	vst v63  }
0xae: {  	s20 =	sadd.s32 $0x880, s19  }
0xaf: {  	[spmem:s2] =	stream.indirect.scatter.add.f32 [tilespmem:s12], [sflag:$0x1], $0x1, s20, s11, $0xb8;
	[tilespmem:$0x2D80] =	vst v63  }
0xb0: {  	s20 =	sadd.s32 $0x900, s19  }
0xb1: {  	[spmem:s2] =	stream.indirect.scatter.add.f32 [tilespmem:s12], [sflag:$0x1], $0x1, s20, s11, $0xb8;
	[tilespmem:$0x2D80] =	vst v63  }
0xb2: {  	s20 =	sadd.s32 $0x980, s19  }
0xb3: {  	[spmem:s2] =	stream.indirect.scatter.add.f32 [tilespmem:s12], [sflag:$0x1], $0x1, s20, s11, $0xb8;
	[tilespmem:$0x2D80] =	vst v63  }
0xb4: {  	s19 =	sadd.s32 $0xA00, s19  }
0xb5: {  	[spmem:s2] =	stream.indirect.scatter.add.f32 [tilespmem:s12], [sflag:$0x1], $0x1, s19, s11, $0xb8;
	[tilespmem:$0x2D80] =	vst v63  }
0xb6: {  	_ =	swait.ge [sflag:s13], $0x80  }
0xb7: {  	[sflag:s13] =	ssyncset.done $0x0  }
0xb8: {  	[sflag:s13] =	ssyncadd.s32 $0xFFFFFF80  }
0xb9: {  	_ =	swait.ge [sflag:s13], $0x80  }
0xba: {  	[sflag:s13] =	ssyncset.done $0x0  }
0xbb: {  	[sflag:s13] =	ssyncadd.s32 $0xFFFFFF80  }
0xbc: {  	_ =	swait.ge [sflag:s13], $0x80  }
0xbd: {  	[sflag:s13] =	ssyncset.done $0x0  }
0xbe: {  	[sflag:s13] =	ssyncadd.s32 $0xFFFFFF80  }
0xbf: {  	_ =	swait.ge [sflag:s13], $0x80  }
0xc0: {  	[sflag:s13] =	ssyncset.done $0x0  }
0xc1: {  	[sflag:s13] =	ssyncadd.s32 $0xFFFFFF80  }
0xc2: {  	_ =	swait.ge [sflag:s13], $0x80  }
0xc3: {  	[sflag:s13] =	ssyncset.done $0x0  }
0xc4: {  	[sflag:s13] =	ssyncadd.s32 $0xFFFFFF80  }
0xc5: {  	_ =	swait.ge [sflag:s13], $0x80  }
0xc6: {  	[sflag:s13] =	ssyncset.done $0x0  }
0xc7: {  	[sflag:s13] =	ssyncadd.s32 $0xFFFFFF80  }
0xc8: {  	_ =	swait.ge [sflag:s13], $0x80  }
0xc9: {  	[sflag:s13] =	ssyncset.done $0x0  }
0xca: {  	[sflag:s13] =	ssyncadd.s32 $0xFFFFFF80  }
0xcb: {  	_ =	swait.ge [sflag:s13], $0x80  }
0xcc: {  	[sflag:s13] =	ssyncset.done $0x0  }
0xcd: {  	[sflag:s13] =	ssyncadd.s32 $0xFFFFFF80  }
0xce: {  	_ =	swait.ge [sflag:s13], $0x80  }
0xcf: {  	[sflag:s13] =	ssyncset.done $0x0  }
0xd0: {  	[sflag:s13] =	ssyncadd.s32 $0xFFFFFF80  }
0xd1: {  	_ =	swait.ge [sflag:s13], $0x80  }
0xd2: {  	[sflag:s13] =	ssyncset.done $0x0  }
0xd3: {  	[sflag:s13] =	ssyncadd.s32 $0xFFFFFF80  }
0xd4: {  	_ =	swait.ge [sflag:s13], $0x80  }
0xd5: {  	[sflag:s13] =	ssyncset.done $0x0  }
0xd6: {  	[sflag:s13] =	ssyncadd.s32 $0xFFFFFF80  }
0xd7: {  	_ =	swait.ge [sflag:s13], $0x80  }
0xd8: {  	[sflag:s13] =	ssyncset.done $0x0  }
0xd9: {  	[sflag:s13] =	ssyncadd.s32 $0xFFFFFF80  }
0xda: {  	_ =	swait.ge [sflag:s13], $0x80  }
0xdb: {  	[sflag:s13] =	ssyncset.done $0x0  }
0xdc: {  	[sflag:s13] =	ssyncadd.s32 $0xFFFFFF80  }
0xdd: {  	_ =	swait.ge [sflag:s13], $0x80  }
0xde: {  	[sflag:s13] =	ssyncset.done $0x0  }
0xdf: {  	[sflag:s13] =	ssyncadd.s32 $0xFFFFFF80  }
.Ltmp0:
0xe0: {  	_ =	swait.ge [sflag:s13], $0x80;
	(pc) =	sbr.rel @p0 .LBB2_2-.Ltmp0, $4  }
0xe1: {  	[sflag:s13] =	ssyncset.done $0x0  }
0xe2: {  	[sflag:s13] =	ssyncadd.s32 $0xFFFFFF80  }
0xe3: {  	_ =	swait.ge [sflag:s13], $0x80  }
0xe4: {  	s20 =	smov.u32 s17;
	s19 =	sshra.s32 s18, $0x2;
	[sflag:s13] =	ssyncset.done $0x0  }
0xe5: {  	s17 =	sadd.s32 $0x280, s19;
	[sflag:s13] =	ssyncadd.s32 $0xFFFFFF80  }
0xe6: {  	[spmem:s2] =	stream.indirect.scatter.add.f32 [tilespmem:s12], [sflag:$0x1], $0x1, s17, s11, $0xb8;
	[tilespmem:$0x2D80] =	vst v63  }
0xe7: {  	s29 =	sadd.s32 $0x300, s19  }
0xe8: {  	[spmem:s2] =	stream.indirect.scatter.add.f32 [tilespmem:s12], [sflag:$0x1], $0x1, s29, s11, $0xb8;
	[tilespmem:$0x2D80] =	vst v63  }
0xe9: {  	s30 =	sadd.s32 $0x380, s19  }
0xea: {  	[spmem:s2] =	stream.indirect.scatter.add.f32 [tilespmem:s12], [sflag:$0x1], $0x1, s30, s11, $0xb8;
	[tilespmem:$0x2D80] =	vst v63  }
0xeb: {  	s31 =	sadd.s32 $0x400, s19  }
0xec: {  	[spmem:s2] =	stream.indirect.scatter.add.f32 [tilespmem:s12], [sflag:$0x1], $0x1, s31, s11, $0xb8;
	[tilespmem:$0x2D80] =	vst v63  }
0xed: {  	s18 =	sadd.s32 $0x480, s19  }
0xee: {  	[spmem:s2] =	stream.indirect.scatter.add.f32 [tilespmem:s12], [sflag:$0x1], $0x1, s18, s11, $0xb8;
	[tilespmem:$0x2D80] =	vst v63  }
0xef: {  	s20 =	sadd.s32 $0x500, s19  }
0xf0: {  	[spmem:s2] =	stream.indirect.scatter.add.f32 [tilespmem:s12], [sflag:$0x1], $0x1, s20, s11, $0xb8;
	[tilespmem:$0x2D80] =	vst v63  }
0xf1: {  	s21 =	sadd.s32 $0x580, s19  }
0xf2: {  	[spmem:s2] =	stream.indirect.scatter.add.f32 [tilespmem:s12], [sflag:$0x1], $0x1, s21, s11, $0xb8;
	[tilespmem:$0x2D80] =	vst v63  }
0xf3: {  	s22 =	sadd.s32 $0x600, s19  }
0xf4: {  	[spmem:s2] =	stream.indirect.scatter.add.f32 [tilespmem:s12], [sflag:$0x1], $0x1, s22, s11, $0xb8;
	[tilespmem:$0x2D80] =	vst v63  }
0xf5: {  	s23 =	sadd.s32 $0x680, s19  }
0xf6: {  	[spmem:s2] =	stream.indirect.scatter.add.f32 [tilespmem:s12], [sflag:$0x1], $0x1, s23, s11, $0xb8;
	[tilespmem:$0x2D80] =	vst v63  }
0xf7: {  	s24 =	sadd.s32 $0x700, s19  }
0xf8: {  	[spmem:s2] =	stream.indirect.scatter.add.f32 [tilespmem:s12], [sflag:$0x1], $0x1, s24, s11, $0xb8;
	[tilespmem:$0x2D80] =	vst v63  }
0xf9: {  	s25 =	sadd.s32 $0x780, s19  }
0xfa: {  	[spmem:s2] =	stream.indirect.scatter.add.f32 [tilespmem:s12], [sflag:$0x1], $0x1, s25, s11, $0xb8;
	[tilespmem:$0x2D80] =	vst v63  }
0xfb: {  	s26 =	sadd.s32 $0x800, s19  }
0xfc: {  	[spmem:s2] =	stream.indirect.scatter.add.f32 [tilespmem:s12], [sflag:$0x1], $0x1, s26, s11, $0xb8;
	[tilespmem:$0x2D80] =	vst v63  }
0xfd: {  	s28 =	sadd.s32 $0x880, s19  }
0xfe: {  	[spmem:s2] =	stream.indirect.scatter.add.f32 [tilespmem:s12], [sflag:$0x1], $0x1, s28, s11, $0xb8;
	[tilespmem:$0x2D80] =	vst v63  }
0xff: {  	s29 =	sadd.s32 $0x900, s19  }
0x100: {  	[spmem:s2] =	stream.indirect.scatter.add.f32 [tilespmem:s12], [sflag:$0x1], $0x1, s29, s11, $0xb8;
	[tilespmem:$0x2D80] =	vst v63  }
0x101: {  	s30 =	sadd.s32 $0x980, s19  }
0x102: {  	[spmem:s2] =	stream.indirect.scatter.add.f32 [tilespmem:s12], [sflag:$0x1], $0x1, s30, s11, $0xb8;
	[tilespmem:$0x2D80] =	vst v63  }
0x103: {  	s31 =	sadd.s32 $0xA00, s19  }
0x104: {  	[spmem:s2] =	stream.indirect.scatter.add.f32 [tilespmem:s12], [sflag:$0x1], $0x1, s31, s11, $0xb8;
	[tilespmem:$0x2D80] =	vst v63  }
0x105: {  	_ =	swait.ge [sflag:s13], $0x80  }
0x106: {  	[sflag:s13] =	ssyncset.done $0x0  }
0x107: {  	[sflag:s13] =	ssyncadd.s32 $0xFFFFFF80  }
0x108: {  	_ =	swait.ge [sflag:s13], $0x80  }
0x109: {  	[sflag:s13] =	ssyncset.done $0x0  }
0x10a: {  	[sflag:s13] =	ssyncadd.s32 $0xFFFFFF80  }
0x10b: {  	_ =	swait.ge [sflag:s13], $0x80  }
0x10c: {  	[sflag:s13] =	ssyncset.done $0x0  }
0x10d: {  	[sflag:s13] =	ssyncadd.s32 $0xFFFFFF80  }
0x10e: {  	_ =	swait.ge [sflag:s13], $0x80  }
0x10f: {  	[sflag:s13] =	ssyncset.done $0x0  }
0x110: {  	[sflag:s13] =	ssyncadd.s32 $0xFFFFFF80  }
0x111: {  	_ =	swait.ge [sflag:s13], $0x80  }
0x112: {  	[sflag:s13] =	ssyncset.done $0x0  }
0x113: {  	[sflag:s13] =	ssyncadd.s32 $0xFFFFFF80  }
0x114: {  	_ =	swait.ge [sflag:s13], $0x80  }
0x115: {  	[sflag:s13] =	ssyncset.done $0x0  }
0x116: {  	[sflag:s13] =	ssyncadd.s32 $0xFFFFFF80  }
0x117: {  	_ =	swait.ge [sflag:s13], $0x80  }
0x118: {  	[sflag:s13] =	ssyncset.done $0x0  }
0x119: {  	[sflag:s13] =	ssyncadd.s32 $0xFFFFFF80  }
0x11a: {  	_ =	swait.ge [sflag:s13], $0x80  }
0x11b: {  	[sflag:s13] =	ssyncset.done $0x0  }
0x11c: {  	[sflag:s13] =	ssyncadd.s32 $0xFFFFFF80  }
0x11d: {  	_ =	swait.ge [sflag:s13], $0x80  }
0x11e: {  	[sflag:s13] =	ssyncset.done $0x0  }
0x11f: {  	[sflag:s13] =	ssyncadd.s32 $0xFFFFFF80  }
0x120: {  	_ =	swait.ge [sflag:s13], $0x80  }
0x121: {  	[sflag:s13] =	ssyncset.done $0x0  }
0x122: {  	[sflag:s13] =	ssyncadd.s32 $0xFFFFFF80  }
0x123: {  	_ =	swait.ge [sflag:s13], $0x80  }
0x124: {  	[sflag:s13] =	ssyncset.done $0x0  }
0x125: {  	[sflag:s13] =	ssyncadd.s32 $0xFFFFFF80  }
0x126: {  	_ =	swait.ge [sflag:s13], $0x80  }
0x127: {  	[sflag:s13] =	ssyncset.done $0x0  }
0x128: {  	[sflag:s13] =	ssyncadd.s32 $0xFFFFFF80  }
0x129: {  	_ =	swait.ge [sflag:s13], $0x80  }
0x12a: {  	[sflag:s13] =	ssyncset.done $0x0  }
0x12b: {  	[sflag:s13] =	ssyncadd.s32 $0xFFFFFF80  }
0x12c: {  	_ =	swait.ge [sflag:s13], $0x80  }
0x12d: {  	[sflag:s13] =	ssyncset.done $0x0  }
0x12e: {  	[sflag:s13] =	ssyncadd.s32 $0xFFFFFF80  }
0x12f: {  	_ =	swait.ge [sflag:s13], $0x80  }
0x130: {  	[sflag:s13] =	ssyncset.done $0x0  }
0x131: {  	[sflag:s13] =	ssyncadd.s32 $0xFFFFFF80  }
0x132: {  	_ =	swait.ge [sflag:s13], $0x80  }
0x133: {  	s16 =	sadd.s32 $0x1, s16;
	[sflag:s13] =	ssyncset.done $0x0  }
0x134: {  	p0 =	sne.s32 s16, s7;
	[sflag:s13] =	ssyncadd.s32 $0xFFFFFF80  }
.Ltmp1:
0x135: {  	[bflag:$0x0] =	sbarrier.arrive $0xFFFF;
	(pc) =	sbr.rel @p0 .LBB2_1-.Ltmp1, $4  }
0x136: {  	[hbm:s6], [sflag:s14] =	dma.local [spmem:s15], $0x50  }
0x137: {  	_ =	swait.ge [sflag:s9], $0x50  }
0x138: {  	[sflag:s9] =	ssyncset.done $0x0  }
0x139: {  	[sflag:s9] =	ssyncadd.s32 $0xFFFFFFB0  }
0x13a: {  	_ =	sfence.sel $0x180000  }
0x13b: {  	[bflag:$0x0] =	sbarrier.arrive $0xFFFF  }
0x13c: {  	p0 =	sne.s32 s0, $0x0;
	_ =	strace $0x90000047  }
0x13d: {  	s0 =	sadd.s32 @!p0 $0x100000, s1;
	[bflag:$0x2] =	sbarrier.arrive $0xFFFF  }
0x13e: {  	[sflag:s0] =	ssyncadd.tile.s32 @!p0 $0x1;
	_ =	shalt  }
.Lfunc_end2:
_tile_overlayer_lowered:
.L_overlay_start_2:
0x13f: {  	(tag) =	ssettag $0x2  }
0x140: {  	s0 =	rddreg [dreg:$0x0];
	s2 =	stileid.u32  }
0x141: {  	s1 =	rddreg [dreg:$0x1];
	p0 =	sne.s32 s2, $0x0  }
0x142: {  	s3 =	rddreg [dreg:$0x2];
	[bflag:$0x3] =	sbarrier.arrive $0xFFFF;
	s2 =	simm.s32 @!p0 $0x1C02  }
0x143: {  	[timem:s3], [sflag:s2] =	dma.local @!p0 [hbm:s0], s1  }
0x144: {  	s0 =	simm.s32 @!p0 $0x2  }
0x145: {  	_ =	swait.ge @!p0 [sflag:s0], s1  }
0x146: {  	s1 =	ssub.s32 @!p0 $0x0, s1;
	[sflag:s0] =	ssyncset.done @!p0 $0x0  }
0x147: {  	[sflag:s0] =	ssyncadd.s32 @!p0 s1  }
0x148: {  	[bflag:$0x3] =	sbarrier.arrive $0xFFFF  }
0x149: {  	_ =	shalt  }

</sc_bundles>
